<compile_context>
chip_gen: v7x
topology: tpu7x:2x2x1
jax: 0.10.2.dev20260603
libtpu: 0.0.44.dev20260713+nightly
codegen_flags: <defaults>
</compile_context>

<pallas_src>
import functools

import jax
import jax.numpy as jnp
from jax import lax
from jax.experimental import pallas as pl
from jax.experimental.pallas import tpu as pltpu
from jax.experimental.pallas import tpu_sc as plsc


@functools.cache
def _make_format(V, D):
    info = plsc.get_sparse_core_info()
    NC, NS = info.num_cores, info.num_subcores
    NW = NC * NS
    TCOLS = V // 512
    R4 = V // 4
    base_cnt = TCOLS // NW
    rem = TCOLS % NW
    mesh = plsc.VectorSubcoreMesh(core_axis_name="c", subcore_axis_name="s")

    @functools.partial(
        pl.kernel,
        mesh=mesh,
        compiler_params=pltpu.CompilerParams(
            use_tc_tiling_on_sc=True, needs_layout_passes=False
        ),
        out_type=jax.ShapeDtypeStruct((R4, 128), jnp.float32),
        scratch_types=[
            [pltpu.VMEM((D, 512), jnp.float32) for _ in range(2)],
            [pltpu.VMEM((128, 128), jnp.float32) for _ in range(2)],
            [pltpu.SemaphoreType.DMA for _ in range(2)],
            [pltpu.SemaphoreType.DMA for _ in range(2)],
        ],
    )
    def format_kernel(wt_hbm, tail_hbm, w4_hbm, S, O, lsem, wsem):
        wid = lax.axis_index("s") * NC + lax.axis_index("c")
        iota = lax.iota(jnp.int32, 16)
        nblk = base_cnt + jnp.where(wid < rem, 1, 0)
        start = wid * base_cnt + jnp.minimum(wid, rem)

        grow = [(iota + k) & 15 for k in range(16)]
        orow = iota // 4
        ocol = [32 * (iota % 4) + ((iota + k) & 15) for k in range(16)]

        def blk(j):
            return pl.multiple_of((start + j) * 512, 512)

        def start_load(j, buf):
            pltpu.async_copy(
                wt_hbm.at[:, pl.ds(blk(j), 512)], S[buf], lsem[buf]
            )

        def wait_load(buf):
            pltpu.make_async_copy(
                wt_hbm.at[:, pl.ds(0, 512)], S[buf], lsem[buf]
            ).wait()

        def start_write(j, buf):
            pltpu.async_copy(
                O[buf],
                w4_hbm.at[
                    pl.ds(pl.multiple_of((start + j) * 128, 128), 128), :
                ],
                wsem[buf],
            )

        def wait_write(buf):
            pltpu.make_async_copy(
                O[buf], w4_hbm.at[pl.ds(0, 128), :], wsem[buf]
            ).wait()

        def permute(buf):
            def pbody(m, carry):
                for half in range(2):
                    mm = 2 * m + half
                    h = mm // 16
                    dh16 = ((mm // 8) % 2) * 16
                    u0 = (mm % 8) * 16
                    vs = [
                        plsc.load_gather(
                            S[buf], [grow[k] + dh16, iota + (h * 128 + u0)]
                        )
                        for k in range(16)
                    ]
                    for k in range(16):
                        plsc.store_scatter(
                            O[buf],
                            [orow + (h * 32 + u0 // 4), ocol[k] + dh16],
                            vs[k],
                        )
                return carry

            lax.fori_loop(0, 32, pbody, 0)

        start_load(0, 0)

        def pair_body(p, carry):
            for buf in range(2):
                j = 2 * p + buf

                @pl.when(j < nblk)
                def _(j=j, buf=buf):
                    @pl.when(j + 1 < nblk)
                    def _():
                        start_load(j + 1, 1 - buf)

                    wait_load(buf)

                    @pl.when(j >= 2)
                    def _():
                        wait_write(buf)

                    permute(buf)
                    start_write(j, buf)

            return carry

        lax.fori_loop(0, (base_cnt + 2) // 2, pair_body, 0)
        wait_write(0)
        wait_write(1)

        @pl.when(wid == NW - 1)
        def _():
            pltpu.sync_copy(tail_hbm, S[0].at[pl.ds(0, 16), pl.ds(0, 128)])
            pltpu.sync_copy(
                S[0].at[pl.ds(0, 16), pl.ds(0, 128)],
                w4_hbm.at[pl.ds(R4 - 16, 16), :],
            )

    return format_kernel


@functools.cache
def _make_gather(V4, D, NB_ROWS, NB_COLS):
    info = plsc.get_sparse_core_info()
    NC, NS = info.num_cores, info.num_subcores
    NW = NC * NS
    assert NB_ROWS % NW == 0
    W = NB_ROWS // NW
    n_tasks = NB_COLS
    mesh = plsc.VectorSubcoreMesh(core_axis_name="c", subcore_axis_name="s")

    @functools.partial(
        pl.kernel,
        mesh=mesh,
        compiler_params=pltpu.CompilerParams(
            use_tc_tiling_on_sc=False, needs_layout_passes=False
        ),
        out_type=jax.ShapeDtypeStruct((NB_COLS, D, NB_ROWS), jnp.float32),
        scratch_types=[
            [pltpu.VMEM((W,), jnp.int32) for _ in range(2)],
            [pltpu.VMEM((W, D), jnp.float32) for _ in range(2)],
            [pltpu.VMEM((D, W), jnp.float32) for _ in range(2)],
            [pltpu.SemaphoreType.DMA for _ in range(2)],
            [pltpu.SemaphoreType.DMA for _ in range(2)],
        ],
    )
    def gather_kernel(table_hbm, idx_hbm, out_hbm, idxv, rows, outT, gsem, wsem):
        wid = lax.axis_index("s") * NC + lax.axis_index("c")
        b0 = wid * W
        iota = lax.iota(jnp.int32, 16)

        def start_gather(i, buf):
            pltpu.sync_copy(idx_hbm.at[pl.ds(i * NB_ROWS + b0, W)], idxv[buf])
            pltpu.async_copy(table_hbm.at[idxv[buf]], rows[buf], gsem[buf])

        def wait_gather(buf):
            pltpu.make_async_copy(
                table_hbm.at[idxv[buf]], rows[buf], gsem[buf]
            ).wait()

        def start_write(i, buf):
            pltpu.async_copy(
                outT[buf], out_hbm.at[i, :, pl.ds(b0, W)], wsem[buf]
            )

        def wait_write(buf):
            pltpu.make_async_copy(
                outT[buf], out_hbm.at[0, :, pl.ds(b0, W)], wsem[buf]
            ).wait()

        sdiag = [(iota + k) & 15 for k in range(16)]

        def transpose_task(buf):
            def body(jb, carry):
                j0 = jb * 16
                for db in range(D // 16):
                    d0 = db * 16
                    vs = [
                        plsc.load_gather(rows[buf], [iota + j0, sdiag[k] + d0])
                        for k in range(16)
                    ]
                    for k in range(16):
                        plsc.store_scatter(
                            outT[buf], [sdiag[k] + d0, iota + j0], vs[k]
                        )
                return carry

            lax.fori_loop(0, W // 16, body, 0)

        assert n_tasks % 2 == 0
        start_gather(0, 0)

        def pair_body(p, carry):
            for buf in range(2):
                i = 2 * p + buf

                @pl.when(i + 1 < n_tasks)
                def _():
                    start_gather(i + 1, 1 - buf)

                wait_gather(buf)

                @pl.when(i >= 2)
                def _():
                    wait_write(buf)

                transpose_task(buf)
                start_write(i, buf)
            return carry

        lax.fori_loop(0, n_tasks // 2, pair_body, 0)
        wait_write(0)
        wait_write(1)

    return gather_kernel


def kernel(X, weight):
    rows, cols = X.shape
    V, D = weight.shape
    flat_idx = X.T.reshape(rows * cols).astype(jnp.int32)
    tail = weight[V - 64 :].reshape(16, 128)
    w4 = _make_format(V, D)(weight.T, tail)
    out = _make_gather(V, D, rows, cols)(w4.reshape(V, D), flat_idx)
    return out.transpose(2, 0, 1)

# --- scband reference (transcript-rebuilt; emitter-appended) ---
"""Pipeline reference for scband-embedding-47528108097825 (READ-ONLY COPY).

The authoritative reference and input builder live on the scoring server;
editing this copy changes nothing except your own understanding.
"""

import jax, jax.numpy as jnp
import numpy as np

NUM_EMBEDDINGS = 1000000
EMBEDDING_DIM = 32

def setup_inputs(seed: int = 0) -> dict:
    key = jax.random.key(seed)
    k_idx, k_w = jax.random.split(key)
    X = jax.random.randint(k_idx, (16384, 26), 0, NUM_EMBEDDINGS, dtype=jnp.int64 if jax.config.jax_enable_x64 else jnp.int32)
    # xavier_uniform init: bound = sqrt(6 / (fan_in + fan_out))
    bound = np.sqrt(6.0 / (NUM_EMBEDDINGS + EMBEDDING_DIM))
    weight = jax.random.uniform(k_w, (NUM_EMBEDDINGS, EMBEDDING_DIM), minval=-bound, maxval=bound, dtype=jnp.float32)
    return {"X": X, "weight": weight}

def reference(X, weight):
    # Faithful translation of torch: weight[X] -> gather rows
    return jnp.take(weight, X, axis=0)

if __name__ == "__main__":
    import jax
    _d = setup_inputs()
    print(jax.jit(kernel)(*tuple(_d.values())))

</pallas_src>

<mosaic_0001>
#map = affine_map<(d0, d1) -> (0, 0)>
module attributes {stable_mosaic.version = 14 : i64} {
  func.func @format_kernel(%arg0: i32, %arg1: i32, %arg2: memref<32x1000000xf32, #tpu.memory_space<hbm>>, %arg3: memref<16x128xf32, #tpu.memory_space<hbm>>, %arg4: memref<250000x128xf32, #tpu.memory_space<hbm>>, %arg5: memref<32x512xf32, #tpu.memory_space<vmem>>, %arg6: memref<32x512xf32, #tpu.memory_space<vmem>>, %arg7: memref<128x128xf32, #tpu.memory_space<vmem>>, %arg8: memref<128x128xf32, #tpu.memory_space<vmem>>, %arg9: memref<!tpu.dma_semaphore, #tpu.memory_space<semaphore_mem>>, %arg10: memref<!tpu.dma_semaphore, #tpu.memory_space<semaphore_mem>>, %arg11: memref<!tpu.dma_semaphore, #tpu.memory_space<semaphore_mem>>, %arg12: memref<!tpu.dma_semaphore, #tpu.memory_space<semaphore_mem>>) attributes {dimension_semantics = [#tpu.dimension_semantics<core_parallel>, #tpu.dimension_semantics<subcore_parallel>], iteration_bounds = array<i64: 2, 16>, scalar_prefetch = 0 : i64, scratch_operands = 8 : i64, tpu.core_type = #tpu.core_type<sc_vector_subcore>, window_params = [{transform_indices = #map}, {transform_indices = #map}, {transform_indices = #map}]} {
    %mul3A = arith.constant 2 : i32
    %mul3A_0 = arith.muli %arg1, %mul3A : i32
    %add3A = arith.addi %mul3A_0, %arg0 : i32
    %iota3A = tpu.iota {dimensions = array<i32: 0>} : vector<16xi32>
    %lt3A = arith.constant 1 : i32
    %lt3A_1 = arith.cmpi slt, %add3A, %lt3A : i32
    %jit3A = arith.constant 1 : i32
    %jit3A_2 = arith.constant 0 : i32
    %select_n3A = arith.select %lt3A_1, %jit3A, %jit3A_2 : i32
    %add3A_3 = arith.constant 61 : i32
    %add3A_4 = arith.addi %add3A_3, %select_n3A : i32
    %mul3A_5 = arith.constant 61 : i32
    %mul3A_6 = arith.muli %add3A, %mul3A_5 : i32
    %min3A = arith.constant 1 : i32
    %min3A_7 = arith.minsi %add3A, %min3A : i32
    %add3A_8 = arith.addi %mul3A_6, %min3A_7 : i32
    %add3A_9 = arith.constant 0 : i32
    %add3A_10 = vector.broadcast %add3A_9 : i32 to vector<16xi32>
    %add3A_11 = arith.addi %iota3A, %add3A_10 : vector<16xi32>
    %and3A = arith.constant 15 : i32
    %and3A_12 = vector.broadcast %and3A : i32 to vector<16xi32>
    %and3A_13 = arith.andi %add3A_11, %and3A_12 : vector<16xi32>
    %add3A_14 = arith.constant 1 : i32
    %add3A_15 = vector.broadcast %add3A_14 : i32 to vector<16xi32>
    %add3A_16 = arith.addi %iota3A, %add3A_15 : vector<16xi32>
    %and3A_17 = arith.constant 15 : i32
    %and3A_18 = vector.broadcast %and3A_17 : i32 to vector<16xi32>
    %and3A_19 = arith.andi %add3A_16, %and3A_18 : vector<16xi32>
    %add3A_20 = arith.constant 2 : i32
    %add3A_21 = vector.broadcast %add3A_20 : i32 to vector<16xi32>
    %add3A_22 = arith.addi %iota3A, %add3A_21 : vector<16xi32>
    %and3A_23 = arith.constant 15 : i32
    %and3A_24 = vector.broadcast %and3A_23 : i32 to vector<16xi32>
    %and3A_25 = arith.andi %add3A_22, %and3A_24 : vector<16xi32>
    %add3A_26 = arith.constant 3 : i32
    %add3A_27 = vector.broadcast %add3A_26 : i32 to vector<16xi32>
    %add3A_28 = arith.addi %iota3A, %add3A_27 : vector<16xi32>
    %and3A_29 = arith.constant 15 : i32
    %and3A_30 = vector.broadcast %and3A_29 : i32 to vector<16xi32>
    %and3A_31 = arith.andi %add3A_28, %and3A_30 : vector<16xi32>
    %add3A_32 = arith.constant 4 : i32
    %add3A_33 = vector.broadcast %add3A_32 : i32 to vector<16xi32>
    %add3A_34 = arith.addi %iota3A, %add3A_33 : vector<16xi32>
    %and3A_35 = arith.constant 15 : i32
    %and3A_36 = vector.broadcast %and3A_35 : i32 to vector<16xi32>
    %and3A_37 = arith.andi %add3A_34, %and3A_36 : vector<16xi32>
    %add3A_38 = arith.constant 5 : i32
    %add3A_39 = vector.broadcast %add3A_38 : i32 to vector<16xi32>
    %add3A_40 = arith.addi %iota3A, %add3A_39 : vector<16xi32>
    %and3A_41 = arith.constant 15 : i32
    %and3A_42 = vector.broadcast %and3A_41 : i32 to vector<16xi32>
    %and3A_43 = arith.andi %add3A_40, %and3A_42 : vector<16xi32>
    %add3A_44 = arith.constant 6 : i32
    %add3A_45 = vector.broadcast %add3A_44 : i32 to vector<16xi32>
    %add3A_46 = arith.addi %iota3A, %add3A_45 : vector<16xi32>
    %and3A_47 = arith.constant 15 : i32
    %and3A_48 = vector.broadcast %and3A_47 : i32 to vector<16xi32>
    %and3A_49 = arith.andi %add3A_46, %and3A_48 : vector<16xi32>
    %add3A_50 = arith.constant 7 : i32
    %add3A_51 = vector.broadcast %add3A_50 : i32 to vector<16xi32>
    %add3A_52 = arith.addi %iota3A, %add3A_51 : vector<16xi32>
    %and3A_53 = arith.constant 15 : i32
    %and3A_54 = vector.broadcast %and3A_53 : i32 to vector<16xi32>
    %and3A_55 = arith.andi %add3A_52, %and3A_54 : vector<16xi32>
    %add3A_56 = arith.constant 8 : i32
    %add3A_57 = vector.broadcast %add3A_56 : i32 to vector<16xi32>
    %add3A_58 = arith.addi %iota3A, %add3A_57 : vector<16xi32>
    %and3A_59 = arith.constant 15 : i32
    %and3A_60 = vector.broadcast %and3A_59 : i32 to vector<16xi32>
    %and3A_61 = arith.andi %add3A_58, %and3A_60 : vector<16xi32>
    %add3A_62 = arith.constant 9 : i32
    %add3A_63 = vector.broadcast %add3A_62 : i32 to vector<16xi32>
    %add3A_64 = arith.addi %iota3A, %add3A_63 : vector<16xi32>
    %and3A_65 = arith.constant 15 : i32
    %and3A_66 = vector.broadcast %and3A_65 : i32 to vector<16xi32>
    %and3A_67 = arith.andi %add3A_64, %and3A_66 : vector<16xi32>
    %add3A_68 = arith.constant 10 : i32
    %add3A_69 = vector.broadcast %add3A_68 : i32 to vector<16xi32>
    %add3A_70 = arith.addi %iota3A, %add3A_69 : vector<16xi32>
    %and3A_71 = arith.constant 15 : i32
    %and3A_72 = vector.broadcast %and3A_71 : i32 to vector<16xi32>
    %and3A_73 = arith.andi %add3A_70, %and3A_72 : vector<16xi32>
    %add3A_74 = arith.constant 11 : i32
    %add3A_75 = vector.broadcast %add3A_74 : i32 to vector<16xi32>
    %add3A_76 = arith.addi %iota3A, %add3A_75 : vector<16xi32>
    %and3A_77 = arith.constant 15 : i32
    %and3A_78 = vector.broadcast %and3A_77 : i32 to vector<16xi32>
    %and3A_79 = arith.andi %add3A_76, %and3A_78 : vector<16xi32>
    %add3A_80 = arith.constant 12 : i32
    %add3A_81 = vector.broadcast %add3A_80 : i32 to vector<16xi32>
    %add3A_82 = arith.addi %iota3A, %add3A_81 : vector<16xi32>
    %and3A_83 = arith.constant 15 : i32
    %and3A_84 = vector.broadcast %and3A_83 : i32 to vector<16xi32>
    %and3A_85 = arith.andi %add3A_82, %and3A_84 : vector<16xi32>
    %add3A_86 = arith.constant 13 : i32
    %add3A_87 = vector.broadcast %add3A_86 : i32 to vector<16xi32>
    %add3A_88 = arith.addi %iota3A, %add3A_87 : vector<16xi32>
    %and3A_89 = arith.constant 15 : i32
    %and3A_90 = vector.broadcast %and3A_89 : i32 to vector<16xi32>
    %and3A_91 = arith.andi %add3A_88, %and3A_90 : vector<16xi32>
    %add3A_92 = arith.constant 14 : i32
    %add3A_93 = vector.broadcast %add3A_92 : i32 to vector<16xi32>
    %add3A_94 = arith.addi %iota3A, %add3A_93 : vector<16xi32>
    %and3A_95 = arith.constant 15 : i32
    %and3A_96 = vector.broadcast %and3A_95 : i32 to vector<16xi32>
    %and3A_97 = arith.andi %add3A_94, %and3A_96 : vector<16xi32>
    %add3A_98 = arith.constant 15 : i32
    %add3A_99 = vector.broadcast %add3A_98 : i32 to vector<16xi32>
    %add3A_100 = arith.addi %iota3A, %add3A_99 : vector<16xi32>
    %and3A_101 = arith.constant 15 : i32
    %and3A_102 = vector.broadcast %and3A_101 : i32 to vector<16xi32>
    %and3A_103 = arith.andi %add3A_100, %and3A_102 : vector<16xi32>
    %jit3A_104 = arith.constant 4 : i32
    %div3A = vector.broadcast %jit3A_104 : i32 to vector<16xi32>
    %div3A_105 = arith.divsi %iota3A, %div3A : vector<16xi32>
    %sign3A = arith.constant 0 : i32
    %sign3A_106 = vector.broadcast %sign3A : i32 to vector<16xi32>
    %sign3A_107 = arith.cmpi sgt, %iota3A, %sign3A_106 : vector<16xi32>
    %sign3A_108 = arith.extui %sign3A_107 : vector<16xi1> to vector<16xi32>
    %sign3A_109 = arith.constant 0 : i32
    %sign3A_110 = vector.broadcast %sign3A_109 : i32 to vector<16xi32>
    %sign3A_111 = arith.cmpi slt, %iota3A, %sign3A_110 : vector<16xi32>
    %sign3A_112 = arith.extui %sign3A_111 : vector<16xi1> to vector<16xi32>
    %sign3A_113 = arith.subi %sign3A_108, %sign3A_112 : vector<16xi32>
    %sign3A_114 = arith.constant 0 : i32
    %sign3A_115 = arith.cmpi sgt, %jit3A_104, %sign3A_114 : i32
    %sign3A_116 = arith.extui %sign3A_115 : i1 to i32
    %sign3A_117 = arith.constant 0 : i32
    %sign3A_118 = arith.cmpi slt, %jit3A_104, %sign3A_117 : i32
    %sign3A_119 = arith.extui %sign3A_118 : i1 to i32
    %sign3A_120 = arith.subi %sign3A_116, %sign3A_119 : i32
    %ne3A = vector.broadcast %sign3A_120 : i32 to vector<16xi32>
    %ne3A_121 = arith.cmpi ne, %sign3A_113, %ne3A : vector<16xi32>
    %rem3A = vector.broadcast %jit3A_104 : i32 to vector<16xi32>
    %rem3A_122 = arith.remsi %iota3A, %rem3A : vector<16xi32>
    %ne3A_123 = arith.constant 0 : i32
    %ne3A_124 = vector.broadcast %ne3A_123 : i32 to vector<16xi32>
    %ne3A_125 = arith.cmpi ne, %rem3A_122, %ne3A_124 : vector<16xi32>
    %and3A_126 = arith.andi %ne3A_121, %ne3A_125 : vector<16xi1>
    %sub3A = arith.constant 1 : i32
    %sub3A_127 = vector.broadcast %sub3A : i32 to vector<16xi32>
    %sub3A_128 = arith.subi %div3A_105, %sub3A_127 : vector<16xi32>
    %select_n3A_129 = arith.select %and3A_126, %sub3A_128, %div3A_105 : vector<16xi1>, vector<16xi32>
    %jit3A_130 = arith.constant 4 : i32
    %eq3A = arith.constant 0 : i32
    %eq3A_131 = arith.cmpi eq, %jit3A_130, %eq3A : i32
    %jit3A_132 = arith.constant 1 : i32
    %select_n3A_133 = arith.select %eq3A_131, %jit3A_132, %jit3A_130 : i32
    %rem3A_134 = vector.broadcast %select_n3A_133 : i32 to vector<16xi32>
    %rem3A_135 = arith.remsi %iota3A, %rem3A_134 : vector<16xi32>
    %ne3A_136 = arith.constant 0 : i32
    %ne3A_137 = vector.broadcast %ne3A_136 : i32 to vector<16xi32>
    %ne3A_138 = arith.cmpi ne, %rem3A_135, %ne3A_137 : vector<16xi32>
    %lt3A_139 = arith.constant 0 : i32
    %lt3A_140 = vector.broadcast %lt3A_139 : i32 to vector<16xi32>
    %lt3A_141 = arith.cmpi slt, %rem3A_135, %lt3A_140 : vector<16xi32>
    %lt3A_142 = arith.constant 0 : i32
    %lt3A_143 = arith.cmpi slt, %select_n3A_133, %lt3A_142 : i32
    %ne3A_144 = vector.broadcast %lt3A_143 : i1 to vector<16xi1>
    %ne3A_145 = vector.broadcast %ne3A_144 : vector<16xi1> to vector<16xi1>
    %ne3A_146 = arith.xori %lt3A_141, %ne3A_145 : vector<16xi1>
    %and3A_147 = arith.andi %ne3A_146, %ne3A_138 : vector<16xi1>
    %add3A_148 = vector.broadcast %select_n3A_133 : i32 to vector<16xi32>
    %add3A_149 = arith.addi %rem3A_135, %add3A_148 : vector<16xi32>
    %select_n3A_150 = arith.select %and3A_147, %add3A_149, %rem3A_135 : vector<16xi1>, vector<16xi32>
    %mul3A_151 = arith.constant 32 : i32
    %mul3A_152 = vector.broadcast %mul3A_151 : i32 to vector<16xi32>
    %mul3A_153 = arith.muli %mul3A_152, %select_n3A_150 : vector<16xi32>
    %add3A_154 = arith.constant 0 : i32
    %add3A_155 = vector.broadcast %add3A_154 : i32 to vector<16xi32>
    %add3A_156 = arith.addi %iota3A, %add3A_155 : vector<16xi32>
    %and3A_157 = arith.constant 15 : i32
    %and3A_158 = vector.broadcast %and3A_157 : i32 to vector<16xi32>
    %and3A_159 = arith.andi %add3A_156, %and3A_158 : vector<16xi32>
    %add3A_160 = arith.addi %mul3A_153, %and3A_159 : vector<16xi32>
    %jit3A_161 = arith.constant 4 : i32
    %eq3A_162 = arith.constant 0 : i32
    %eq3A_163 = arith.cmpi eq, %jit3A_161, %eq3A_162 : i32
    %jit3A_164 = arith.constant 1 : i32
    %select_n3A_165 = arith.select %eq3A_163, %jit3A_164, %jit3A_161 : i32
    %rem3A_166 = vector.broadcast %select_n3A_165 : i32 to vector<16xi32>
    %rem3A_167 = arith.remsi %iota3A, %rem3A_166 : vector<16xi32>
    %ne3A_168 = arith.constant 0 : i32
    %ne3A_169 = vector.broadcast %ne3A_168 : i32 to vector<16xi32>
    %ne3A_170 = arith.cmpi ne, %rem3A_167, %ne3A_169 : vector<16xi32>
    %lt3A_171 = arith.constant 0 : i32
    %lt3A_172 = vector.broadcast %lt3A_171 : i32 to vector<16xi32>
    %lt3A_173 = arith.cmpi slt, %rem3A_167, %lt3A_172 : vector<16xi32>
    %lt3A_174 = arith.constant 0 : i32
    %lt3A_175 = arith.cmpi slt, %select_n3A_165, %lt3A_174 : i32
    %ne3A_176 = vector.broadcast %lt3A_175 : i1 to vector<16xi1>
    %ne3A_177 = vector.broadcast %ne3A_176 : vector<16xi1> to vector<16xi1>
    %ne3A_178 = arith.xori %lt3A_173, %ne3A_177 : vector<16xi1>
    %and3A_179 = arith.andi %ne3A_178, %ne3A_170 : vector<16xi1>
    %add3A_180 = vector.broadcast %select_n3A_165 : i32 to vector<16xi32>
    %add3A_181 = arith.addi %rem3A_167, %add3A_180 : vector<16xi32>
    %select_n3A_182 = arith.select %and3A_179, %add3A_181, %rem3A_167 : vector<16xi1>, vector<16xi32>
    %mul3A_183 = arith.constant 32 : i32
    %mul3A_184 = vector.broadcast %mul3A_183 : i32 to vector<16xi32>
    %mul3A_185 = arith.muli %mul3A_184, %select_n3A_182 : vector<16xi32>
    %add3A_186 = arith.constant 1 : i32
    %add3A_187 = vector.broadcast %add3A_186 : i32 to vector<16xi32>
    %add3A_188 = arith.addi %iota3A, %add3A_187 : vector<16xi32>
    %and3A_189 = arith.constant 15 : i32
    %and3A_190 = vector.broadcast %and3A_189 : i32 to vector<16xi32>
    %and3A_191 = arith.andi %add3A_188, %and3A_190 : vector<16xi32>
    %add3A_192 = arith.addi %mul3A_185, %and3A_191 : vector<16xi32>
    %jit3A_193 = arith.constant 4 : i32
    %eq3A_194 = arith.constant 0 : i32
    %eq3A_195 = arith.cmpi eq, %jit3A_193, %eq3A_194 : i32
    %jit3A_196 = arith.constant 1 : i32
    %select_n3A_197 = arith.select %eq3A_195, %jit3A_196, %jit3A_193 : i32
    %rem3A_198 = vector.broadcast %select_n3A_197 : i32 to vector<16xi32>
    %rem3A_199 = arith.remsi %iota3A, %rem3A_198 : vector<16xi32>
    %ne3A_200 = arith.constant 0 : i32
    %ne3A_201 = vector.broadcast %ne3A_200 : i32 to vector<16xi32>
    %ne3A_202 = arith.cmpi ne, %rem3A_199, %ne3A_201 : vector<16xi32>
    %lt3A_203 = arith.constant 0 : i32
    %lt3A_204 = vector.broadcast %lt3A_203 : i32 to vector<16xi32>
    %lt3A_205 = arith.cmpi slt, %rem3A_199, %lt3A_204 : vector<16xi32>
    %lt3A_206 = arith.constant 0 : i32
    %lt3A_207 = arith.cmpi slt, %select_n3A_197, %lt3A_206 : i32
    %ne3A_208 = vector.broadcast %lt3A_207 : i1 to vector<16xi1>
    %ne3A_209 = vector.broadcast %ne3A_208 : vector<16xi1> to vector<16xi1>
    %ne3A_210 = arith.xori %lt3A_205, %ne3A_209 : vector<16xi1>
    %and3A_211 = arith.andi %ne3A_210, %ne3A_202 : vector<16xi1>
    %add3A_212 = vector.broadcast %select_n3A_197 : i32 to vector<16xi32>
    %add3A_213 = arith.addi %rem3A_199, %add3A_212 : vector<16xi32>
    %select_n3A_214 = arith.select %and3A_211, %add3A_213, %rem3A_199 : vector<16xi1>, vector<16xi32>
    %mul3A_215 = arith.constant 32 : i32
    %mul3A_216 = vector.broadcast %mul3A_215 : i32 to vector<16xi32>
    %mul3A_217 = arith.muli %mul3A_216, %select_n3A_214 : vector<16xi32>
    %add3A_218 = arith.constant 2 : i32
    %add3A_219 = vector.broadcast %add3A_218 : i32 to vector<16xi32>
    %add3A_220 = arith.addi %iota3A, %add3A_219 : vector<16xi32>
    %and3A_221 = arith.constant 15 : i32
    %and3A_222 = vector.broadcast %and3A_221 : i32 to vector<16xi32>
    %and3A_223 = arith.andi %add3A_220, %and3A_222 : vector<16xi32>
    %add3A_224 = arith.addi %mul3A_217, %and3A_223 : vector<16xi32>
    %jit3A_225 = arith.constant 4 : i32
    %eq3A_226 = arith.constant 0 : i32
    %eq3A_227 = arith.cmpi eq, %jit3A_225, %eq3A_226 : i32
    %jit3A_228 = arith.constant 1 : i32
    %select_n3A_229 = arith.select %eq3A_227, %jit3A_228, %jit3A_225 : i32
    %rem3A_230 = vector.broadcast %select_n3A_229 : i32 to vector<16xi32>
    %rem3A_231 = arith.remsi %iota3A, %rem3A_230 : vector<16xi32>
    %ne3A_232 = arith.constant 0 : i32
    %ne3A_233 = vector.broadcast %ne3A_232 : i32 to vector<16xi32>
    %ne3A_234 = arith.cmpi ne, %rem3A_231, %ne3A_233 : vector<16xi32>
    %lt3A_235 = arith.constant 0 : i32
    %lt3A_236 = vector.broadcast %lt3A_235 : i32 to vector<16xi32>
    %lt3A_237 = arith.cmpi slt, %rem3A_231, %lt3A_236 : vector<16xi32>
    %lt3A_238 = arith.constant 0 : i32
    %lt3A_239 = arith.cmpi slt, %select_n3A_229, %lt3A_238 : i32
    %ne3A_240 = vector.broadcast %lt3A_239 : i1 to vector<16xi1>
    %ne3A_241 = vector.broadcast %ne3A_240 : vector<16xi1> to vector<16xi1>
    %ne3A_242 = arith.xori %lt3A_237, %ne3A_241 : vector<16xi1>
    %and3A_243 = arith.andi %ne3A_242, %ne3A_234 : vector<16xi1>
    %add3A_244 = vector.broadcast %select_n3A_229 : i32 to vector<16xi32>
    %add3A_245 = arith.addi %rem3A_231, %add3A_244 : vector<16xi32>
    %select_n3A_246 = arith.select %and3A_243, %add3A_245, %rem3A_231 : vector<16xi1>, vector<16xi32>
    %mul3A_247 = arith.constant 32 : i32
    %mul3A_248 = vector.broadcast %mul3A_247 : i32 to vector<16xi32>
    %mul3A_249 = arith.muli %mul3A_248, %select_n3A_246 : vector<16xi32>
    %add3A_250 = arith.constant 3 : i32
    %add3A_251 = vector.broadcast %add3A_250 : i32 to vector<16xi32>
    %add3A_252 = arith.addi %iota3A, %add3A_251 : vector<16xi32>
    %and3A_253 = arith.constant 15 : i32
    %and3A_254 = vector.broadcast %and3A_253 : i32 to vector<16xi32>
    %and3A_255 = arith.andi %add3A_252, %and3A_254 : vector<16xi32>
    %add3A_256 = arith.addi %mul3A_249, %and3A_255 : vector<16xi32>
    %jit3A_257 = arith.constant 4 : i32
    %eq3A_258 = arith.constant 0 : i32
    %eq3A_259 = arith.cmpi eq, %jit3A_257, %eq3A_258 : i32
    %jit3A_260 = arith.constant 1 : i32
    %select_n3A_261 = arith.select %eq3A_259, %jit3A_260, %jit3A_257 : i32
    %rem3A_262 = vector.broadcast %select_n3A_261 : i32 to vector<16xi32>
    %rem3A_263 = arith.remsi %iota3A, %rem3A_262 : vector<16xi32>
    %ne3A_264 = arith.constant 0 : i32
    %ne3A_265 = vector.broadcast %ne3A_264 : i32 to vector<16xi32>
    %ne3A_266 = arith.cmpi ne, %rem3A_263, %ne3A_265 : vector<16xi32>
    %lt3A_267 = arith.constant 0 : i32
    %lt3A_268 = vector.broadcast %lt3A_267 : i32 to vector<16xi32>
    %lt3A_269 = arith.cmpi slt, %rem3A_263, %lt3A_268 : vector<16xi32>
    %lt3A_270 = arith.constant 0 : i32
    %lt3A_271 = arith.cmpi slt, %select_n3A_261, %lt3A_270 : i32
    %ne3A_272 = vector.broadcast %lt3A_271 : i1 to vector<16xi1>
    %ne3A_273 = vector.broadcast %ne3A_272 : vector<16xi1> to vector<16xi1>
    %ne3A_274 = arith.xori %lt3A_269, %ne3A_273 : vector<16xi1>
    %and3A_275 = arith.andi %ne3A_274, %ne3A_266 : vector<16xi1>
    %add3A_276 = vector.broadcast %select_n3A_261 : i32 to vector<16xi32>
    %add3A_277 = arith.addi %rem3A_263, %add3A_276 : vector<16xi32>
    %select_n3A_278 = arith.select %and3A_275, %add3A_277, %rem3A_263 : vector<16xi1>, vector<16xi32>
    %mul3A_279 = arith.constant 32 : i32
    %mul3A_280 = vector.broadcast %mul3A_279 : i32 to vector<16xi32>
    %mul3A_281 = arith.muli %mul3A_280, %select_n3A_278 : vector<16xi32>
    %add3A_282 = arith.constant 4 : i32
    %add3A_283 = vector.broadcast %add3A_282 : i32 to vector<16xi32>
    %add3A_284 = arith.addi %iota3A, %add3A_283 : vector<16xi32>
    %and3A_285 = arith.constant 15 : i32
    %and3A_286 = vector.broadcast %and3A_285 : i32 to vector<16xi32>
    %and3A_287 = arith.andi %add3A_284, %and3A_286 : vector<16xi32>
    %add3A_288 = arith.addi %mul3A_281, %and3A_287 : vector<16xi32>
    %jit3A_289 = arith.constant 4 : i32
    %eq3A_290 = arith.constant 0 : i32
    %eq3A_291 = arith.cmpi eq, %jit3A_289, %eq3A_290 : i32
    %jit3A_292 = arith.constant 1 : i32
    %select_n3A_293 = arith.select %eq3A_291, %jit3A_292, %jit3A_289 : i32
    %rem3A_294 = vector.broadcast %select_n3A_293 : i32 to vector<16xi32>
    %rem3A_295 = arith.remsi %iota3A, %rem3A_294 : vector<16xi32>
    %ne3A_296 = arith.constant 0 : i32
    %ne3A_297 = vector.broadcast %ne3A_296 : i32 to vector<16xi32>
    %ne3A_298 = arith.cmpi ne, %rem3A_295, %ne3A_297 : vector<16xi32>
    %lt3A_299 = arith.constant 0 : i32
    %lt3A_300 = vector.broadcast %lt3A_299 : i32 to vector<16xi32>
    %lt3A_301 = arith.cmpi slt, %rem3A_295, %lt3A_300 : vector<16xi32>
    %lt3A_302 = arith.constant 0 : i32
    %lt3A_303 = arith.cmpi slt, %select_n3A_293, %lt3A_302 : i32
    %ne3A_304 = vector.broadcast %lt3A_303 : i1 to vector<16xi1>
    %ne3A_305 = vector.broadcast %ne3A_304 : vector<16xi1> to vector<16xi1>
    %ne3A_306 = arith.xori %lt3A_301, %ne3A_305 : vector<16xi1>
    %and3A_307 = arith.andi %ne3A_306, %ne3A_298 : vector<16xi1>
    %add3A_308 = vector.broadcast %select_n3A_293 : i32 to vector<16xi32>
    %add3A_309 = arith.addi %rem3A_295, %add3A_308 : vector<16xi32>
    %select_n3A_310 = arith.select %and3A_307, %add3A_309, %rem3A_295 : vector<16xi1>, vector<16xi32>
    %mul3A_311 = arith.constant 32 : i32
    %mul3A_312 = vector.broadcast %mul3A_311 : i32 to vector<16xi32>
    %mul3A_313 = arith.muli %mul3A_312, %select_n3A_310 : vector<16xi32>
    %add3A_314 = arith.constant 5 : i32
    %add3A_315 = vector.broadcast %add3A_314 : i32 to vector<16xi32>
    %add3A_316 = arith.addi %iota3A, %add3A_315 : vector<16xi32>
    %and3A_317 = arith.constant 15 : i32
    %and3A_318 = vector.broadcast %and3A_317 : i32 to vector<16xi32>
    %and3A_319 = arith.andi %add3A_316, %and3A_318 : vector<16xi32>
    %add3A_320 = arith.addi %mul3A_313, %and3A_319 : vector<16xi32>
    %jit3A_321 = arith.constant 4 : i32
    %eq3A_322 = arith.constant 0 : i32
    %eq3A_323 = arith.cmpi eq, %jit3A_321, %eq3A_322 : i32
    %jit3A_324 = arith.constant 1 : i32
    %select_n3A_325 = arith.select %eq3A_323, %jit3A_324, %jit3A_321 : i32
    %rem3A_326 = vector.broadcast %select_n3A_325 : i32 to vector<16xi32>
    %rem3A_327 = arith.remsi %iota3A, %rem3A_326 : vector<16xi32>
    %ne3A_328 = arith.constant 0 : i32
    %ne3A_329 = vector.broadcast %ne3A_328 : i32 to vector<16xi32>
    %ne3A_330 = arith.cmpi ne, %rem3A_327, %ne3A_329 : vector<16xi32>
    %lt3A_331 = arith.constant 0 : i32
    %lt3A_332 = vector.broadcast %lt3A_331 : i32 to vector<16xi32>
    %lt3A_333 = arith.cmpi slt, %rem3A_327, %lt3A_332 : vector<16xi32>
    %lt3A_334 = arith.constant 0 : i32
    %lt3A_335 = arith.cmpi slt, %select_n3A_325, %lt3A_334 : i32
    %ne3A_336 = vector.broadcast %lt3A_335 : i1 to vector<16xi1>
    %ne3A_337 = vector.broadcast %ne3A_336 : vector<16xi1> to vector<16xi1>
    %ne3A_338 = arith.xori %lt3A_333, %ne3A_337 : vector<16xi1>
    %and3A_339 = arith.andi %ne3A_338, %ne3A_330 : vector<16xi1>
    %add3A_340 = vector.broadcast %select_n3A_325 : i32 to vector<16xi32>
    %add3A_341 = arith.addi %rem3A_327, %add3A_340 : vector<16xi32>
    %select_n3A_342 = arith.select %and3A_339, %add3A_341, %rem3A_327 : vector<16xi1>, vector<16xi32>
    %mul3A_343 = arith.constant 32 : i32
    %mul3A_344 = vector.broadcast %mul3A_343 : i32 to vector<16xi32>
    %mul3A_345 = arith.muli %mul3A_344, %select_n3A_342 : vector<16xi32>
    %add3A_346 = arith.constant 6 : i32
    %add3A_347 = vector.broadcast %add3A_346 : i32 to vector<16xi32>
    %add3A_348 = arith.addi %iota3A, %add3A_347 : vector<16xi32>
    %and3A_349 = arith.constant 15 : i32
    %and3A_350 = vector.broadcast %and3A_349 : i32 to vector<16xi32>
    %and3A_351 = arith.andi %add3A_348, %and3A_350 : vector<16xi32>
    %add3A_352 = arith.addi %mul3A_345, %and3A_351 : vector<16xi32>
    %jit3A_353 = arith.constant 4 : i32
    %eq3A_354 = arith.constant 0 : i32
    %eq3A_355 = arith.cmpi eq, %jit3A_353, %eq3A_354 : i32
    %jit3A_356 = arith.constant 1 : i32
    %select_n3A_357 = arith.select %eq3A_355, %jit3A_356, %jit3A_353 : i32
    %rem3A_358 = vector.broadcast %select_n3A_357 : i32 to vector<16xi32>
    %rem3A_359 = arith.remsi %iota3A, %rem3A_358 : vector<16xi32>
    %ne3A_360 = arith.constant 0 : i32
    %ne3A_361 = vector.broadcast %ne3A_360 : i32 to vector<16xi32>
    %ne3A_362 = arith.cmpi ne, %rem3A_359, %ne3A_361 : vector<16xi32>
    %lt3A_363 = arith.constant 0 : i32
    %lt3A_364 = vector.broadcast %lt3A_363 : i32 to vector<16xi32>
    %lt3A_365 = arith.cmpi slt, %rem3A_359, %lt3A_364 : vector<16xi32>
    %lt3A_366 = arith.constant 0 : i32
    %lt3A_367 = arith.cmpi slt, %select_n3A_357, %lt3A_366 : i32
    %ne3A_368 = vector.broadcast %lt3A_367 : i1 to vector<16xi1>
    %ne3A_369 = vector.broadcast %ne3A_368 : vector<16xi1> to vector<16xi1>
    %ne3A_370 = arith.xori %lt3A_365, %ne3A_369 : vector<16xi1>
    %and3A_371 = arith.andi %ne3A_370, %ne3A_362 : vector<16xi1>
    %add3A_372 = vector.broadcast %select_n3A_357 : i32 to vector<16xi32>
    %add3A_373 = arith.addi %rem3A_359, %add3A_372 : vector<16xi32>
    %select_n3A_374 = arith.select %and3A_371, %add3A_373, %rem3A_359 : vector<16xi1>, vector<16xi32>
    %mul3A_375 = arith.constant 32 : i32
    %mul3A_376 = vector.broadcast %mul3A_375 : i32 to vector<16xi32>
    %mul3A_377 = arith.muli %mul3A_376, %select_n3A_374 : vector<16xi32>
    %add3A_378 = arith.constant 7 : i32
    %add3A_379 = vector.broadcast %add3A_378 : i32 to vector<16xi32>
    %add3A_380 = arith.addi %iota3A, %add3A_379 : vector<16xi32>
    %and3A_381 = arith.constant 15 : i32
    %and3A_382 = vector.broadcast %and3A_381 : i32 to vector<16xi32>
    %and3A_383 = arith.andi %add3A_380, %and3A_382 : vector<16xi32>
    %add3A_384 = arith.addi %mul3A_377, %and3A_383 : vector<16xi32>
    %jit3A_385 = arith.constant 4 : i32
    %eq3A_386 = arith.constant 0 : i32
    %eq3A_387 = arith.cmpi eq, %jit3A_385, %eq3A_386 : i32
    %jit3A_388 = arith.constant 1 : i32
    %select_n3A_389 = arith.select %eq3A_387, %jit3A_388, %jit3A_385 : i32
    %rem3A_390 = vector.broadcast %select_n3A_389 : i32 to vector<16xi32>
    %rem3A_391 = arith.remsi %iota3A, %rem3A_390 : vector<16xi32>
    %ne3A_392 = arith.constant 0 : i32
    %ne3A_393 = vector.broadcast %ne3A_392 : i32 to vector<16xi32>
    %ne3A_394 = arith.cmpi ne, %rem3A_391, %ne3A_393 : vector<16xi32>
    %lt3A_395 = arith.constant 0 : i32
    %lt3A_396 = vector.broadcast %lt3A_395 : i32 to vector<16xi32>
    %lt3A_397 = arith.cmpi slt, %rem3A_391, %lt3A_396 : vector<16xi32>
    %lt3A_398 = arith.constant 0 : i32
    %lt3A_399 = arith.cmpi slt, %select_n3A_389, %lt3A_398 : i32
    %ne3A_400 = vector.broadcast %lt3A_399 : i1 to vector<16xi1>
    %ne3A_401 = vector.broadcast %ne3A_400 : vector<16xi1> to vector<16xi1>
    %ne3A_402 = arith.xori %lt3A_397, %ne3A_401 : vector<16xi1>
    %and3A_403 = arith.andi %ne3A_402, %ne3A_394 : vector<16xi1>
    %add3A_404 = vector.broadcast %select_n3A_389 : i32 to vector<16xi32>
    %add3A_405 = arith.addi %rem3A_391, %add3A_404 : vector<16xi32>
    %select_n3A_406 = arith.select %and3A_403, %add3A_405, %rem3A_391 : vector<16xi1>, vector<16xi32>
    %mul3A_407 = arith.constant 32 : i32
    %mul3A_408 = vector.broadcast %mul3A_407 : i32 to vector<16xi32>
    %mul3A_409 = arith.muli %mul3A_408, %select_n3A_406 : vector<16xi32>
    %add3A_410 = arith.constant 8 : i32
    %add3A_411 = vector.broadcast %add3A_410 : i32 to vector<16xi32>
    %add3A_412 = arith.addi %iota3A, %add3A_411 : vector<16xi32>
    %and3A_413 = arith.constant 15 : i32
    %and3A_414 = vector.broadcast %and3A_413 : i32 to vector<16xi32>
    %and3A_415 = arith.andi %add3A_412, %and3A_414 : vector<16xi32>
    %add3A_416 = arith.addi %mul3A_409, %and3A_415 : vector<16xi32>
    %jit3A_417 = arith.constant 4 : i32
    %eq3A_418 = arith.constant 0 : i32
    %eq3A_419 = arith.cmpi eq, %jit3A_417, %eq3A_418 : i32
    %jit3A_420 = arith.constant 1 : i32
    %select_n3A_421 = arith.select %eq3A_419, %jit3A_420, %jit3A_417 : i32
    %rem3A_422 = vector.broadcast %select_n3A_421 : i32 to vector<16xi32>
    %rem3A_423 = arith.remsi %iota3A, %rem3A_422 : vector<16xi32>
    %ne3A_424 = arith.constant 0 : i32
    %ne3A_425 = vector.broadcast %ne3A_424 : i32 to vector<16xi32>
    %ne3A_426 = arith.cmpi ne, %rem3A_423, %ne3A_425 : vector<16xi32>
    %lt3A_427 = arith.constant 0 : i32
    %lt3A_428 = vector.broadcast %lt3A_427 : i32 to vector<16xi32>
    %lt3A_429 = arith.cmpi slt, %rem3A_423, %lt3A_428 : vector<16xi32>
    %lt3A_430 = arith.constant 0 : i32
    %lt3A_431 = arith.cmpi slt, %select_n3A_421, %lt3A_430 : i32
    %ne3A_432 = vector.broadcast %lt3A_431 : i1 to vector<16xi1>
    %ne3A_433 = vector.broadcast %ne3A_432 : vector<16xi1> to vector<16xi1>
    %ne3A_434 = arith.xori %lt3A_429, %ne3A_433 : vector<16xi1>
    %and3A_435 = arith.andi %ne3A_434, %ne3A_426 : vector<16xi1>
    %add3A_436 = vector.broadcast %select_n3A_421 : i32 to vector<16xi32>
    %add3A_437 = arith.addi %rem3A_423, %add3A_436 : vector<16xi32>
    %select_n3A_438 = arith.select %and3A_435, %add3A_437, %rem3A_423 : vector<16xi1>, vector<16xi32>
    %mul3A_439 = arith.constant 32 : i32
    %mul3A_440 = vector.broadcast %mul3A_439 : i32 to vector<16xi32>
    %mul3A_441 = arith.muli %mul3A_440, %select_n3A_438 : vector<16xi32>
    %add3A_442 = arith.constant 9 : i32
    %add3A_443 = vector.broadcast %add3A_442 : i32 to vector<16xi32>
    %add3A_444 = arith.addi %iota3A, %add3A_443 : vector<16xi32>
    %and3A_445 = arith.constant 15 : i32
    %and3A_446 = vector.broadcast %and3A_445 : i32 to vector<16xi32>
    %and3A_447 = arith.andi %add3A_444, %and3A_446 : vector<16xi32>
    %add3A_448 = arith.addi %mul3A_441, %and3A_447 : vector<16xi32>
    %jit3A_449 = arith.constant 4 : i32
    %eq3A_450 = arith.constant 0 : i32
    %eq3A_451 = arith.cmpi eq, %jit3A_449, %eq3A_450 : i32
    %jit3A_452 = arith.constant 1 : i32
    %select_n3A_453 = arith.select %eq3A_451, %jit3A_452, %jit3A_449 : i32
    %rem3A_454 = vector.broadcast %select_n3A_453 : i32 to vector<16xi32>
    %rem3A_455 = arith.remsi %iota3A, %rem3A_454 : vector<16xi32>
    %ne3A_456 = arith.constant 0 : i32
    %ne3A_457 = vector.broadcast %ne3A_456 : i32 to vector<16xi32>
    %ne3A_458 = arith.cmpi ne, %rem3A_455, %ne3A_457 : vector<16xi32>
    %lt3A_459 = arith.constant 0 : i32
    %lt3A_460 = vector.broadcast %lt3A_459 : i32 to vector<16xi32>
    %lt3A_461 = arith.cmpi slt, %rem3A_455, %lt3A_460 : vector<16xi32>
    %lt3A_462 = arith.constant 0 : i32
    %lt3A_463 = arith.cmpi slt, %select_n3A_453, %lt3A_462 : i32
    %ne3A_464 = vector.broadcast %lt3A_463 : i1 to vector<16xi1>
    %ne3A_465 = vector.broadcast %ne3A_464 : vector<16xi1> to vector<16xi1>
    %ne3A_466 = arith.xori %lt3A_461, %ne3A_465 : vector<16xi1>
    %and3A_467 = arith.andi %ne3A_466, %ne3A_458 : vector<16xi1>
    %add3A_468 = vector.broadcast %select_n3A_453 : i32 to vector<16xi32>
    %add3A_469 = arith.addi %rem3A_455, %add3A_468 : vector<16xi32>
    %select_n3A_470 = arith.select %and3A_467, %add3A_469, %rem3A_455 : vector<16xi1>, vector<16xi32>
    %mul3A_471 = arith.constant 32 : i32
    %mul3A_472 = vector.broadcast %mul3A_471 : i32 to vector<16xi32>
    %mul3A_473 = arith.muli %mul3A_472, %select_n3A_470 : vector<16xi32>
    %add3A_474 = arith.constant 10 : i32
    %add3A_475 = vector.broadcast %add3A_474 : i32 to vector<16xi32>
    %add3A_476 = arith.addi %iota3A, %add3A_475 : vector<16xi32>
    %and3A_477 = arith.constant 15 : i32
    %and3A_478 = vector.broadcast %and3A_477 : i32 to vector<16xi32>
    %and3A_479 = arith.andi %add3A_476, %and3A_478 : vector<16xi32>
    %add3A_480 = arith.addi %mul3A_473, %and3A_479 : vector<16xi32>
    %jit3A_481 = arith.constant 4 : i32
    %eq3A_482 = arith.constant 0 : i32
    %eq3A_483 = arith.cmpi eq, %jit3A_481, %eq3A_482 : i32
    %jit3A_484 = arith.constant 1 : i32
    %select_n3A_485 = arith.select %eq3A_483, %jit3A_484, %jit3A_481 : i32
    %rem3A_486 = vector.broadcast %select_n3A_485 : i32 to vector<16xi32>
    %rem3A_487 = arith.remsi %iota3A, %rem3A_486 : vector<16xi32>
    %ne3A_488 = arith.constant 0 : i32
    %ne3A_489 = vector.broadcast %ne3A_488 : i32 to vector<16xi32>
    %ne3A_490 = arith.cmpi ne, %rem3A_487, %ne3A_489 : vector<16xi32>
    %lt3A_491 = arith.constant 0 : i32
    %lt3A_492 = vector.broadcast %lt3A_491 : i32 to vector<16xi32>
    %lt3A_493 = arith.cmpi slt, %rem3A_487, %lt3A_492 : vector<16xi32>
    %lt3A_494 = arith.constant 0 : i32
    %lt3A_495 = arith.cmpi slt, %select_n3A_485, %lt3A_494 : i32
    %ne3A_496 = vector.broadcast %lt3A_495 : i1 to vector<16xi1>
    %ne3A_497 = vector.broadcast %ne3A_496 : vector<16xi1> to vector<16xi1>
    %ne3A_498 = arith.xori %lt3A_493, %ne3A_497 : vector<16xi1>
    %and3A_499 = arith.andi %ne3A_498, %ne3A_490 : vector<16xi1>
    %add3A_500 = vector.broadcast %select_n3A_485 : i32 to vector<16xi32>
    %add3A_501 = arith.addi %rem3A_487, %add3A_500 : vector<16xi32>
    %select_n3A_502 = arith.select %and3A_499, %add3A_501, %rem3A_487 : vector<16xi1>, vector<16xi32>
    %mul3A_503 = arith.constant 32 : i32
    %mul3A_504 = vector.broadcast %mul3A_503 : i32 to vector<16xi32>
    %mul3A_505 = arith.muli %mul3A_504, %select_n3A_502 : vector<16xi32>
    %add3A_506 = arith.constant 11 : i32
    %add3A_507 = vector.broadcast %add3A_506 : i32 to vector<16xi32>
    %add3A_508 = arith.addi %iota3A, %add3A_507 : vector<16xi32>
    %and3A_509 = arith.constant 15 : i32
    %and3A_510 = vector.broadcast %and3A_509 : i32 to vector<16xi32>
    %and3A_511 = arith.andi %add3A_508, %and3A_510 : vector<16xi32>
    %add3A_512 = arith.addi %mul3A_505, %and3A_511 : vector<16xi32>
    %jit3A_513 = arith.constant 4 : i32
    %eq3A_514 = arith.constant 0 : i32
    %eq3A_515 = arith.cmpi eq, %jit3A_513, %eq3A_514 : i32
    %jit3A_516 = arith.constant 1 : i32
    %select_n3A_517 = arith.select %eq3A_515, %jit3A_516, %jit3A_513 : i32
    %rem3A_518 = vector.broadcast %select_n3A_517 : i32 to vector<16xi32>
    %rem3A_519 = arith.remsi %iota3A, %rem3A_518 : vector<16xi32>
    %ne3A_520 = arith.constant 0 : i32
    %ne3A_521 = vector.broadcast %ne3A_520 : i32 to vector<16xi32>
    %ne3A_522 = arith.cmpi ne, %rem3A_519, %ne3A_521 : vector<16xi32>
    %lt3A_523 = arith.constant 0 : i32
    %lt3A_524 = vector.broadcast %lt3A_523 : i32 to vector<16xi32>
    %lt3A_525 = arith.cmpi slt, %rem3A_519, %lt3A_524 : vector<16xi32>
    %lt3A_526 = arith.constant 0 : i32
    %lt3A_527 = arith.cmpi slt, %select_n3A_517, %lt3A_526 : i32
    %ne3A_528 = vector.broadcast %lt3A_527 : i1 to vector<16xi1>
    %ne3A_529 = vector.broadcast %ne3A_528 : vector<16xi1> to vector<16xi1>
    %ne3A_530 = arith.xori %lt3A_525, %ne3A_529 : vector<16xi1>
    %and3A_531 = arith.andi %ne3A_530, %ne3A_522 : vector<16xi1>
    %add3A_532 = vector.broadcast %select_n3A_517 : i32 to vector<16xi32>
    %add3A_533 = arith.addi %rem3A_519, %add3A_532 : vector<16xi32>
    %select_n3A_534 = arith.select %and3A_531, %add3A_533, %rem3A_519 : vector<16xi1>, vector<16xi32>
    %mul3A_535 = arith.constant 32 : i32
    %mul3A_536 = vector.broadcast %mul3A_535 : i32 to vector<16xi32>
    %mul3A_537 = arith.muli %mul3A_536, %select_n3A_534 : vector<16xi32>
    %add3A_538 = arith.constant 12 : i32
    %add3A_539 = vector.broadcast %add3A_538 : i32 to vector<16xi32>
    %add3A_540 = arith.addi %iota3A, %add3A_539 : vector<16xi32>
    %and3A_541 = arith.constant 15 : i32
    %and3A_542 = vector.broadcast %and3A_541 : i32 to vector<16xi32>
    %and3A_543 = arith.andi %add3A_540, %and3A_542 : vector<16xi32>
    %add3A_544 = arith.addi %mul3A_537, %and3A_543 : vector<16xi32>
    %jit3A_545 = arith.constant 4 : i32
    %eq3A_546 = arith.constant 0 : i32
    %eq3A_547 = arith.cmpi eq, %jit3A_545, %eq3A_546 : i32
    %jit3A_548 = arith.constant 1 : i32
    %select_n3A_549 = arith.select %eq3A_547, %jit3A_548, %jit3A_545 : i32
    %rem3A_550 = vector.broadcast %select_n3A_549 : i32 to vector<16xi32>
    %rem3A_551 = arith.remsi %iota3A, %rem3A_550 : vector<16xi32>
    %ne3A_552 = arith.constant 0 : i32
    %ne3A_553 = vector.broadcast %ne3A_552 : i32 to vector<16xi32>
    %ne3A_554 = arith.cmpi ne, %rem3A_551, %ne3A_553 : vector<16xi32>
    %lt3A_555 = arith.constant 0 : i32
    %lt3A_556 = vector.broadcast %lt3A_555 : i32 to vector<16xi32>
    %lt3A_557 = arith.cmpi slt, %rem3A_551, %lt3A_556 : vector<16xi32>
    %lt3A_558 = arith.constant 0 : i32
    %lt3A_559 = arith.cmpi slt, %select_n3A_549, %lt3A_558 : i32
    %ne3A_560 = vector.broadcast %lt3A_559 : i1 to vector<16xi1>
    %ne3A_561 = vector.broadcast %ne3A_560 : vector<16xi1> to vector<16xi1>
    %ne3A_562 = arith.xori %lt3A_557, %ne3A_561 : vector<16xi1>
    %and3A_563 = arith.andi %ne3A_562, %ne3A_554 : vector<16xi1>
    %add3A_564 = vector.broadcast %select_n3A_549 : i32 to vector<16xi32>
    %add3A_565 = arith.addi %rem3A_551, %add3A_564 : vector<16xi32>
    %select_n3A_566 = arith.select %and3A_563, %add3A_565, %rem3A_551 : vector<16xi1>, vector<16xi32>
    %mul3A_567 = arith.constant 32 : i32
    %mul3A_568 = vector.broadcast %mul3A_567 : i32 to vector<16xi32>
    %mul3A_569 = arith.muli %mul3A_568, %select_n3A_566 : vector<16xi32>
    %add3A_570 = arith.constant 13 : i32
    %add3A_571 = vector.broadcast %add3A_570 : i32 to vector<16xi32>
    %add3A_572 = arith.addi %iota3A, %add3A_571 : vector<16xi32>
    %and3A_573 = arith.constant 15 : i32
    %and3A_574 = vector.broadcast %and3A_573 : i32 to vector<16xi32>
    %and3A_575 = arith.andi %add3A_572, %and3A_574 : vector<16xi32>
    %add3A_576 = arith.addi %mul3A_569, %and3A_575 : vector<16xi32>
    %jit3A_577 = arith.constant 4 : i32
    %eq3A_578 = arith.constant 0 : i32
    %eq3A_579 = arith.cmpi eq, %jit3A_577, %eq3A_578 : i32
    %jit3A_580 = arith.constant 1 : i32
    %select_n3A_581 = arith.select %eq3A_579, %jit3A_580, %jit3A_577 : i32
    %rem3A_582 = vector.broadcast %select_n3A_581 : i32 to vector<16xi32>
    %rem3A_583 = arith.remsi %iota3A, %rem3A_582 : vector<16xi32>
    %ne3A_584 = arith.constant 0 : i32
    %ne3A_585 = vector.broadcast %ne3A_584 : i32 to vector<16xi32>
    %ne3A_586 = arith.cmpi ne, %rem3A_583, %ne3A_585 : vector<16xi32>
    %lt3A_587 = arith.constant 0 : i32
    %lt3A_588 = vector.broadcast %lt3A_587 : i32 to vector<16xi32>
    %lt3A_589 = arith.cmpi slt, %rem3A_583, %lt3A_588 : vector<16xi32>
    %lt3A_590 = arith.constant 0 : i32
    %lt3A_591 = arith.cmpi slt, %select_n3A_581, %lt3A_590 : i32
    %ne3A_592 = vector.broadcast %lt3A_591 : i1 to vector<16xi1>
    %ne3A_593 = vector.broadcast %ne3A_592 : vector<16xi1> to vector<16xi1>
    %ne3A_594 = arith.xori %lt3A_589, %ne3A_593 : vector<16xi1>
    %and3A_595 = arith.andi %ne3A_594, %ne3A_586 : vector<16xi1>
    %add3A_596 = vector.broadcast %select_n3A_581 : i32 to vector<16xi32>
    %add3A_597 = arith.addi %rem3A_583, %add3A_596 : vector<16xi32>
    %select_n3A_598 = arith.select %and3A_595, %add3A_597, %rem3A_583 : vector<16xi1>, vector<16xi32>
    %mul3A_599 = arith.constant 32 : i32
    %mul3A_600 = vector.broadcast %mul3A_599 : i32 to vector<16xi32>
    %mul3A_601 = arith.muli %mul3A_600, %select_n3A_598 : vector<16xi32>
    %add3A_602 = arith.constant 14 : i32
    %add3A_603 = vector.broadcast %add3A_602 : i32 to vector<16xi32>
    %add3A_604 = arith.addi %iota3A, %add3A_603 : vector<16xi32>
    %and3A_605 = arith.constant 15 : i32
    %and3A_606 = vector.broadcast %and3A_605 : i32 to vector<16xi32>
    %and3A_607 = arith.andi %add3A_604, %and3A_606 : vector<16xi32>
    %add3A_608 = arith.addi %mul3A_601, %and3A_607 : vector<16xi32>
    %jit3A_609 = arith.constant 4 : i32
    %eq3A_610 = arith.constant 0 : i32
    %eq3A_611 = arith.cmpi eq, %jit3A_609, %eq3A_610 : i32
    %jit3A_612 = arith.constant 1 : i32
    %select_n3A_613 = arith.select %eq3A_611, %jit3A_612, %jit3A_609 : i32
    %rem3A_614 = vector.broadcast %select_n3A_613 : i32 to vector<16xi32>
    %rem3A_615 = arith.remsi %iota3A, %rem3A_614 : vector<16xi32>
    %ne3A_616 = arith.constant 0 : i32
    %ne3A_617 = vector.broadcast %ne3A_616 : i32 to vector<16xi32>
    %ne3A_618 = arith.cmpi ne, %rem3A_615, %ne3A_617 : vector<16xi32>
    %lt3A_619 = arith.constant 0 : i32
    %lt3A_620 = vector.broadcast %lt3A_619 : i32 to vector<16xi32>
    %lt3A_621 = arith.cmpi slt, %rem3A_615, %lt3A_620 : vector<16xi32>
    %lt3A_622 = arith.constant 0 : i32
    %lt3A_623 = arith.cmpi slt, %select_n3A_613, %lt3A_622 : i32
    %ne3A_624 = vector.broadcast %lt3A_623 : i1 to vector<16xi1>
    %ne3A_625 = vector.broadcast %ne3A_624 : vector<16xi1> to vector<16xi1>
    %ne3A_626 = arith.xori %lt3A_621, %ne3A_625 : vector<16xi1>
    %and3A_627 = arith.andi %ne3A_626, %ne3A_618 : vector<16xi1>
    %add3A_628 = vector.broadcast %select_n3A_613 : i32 to vector<16xi32>
    %add3A_629 = arith.addi %rem3A_615, %add3A_628 : vector<16xi32>
    %select_n3A_630 = arith.select %and3A_627, %add3A_629, %rem3A_615 : vector<16xi1>, vector<16xi32>
    %mul3A_631 = arith.constant 32 : i32
    %mul3A_632 = vector.broadcast %mul3A_631 : i32 to vector<16xi32>
    %mul3A_633 = arith.muli %mul3A_632, %select_n3A_630 : vector<16xi32>
    %add3A_634 = arith.constant 15 : i32
    %add3A_635 = vector.broadcast %add3A_634 : i32 to vector<16xi32>
    %add3A_636 = arith.addi %iota3A, %add3A_635 : vector<16xi32>
    %and3A_637 = arith.constant 15 : i32
    %and3A_638 = vector.broadcast %and3A_637 : i32 to vector<16xi32>
    %and3A_639 = arith.andi %add3A_636, %and3A_638 : vector<16xi32>
    %add3A_640 = arith.addi %mul3A_633, %and3A_639 : vector<16xi32>
    %add3A_641 = arith.constant 0 : i32
    %add3A_642 = arith.addi %add3A_8, %add3A_641 : i32
    %mul3A_643 = arith.constant 512 : i32
    %mul3A_644 = arith.muli %add3A_642, %mul3A_643 : i32
    %multiple_of3A = tpu.assume_multiple %mul3A_644, 512 : i32
    %dma_start3A = arith.constant 0 : i32
    %dma_start3A_645 = tpu.memref_slice %arg2[%dma_start3A, %multiple_of3A] : memref<32x1000000xf32, #tpu.memory_space<hbm>> -> memref<32x512xf32, #tpu.memory_space<hbm>>
    %dma_start3A_646 = arith.constant 0 : i32
    %dma_start3A_647 = tpu.memref_slice %arg2[%dma_start3A_646, %multiple_of3A] : memref<32x1000000xf32, #tpu.memory_space<hbm>> -> memref<32x512xf32, #tpu.memory_space<hbm>>
    tpu.enqueue_dma source(%dma_start3A_647 : memref<32x512xf32, #tpu.memory_space<hbm>>) target(%arg5 : memref<32x512xf32, #tpu.memory_space<vmem>>) target_semaphore(%arg9 : memref<!tpu.dma_semaphore, #tpu.memory_space<semaphore_mem>>)
    %scan3A = arith.constant 0 : i32
    %scan3A_648 = arith.constant 0 : i32
    %scan3A_649 = arith.constant 31 : i32
    %scan3A_650 = arith.addi %scan3A_648, %scan3A_649 : i32
    %scan3A_651 = arith.constant 1 : i32
    scf.for %scan3A_667 = %scan3A_648 to %scan3A_650 step %scan3A_651  : i32 {
      %mul3A_668 = arith.constant 2 : i32
      %mul3A_669 = arith.muli %mul3A_668, %scan3A_667 : i32
      %add3A_670 = arith.constant 0 : i32
      %add3A_671 = arith.addi %mul3A_669, %add3A_670 : i32
      %lt3A_672 = arith.cmpi slt, %add3A_671, %add3A_4 : i32
      %convert_element_type3A_673 = arith.extui %lt3A_672 : i1 to i32
      %cond3A_674 = arith.constant 0 : i32
      %cond3A_675 = arith.cmpi ne, %convert_element_type3A_673, %cond3A_674 : i32
      scf.if %cond3A_675 {
        %add3A_684 = arith.constant 1 : i32
        %add3A_685 = arith.addi %add3A_671, %add3A_684 : i32
        %lt3A_686 = arith.cmpi slt, %add3A_685, %add3A_4 : i32
        %convert_element_type3A_687 = arith.extui %lt3A_686 : i1 to i32
        %cond3A_688 = arith.constant 0 : i32
        %cond3A_689 = arith.cmpi ne, %convert_element_type3A_687, %cond3A_688 : i32
        scf.if %cond3A_689 {
          %add3A_714 = arith.constant 1 : i32
          %add3A_715 = arith.addi %add3A_671, %add3A_714 : i32
          %add3A_716 = arith.addi %add3A_8, %add3A_715 : i32
          %mul3A_717 = arith.constant 512 : i32
          %mul3A_718 = arith.muli %add3A_716, %mul3A_717 : i32
          %multiple_of3A_719 = tpu.assume_multiple %mul3A_718, 512 : i32
          %dma_start3A_720 = arith.constant 0 : i32
          %dma_start3A_721 = tpu.memref_slice %arg2[%dma_start3A_720, %multiple_of3A_719] : memref<32x1000000xf32, #tpu.memory_space<hbm>> -> memref<32x512xf32, #tpu.memory_space<hbm>>
          %dma_start3A_722 = arith.constant 0 : i32
          %dma_start3A_723 = tpu.memref_slice %arg2[%dma_start3A_722, %multiple_of3A_719] : memref<32x1000000xf32, #tpu.memory_space<hbm>> -> memref<32x512xf32, #tpu.memory_space<hbm>>
          tpu.enqueue_dma source(%dma_start3A_723 : memref<32x512xf32, #tpu.memory_space<hbm>>) target(%arg6 : memref<32x512xf32, #tpu.memory_space<vmem>>) target_semaphore(%arg10 : memref<!tpu.dma_semaphore, #tpu.memory_space<semaphore_mem>>)
        } else {
        }
        %dma_wait3A_690 = arith.constant 0 : i32
        %dma_wait3A_691 = arith.constant 0 : i32
        %dma_wait3A_692 = tpu.memref_slice %arg2[%dma_wait3A_690, %dma_wait3A_691] : memref<32x1000000xf32, #tpu.memory_space<hbm>> -> memref<32x512xf32, #tpu.memory_space<hbm>>
        %dma_wait3A_693 = arith.constant 0 : i32
        %dma_wait3A_694 = arith.constant 0 : i32
        %dma_wait3A_695 = tpu.memref_slice %arg2[%dma_wait3A_693, %dma_wait3A_694] : memref<32x1000000xf32, #tpu.memory_space<hbm>> -> memref<32x512xf32, #tpu.memory_space<hbm>>
        tpu.wait_dma2 semaphore(%arg9 : memref<!tpu.dma_semaphore, #tpu.memory_space<semaphore_mem>>) src(%dma_wait3A_695 : memref<32x512xf32, #tpu.memory_space<hbm>>) dst(%arg5 : memref<32x512xf32, #tpu.memory_space<vmem>>)
        %ge3A = arith.constant 2 : i32
        %ge3A_696 = arith.cmpi sge, %add3A_671, %ge3A : i32
        %convert_element_type3A_697 = arith.extui %ge3A_696 : i1 to i32
        %cond3A_698 = arith.constant 0 : i32
        %cond3A_699 = arith.cmpi ne, %convert_element_type3A_697, %cond3A_698 : i32
        scf.if %cond3A_699 {
          %dma_wait3A_714 = arith.constant 0 : i32
          %dma_wait3A_715 = arith.constant 0 : i32
          %dma_wait3A_716 = tpu.memref_slice %arg4[%dma_wait3A_714, %dma_wait3A_715] : memref<250000x128xf32, #tpu.memory_space<hbm>> -> memref<128x128xf32, #tpu.memory_space<hbm>>
          %dma_wait3A_717 = arith.constant 0 : i32
          %dma_wait3A_718 = arith.constant 0 : i32
          %dma_wait3A_719 = tpu.memref_slice %arg4[%dma_wait3A_717, %dma_wait3A_718] : memref<250000x128xf32, #tpu.memory_space<hbm>> -> memref<128x128xf32, #tpu.memory_space<hbm>>
          tpu.wait_dma2 semaphore(%arg11 : memref<!tpu.dma_semaphore, #tpu.memory_space<semaphore_mem>>) src(%arg7 : memref<128x128xf32, #tpu.memory_space<vmem>>) dst(%dma_wait3A_719 : memref<128x128xf32, #tpu.memory_space<hbm>>)
        } else {
        }
        %scan3A_700 = arith.constant 0 : i32
        %scan3A_701 = arith.constant 0 : i32
        %scan3A_702 = arith.constant 32 : i32
        %scan3A_703 = arith.addi %scan3A_701, %scan3A_702 : i32
        %scan3A_704 = arith.constant 1 : i32
        scf.for %scan3A_714 = %scan3A_701 to %scan3A_703 step %scan3A_704  : i32 {
          %mul3A_715 = arith.constant 2 : i32
          %mul3A_716 = arith.muli %mul3A_715, %scan3A_714 : i32
          %add3A_717 = arith.constant 0 : i32
          %add3A_718 = arith.addi %mul3A_716, %add3A_717 : i32
          %jit3A_719 = arith.constant 16 : i32
          %div3A_720 = arith.divsi %add3A_718, %jit3A_719 : i32
          %sign3A_721 = arith.constant 0 : i32
          %sign3A_722 = arith.cmpi sgt, %add3A_718, %sign3A_721 : i32
          %sign3A_723 = arith.extui %sign3A_722 : i1 to i32
          %sign3A_724 = arith.constant 0 : i32
          %sign3A_725 = arith.cmpi slt, %add3A_718, %sign3A_724 : i32
          %sign3A_726 = arith.extui %sign3A_725 : i1 to i32
          %sign3A_727 = arith.subi %sign3A_723, %sign3A_726 : i32
          %sign3A_728 = arith.constant 0 : i32
          %sign3A_729 = arith.cmpi sgt, %jit3A_719, %sign3A_728 : i32
          %sign3A_730 = arith.extui %sign3A_729 : i1 to i32
          %sign3A_731 = arith.constant 0 : i32
          %sign3A_732 = arith.cmpi slt, %jit3A_719, %sign3A_731 : i32
          %sign3A_733 = arith.extui %sign3A_732 : i1 to i32
          %sign3A_734 = arith.subi %sign3A_730, %sign3A_733 : i32
          %ne3A_735 = arith.cmpi ne, %sign3A_727, %sign3A_734 : i32
          %rem3A_736 = arith.remsi %add3A_718, %jit3A_719 : i32
          %ne3A_737 = arith.constant 0 : i32
          %ne3A_738 = arith.cmpi ne, %rem3A_736, %ne3A_737 : i32
          %and3A_739 = arith.andi %ne3A_735, %ne3A_738 : i1
          %sub3A_740 = arith.constant 1 : i32
          %sub3A_741 = arith.subi %div3A_720, %sub3A_740 : i32
          %select_n3A_742 = arith.select %and3A_739, %sub3A_741, %div3A_720 : i32
          %jit3A_743 = arith.constant 8 : i32
          %div3A_744 = arith.divsi %add3A_718, %jit3A_743 : i32
          %sign3A_745 = arith.constant 0 : i32
          %sign3A_746 = arith.cmpi sgt, %add3A_718, %sign3A_745 : i32
          %sign3A_747 = arith.extui %sign3A_746 : i1 to i32
          %sign3A_748 = arith.constant 0 : i32
          %sign3A_749 = arith.cmpi slt, %add3A_718, %sign3A_748 : i32
          %sign3A_750 = arith.extui %sign3A_749 : i1 to i32
          %sign3A_751 = arith.subi %sign3A_747, %sign3A_750 : i32
          %sign3A_752 = arith.constant 0 : i32
          %sign3A_753 = arith.cmpi sgt, %jit3A_743, %sign3A_752 : i32
          %sign3A_754 = arith.extui %sign3A_753 : i1 to i32
          %sign3A_755 = arith.constant 0 : i32
          %sign3A_756 = arith.cmpi slt, %jit3A_743, %sign3A_755 : i32
          %sign3A_757 = arith.extui %sign3A_756 : i1 to i32
          %sign3A_758 = arith.subi %sign3A_754, %sign3A_757 : i32
          %ne3A_759 = arith.cmpi ne, %sign3A_751, %sign3A_758 : i32
          %rem3A_760 = arith.remsi %add3A_718, %jit3A_743 : i32
          %ne3A_761 = arith.constant 0 : i32
          %ne3A_762 = arith.cmpi ne, %rem3A_760, %ne3A_761 : i32
          %and3A_763 = arith.andi %ne3A_759, %ne3A_762 : i1
          %sub3A_764 = arith.constant 1 : i32
          %sub3A_765 = arith.subi %div3A_744, %sub3A_764 : i32
          %select_n3A_766 = arith.select %and3A_763, %sub3A_765, %div3A_744 : i32
          %jit3A_767 = arith.constant 2 : i32
          %eq3A_768 = arith.constant 0 : i32
          %eq3A_769 = arith.cmpi eq, %jit3A_767, %eq3A_768 : i32
          %jit3A_770 = arith.constant 1 : i32
          %select_n3A_771 = arith.select %eq3A_769, %jit3A_770, %jit3A_767 : i32
          %rem3A_772 = arith.remsi %select_n3A_766, %select_n3A_771 : i32
          %ne3A_773 = arith.constant 0 : i32
          %ne3A_774 = arith.cmpi ne, %rem3A_772, %ne3A_773 : i32
          %lt3A_775 = arith.constant 0 : i32
          %lt3A_776 = arith.cmpi slt, %rem3A_772, %lt3A_775 : i32
          %lt3A_777 = arith.constant 0 : i32
          %lt3A_778 = arith.cmpi slt, %select_n3A_771, %lt3A_777 : i32
          %ne3A_779 = arith.xori %lt3A_776, %lt3A_778 : i1
          %and3A_780 = arith.andi %ne3A_779, %ne3A_774 : i1
          %add3A_781 = arith.addi %rem3A_772, %select_n3A_771 : i32
          %select_n3A_782 = arith.select %and3A_780, %add3A_781, %rem3A_772 : i32
          %mul3A_783 = arith.constant 16 : i32
          %mul3A_784 = arith.muli %select_n3A_782, %mul3A_783 : i32
          %jit3A_785 = arith.constant 8 : i32
          %eq3A_786 = arith.constant 0 : i32
          %eq3A_787 = arith.cmpi eq, %jit3A_785, %eq3A_786 : i32
          %jit3A_788 = arith.constant 1 : i32
          %select_n3A_789 = arith.select %eq3A_787, %jit3A_788, %jit3A_785 : i32
          %rem3A_790 = arith.remsi %add3A_718, %select_n3A_789 : i32
          %ne3A_791 = arith.constant 0 : i32
          %ne3A_792 = arith.cmpi ne, %rem3A_790, %ne3A_791 : i32
          %lt3A_793 = arith.constant 0 : i32
          %lt3A_794 = arith.cmpi slt, %rem3A_790, %lt3A_793 : i32
          %lt3A_795 = arith.constant 0 : i32
          %lt3A_796 = arith.cmpi slt, %select_n3A_789, %lt3A_795 : i32
          %ne3A_797 = arith.xori %lt3A_794, %lt3A_796 : i1
          %and3A_798 = arith.andi %ne3A_797, %ne3A_792 : i1
          %add3A_799 = arith.addi %rem3A_790, %select_n3A_789 : i32
          %select_n3A_800 = arith.select %and3A_798, %add3A_799, %rem3A_790 : i32
          %mul3A_801 = arith.constant 16 : i32
          %mul3A_802 = arith.muli %select_n3A_800, %mul3A_801 : i32
          %add3A_803 = vector.broadcast %mul3A_784 : i32 to vector<16xi32>
          %add3A_804 = arith.addi %and3A_13, %add3A_803 : vector<16xi32>
          %mul3A_805 = arith.constant 128 : i32
          %mul3A_806 = arith.muli %select_n3A_742, %mul3A_805 : i32
          %add3A_807 = arith.addi %mul3A_806, %mul3A_802 : i32
          %add3A_808 = vector.broadcast %add3A_807 : i32 to vector<16xi32>
          %add3A_809 = arith.addi %iota3A, %add3A_808 : vector<16xi32>
          %gather3A = tpu.vector_load_idx %arg5[%add3A_804, %add3A_809] : memref<32x512xf32, #tpu.memory_space<vmem>>[vector<16xi32>, vector<16xi32>], vector<16xf32>,
          %add3A_810 = vector.broadcast %mul3A_784 : i32 to vector<16xi32>
          %add3A_811 = arith.addi %and3A_19, %add3A_810 : vector<16xi32>
          %mul3A_812 = arith.constant 128 : i32
          %mul3A_813 = arith.muli %select_n3A_742, %mul3A_812 : i32
          %add3A_814 = arith.addi %mul3A_813, %mul3A_802 : i32
          %add3A_815 = vector.broadcast %add3A_814 : i32 to vector<16xi32>
          %add3A_816 = arith.addi %iota3A, %add3A_815 : vector<16xi32>
          %gather3A_817 = tpu.vector_load_idx %arg5[%add3A_811, %add3A_816] : memref<32x512xf32, #tpu.memory_space<vmem>>[vector<16xi32>, vector<16xi32>], vector<16xf32>,
          %add3A_818 = vector.broadcast %mul3A_784 : i32 to vector<16xi32>
          %add3A_819 = arith.addi %and3A_25, %add3A_818 : vector<16xi32>
          %mul3A_820 = arith.constant 128 : i32
          %mul3A_821 = arith.muli %select_n3A_742, %mul3A_820 : i32
          %add3A_822 = arith.addi %mul3A_821, %mul3A_802 : i32
          %add3A_823 = vector.broadcast %add3A_822 : i32 to vector<16xi32>
          %add3A_824 = arith.addi %iota3A, %add3A_823 : vector<16xi32>
          %gather3A_825 = tpu.vector_load_idx %arg5[%add3A_819, %add3A_824] : memref<32x512xf32, #tpu.memory_space<vmem>>[vector<16xi32>, vector<16xi32>], vector<16xf32>,
          %add3A_826 = vector.broadcast %mul3A_784 : i32 to vector<16xi32>
          %add3A_827 = arith.addi %and3A_31, %add3A_826 : vector<16xi32>
          %mul3A_828 = arith.constant 128 : i32
          %mul3A_829 = arith.muli %select_n3A_742, %mul3A_828 : i32
          %add3A_830 = arith.addi %mul3A_829, %mul3A_802 : i32
          %add3A_831 = vector.broadcast %add3A_830 : i32 to vector<16xi32>
          %add3A_832 = arith.addi %iota3A, %add3A_831 : vector<16xi32>
          %gather3A_833 = tpu.vector_load_idx %arg5[%add3A_827, %add3A_832] : memref<32x512xf32, #tpu.memory_space<vmem>>[vector<16xi32>, vector<16xi32>], vector<16xf32>,
          %add3A_834 = vector.broadcast %mul3A_784 : i32 to vector<16xi32>
          %add3A_835 = arith.addi %and3A_37, %add3A_834 : vector<16xi32>
          %mul3A_836 = arith.constant 128 : i32
          %mul3A_837 = arith.muli %select_n3A_742, %mul3A_836 : i32
          %add3A_838 = arith.addi %mul3A_837, %mul3A_802 : i32
          %add3A_839 = vector.broadcast %add3A_838 : i32 to vector<16xi32>
          %add3A_840 = arith.addi %iota3A, %add3A_839 : vector<16xi32>
          %gather3A_841 = tpu.vector_load_idx %arg5[%add3A_835, %add3A_840] : memref<32x512xf32, #tpu.memory_space<vmem>>[vector<16xi32>, vector<16xi32>], vector<16xf32>,
          %add3A_842 = vector.broadcast %mul3A_784 : i32 to vector<16xi32>
          %add3A_843 = arith.addi %and3A_43, %add3A_842 : vector<16xi32>
          %mul3A_844 = arith.constant 128 : i32
          %mul3A_845 = arith.muli %select_n3A_742, %mul3A_844 : i32
          %add3A_846 = arith.addi %mul3A_845, %mul3A_802 : i32
          %add3A_847 = vector.broadcast %add3A_846 : i32 to vector<16xi32>
          %add3A_848 = arith.addi %iota3A, %add3A_847 : vector<16xi32>
          %gather3A_849 = tpu.vector_load_idx %arg5[%add3A_843, %add3A_848] : memref<32x512xf32, #tpu.memory_space<vmem>>[vector<16xi32>, vector<16xi32>], vector<16xf32>,
          %add3A_850 = vector.broadcast %mul3A_784 : i32 to vector<16xi32>
          %add3A_851 = arith.addi %and3A_49, %add3A_850 : vector<16xi32>
          %mul3A_852 = arith.constant 128 : i32
          %mul3A_853 = arith.muli %select_n3A_742, %mul3A_852 : i32
          %add3A_854 = arith.addi %mul3A_853, %mul3A_802 : i32
          %add3A_855 = vector.broadcast %add3A_854 : i32 to vector<16xi32>
          %add3A_856 = arith.addi %iota3A, %add3A_855 : vector<16xi32>
          %gather3A_857 = tpu.vector_load_idx %arg5[%add3A_851, %add3A_856] : memref<32x512xf32, #tpu.memory_space<vmem>>[vector<16xi32>, vector<16xi32>], vector<16xf32>,
          %add3A_858 = vector.broadcast %mul3A_784 : i32 to vector<16xi32>
          %add3A_859 = arith.addi %and3A_55, %add3A_858 : vector<16xi32>
          %mul3A_860 = arith.constant 128 : i32
          %mul3A_861 = arith.muli %select_n3A_742, %mul3A_860 : i32
          %add3A_862 = arith.addi %mul3A_861, %mul3A_802 : i32
          %add3A_863 = vector.broadcast %add3A_862 : i32 to vector<16xi32>
          %add3A_864 = arith.addi %iota3A, %add3A_863 : vector<16xi32>
          %gather3A_865 = tpu.vector_load_idx %arg5[%add3A_859, %add3A_864] : memref<32x512xf32, #tpu.memory_space<vmem>>[vector<16xi32>, vector<16xi32>], vector<16xf32>,
          %add3A_866 = vector.broadcast %mul3A_784 : i32 to vector<16xi32>
          %add3A_867 = arith.addi %and3A_61, %add3A_866 : vector<16xi32>
          %mul3A_868 = arith.constant 128 : i32
          %mul3A_869 = arith.muli %select_n3A_742, %mul3A_868 : i32
          %add3A_870 = arith.addi %mul3A_869, %mul3A_802 : i32
          %add3A_871 = vector.broadcast %add3A_870 : i32 to vector<16xi32>
          %add3A_872 = arith.addi %iota3A, %add3A_871 : vector<16xi32>
          %gather3A_873 = tpu.vector_load_idx %arg5[%add3A_867, %add3A_872] : memref<32x512xf32, #tpu.memory_space<vmem>>[vector<16xi32>, vector<16xi32>], vector<16xf32>,
          %add3A_874 = vector.broadcast %mul3A_784 : i32 to vector<16xi32>
          %add3A_875 = arith.addi %and3A_67, %add3A_874 : vector<16xi32>
          %mul3A_876 = arith.constant 128 : i32
          %mul3A_877 = arith.muli %select_n3A_742, %mul3A_876 : i32
          %add3A_878 = arith.addi %mul3A_877, %mul3A_802 : i32
          %add3A_879 = vector.broadcast %add3A_878 : i32 to vector<16xi32>
          %add3A_880 = arith.addi %iota3A, %add3A_879 : vector<16xi32>
          %gather3A_881 = tpu.vector_load_idx %arg5[%add3A_875, %add3A_880] : memref<32x512xf32, #tpu.memory_space<vmem>>[vector<16xi32>, vector<16xi32>], vector<16xf32>,
          %add3A_882 = vector.broadcast %mul3A_784 : i32 to vector<16xi32>
          %add3A_883 = arith.addi %and3A_73, %add3A_882 : vector<16xi32>
          %mul3A_884 = arith.constant 128 : i32
          %mul3A_885 = arith.muli %select_n3A_742, %mul3A_884 : i32
          %add3A_886 = arith.addi %mul3A_885, %mul3A_802 : i32
          %add3A_887 = vector.broadcast %add3A_886 : i32 to vector<16xi32>
          %add3A_888 = arith.addi %iota3A, %add3A_887 : vector<16xi32>
          %gather3A_889 = tpu.vector_load_idx %arg5[%add3A_883, %add3A_888] : memref<32x512xf32, #tpu.memory_space<vmem>>[vector<16xi32>, vector<16xi32>], vector<16xf32>,
          %add3A_890 = vector.broadcast %mul3A_784 : i32 to vector<16xi32>
          %add3A_891 = arith.addi %and3A_79, %add3A_890 : vector<16xi32>
          %mul3A_892 = arith.constant 128 : i32
          %mul3A_893 = arith.muli %select_n3A_742, %mul3A_892 : i32
          %add3A_894 = arith.addi %mul3A_893, %mul3A_802 : i32
          %add3A_895 = vector.broadcast %add3A_894 : i32 to vector<16xi32>
          %add3A_896 = arith.addi %iota3A, %add3A_895 : vector<16xi32>
          %gather3A_897 = tpu.vector_load_idx %arg5[%add3A_891, %add3A_896] : memref<32x512xf32, #tpu.memory_space<vmem>>[vector<16xi32>, vector<16xi32>], vector<16xf32>,
          %add3A_898 = vector.broadcast %mul3A_784 : i32 to vector<16xi32>
          %add3A_899 = arith.addi %and3A_85, %add3A_898 : vector<16xi32>
          %mul3A_900 = arith.constant 128 : i32
          %mul3A_901 = arith.muli %select_n3A_742, %mul3A_900 : i32
          %add3A_902 = arith.addi %mul3A_901, %mul3A_802 : i32
          %add3A_903 = vector.broadcast %add3A_902 : i32 to vector<16xi32>
          %add3A_904 = arith.addi %iota3A, %add3A_903 : vector<16xi32>
          %gather3A_905 = tpu.vector_load_idx %arg5[%add3A_899, %add3A_904] : memref<32x512xf32, #tpu.memory_space<vmem>>[vector<16xi32>, vector<16xi32>], vector<16xf32>,
          %add3A_906 = vector.broadcast %mul3A_784 : i32 to vector<16xi32>
          %add3A_907 = arith.addi %and3A_91, %add3A_906 : vector<16xi32>
          %mul3A_908 = arith.constant 128 : i32
          %mul3A_909 = arith.muli %select_n3A_742, %mul3A_908 : i32
          %add3A_910 = arith.addi %mul3A_909, %mul3A_802 : i32
          %add3A_911 = vector.broadcast %add3A_910 : i32 to vector<16xi32>
          %add3A_912 = arith.addi %iota3A, %add3A_911 : vector<16xi32>
          %gather3A_913 = tpu.vector_load_idx %arg5[%add3A_907, %add3A_912] : memref<32x512xf32, #tpu.memory_space<vmem>>[vector<16xi32>, vector<16xi32>], vector<16xf32>,
          %add3A_914 = vector.broadcast %mul3A_784 : i32 to vector<16xi32>
          %add3A_915 = arith.addi %and3A_97, %add3A_914 : vector<16xi32>
          %mul3A_916 = arith.constant 128 : i32
          %mul3A_917 = arith.muli %select_n3A_742, %mul3A_916 : i32
          %add3A_918 = arith.addi %mul3A_917, %mul3A_802 : i32
          %add3A_919 = vector.broadcast %add3A_918 : i32 to vector<16xi32>
          %add3A_920 = arith.addi %iota3A, %add3A_919 : vector<16xi32>
          %gather3A_921 = tpu.vector_load_idx %arg5[%add3A_915, %add3A_920] : memref<32x512xf32, #tpu.memory_space<vmem>>[vector<16xi32>, vector<16xi32>], vector<16xf32>,
          %add3A_922 = vector.broadcast %mul3A_784 : i32 to vector<16xi32>
          %add3A_923 = arith.addi %and3A_103, %add3A_922 : vector<16xi32>
          %mul3A_924 = arith.constant 128 : i32
          %mul3A_925 = arith.muli %select_n3A_742, %mul3A_924 : i32
          %add3A_926 = arith.addi %mul3A_925, %mul3A_802 : i32
          %add3A_927 = vector.broadcast %add3A_926 : i32 to vector<16xi32>
          %add3A_928 = arith.addi %iota3A, %add3A_927 : vector<16xi32>
          %gather3A_929 = tpu.vector_load_idx %arg5[%add3A_923, %add3A_928] : memref<32x512xf32, #tpu.memory_space<vmem>>[vector<16xi32>, vector<16xi32>], vector<16xf32>,
          %mul3A_930 = arith.constant 32 : i32
          %mul3A_931 = arith.muli %select_n3A_742, %mul3A_930 : i32
          %jit3A_932 = arith.constant 4 : i32
          %div3A_933 = arith.divsi %mul3A_802, %jit3A_932 : i32
          %sign3A_934 = arith.constant 0 : i32
          %sign3A_935 = arith.cmpi sgt, %mul3A_802, %sign3A_934 : i32
          %sign3A_936 = arith.extui %sign3A_935 : i1 to i32
          %sign3A_937 = arith.constant 0 : i32
          %sign3A_938 = arith.cmpi slt, %mul3A_802, %sign3A_937 : i32
          %sign3A_939 = arith.extui %sign3A_938 : i1 to i32
          %sign3A_940 = arith.subi %sign3A_936, %sign3A_939 : i32
          %sign3A_941 = arith.constant 0 : i32
          %sign3A_942 = arith.cmpi sgt, %jit3A_932, %sign3A_941 : i32
          %sign3A_943 = arith.extui %sign3A_942 : i1 to i32
          %sign3A_944 = arith.constant 0 : i32
          %sign3A_945 = arith.cmpi slt, %jit3A_932, %sign3A_944 : i32
          %sign3A_946 = arith.extui %sign3A_945 : i1 to i32
          %sign3A_947 = arith.subi %sign3A_943, %sign3A_946 : i32
          %ne3A_948 = arith.cmpi ne, %sign3A_940, %sign3A_947 : i32
          %rem3A_949 = arith.remsi %mul3A_802, %jit3A_932 : i32
          %ne3A_950 = arith.constant 0 : i32
          %ne3A_951 = arith.cmpi ne, %rem3A_949, %ne3A_950 : i32
          %and3A_952 = arith.andi %ne3A_948, %ne3A_951 : i1
          %sub3A_953 = arith.constant 1 : i32
          %sub3A_954 = arith.subi %div3A_933, %sub3A_953 : i32
          %select_n3A_955 = arith.select %and3A_952, %sub3A_954, %div3A_933 : i32
          %add3A_956 = arith.addi %mul3A_931, %select_n3A_955 : i32
          %add3A_957 = vector.broadcast %add3A_956 : i32 to vector<16xi32>
          %add3A_958 = arith.addi %select_n3A_129, %add3A_957 : vector<16xi32>
          %add3A_959 = vector.broadcast %mul3A_784 : i32 to vector<16xi32>
          %add3A_960 = arith.addi %add3A_160, %add3A_959 : vector<16xi32>
          tpu.vector_store_idx %arg7[%add3A_958, %add3A_960], %gather3A : memref<128x128xf32, #tpu.memory_space<vmem>>[vector<16xi32>, vector<16xi32>], vector<16xf32>,
          %mul3A_961 = arith.constant 32 : i32
          %mul3A_962 = arith.muli %select_n3A_742, %mul3A_961 : i32
          %jit3A_963 = arith.constant 4 : i32
          %div3A_964 = arith.divsi %mul3A_802, %jit3A_963 : i32
          %sign3A_965 = arith.constant 0 : i32
          %sign3A_966 = arith.cmpi sgt, %mul3A_802, %sign3A_965 : i32
          %sign3A_967 = arith.extui %sign3A_966 : i1 to i32
          %sign3A_968 = arith.constant 0 : i32
          %sign3A_969 = arith.cmpi slt, %mul3A_802, %sign3A_968 : i32
          %sign3A_970 = arith.extui %sign3A_969 : i1 to i32
          %sign3A_971 = arith.subi %sign3A_967, %sign3A_970 : i32
          %sign3A_972 = arith.constant 0 : i32
          %sign3A_973 = arith.cmpi sgt, %jit3A_963, %sign3A_972 : i32
          %sign3A_974 = arith.extui %sign3A_973 : i1 to i32
          %sign3A_975 = arith.constant 0 : i32
          %sign3A_976 = arith.cmpi slt, %jit3A_963, %sign3A_975 : i32
          %sign3A_977 = arith.extui %sign3A_976 : i1 to i32
          %sign3A_978 = arith.subi %sign3A_974, %sign3A_977 : i32
          %ne3A_979 = arith.cmpi ne, %sign3A_971, %sign3A_978 : i32
          %rem3A_980 = arith.remsi %mul3A_802, %jit3A_963 : i32
          %ne3A_981 = arith.constant 0 : i32
          %ne3A_982 = arith.cmpi ne, %rem3A_980, %ne3A_981 : i32
          %and3A_983 = arith.andi %ne3A_979, %ne3A_982 : i1
          %sub3A_984 = arith.constant 1 : i32
          %sub3A_985 = arith.subi %div3A_964, %sub3A_984 : i32
          %select_n3A_986 = arith.select %and3A_983, %sub3A_985, %div3A_964 : i32
          %add3A_987 = arith.addi %mul3A_962, %select_n3A_986 : i32
          %add3A_988 = vector.broadcast %add3A_987 : i32 to vector<16xi32>
          %add3A_989 = arith.addi %select_n3A_129, %add3A_988 : vector<16xi32>
          %add3A_990 = vector.broadcast %mul3A_784 : i32 to vector<16xi32>
          %add3A_991 = arith.addi %add3A_192, %add3A_990 : vector<16xi32>
          tpu.vector_store_idx %arg7[%add3A_989, %add3A_991], %gather3A_817 : memref<128x128xf32, #tpu.memory_space<vmem>>[vector<16xi32>, vector<16xi32>], vector<16xf32>,
          %mul3A_992 = arith.constant 32 : i32
          %mul3A_993 = arith.muli %select_n3A_742, %mul3A_992 : i32
          %jit3A_994 = arith.constant 4 : i32
          %div3A_995 = arith.divsi %mul3A_802, %jit3A_994 : i32
          %sign3A_996 = arith.constant 0 : i32
          %sign3A_997 = arith.cmpi sgt, %mul3A_802, %sign3A_996 : i32
          %sign3A_998 = arith.extui %sign3A_997 : i1 to i32
          %sign3A_999 = arith.constant 0 : i32
          %sign3A_1000 = arith.cmpi slt, %mul3A_802, %sign3A_999 : i32
          %sign3A_1001 = arith.extui %sign3A_1000 : i1 to i32
          %sign3A_1002 = arith.subi %sign3A_998, %sign3A_1001 : i32
          %sign3A_1003 = arith.constant 0 : i32
          %sign3A_1004 = arith.cmpi sgt, %jit3A_994, %sign3A_1003 : i32
          %sign3A_1005 = arith.extui %sign3A_1004 : i1 to i32
          %sign3A_1006 = arith.constant 0 : i32
          %sign3A_1007 = arith.cmpi slt, %jit3A_994, %sign3A_1006 : i32
          %sign3A_1008 = arith.extui %sign3A_1007 : i1 to i32
          %sign3A_1009 = arith.subi %sign3A_1005, %sign3A_1008 : i32
          %ne3A_1010 = arith.cmpi ne, %sign3A_1002, %sign3A_1009 : i32
          %rem3A_1011 = arith.remsi %mul3A_802, %jit3A_994 : i32
          %ne3A_1012 = arith.constant 0 : i32
          %ne3A_1013 = arith.cmpi ne, %rem3A_1011, %ne3A_1012 : i32
          %and3A_1014 = arith.andi %ne3A_1010, %ne3A_1013 : i1
          %sub3A_1015 = arith.constant 1 : i32
          %sub3A_1016 = arith.subi %div3A_995, %sub3A_1015 : i32
          %select_n3A_1017 = arith.select %and3A_1014, %sub3A_1016, %div3A_995 : i32
          %add3A_1018 = arith.addi %mul3A_993, %select_n3A_1017 : i32
          %add3A_1019 = vector.broadcast %add3A_1018 : i32 to vector<16xi32>
          %add3A_1020 = arith.addi %select_n3A_129, %add3A_1019 : vector<16xi32>
          %add3A_1021 = vector.broadcast %mul3A_784 : i32 to vector<16xi32>
          %add3A_1022 = arith.addi %add3A_224, %add3A_1021 : vector<16xi32>
          tpu.vector_store_idx %arg7[%add3A_1020, %add3A_1022], %gather3A_825 : memref<128x128xf32, #tpu.memory_space<vmem>>[vector<16xi32>, vector<16xi32>], vector<16xf32>,
          %mul3A_1023 = arith.constant 32 : i32
          %mul3A_1024 = arith.muli %select_n3A_742, %mul3A_1023 : i32
          %jit3A_1025 = arith.constant 4 : i32
          %div3A_1026 = arith.divsi %mul3A_802, %jit3A_1025 : i32
          %sign3A_1027 = arith.constant 0 : i32
          %sign3A_1028 = arith.cmpi sgt, %mul3A_802, %sign3A_1027 : i32
          %sign3A_1029 = arith.extui %sign3A_1028 : i1 to i32
          %sign3A_1030 = arith.constant 0 : i32
          %sign3A_1031 = arith.cmpi slt, %mul3A_802, %sign3A_1030 : i32
          %sign3A_1032 = arith.extui %sign3A_1031 : i1 to i32
          %sign3A_1033 = arith.subi %sign3A_1029, %sign3A_1032 : i32
          %sign3A_1034 = arith.constant 0 : i32
          %sign3A_1035 = arith.cmpi sgt, %jit3A_1025, %sign3A_1034 : i32
          %sign3A_1036 = arith.extui %sign3A_1035 : i1 to i32
          %sign3A_1037 = arith.constant 0 : i32
          %sign3A_1038 = arith.cmpi slt, %jit3A_1025, %sign3A_1037 : i32
          %sign3A_1039 = arith.extui %sign3A_1038 : i1 to i32
          %sign3A_1040 = arith.subi %sign3A_1036, %sign3A_1039 : i32
          %ne3A_1041 = arith.cmpi ne, %sign3A_1033, %sign3A_1040 : i32
          %rem3A_1042 = arith.remsi %mul3A_802, %jit3A_1025 : i32
          %ne3A_1043 = arith.constant 0 : i32
          %ne3A_1044 = arith.cmpi ne, %rem3A_1042, %ne3A_1043 : i32
          %and3A_1045 = arith.andi %ne3A_1041, %ne3A_1044 : i1
          %sub3A_1046 = arith.constant 1 : i32
          %sub3A_1047 = arith.subi %div3A_1026, %sub3A_1046 : i32
          %select_n3A_1048 = arith.select %and3A_1045, %sub3A_1047, %div3A_1026 : i32
          %add3A_1049 = arith.addi %mul3A_1024, %select_n3A_1048 : i32
          %add3A_1050 = vector.broadcast %add3A_1049 : i32 to vector<16xi32>
          %add3A_1051 = arith.addi %select_n3A_129, %add3A_1050 : vector<16xi32>
          %add3A_1052 = vector.broadcast %mul3A_784 : i32 to vector<16xi32>
          %add3A_1053 = arith.addi %add3A_256, %add3A_1052 : vector<16xi32>
          tpu.vector_store_idx %arg7[%add3A_1051, %add3A_1053], %gather3A_833 : memref<128x128xf32, #tpu.memory_space<vmem>>[vector<16xi32>, vector<16xi32>], vector<16xf32>,
          %mul3A_1054 = arith.constant 32 : i32
          %mul3A_1055 = arith.muli %select_n3A_742, %mul3A_1054 : i32
          %jit3A_1056 = arith.constant 4 : i32
          %div3A_1057 = arith.divsi %mul3A_802, %jit3A_1056 : i32
          %sign3A_1058 = arith.constant 0 : i32
          %sign3A_1059 = arith.cmpi sgt, %mul3A_802, %sign3A_1058 : i32
          %sign3A_1060 = arith.extui %sign3A_1059 : i1 to i32
          %sign3A_1061 = arith.constant 0 : i32
          %sign3A_1062 = arith.cmpi slt, %mul3A_802, %sign3A_1061 : i32
          %sign3A_1063 = arith.extui %sign3A_1062 : i1 to i32
          %sign3A_1064 = arith.subi %sign3A_1060, %sign3A_1063 : i32
          %sign3A_1065 = arith.constant 0 : i32
          %sign3A_1066 = arith.cmpi sgt, %jit3A_1056, %sign3A_1065 : i32
          %sign3A_1067 = arith.extui %sign3A_1066 : i1 to i32
          %sign3A_1068 = arith.constant 0 : i32
          %sign3A_1069 = arith.cmpi slt, %jit3A_1056, %sign3A_1068 : i32
          %sign3A_1070 = arith.extui %sign3A_1069 : i1 to i32
          %sign3A_1071 = arith.subi %sign3A_1067, %sign3A_1070 : i32
          %ne3A_1072 = arith.cmpi ne, %sign3A_1064, %sign3A_1071 : i32
          %rem3A_1073 = arith.remsi %mul3A_802, %jit3A_1056 : i32
          %ne3A_1074 = arith.constant 0 : i32
          %ne3A_1075 = arith.cmpi ne, %rem3A_1073, %ne3A_1074 : i32
          %and3A_1076 = arith.andi %ne3A_1072, %ne3A_1075 : i1
          %sub3A_1077 = arith.constant 1 : i32
          %sub3A_1078 = arith.subi %div3A_1057, %sub3A_1077 : i32
          %select_n3A_1079 = arith.select %and3A_1076, %sub3A_1078, %div3A_1057 : i32
          %add3A_1080 = arith.addi %mul3A_1055, %select_n3A_1079 : i32
          %add3A_1081 = vector.broadcast %add3A_1080 : i32 to vector<16xi32>
          %add3A_1082 = arith.addi %select_n3A_129, %add3A_1081 : vector<16xi32>
          %add3A_1083 = vector.broadcast %mul3A_784 : i32 to vector<16xi32>
          %add3A_1084 = arith.addi %add3A_288, %add3A_1083 : vector<16xi32>
          tpu.vector_store_idx %arg7[%add3A_1082, %add3A_1084], %gather3A_841 : memref<128x128xf32, #tpu.memory_space<vmem>>[vector<16xi32>, vector<16xi32>], vector<16xf32>,
          %mul3A_1085 = arith.constant 32 : i32
          %mul3A_1086 = arith.muli %select_n3A_742, %mul3A_1085 : i32
          %jit3A_1087 = arith.constant 4 : i32
          %div3A_1088 = arith.divsi %mul3A_802, %jit3A_1087 : i32
          %sign3A_1089 = arith.constant 0 : i32
          %sign3A_1090 = arith.cmpi sgt, %mul3A_802, %sign3A_1089 : i32
          %sign3A_1091 = arith.extui %sign3A_1090 : i1 to i32
          %sign3A_1092 = arith.constant 0 : i32
          %sign3A_1093 = arith.cmpi slt, %mul3A_802, %sign3A_1092 : i32
          %sign3A_1094 = arith.extui %sign3A_1093 : i1 to i32
          %sign3A_1095 = arith.subi %sign3A_1091, %sign3A_1094 : i32
          %sign3A_1096 = arith.constant 0 : i32
          %sign3A_1097 = arith.cmpi sgt, %jit3A_1087, %sign3A_1096 : i32
          %sign3A_1098 = arith.extui %sign3A_1097 : i1 to i32
          %sign3A_1099 = arith.constant 0 : i32
          %sign3A_1100 = arith.cmpi slt, %jit3A_1087, %sign3A_1099 : i32
          %sign3A_1101 = arith.extui %sign3A_1100 : i1 to i32
          %sign3A_1102 = arith.subi %sign3A_1098, %sign3A_1101 : i32
          %ne3A_1103 = arith.cmpi ne, %sign3A_1095, %sign3A_1102 : i32
          %rem3A_1104 = arith.remsi %mul3A_802, %jit3A_1087 : i32
          %ne3A_1105 = arith.constant 0 : i32
          %ne3A_1106 = arith.cmpi ne, %rem3A_1104, %ne3A_1105 : i32
          %and3A_1107 = arith.andi %ne3A_1103, %ne3A_1106 : i1
          %sub3A_1108 = arith.constant 1 : i32
          %sub3A_1109 = arith.subi %div3A_1088, %sub3A_1108 : i32
          %select_n3A_1110 = arith.select %and3A_1107, %sub3A_1109, %div3A_1088 : i32
          %add3A_1111 = arith.addi %mul3A_1086, %select_n3A_1110 : i32
          %add3A_1112 = vector.broadcast %add3A_1111 : i32 to vector<16xi32>
          %add3A_1113 = arith.addi %select_n3A_129, %add3A_1112 : vector<16xi32>
          %add3A_1114 = vector.broadcast %mul3A_784 : i32 to vector<16xi32>
          %add3A_1115 = arith.addi %add3A_320, %add3A_1114 : vector<16xi32>
          tpu.vector_store_idx %arg7[%add3A_1113, %add3A_1115], %gather3A_849 : memref<128x128xf32, #tpu.memory_space<vmem>>[vector<16xi32>, vector<16xi32>], vector<16xf32>,
          %mul3A_1116 = arith.constant 32 : i32
          %mul3A_1117 = arith.muli %select_n3A_742, %mul3A_1116 : i32
          %jit3A_1118 = arith.constant 4 : i32
          %div3A_1119 = arith.divsi %mul3A_802, %jit3A_1118 : i32
          %sign3A_1120 = arith.constant 0 : i32
          %sign3A_1121 = arith.cmpi sgt, %mul3A_802, %sign3A_1120 : i32
          %sign3A_1122 = arith.extui %sign3A_1121 : i1 to i32
          %sign3A_1123 = arith.constant 0 : i32
          %sign3A_1124 = arith.cmpi slt, %mul3A_802, %sign3A_1123 : i32
          %sign3A_1125 = arith.extui %sign3A_1124 : i1 to i32
          %sign3A_1126 = arith.subi %sign3A_1122, %sign3A_1125 : i32
          %sign3A_1127 = arith.constant 0 : i32
          %sign3A_1128 = arith.cmpi sgt, %jit3A_1118, %sign3A_1127 : i32
          %sign3A_1129 = arith.extui %sign3A_1128 : i1 to i32
          %sign3A_1130 = arith.constant 0 : i32
          %sign3A_1131 = arith.cmpi slt, %jit3A_1118, %sign3A_1130 : i32
          %sign3A_1132 = arith.extui %sign3A_1131 : i1 to i32
          %sign3A_1133 = arith.subi %sign3A_1129, %sign3A_1132 : i32
          %ne3A_1134 = arith.cmpi ne, %sign3A_1126, %sign3A_1133 : i32
          %rem3A_1135 = arith.remsi %mul3A_802, %jit3A_1118 : i32
          %ne3A_1136 = arith.constant 0 : i32
          %ne3A_1137 = arith.cmpi ne, %rem3A_1135, %ne3A_1136 : i32
          %and3A_1138 = arith.andi %ne3A_1134, %ne3A_1137 : i1
          %sub3A_1139 = arith.constant 1 : i32
          %sub3A_1140 = arith.subi %div3A_1119, %sub3A_1139 : i32
          %select_n3A_1141 = arith.select %and3A_1138, %sub3A_1140, %div3A_1119 : i32
          %add3A_1142 = arith.addi %mul3A_1117, %select_n3A_1141 : i32
          %add3A_1143 = vector.broadcast %add3A_1142 : i32 to vector<16xi32>
          %add3A_1144 = arith.addi %select_n3A_129, %add3A_1143 : vector<16xi32>
          %add3A_1145 = vector.broadcast %mul3A_784 : i32 to vector<16xi32>
          %add3A_1146 = arith.addi %add3A_352, %add3A_1145 : vector<16xi32>
          tpu.vector_store_idx %arg7[%add3A_1144, %add3A_1146], %gather3A_857 : memref<128x128xf32, #tpu.memory_space<vmem>>[vector<16xi32>, vector<16xi32>], vector<16xf32>,
          %mul3A_1147 = arith.constant 32 : i32
          %mul3A_1148 = arith.muli %select_n3A_742, %mul3A_1147 : i32
          %jit3A_1149 = arith.constant 4 : i32
          %div3A_1150 = arith.divsi %mul3A_802, %jit3A_1149 : i32
          %sign3A_1151 = arith.constant 0 : i32
          %sign3A_1152 = arith.cmpi sgt, %mul3A_802, %sign3A_1151 : i32
          %sign3A_1153 = arith.extui %sign3A_1152 : i1 to i32
          %sign3A_1154 = arith.constant 0 : i32
          %sign3A_1155 = arith.cmpi slt, %mul3A_802, %sign3A_1154 : i32
          %sign3A_1156 = arith.extui %sign3A_1155 : i1 to i32
          %sign3A_1157 = arith.subi %sign3A_1153, %sign3A_1156 : i32
          %sign3A_1158 = arith.constant 0 : i32
          %sign3A_1159 = arith.cmpi sgt, %jit3A_1149, %sign3A_1158 : i32
          %sign3A_1160 = arith.extui %sign3A_1159 : i1 to i32
          %sign3A_1161 = arith.constant 0 : i32
          %sign3A_1162 = arith.cmpi slt, %jit3A_1149, %sign3A_1161 : i32
          %sign3A_1163 = arith.extui %sign3A_1162 : i1 to i32
          %sign3A_1164 = arith.subi %sign3A_1160, %sign3A_1163 : i32
          %ne3A_1165 = arith.cmpi ne, %sign3A_1157, %sign3A_1164 : i32
          %rem3A_1166 = arith.remsi %mul3A_802, %jit3A_1149 : i32
          %ne3A_1167 = arith.constant 0 : i32
          %ne3A_1168 = arith.cmpi ne, %rem3A_1166, %ne3A_1167 : i32
          %and3A_1169 = arith.andi %ne3A_1165, %ne3A_1168 : i1
          %sub3A_1170 = arith.constant 1 : i32
          %sub3A_1171 = arith.subi %div3A_1150, %sub3A_1170 : i32
          %select_n3A_1172 = arith.select %and3A_1169, %sub3A_1171, %div3A_1150 : i32
          %add3A_1173 = arith.addi %mul3A_1148, %select_n3A_1172 : i32
          %add3A_1174 = vector.broadcast %add3A_1173 : i32 to vector<16xi32>
          %add3A_1175 = arith.addi %select_n3A_129, %add3A_1174 : vector<16xi32>
          %add3A_1176 = vector.broadcast %mul3A_784 : i32 to vector<16xi32>
          %add3A_1177 = arith.addi %add3A_384, %add3A_1176 : vector<16xi32>
          tpu.vector_store_idx %arg7[%add3A_1175, %add3A_1177], %gather3A_865 : memref<128x128xf32, #tpu.memory_space<vmem>>[vector<16xi32>, vector<16xi32>], vector<16xf32>,
          %mul3A_1178 = arith.constant 32 : i32
          %mul3A_1179 = arith.muli %select_n3A_742, %mul3A_1178 : i32
          %jit3A_1180 = arith.constant 4 : i32
          %div3A_1181 = arith.divsi %mul3A_802, %jit3A_1180 : i32
          %sign3A_1182 = arith.constant 0 : i32
          %sign3A_1183 = arith.cmpi sgt, %mul3A_802, %sign3A_1182 : i32
          %sign3A_1184 = arith.extui %sign3A_1183 : i1 to i32
          %sign3A_1185 = arith.constant 0 : i32
          %sign3A_1186 = arith.cmpi slt, %mul3A_802, %sign3A_1185 : i32
          %sign3A_1187 = arith.extui %sign3A_1186 : i1 to i32
          %sign3A_1188 = arith.subi %sign3A_1184, %sign3A_1187 : i32
          %sign3A_1189 = arith.constant 0 : i32
          %sign3A_1190 = arith.cmpi sgt, %jit3A_1180, %sign3A_1189 : i32
          %sign3A_1191 = arith.extui %sign3A_1190 : i1 to i32
          %sign3A_1192 = arith.constant 0 : i32
          %sign3A_1193 = arith.cmpi slt, %jit3A_1180, %sign3A_1192 : i32
          %sign3A_1194 = arith.extui %sign3A_1193 : i1 to i32
          %sign3A_1195 = arith.subi %sign3A_1191, %sign3A_1194 : i32
          %ne3A_1196 = arith.cmpi ne, %sign3A_1188, %sign3A_1195 : i32
          %rem3A_1197 = arith.remsi %mul3A_802, %jit3A_1180 : i32
          %ne3A_1198 = arith.constant 0 : i32
          %ne3A_1199 = arith.cmpi ne, %rem3A_1197, %ne3A_1198 : i32
          %and3A_1200 = arith.andi %ne3A_1196, %ne3A_1199 : i1
          %sub3A_1201 = arith.constant 1 : i32
          %sub3A_1202 = arith.subi %div3A_1181, %sub3A_1201 : i32
          %select_n3A_1203 = arith.select %and3A_1200, %sub3A_1202, %div3A_1181 : i32
          %add3A_1204 = arith.addi %mul3A_1179, %select_n3A_1203 : i32
          %add3A_1205 = vector.broadcast %add3A_1204 : i32 to vector<16xi32>
          %add3A_1206 = arith.addi %select_n3A_129, %add3A_1205 : vector<16xi32>
          %add3A_1207 = vector.broadcast %mul3A_784 : i32 to vector<16xi32>
          %add3A_1208 = arith.addi %add3A_416, %add3A_1207 : vector<16xi32>
          tpu.vector_store_idx %arg7[%add3A_1206, %add3A_1208], %gather3A_873 : memref<128x128xf32, #tpu.memory_space<vmem>>[vector<16xi32>, vector<16xi32>], vector<16xf32>,
          %mul3A_1209 = arith.constant 32 : i32
          %mul3A_1210 = arith.muli %select_n3A_742, %mul3A_1209 : i32
          %jit3A_1211 = arith.constant 4 : i32
          %div3A_1212 = arith.divsi %mul3A_802, %jit3A_1211 : i32
          %sign3A_1213 = arith.constant 0 : i32
          %sign3A_1214 = arith.cmpi sgt, %mul3A_802, %sign3A_1213 : i32
          %sign3A_1215 = arith.extui %sign3A_1214 : i1 to i32
          %sign3A_1216 = arith.constant 0 : i32
          %sign3A_1217 = arith.cmpi slt, %mul3A_802, %sign3A_1216 : i32
          %sign3A_1218 = arith.extui %sign3A_1217 : i1 to i32
          %sign3A_1219 = arith.subi %sign3A_1215, %sign3A_1218 : i32
          %sign3A_1220 = arith.constant 0 : i32
          %sign3A_1221 = arith.cmpi sgt, %jit3A_1211, %sign3A_1220 : i32
          %sign3A_1222 = arith.extui %sign3A_1221 : i1 to i32
          %sign3A_1223 = arith.constant 0 : i32
          %sign3A_1224 = arith.cmpi slt, %jit3A_1211, %sign3A_1223 : i32
          %sign3A_1225 = arith.extui %sign3A_1224 : i1 to i32
          %sign3A_1226 = arith.subi %sign3A_1222, %sign3A_1225 : i32
          %ne3A_1227 = arith.cmpi ne, %sign3A_1219, %sign3A_1226 : i32
          %rem3A_1228 = arith.remsi %mul3A_802, %jit3A_1211 : i32
          %ne3A_1229 = arith.constant 0 : i32
          %ne3A_1230 = arith.cmpi ne, %rem3A_1228, %ne3A_1229 : i32
          %and3A_1231 = arith.andi %ne3A_1227, %ne3A_1230 : i1
          %sub3A_1232 = arith.constant 1 : i32
          %sub3A_1233 = arith.subi %div3A_1212, %sub3A_1232 : i32
          %select_n3A_1234 = arith.select %and3A_1231, %sub3A_1233, %div3A_1212 : i32
          %add3A_1235 = arith.addi %mul3A_1210, %select_n3A_1234 : i32
          %add3A_1236 = vector.broadcast %add3A_1235 : i32 to vector<16xi32>
          %add3A_1237 = arith.addi %select_n3A_129, %add3A_1236 : vector<16xi32>
          %add3A_1238 = vector.broadcast %mul3A_784 : i32 to vector<16xi32>
          %add3A_1239 = arith.addi %add3A_448, %add3A_1238 : vector<16xi32>
          tpu.vector_store_idx %arg7[%add3A_1237, %add3A_1239], %gather3A_881 : memref<128x128xf32, #tpu.memory_space<vmem>>[vector<16xi32>, vector<16xi32>], vector<16xf32>,
          %mul3A_1240 = arith.constant 32 : i32
          %mul3A_1241 = arith.muli %select_n3A_742, %mul3A_1240 : i32
          %jit3A_1242 = arith.constant 4 : i32
          %div3A_1243 = arith.divsi %mul3A_802, %jit3A_1242 : i32
          %sign3A_1244 = arith.constant 0 : i32
          %sign3A_1245 = arith.cmpi sgt, %mul3A_802, %sign3A_1244 : i32
          %sign3A_1246 = arith.extui %sign3A_1245 : i1 to i32
          %sign3A_1247 = arith.constant 0 : i32
          %sign3A_1248 = arith.cmpi slt, %mul3A_802, %sign3A_1247 : i32
          %sign3A_1249 = arith.extui %sign3A_1248 : i1 to i32
          %sign3A_1250 = arith.subi %sign3A_1246, %sign3A_1249 : i32
          %sign3A_1251 = arith.constant 0 : i32
          %sign3A_1252 = arith.cmpi sgt, %jit3A_1242, %sign3A_1251 : i32
          %sign3A_1253 = arith.extui %sign3A_1252 : i1 to i32
          %sign3A_1254 = arith.constant 0 : i32
          %sign3A_1255 = arith.cmpi slt, %jit3A_1242, %sign3A_1254 : i32
          %sign3A_1256 = arith.extui %sign3A_1255 : i1 to i32
          %sign3A_1257 = arith.subi %sign3A_1253, %sign3A_1256 : i32
          %ne3A_1258 = arith.cmpi ne, %sign3A_1250, %sign3A_1257 : i32
          %rem3A_1259 = arith.remsi %mul3A_802, %jit3A_1242 : i32
          %ne3A_1260 = arith.constant 0 : i32
          %ne3A_1261 = arith.cmpi ne, %rem3A_1259, %ne3A_1260 : i32
          %and3A_1262 = arith.andi %ne3A_1258, %ne3A_1261 : i1
          %sub3A_1263 = arith.constant 1 : i32
          %sub3A_1264 = arith.subi %div3A_1243, %sub3A_1263 : i32
          %select_n3A_1265 = arith.select %and3A_1262, %sub3A_1264, %div3A_1243 : i32
          %add3A_1266 = arith.addi %mul3A_1241, %select_n3A_1265 : i32
          %add3A_1267 = vector.broadcast %add3A_1266 : i32 to vector<16xi32>
          %add3A_1268 = arith.addi %select_n3A_129, %add3A_1267 : vector<16xi32>
          %add3A_1269 = vector.broadcast %mul3A_784 : i32 to vector<16xi32>
          %add3A_1270 = arith.addi %add3A_480, %add3A_1269 : vector<16xi32>
          tpu.vector_store_idx %arg7[%add3A_1268, %add3A_1270], %gather3A_889 : memref<128x128xf32, #tpu.memory_space<vmem>>[vector<16xi32>, vector<16xi32>], vector<16xf32>,
          %mul3A_1271 = arith.constant 32 : i32
          %mul3A_1272 = arith.muli %select_n3A_742, %mul3A_1271 : i32
          %jit3A_1273 = arith.constant 4 : i32
          %div3A_1274 = arith.divsi %mul3A_802, %jit3A_1273 : i32
          %sign3A_1275 = arith.constant 0 : i32
          %sign3A_1276 = arith.cmpi sgt, %mul3A_802, %sign3A_1275 : i32
          %sign3A_1277 = arith.extui %sign3A_1276 : i1 to i32
          %sign3A_1278 = arith.constant 0 : i32
          %sign3A_1279 = arith.cmpi slt, %mul3A_802, %sign3A_1278 : i32
          %sign3A_1280 = arith.extui %sign3A_1279 : i1 to i32
          %sign3A_1281 = arith.subi %sign3A_1277, %sign3A_1280 : i32
          %sign3A_1282 = arith.constant 0 : i32
          %sign3A_1283 = arith.cmpi sgt, %jit3A_1273, %sign3A_1282 : i32
          %sign3A_1284 = arith.extui %sign3A_1283 : i1 to i32
          %sign3A_1285 = arith.constant 0 : i32
          %sign3A_1286 = arith.cmpi slt, %jit3A_1273, %sign3A_1285 : i32
          %sign3A_1287 = arith.extui %sign3A_1286 : i1 to i32
          %sign3A_1288 = arith.subi %sign3A_1284, %sign3A_1287 : i32
          %ne3A_1289 = arith.cmpi ne, %sign3A_1281, %sign3A_1288 : i32
          %rem3A_1290 = arith.remsi %mul3A_802, %jit3A_1273 : i32
          %ne3A_1291 = arith.constant 0 : i32
          %ne3A_1292 = arith.cmpi ne, %rem3A_1290, %ne3A_1291 : i32
          %and3A_1293 = arith.andi %ne3A_1289, %ne3A_1292 : i1
          %sub3A_1294 = arith.constant 1 : i32
          %sub3A_1295 = arith.subi %div3A_1274, %sub3A_1294 : i32
          %select_n3A_1296 = arith.select %and3A_1293, %sub3A_1295, %div3A_1274 : i32
          %add3A_1297 = arith.addi %mul3A_1272, %select_n3A_1296 : i32
          %add3A_1298 = vector.broadcast %add3A_1297 : i32 to vector<16xi32>
          %add3A_1299 = arith.addi %select_n3A_129, %add3A_1298 : vector<16xi32>
          %add3A_1300 = vector.broadcast %mul3A_784 : i32 to vector<16xi32>
          %add3A_1301 = arith.addi %add3A_512, %add3A_1300 : vector<16xi32>
          tpu.vector_store_idx %arg7[%add3A_1299, %add3A_1301], %gather3A_897 : memref<128x128xf32, #tpu.memory_space<vmem>>[vector<16xi32>, vector<16xi32>], vector<16xf32>,
          %mul3A_1302 = arith.constant 32 : i32
          %mul3A_1303 = arith.muli %select_n3A_742, %mul3A_1302 : i32
          %jit3A_1304 = arith.constant 4 : i32
          %div3A_1305 = arith.divsi %mul3A_802, %jit3A_1304 : i32
          %sign3A_1306 = arith.constant 0 : i32
          %sign3A_1307 = arith.cmpi sgt, %mul3A_802, %sign3A_1306 : i32
          %sign3A_1308 = arith.extui %sign3A_1307 : i1 to i32
          %sign3A_1309 = arith.constant 0 : i32
          %sign3A_1310 = arith.cmpi slt, %mul3A_802, %sign3A_1309 : i32
          %sign3A_1311 = arith.extui %sign3A_1310 : i1 to i32
          %sign3A_1312 = arith.subi %sign3A_1308, %sign3A_1311 : i32
          %sign3A_1313 = arith.constant 0 : i32
          %sign3A_1314 = arith.cmpi sgt, %jit3A_1304, %sign3A_1313 : i32
          %sign3A_1315 = arith.extui %sign3A_1314 : i1 to i32
          %sign3A_1316 = arith.constant 0 : i32
          %sign3A_1317 = arith.cmpi slt, %jit3A_1304, %sign3A_1316 : i32
          %sign3A_1318 = arith.extui %sign3A_1317 : i1 to i32
          %sign3A_1319 = arith.subi %sign3A_1315, %sign3A_1318 : i32
          %ne3A_1320 = arith.cmpi ne, %sign3A_1312, %sign3A_1319 : i32
          %rem3A_1321 = arith.remsi %mul3A_802, %jit3A_1304 : i32
          %ne3A_1322 = arith.constant 0 : i32
          %ne3A_1323 = arith.cmpi ne, %rem3A_1321, %ne3A_1322 : i32
          %and3A_1324 = arith.andi %ne3A_1320, %ne3A_1323 : i1
          %sub3A_1325 = arith.constant 1 : i32
          %sub3A_1326 = arith.subi %div3A_1305, %sub3A_1325 : i32
          %select_n3A_1327 = arith.select %and3A_1324, %sub3A_1326, %div3A_1305 : i32
          %add3A_1328 = arith.addi %mul3A_1303, %select_n3A_1327 : i32
          %add3A_1329 = vector.broadcast %add3A_1328 : i32 to vector<16xi32>
          %add3A_1330 = arith.addi %select_n3A_129, %add3A_1329 : vector<16xi32>
          %add3A_1331 = vector.broadcast %mul3A_784 : i32 to vector<16xi32>
          %add3A_1332 = arith.addi %add3A_544, %add3A_1331 : vector<16xi32>
          tpu.vector_store_idx %arg7[%add3A_1330, %add3A_1332], %gather3A_905 : memref<128x128xf32, #tpu.memory_space<vmem>>[vector<16xi32>, vector<16xi32>], vector<16xf32>,
          %mul3A_1333 = arith.constant 32 : i32
          %mul3A_1334 = arith.muli %select_n3A_742, %mul3A_1333 : i32
          %jit3A_1335 = arith.constant 4 : i32
          %div3A_1336 = arith.divsi %mul3A_802, %jit3A_1335 : i32
          %sign3A_1337 = arith.constant 0 : i32
          %sign3A_1338 = arith.cmpi sgt, %mul3A_802, %sign3A_1337 : i32
          %sign3A_1339 = arith.extui %sign3A_1338 : i1 to i32
          %sign3A_1340 = arith.constant 0 : i32
          %sign3A_1341 = arith.cmpi slt, %mul3A_802, %sign3A_1340 : i32
          %sign3A_1342 = arith.extui %sign3A_1341 : i1 to i32
          %sign3A_1343 = arith.subi %sign3A_1339, %sign3A_1342 : i32
          %sign3A_1344 = arith.constant 0 : i32
          %sign3A_1345 = arith.cmpi sgt, %jit3A_1335, %sign3A_1344 : i32
          %sign3A_1346 = arith.extui %sign3A_1345 : i1 to i32
          %sign3A_1347 = arith.constant 0 : i32
          %sign3A_1348 = arith.cmpi slt, %jit3A_1335, %sign3A_1347 : i32
          %sign3A_1349 = arith.extui %sign3A_1348 : i1 to i32
          %sign3A_1350 = arith.subi %sign3A_1346, %sign3A_1349 : i32
          %ne3A_1351 = arith.cmpi ne, %sign3A_1343, %sign3A_1350 : i32
          %rem3A_1352 = arith.remsi %mul3A_802, %jit3A_1335 : i32
          %ne3A_1353 = arith.constant 0 : i32
          %ne3A_1354 = arith.cmpi ne, %rem3A_1352, %ne3A_1353 : i32
          %and3A_1355 = arith.andi %ne3A_1351, %ne3A_1354 : i1
          %sub3A_1356 = arith.constant 1 : i32
          %sub3A_1357 = arith.subi %div3A_1336, %sub3A_1356 : i32
          %select_n3A_1358 = arith.select %and3A_1355, %sub3A_1357, %div3A_1336 : i32
          %add3A_1359 = arith.addi %mul3A_1334, %select_n3A_1358 : i32
          %add3A_1360 = vector.broadcast %add3A_1359 : i32 to vector<16xi32>
          %add3A_1361 = arith.addi %select_n3A_129, %add3A_1360 : vector<16xi32>
          %add3A_1362 = vector.broadcast %mul3A_784 : i32 to vector<16xi32>
          %add3A_1363 = arith.addi %add3A_576, %add3A_1362 : vector<16xi32>
          tpu.vector_store_idx %arg7[%add3A_1361, %add3A_1363], %gather3A_913 : memref<128x128xf32, #tpu.memory_space<vmem>>[vector<16xi32>, vector<16xi32>], vector<16xf32>,
          %mul3A_1364 = arith.constant 32 : i32
          %mul3A_1365 = arith.muli %select_n3A_742, %mul3A_1364 : i32
          %jit3A_1366 = arith.constant 4 : i32
          %div3A_1367 = arith.divsi %mul3A_802, %jit3A_1366 : i32
          %sign3A_1368 = arith.constant 0 : i32
          %sign3A_1369 = arith.cmpi sgt, %mul3A_802, %sign3A_1368 : i32
          %sign3A_1370 = arith.extui %sign3A_1369 : i1 to i32
          %sign3A_1371 = arith.constant 0 : i32
          %sign3A_1372 = arith.cmpi slt, %mul3A_802, %sign3A_1371 : i32
          %sign3A_1373 = arith.extui %sign3A_1372 : i1 to i32
          %sign3A_1374 = arith.subi %sign3A_1370, %sign3A_1373 : i32
          %sign3A_1375 = arith.constant 0 : i32
          %sign3A_1376 = arith.cmpi sgt, %jit3A_1366, %sign3A_1375 : i32
          %sign3A_1377 = arith.extui %sign3A_1376 : i1 to i32
          %sign3A_1378 = arith.constant 0 : i32
          %sign3A_1379 = arith.cmpi slt, %jit3A_1366, %sign3A_1378 : i32
          %sign3A_1380 = arith.extui %sign3A_1379 : i1 to i32
          %sign3A_1381 = arith.subi %sign3A_1377, %sign3A_1380 : i32
          %ne3A_1382 = arith.cmpi ne, %sign3A_1374, %sign3A_1381 : i32
          %rem3A_1383 = arith.remsi %mul3A_802, %jit3A_1366 : i32
          %ne3A_1384 = arith.constant 0 : i32
          %ne3A_1385 = arith.cmpi ne, %rem3A_1383, %ne3A_1384 : i32
          %and3A_1386 = arith.andi %ne3A_1382, %ne3A_1385 : i1
          %sub3A_1387 = arith.constant 1 : i32
          %sub3A_1388 = arith.subi %div3A_1367, %sub3A_1387 : i32
          %select_n3A_1389 = arith.select %and3A_1386, %sub3A_1388, %div3A_1367 : i32
          %add3A_1390 = arith.addi %mul3A_1365, %select_n3A_1389 : i32
          %add3A_1391 = vector.broadcast %add3A_1390 : i32 to vector<16xi32>
          %add3A_1392 = arith.addi %select_n3A_129, %add3A_1391 : vector<16xi32>
          %add3A_1393 = vector.broadcast %mul3A_784 : i32 to vector<16xi32>
          %add3A_1394 = arith.addi %add3A_608, %add3A_1393 : vector<16xi32>
          tpu.vector_store_idx %arg7[%add3A_1392, %add3A_1394], %gather3A_921 : memref<128x128xf32, #tpu.memory_space<vmem>>[vector<16xi32>, vector<16xi32>], vector<16xf32>,
          %mul3A_1395 = arith.constant 32 : i32
          %mul3A_1396 = arith.muli %select_n3A_742, %mul3A_1395 : i32
          %jit3A_1397 = arith.constant 4 : i32
          %div3A_1398 = arith.divsi %mul3A_802, %jit3A_1397 : i32
          %sign3A_1399 = arith.constant 0 : i32
          %sign3A_1400 = arith.cmpi sgt, %mul3A_802, %sign3A_1399 : i32
          %sign3A_1401 = arith.extui %sign3A_1400 : i1 to i32
          %sign3A_1402 = arith.constant 0 : i32
          %sign3A_1403 = arith.cmpi slt, %mul3A_802, %sign3A_1402 : i32
          %sign3A_1404 = arith.extui %sign3A_1403 : i1 to i32
          %sign3A_1405 = arith.subi %sign3A_1401, %sign3A_1404 : i32
          %sign3A_1406 = arith.constant 0 : i32
          %sign3A_1407 = arith.cmpi sgt, %jit3A_1397, %sign3A_1406 : i32
          %sign3A_1408 = arith.extui %sign3A_1407 : i1 to i32
          %sign3A_1409 = arith.constant 0 : i32
          %sign3A_1410 = arith.cmpi slt, %jit3A_1397, %sign3A_1409 : i32
          %sign3A_1411 = arith.extui %sign3A_1410 : i1 to i32
          %sign3A_1412 = arith.subi %sign3A_1408, %sign3A_1411 : i32
          %ne3A_1413 = arith.cmpi ne, %sign3A_1405, %sign3A_1412 : i32
          %rem3A_1414 = arith.remsi %mul3A_802, %jit3A_1397 : i32
          %ne3A_1415 = arith.constant 0 : i32
          %ne3A_1416 = arith.cmpi ne, %rem3A_1414, %ne3A_1415 : i32
          %and3A_1417 = arith.andi %ne3A_1413, %ne3A_1416 : i1
          %sub3A_1418 = arith.constant 1 : i32
          %sub3A_1419 = arith.subi %div3A_1398, %sub3A_1418 : i32
          %select_n3A_1420 = arith.select %and3A_1417, %sub3A_1419, %div3A_1398 : i32
          %add3A_1421 = arith.addi %mul3A_1396, %select_n3A_1420 : i32
          %add3A_1422 = vector.broadcast %add3A_1421 : i32 to vector<16xi32>
          %add3A_1423 = arith.addi %select_n3A_129, %add3A_1422 : vector<16xi32>
          %add3A_1424 = vector.broadcast %mul3A_784 : i32 to vector<16xi32>
          %add3A_1425 = arith.addi %add3A_640, %add3A_1424 : vector<16xi32>
          tpu.vector_store_idx %arg7[%add3A_1423, %add3A_1425], %gather3A_929 : memref<128x128xf32, #tpu.memory_space<vmem>>[vector<16xi32>, vector<16xi32>], vector<16xf32>,
          %mul3A_1426 = arith.constant 2 : i32
          %mul3A_1427 = arith.muli %mul3A_1426, %scan3A_714 : i32
          %add3A_1428 = arith.constant 1 : i32
          %add3A_1429 = arith.addi %mul3A_1427, %add3A_1428 : i32
          %jit3A_1430 = arith.constant 16 : i32
          %div3A_1431 = arith.divsi %add3A_1429, %jit3A_1430 : i32
          %sign3A_1432 = arith.constant 0 : i32
          %sign3A_1433 = arith.cmpi sgt, %add3A_1429, %sign3A_1432 : i32
          %sign3A_1434 = arith.extui %sign3A_1433 : i1 to i32
          %sign3A_1435 = arith.constant 0 : i32
          %sign3A_1436 = arith.cmpi slt, %add3A_1429, %sign3A_1435 : i32
          %sign3A_1437 = arith.extui %sign3A_1436 : i1 to i32
          %sign3A_1438 = arith.subi %sign3A_1434, %sign3A_1437 : i32
          %sign3A_1439 = arith.constant 0 : i32
          %sign3A_1440 = arith.cmpi sgt, %jit3A_1430, %sign3A_1439 : i32
          %sign3A_1441 = arith.extui %sign3A_1440 : i1 to i32
          %sign3A_1442 = arith.constant 0 : i32
          %sign3A_1443 = arith.cmpi slt, %jit3A_1430, %sign3A_1442 : i32
          %sign3A_1444 = arith.extui %sign3A_1443 : i1 to i32
          %sign3A_1445 = arith.subi %sign3A_1441, %sign3A_1444 : i32
          %ne3A_1446 = arith.cmpi ne, %sign3A_1438, %sign3A_1445 : i32
          %rem3A_1447 = arith.remsi %add3A_1429, %jit3A_1430 : i32
          %ne3A_1448 = arith.constant 0 : i32
          %ne3A_1449 = arith.cmpi ne, %rem3A_1447, %ne3A_1448 : i32
          %and3A_1450 = arith.andi %ne3A_1446, %ne3A_1449 : i1
          %sub3A_1451 = arith.constant 1 : i32
          %sub3A_1452 = arith.subi %div3A_1431, %sub3A_1451 : i32
          %select_n3A_1453 = arith.select %and3A_1450, %sub3A_1452, %div3A_1431 : i32
          %jit3A_1454 = arith.constant 8 : i32
          %div3A_1455 = arith.divsi %add3A_1429, %jit3A_1454 : i32
          %sign3A_1456 = arith.constant 0 : i32
          %sign3A_1457 = arith.cmpi sgt, %add3A_1429, %sign3A_1456 : i32
          %sign3A_1458 = arith.extui %sign3A_1457 : i1 to i32
          %sign3A_1459 = arith.constant 0 : i32
          %sign3A_1460 = arith.cmpi slt, %add3A_1429, %sign3A_1459 : i32
          %sign3A_1461 = arith.extui %sign3A_1460 : i1 to i32
          %sign3A_1462 = arith.subi %sign3A_1458, %sign3A_1461 : i32
          %sign3A_1463 = arith.constant 0 : i32
          %sign3A_1464 = arith.cmpi sgt, %jit3A_1454, %sign3A_1463 : i32
          %sign3A_1465 = arith.extui %sign3A_1464 : i1 to i32
          %sign3A_1466 = arith.constant 0 : i32
          %sign3A_1467 = arith.cmpi slt, %jit3A_1454, %sign3A_1466 : i32
          %sign3A_1468 = arith.extui %sign3A_1467 : i1 to i32
          %sign3A_1469 = arith.subi %sign3A_1465, %sign3A_1468 : i32
          %ne3A_1470 = arith.cmpi ne, %sign3A_1462, %sign3A_1469 : i32
          %rem3A_1471 = arith.remsi %add3A_1429, %jit3A_1454 : i32
          %ne3A_1472 = arith.constant 0 : i32
          %ne3A_1473 = arith.cmpi ne, %rem3A_1471, %ne3A_1472 : i32
          %and3A_1474 = arith.andi %ne3A_1470, %ne3A_1473 : i1
          %sub3A_1475 = arith.constant 1 : i32
          %sub3A_1476 = arith.subi %div3A_1455, %sub3A_1475 : i32
          %select_n3A_1477 = arith.select %and3A_1474, %sub3A_1476, %div3A_1455 : i32
          %jit3A_1478 = arith.constant 2 : i32
          %eq3A_1479 = arith.constant 0 : i32
          %eq3A_1480 = arith.cmpi eq, %jit3A_1478, %eq3A_1479 : i32
          %jit3A_1481 = arith.constant 1 : i32
          %select_n3A_1482 = arith.select %eq3A_1480, %jit3A_1481, %jit3A_1478 : i32
          %rem3A_1483 = arith.remsi %select_n3A_1477, %select_n3A_1482 : i32
          %ne3A_1484 = arith.constant 0 : i32
          %ne3A_1485 = arith.cmpi ne, %rem3A_1483, %ne3A_1484 : i32
          %lt3A_1486 = arith.constant 0 : i32
          %lt3A_1487 = arith.cmpi slt, %rem3A_1483, %lt3A_1486 : i32
          %lt3A_1488 = arith.constant 0 : i32
          %lt3A_1489 = arith.cmpi slt, %select_n3A_1482, %lt3A_1488 : i32
          %ne3A_1490 = arith.xori %lt3A_1487, %lt3A_1489 : i1
          %and3A_1491 = arith.andi %ne3A_1490, %ne3A_1485 : i1
          %add3A_1492 = arith.addi %rem3A_1483, %select_n3A_1482 : i32
          %select_n3A_1493 = arith.select %and3A_1491, %add3A_1492, %rem3A_1483 : i32
          %mul3A_1494 = arith.constant 16 : i32
          %mul3A_1495 = arith.muli %select_n3A_1493, %mul3A_1494 : i32
          %jit3A_1496 = arith.constant 8 : i32
          %eq3A_1497 = arith.constant 0 : i32
          %eq3A_1498 = arith.cmpi eq, %jit3A_1496, %eq3A_1497 : i32
          %jit3A_1499 = arith.constant 1 : i32
          %select_n3A_1500 = arith.select %eq3A_1498, %jit3A_1499, %jit3A_1496 : i32
          %rem3A_1501 = arith.remsi %add3A_1429, %select_n3A_1500 : i32
          %ne3A_1502 = arith.constant 0 : i32
          %ne3A_1503 = arith.cmpi ne, %rem3A_1501, %ne3A_1502 : i32
          %lt3A_1504 = arith.constant 0 : i32
          %lt3A_1505 = arith.cmpi slt, %rem3A_1501, %lt3A_1504 : i32
          %lt3A_1506 = arith.constant 0 : i32
          %lt3A_1507 = arith.cmpi slt, %select_n3A_1500, %lt3A_1506 : i32
          %ne3A_1508 = arith.xori %lt3A_1505, %lt3A_1507 : i1
          %and3A_1509 = arith.andi %ne3A_1508, %ne3A_1503 : i1
          %add3A_1510 = arith.addi %rem3A_1501, %select_n3A_1500 : i32
          %select_n3A_1511 = arith.select %and3A_1509, %add3A_1510, %rem3A_1501 : i32
          %mul3A_1512 = arith.constant 16 : i32
          %mul3A_1513 = arith.muli %select_n3A_1511, %mul3A_1512 : i32
          %add3A_1514 = vector.broadcast %mul3A_1495 : i32 to vector<16xi32>
          %add3A_1515 = arith.addi %and3A_13, %add3A_1514 : vector<16xi32>
          %mul3A_1516 = arith.constant 128 : i32
          %mul3A_1517 = arith.muli %select_n3A_1453, %mul3A_1516 : i32
          %add3A_1518 = arith.addi %mul3A_1517, %mul3A_1513 : i32
          %add3A_1519 = vector.broadcast %add3A_1518 : i32 to vector<16xi32>
          %add3A_1520 = arith.addi %iota3A, %add3A_1519 : vector<16xi32>
          %gather3A_1521 = tpu.vector_load_idx %arg5[%add3A_1515, %add3A_1520] : memref<32x512xf32, #tpu.memory_space<vmem>>[vector<16xi32>, vector<16xi32>], vector<16xf32>,
          %add3A_1522 = vector.broadcast %mul3A_1495 : i32 to vector<16xi32>
          %add3A_1523 = arith.addi %and3A_19, %add3A_1522 : vector<16xi32>
          %mul3A_1524 = arith.constant 128 : i32
          %mul3A_1525 = arith.muli %select_n3A_1453, %mul3A_1524 : i32
          %add3A_1526 = arith.addi %mul3A_1525, %mul3A_1513 : i32
          %add3A_1527 = vector.broadcast %add3A_1526 : i32 to vector<16xi32>
          %add3A_1528 = arith.addi %iota3A, %add3A_1527 : vector<16xi32>
          %gather3A_1529 = tpu.vector_load_idx %arg5[%add3A_1523, %add3A_1528] : memref<32x512xf32, #tpu.memory_space<vmem>>[vector<16xi32>, vector<16xi32>], vector<16xf32>,
          %add3A_1530 = vector.broadcast %mul3A_1495 : i32 to vector<16xi32>
          %add3A_1531 = arith.addi %and3A_25, %add3A_1530 : vector<16xi32>
          %mul3A_1532 = arith.constant 128 : i32
          %mul3A_1533 = arith.muli %select_n3A_1453, %mul3A_1532 : i32
          %add3A_1534 = arith.addi %mul3A_1533, %mul3A_1513 : i32
          %add3A_1535 = vector.broadcast %add3A_1534 : i32 to vector<16xi32>
          %add3A_1536 = arith.addi %iota3A, %add3A_1535 : vector<16xi32>
          %gather3A_1537 = tpu.vector_load_idx %arg5[%add3A_1531, %add3A_1536] : memref<32x512xf32, #tpu.memory_space<vmem>>[vector<16xi32>, vector<16xi32>], vector<16xf32>,
          %add3A_1538 = vector.broadcast %mul3A_1495 : i32 to vector<16xi32>
          %add3A_1539 = arith.addi %and3A_31, %add3A_1538 : vector<16xi32>
          %mul3A_1540 = arith.constant 128 : i32
          %mul3A_1541 = arith.muli %select_n3A_1453, %mul3A_1540 : i32
          %add3A_1542 = arith.addi %mul3A_1541, %mul3A_1513 : i32
          %add3A_1543 = vector.broadcast %add3A_1542 : i32 to vector<16xi32>
          %add3A_1544 = arith.addi %iota3A, %add3A_1543 : vector<16xi32>
          %gather3A_1545 = tpu.vector_load_idx %arg5[%add3A_1539, %add3A_1544] : memref<32x512xf32, #tpu.memory_space<vmem>>[vector<16xi32>, vector<16xi32>], vector<16xf32>,
          %add3A_1546 = vector.broadcast %mul3A_1495 : i32 to vector<16xi32>
          %add3A_1547 = arith.addi %and3A_37, %add3A_1546 : vector<16xi32>
          %mul3A_1548 = arith.constant 128 : i32
          %mul3A_1549 = arith.muli %select_n3A_1453, %mul3A_1548 : i32
          %add3A_1550 = arith.addi %mul3A_1549, %mul3A_1513 : i32
          %add3A_1551 = vector.broadcast %add3A_1550 : i32 to vector<16xi32>
          %add3A_1552 = arith.addi %iota3A, %add3A_1551 : vector<16xi32>
          %gather3A_1553 = tpu.vector_load_idx %arg5[%add3A_1547, %add3A_1552] : memref<32x512xf32, #tpu.memory_space<vmem>>[vector<16xi32>, vector<16xi32>], vector<16xf32>,
          %add3A_1554 = vector.broadcast %mul3A_1495 : i32 to vector<16xi32>
          %add3A_1555 = arith.addi %and3A_43, %add3A_1554 : vector<16xi32>
          %mul3A_1556 = arith.constant 128 : i32
          %mul3A_1557 = arith.muli %select_n3A_1453, %mul3A_1556 : i32
          %add3A_1558 = arith.addi %mul3A_1557, %mul3A_1513 : i32
          %add3A_1559 = vector.broadcast %add3A_1558 : i32 to vector<16xi32>
          %add3A_1560 = arith.addi %iota3A, %add3A_1559 : vector<16xi32>
          %gather3A_1561 = tpu.vector_load_idx %arg5[%add3A_1555, %add3A_1560] : memref<32x512xf32, #tpu.memory_space<vmem>>[vector<16xi32>, vector<16xi32>], vector<16xf32>,
          %add3A_1562 = vector.broadcast %mul3A_1495 : i32 to vector<16xi32>
          %add3A_1563 = arith.addi %and3A_49, %add3A_1562 : vector<16xi32>
          %mul3A_1564 = arith.constant 128 : i32
          %mul3A_1565 = arith.muli %select_n3A_1453, %mul3A_1564 : i32
          %add3A_1566 = arith.addi %mul3A_1565, %mul3A_1513 : i32
          %add3A_1567 = vector.broadcast %add3A_1566 : i32 to vector<16xi32>
          %add3A_1568 = arith.addi %iota3A, %add3A_1567 : vector<16xi32>
          %gather3A_1569 = tpu.vector_load_idx %arg5[%add3A_1563, %add3A_1568] : memref<32x512xf32, #tpu.memory_space<vmem>>[vector<16xi32>, vector<16xi32>], vector<16xf32>,
          %add3A_1570 = vector.broadcast %mul3A_1495 : i32 to vector<16xi32>
          %add3A_1571 = arith.addi %and3A_55, %add3A_1570 : vector<16xi32>
          %mul3A_1572 = arith.constant 128 : i32
          %mul3A_1573 = arith.muli %select_n3A_1453, %mul3A_1572 : i32
          %add3A_1574 = arith.addi %mul3A_1573, %mul3A_1513 : i32
          %add3A_1575 = vector.broadcast %add3A_1574 : i32 to vector<16xi32>
          %add3A_1576 = arith.addi %iota3A, %add3A_1575 : vector<16xi32>
          %gather3A_1577 = tpu.vector_load_idx %arg5[%add3A_1571, %add3A_1576] : memref<32x512xf32, #tpu.memory_space<vmem>>[vector<16xi32>, vector<16xi32>], vector<16xf32>,
          %add3A_1578 = vector.broadcast %mul3A_1495 : i32 to vector<16xi32>
          %add3A_1579 = arith.addi %and3A_61, %add3A_1578 : vector<16xi32>
          %mul3A_1580 = arith.constant 128 : i32
          %mul3A_1581 = arith.muli %select_n3A_1453, %mul3A_1580 : i32
          %add3A_1582 = arith.addi %mul3A_1581, %mul3A_1513 : i32
          %add3A_1583 = vector.broadcast %add3A_1582 : i32 to vector<16xi32>
          %add3A_1584 = arith.addi %iota3A, %add3A_1583 : vector<16xi32>
          %gather3A_1585 = tpu.vector_load_idx %arg5[%add3A_1579, %add3A_1584] : memref<32x512xf32, #tpu.memory_space<vmem>>[vector<16xi32>, vector<16xi32>], vector<16xf32>,
          %add3A_1586 = vector.broadcast %mul3A_1495 : i32 to vector<16xi32>
          %add3A_1587 = arith.addi %and3A_67, %add3A_1586 : vector<16xi32>
          %mul3A_1588 = arith.constant 128 : i32
          %mul3A_1589 = arith.muli %select_n3A_1453, %mul3A_1588 : i32
          %add3A_1590 = arith.addi %mul3A_1589, %mul3A_1513 : i32
          %add3A_1591 = vector.broadcast %add3A_1590 : i32 to vector<16xi32>
          %add3A_1592 = arith.addi %iota3A, %add3A_1591 : vector<16xi32>
          %gather3A_1593 = tpu.vector_load_idx %arg5[%add3A_1587, %add3A_1592] : memref<32x512xf32, #tpu.memory_space<vmem>>[vector<16xi32>, vector<16xi32>], vector<16xf32>,
          %add3A_1594 = vector.broadcast %mul3A_1495 : i32 to vector<16xi32>
          %add3A_1595 = arith.addi %and3A_73, %add3A_1594 : vector<16xi32>
          %mul3A_1596 = arith.constant 128 : i32
          %mul3A_1597 = arith.muli %select_n3A_1453, %mul3A_1596 : i32
          %add3A_1598 = arith.addi %mul3A_1597, %mul3A_1513 : i32
          %add3A_1599 = vector.broadcast %add3A_1598 : i32 to vector<16xi32>
          %add3A_1600 = arith.addi %iota3A, %add3A_1599 : vector<16xi32>
          %gather3A_1601 = tpu.vector_load_idx %arg5[%add3A_1595, %add3A_1600] : memref<32x512xf32, #tpu.memory_space<vmem>>[vector<16xi32>, vector<16xi32>], vector<16xf32>,
          %add3A_1602 = vector.broadcast %mul3A_1495 : i32 to vector<16xi32>
          %add3A_1603 = arith.addi %and3A_79, %add3A_1602 : vector<16xi32>
          %mul3A_1604 = arith.constant 128 : i32
          %mul3A_1605 = arith.muli %select_n3A_1453, %mul3A_1604 : i32
          %add3A_1606 = arith.addi %mul3A_1605, %mul3A_1513 : i32
          %add3A_1607 = vector.broadcast %add3A_1606 : i32 to vector<16xi32>
          %add3A_1608 = arith.addi %iota3A, %add3A_1607 : vector<16xi32>
          %gather3A_1609 = tpu.vector_load_idx %arg5[%add3A_1603, %add3A_1608] : memref<32x512xf32, #tpu.memory_space<vmem>>[vector<16xi32>, vector<16xi32>], vector<16xf32>,
          %add3A_1610 = vector.broadcast %mul3A_1495 : i32 to vector<16xi32>
          %add3A_1611 = arith.addi %and3A_85, %add3A_1610 : vector<16xi32>
          %mul3A_1612 = arith.constant 128 : i32
          %mul3A_1613 = arith.muli %select_n3A_1453, %mul3A_1612 : i32
          %add3A_1614 = arith.addi %mul3A_1613, %mul3A_1513 : i32
          %add3A_1615 = vector.broadcast %add3A_1614 : i32 to vector<16xi32>
          %add3A_1616 = arith.addi %iota3A, %add3A_1615 : vector<16xi32>
          %gather3A_1617 = tpu.vector_load_idx %arg5[%add3A_1611, %add3A_1616] : memref<32x512xf32, #tpu.memory_space<vmem>>[vector<16xi32>, vector<16xi32>], vector<16xf32>,
          %add3A_1618 = vector.broadcast %mul3A_1495 : i32 to vector<16xi32>
          %add3A_1619 = arith.addi %and3A_91, %add3A_1618 : vector<16xi32>
          %mul3A_1620 = arith.constant 128 : i32
          %mul3A_1621 = arith.muli %select_n3A_1453, %mul3A_1620 : i32
          %add3A_1622 = arith.addi %mul3A_1621, %mul3A_1513 : i32
          %add3A_1623 = vector.broadcast %add3A_1622 : i32 to vector<16xi32>
          %add3A_1624 = arith.addi %iota3A, %add3A_1623 : vector<16xi32>
          %gather3A_1625 = tpu.vector_load_idx %arg5[%add3A_1619, %add3A_1624] : memref<32x512xf32, #tpu.memory_space<vmem>>[vector<16xi32>, vector<16xi32>], vector<16xf32>,
          %add3A_1626 = vector.broadcast %mul3A_1495 : i32 to vector<16xi32>
          %add3A_1627 = arith.addi %and3A_97, %add3A_1626 : vector<16xi32>
          %mul3A_1628 = arith.constant 128 : i32
          %mul3A_1629 = arith.muli %select_n3A_1453, %mul3A_1628 : i32
          %add3A_1630 = arith.addi %mul3A_1629, %mul3A_1513 : i32
          %add3A_1631 = vector.broadcast %add3A_1630 : i32 to vector<16xi32>
          %add3A_1632 = arith.addi %iota3A, %add3A_1631 : vector<16xi32>
          %gather3A_1633 = tpu.vector_load_idx %arg5[%add3A_1627, %add3A_1632] : memref<32x512xf32, #tpu.memory_space<vmem>>[vector<16xi32>, vector<16xi32>], vector<16xf32>,
          %add3A_1634 = vector.broadcast %mul3A_1495 : i32 to vector<16xi32>
          %add3A_1635 = arith.addi %and3A_103, %add3A_1634 : vector<16xi32>
          %mul3A_1636 = arith.constant 128 : i32
          %mul3A_1637 = arith.muli %select_n3A_1453, %mul3A_1636 : i32
          %add3A_1638 = arith.addi %mul3A_1637, %mul3A_1513 : i32
          %add3A_1639 = vector.broadcast %add3A_1638 : i32 to vector<16xi32>
          %add3A_1640 = arith.addi %iota3A, %add3A_1639 : vector<16xi32>
          %gather3A_1641 = tpu.vector_load_idx %arg5[%add3A_1635, %add3A_1640] : memref<32x512xf32, #tpu.memory_space<vmem>>[vector<16xi32>, vector<16xi32>], vector<16xf32>,
          %mul3A_1642 = arith.constant 32 : i32
          %mul3A_1643 = arith.muli %select_n3A_1453, %mul3A_1642 : i32
          %jit3A_1644 = arith.constant 4 : i32
          %div3A_1645 = arith.divsi %mul3A_1513, %jit3A_1644 : i32
          %sign3A_1646 = arith.constant 0 : i32
          %sign3A_1647 = arith.cmpi sgt, %mul3A_1513, %sign3A_1646 : i32
          %sign3A_1648 = arith.extui %sign3A_1647 : i1 to i32
          %sign3A_1649 = arith.constant 0 : i32
          %sign3A_1650 = arith.cmpi slt, %mul3A_1513, %sign3A_1649 : i32
          %sign3A_1651 = arith.extui %sign3A_1650 : i1 to i32
          %sign3A_1652 = arith.subi %sign3A_1648, %sign3A_1651 : i32
          %sign3A_1653 = arith.constant 0 : i32
          %sign3A_1654 = arith.cmpi sgt, %jit3A_1644, %sign3A_1653 : i32
          %sign3A_1655 = arith.extui %sign3A_1654 : i1 to i32
          %sign3A_1656 = arith.constant 0 : i32
          %sign3A_1657 = arith.cmpi slt, %jit3A_1644, %sign3A_1656 : i32
          %sign3A_1658 = arith.extui %sign3A_1657 : i1 to i32
          %sign3A_1659 = arith.subi %sign3A_1655, %sign3A_1658 : i32
          %ne3A_1660 = arith.cmpi ne, %sign3A_1652, %sign3A_1659 : i32
          %rem3A_1661 = arith.remsi %mul3A_1513, %jit3A_1644 : i32
          %ne3A_1662 = arith.constant 0 : i32
          %ne3A_1663 = arith.cmpi ne, %rem3A_1661, %ne3A_1662 : i32
          %and3A_1664 = arith.andi %ne3A_1660, %ne3A_1663 : i1
          %sub3A_1665 = arith.constant 1 : i32
          %sub3A_1666 = arith.subi %div3A_1645, %sub3A_1665 : i32
          %select_n3A_1667 = arith.select %and3A_1664, %sub3A_1666, %div3A_1645 : i32
          %add3A_1668 = arith.addi %mul3A_1643, %select_n3A_1667 : i32
          %add3A_1669 = vector.broadcast %add3A_1668 : i32 to vector<16xi32>
          %add3A_1670 = arith.addi %select_n3A_129, %add3A_1669 : vector<16xi32>
          %add3A_1671 = vector.broadcast %mul3A_1495 : i32 to vector<16xi32>
          %add3A_1672 = arith.addi %add3A_160, %add3A_1671 : vector<16xi32>
          tpu.vector_store_idx %arg7[%add3A_1670, %add3A_1672], %gather3A_1521 : memref<128x128xf32, #tpu.memory_space<vmem>>[vector<16xi32>, vector<16xi32>], vector<16xf32>,
          %mul3A_1673 = arith.constant 32 : i32
          %mul3A_1674 = arith.muli %select_n3A_1453, %mul3A_1673 : i32
          %jit3A_1675 = arith.constant 4 : i32
          %div3A_1676 = arith.divsi %mul3A_1513, %jit3A_1675 : i32
          %sign3A_1677 = arith.constant 0 : i32
          %sign3A_1678 = arith.cmpi sgt, %mul3A_1513, %sign3A_1677 : i32
          %sign3A_1679 = arith.extui %sign3A_1678 : i1 to i32
          %sign3A_1680 = arith.constant 0 : i32
          %sign3A_1681 = arith.cmpi slt, %mul3A_1513, %sign3A_1680 : i32
          %sign3A_1682 = arith.extui %sign3A_1681 : i1 to i32
          %sign3A_1683 = arith.subi %sign3A_1679, %sign3A_1682 : i32
          %sign3A_1684 = arith.constant 0 : i32
          %sign3A_1685 = arith.cmpi sgt, %jit3A_1675, %sign3A_1684 : i32
          %sign3A_1686 = arith.extui %sign3A_1685 : i1 to i32
          %sign3A_1687 = arith.constant 0 : i32
          %sign3A_1688 = arith.cmpi slt, %jit3A_1675, %sign3A_1687 : i32
          %sign3A_1689 = arith.extui %sign3A_1688 : i1 to i32
          %sign3A_1690 = arith.subi %sign3A_1686, %sign3A_1689 : i32
          %ne3A_1691 = arith.cmpi ne, %sign3A_1683, %sign3A_1690 : i32
          %rem3A_1692 = arith.remsi %mul3A_1513, %jit3A_1675 : i32
          %ne3A_1693 = arith.constant 0 : i32
          %ne3A_1694 = arith.cmpi ne, %rem3A_1692, %ne3A_1693 : i32
          %and3A_1695 = arith.andi %ne3A_1691, %ne3A_1694 : i1
          %sub3A_1696 = arith.constant 1 : i32
          %sub3A_1697 = arith.subi %div3A_1676, %sub3A_1696 : i32
          %select_n3A_1698 = arith.select %and3A_1695, %sub3A_1697, %div3A_1676 : i32
          %add3A_1699 = arith.addi %mul3A_1674, %select_n3A_1698 : i32
          %add3A_1700 = vector.broadcast %add3A_1699 : i32 to vector<16xi32>
          %add3A_1701 = arith.addi %select_n3A_129, %add3A_1700 : vector<16xi32>
          %add3A_1702 = vector.broadcast %mul3A_1495 : i32 to vector<16xi32>
          %add3A_1703 = arith.addi %add3A_192, %add3A_1702 : vector<16xi32>
          tpu.vector_store_idx %arg7[%add3A_1701, %add3A_1703], %gather3A_1529 : memref<128x128xf32, #tpu.memory_space<vmem>>[vector<16xi32>, vector<16xi32>], vector<16xf32>,
          %mul3A_1704 = arith.constant 32 : i32
          %mul3A_1705 = arith.muli %select_n3A_1453, %mul3A_1704 : i32
          %jit3A_1706 = arith.constant 4 : i32
          %div3A_1707 = arith.divsi %mul3A_1513, %jit3A_1706 : i32
          %sign3A_1708 = arith.constant 0 : i32
          %sign3A_1709 = arith.cmpi sgt, %mul3A_1513, %sign3A_1708 : i32
          %sign3A_1710 = arith.extui %sign3A_1709 : i1 to i32
          %sign3A_1711 = arith.constant 0 : i32
          %sign3A_1712 = arith.cmpi slt, %mul3A_1513, %sign3A_1711 : i32
          %sign3A_1713 = arith.extui %sign3A_1712 : i1 to i32
          %sign3A_1714 = arith.subi %sign3A_1710, %sign3A_1713 : i32
          %sign3A_1715 = arith.constant 0 : i32
          %sign3A_1716 = arith.cmpi sgt, %jit3A_1706, %sign3A_1715 : i32
          %sign3A_1717 = arith.extui %sign3A_1716 : i1 to i32
          %sign3A_1718 = arith.constant 0 : i32
          %sign3A_1719 = arith.cmpi slt, %jit3A_1706, %sign3A_1718 : i32
          %sign3A_1720 = arith.extui %sign3A_1719 : i1 to i32
          %sign3A_1721 = arith.subi %sign3A_1717, %sign3A_1720 : i32
          %ne3A_1722 = arith.cmpi ne, %sign3A_1714, %sign3A_1721 : i32
          %rem3A_1723 = arith.remsi %mul3A_1513, %jit3A_1706 : i32
          %ne3A_1724 = arith.constant 0 : i32
          %ne3A_1725 = arith.cmpi ne, %rem3A_1723, %ne3A_1724 : i32
          %and3A_1726 = arith.andi %ne3A_1722, %ne3A_1725 : i1
          %sub3A_1727 = arith.constant 1 : i32
          %sub3A_1728 = arith.subi %div3A_1707, %sub3A_1727 : i32
          %select_n3A_1729 = arith.select %and3A_1726, %sub3A_1728, %div3A_1707 : i32
          %add3A_1730 = arith.addi %mul3A_1705, %select_n3A_1729 : i32
          %add3A_1731 = vector.broadcast %add3A_1730 : i32 to vector<16xi32>
          %add3A_1732 = arith.addi %select_n3A_129, %add3A_1731 : vector<16xi32>
          %add3A_1733 = vector.broadcast %mul3A_1495 : i32 to vector<16xi32>
          %add3A_1734 = arith.addi %add3A_224, %add3A_1733 : vector<16xi32>
          tpu.vector_store_idx %arg7[%add3A_1732, %add3A_1734], %gather3A_1537 : memref<128x128xf32, #tpu.memory_space<vmem>>[vector<16xi32>, vector<16xi32>], vector<16xf32>,
          %mul3A_1735 = arith.constant 32 : i32
          %mul3A_1736 = arith.muli %select_n3A_1453, %mul3A_1735 : i32
          %jit3A_1737 = arith.constant 4 : i32
          %div3A_1738 = arith.divsi %mul3A_1513, %jit3A_1737 : i32
          %sign3A_1739 = arith.constant 0 : i32
          %sign3A_1740 = arith.cmpi sgt, %mul3A_1513, %sign3A_1739 : i32
          %sign3A_1741 = arith.extui %sign3A_1740 : i1 to i32
          %sign3A_1742 = arith.constant 0 : i32
          %sign3A_1743 = arith.cmpi slt, %mul3A_1513, %sign3A_1742 : i32
          %sign3A_1744 = arith.extui %sign3A_1743 : i1 to i32
          %sign3A_1745 = arith.subi %sign3A_1741, %sign3A_1744 : i32
          %sign3A_1746 = arith.constant 0 : i32
          %sign3A_1747 = arith.cmpi sgt, %jit3A_1737, %sign3A_1746 : i32
          %sign3A_1748 = arith.extui %sign3A_1747 : i1 to i32
          %sign3A_1749 = arith.constant 0 : i32
          %sign3A_1750 = arith.cmpi slt, %jit3A_1737, %sign3A_1749 : i32
          %sign3A_1751 = arith.extui %sign3A_1750 : i1 to i32
          %sign3A_1752 = arith.subi %sign3A_1748, %sign3A_1751 : i32
          %ne3A_1753 = arith.cmpi ne, %sign3A_1745, %sign3A_1752 : i32
          %rem3A_1754 = arith.remsi %mul3A_1513, %jit3A_1737 : i32
          %ne3A_1755 = arith.constant 0 : i32
          %ne3A_1756 = arith.cmpi ne, %rem3A_1754, %ne3A_1755 : i32
          %and3A_1757 = arith.andi %ne3A_1753, %ne3A_1756 : i1
          %sub3A_1758 = arith.constant 1 : i32
          %sub3A_1759 = arith.subi %div3A_1738, %sub3A_1758 : i32
          %select_n3A_1760 = arith.select %and3A_1757, %sub3A_1759, %div3A_1738 : i32
          %add3A_1761 = arith.addi %mul3A_1736, %select_n3A_1760 : i32
          %add3A_1762 = vector.broadcast %add3A_1761 : i32 to vector<16xi32>
          %add3A_1763 = arith.addi %select_n3A_129, %add3A_1762 : vector<16xi32>
          %add3A_1764 = vector.broadcast %mul3A_1495 : i32 to vector<16xi32>
          %add3A_1765 = arith.addi %add3A_256, %add3A_1764 : vector<16xi32>
          tpu.vector_store_idx %arg7[%add3A_1763, %add3A_1765], %gather3A_1545 : memref<128x128xf32, #tpu.memory_space<vmem>>[vector<16xi32>, vector<16xi32>], vector<16xf32>,
          %mul3A_1766 = arith.constant 32 : i32
          %mul3A_1767 = arith.muli %select_n3A_1453, %mul3A_1766 : i32
          %jit3A_1768 = arith.constant 4 : i32
          %div3A_1769 = arith.divsi %mul3A_1513, %jit3A_1768 : i32
          %sign3A_1770 = arith.constant 0 : i32
          %sign3A_1771 = arith.cmpi sgt, %mul3A_1513, %sign3A_1770 : i32
          %sign3A_1772 = arith.extui %sign3A_1771 : i1 to i32
          %sign3A_1773 = arith.constant 0 : i32
          %sign3A_1774 = arith.cmpi slt, %mul3A_1513, %sign3A_1773 : i32
          %sign3A_1775 = arith.extui %sign3A_1774 : i1 to i32
          %sign3A_1776 = arith.subi %sign3A_1772, %sign3A_1775 : i32
          %sign3A_1777 = arith.constant 0 : i32
          %sign3A_1778 = arith.cmpi sgt, %jit3A_1768, %sign3A_1777 : i32
          %sign3A_1779 = arith.extui %sign3A_1778 : i1 to i32
          %sign3A_1780 = arith.constant 0 : i32
          %sign3A_1781 = arith.cmpi slt, %jit3A_1768, %sign3A_1780 : i32
          %sign3A_1782 = arith.extui %sign3A_1781 : i1 to i32
          %sign3A_1783 = arith.subi %sign3A_1779, %sign3A_1782 : i32
          %ne3A_1784 = arith.cmpi ne, %sign3A_1776, %sign3A_1783 : i32
          %rem3A_1785 = arith.remsi %mul3A_1513, %jit3A_1768 : i32
          %ne3A_1786 = arith.constant 0 : i32
          %ne3A_1787 = arith.cmpi ne, %rem3A_1785, %ne3A_1786 : i32
          %and3A_1788 = arith.andi %ne3A_1784, %ne3A_1787 : i1
          %sub3A_1789 = arith.constant 1 : i32
          %sub3A_1790 = arith.subi %div3A_1769, %sub3A_1789 : i32
          %select_n3A_1791 = arith.select %and3A_1788, %sub3A_1790, %div3A_1769 : i32
          %add3A_1792 = arith.addi %mul3A_1767, %select_n3A_1791 : i32
          %add3A_1793 = vector.broadcast %add3A_1792 : i32 to vector<16xi32>
          %add3A_1794 = arith.addi %select_n3A_129, %add3A_1793 : vector<16xi32>
          %add3A_1795 = vector.broadcast %mul3A_1495 : i32 to vector<16xi32>
          %add3A_1796 = arith.addi %add3A_288, %add3A_1795 : vector<16xi32>
          tpu.vector_store_idx %arg7[%add3A_1794, %add3A_1796], %gather3A_1553 : memref<128x128xf32, #tpu.memory_space<vmem>>[vector<16xi32>, vector<16xi32>], vector<16xf32>,
          %mul3A_1797 = arith.constant 32 : i32
          %mul3A_1798 = arith.muli %select_n3A_1453, %mul3A_1797 : i32
          %jit3A_1799 = arith.constant 4 : i32
          %div3A_1800 = arith.divsi %mul3A_1513, %jit3A_1799 : i32
          %sign3A_1801 = arith.constant 0 : i32
          %sign3A_1802 = arith.cmpi sgt, %mul3A_1513, %sign3A_1801 : i32
          %sign3A_1803 = arith.extui %sign3A_1802 : i1 to i32
          %sign3A_1804 = arith.constant 0 : i32
          %sign3A_1805 = arith.cmpi slt, %mul3A_1513, %sign3A_1804 : i32
          %sign3A_1806 = arith.extui %sign3A_1805 : i1 to i32
          %sign3A_1807 = arith.subi %sign3A_1803, %sign3A_1806 : i32
          %sign3A_1808 = arith.constant 0 : i32
          %sign3A_1809 = arith.cmpi sgt, %jit3A_1799, %sign3A_1808 : i32
          %sign3A_1810 = arith.extui %sign3A_1809 : i1 to i32
          %sign3A_1811 = arith.constant 0 : i32
          %sign3A_1812 = arith.cmpi slt, %jit3A_1799, %sign3A_1811 : i32
          %sign3A_1813 = arith.extui %sign3A_1812 : i1 to i32
          %sign3A_1814 = arith.subi %sign3A_1810, %sign3A_1813 : i32
          %ne3A_1815 = arith.cmpi ne, %sign3A_1807, %sign3A_1814 : i32
          %rem3A_1816 = arith.remsi %mul3A_1513, %jit3A_1799 : i32
          %ne3A_1817 = arith.constant 0 : i32
          %ne3A_1818 = arith.cmpi ne, %rem3A_1816, %ne3A_1817 : i32
          %and3A_1819 = arith.andi %ne3A_1815, %ne3A_1818 : i1
          %sub3A_1820 = arith.constant 1 : i32
          %sub3A_1821 = arith.subi %div3A_1800, %sub3A_1820 : i32
          %select_n3A_1822 = arith.select %and3A_1819, %sub3A_1821, %div3A_1800 : i32
          %add3A_1823 = arith.addi %mul3A_1798, %select_n3A_1822 : i32
          %add3A_1824 = vector.broadcast %add3A_1823 : i32 to vector<16xi32>
          %add3A_1825 = arith.addi %select_n3A_129, %add3A_1824 : vector<16xi32>
          %add3A_1826 = vector.broadcast %mul3A_1495 : i32 to vector<16xi32>
          %add3A_1827 = arith.addi %add3A_320, %add3A_1826 : vector<16xi32>
          tpu.vector_store_idx %arg7[%add3A_1825, %add3A_1827], %gather3A_1561 : memref<128x128xf32, #tpu.memory_space<vmem>>[vector<16xi32>, vector<16xi32>], vector<16xf32>,
          %mul3A_1828 = arith.constant 32 : i32
          %mul3A_1829 = arith.muli %select_n3A_1453, %mul3A_1828 : i32
          %jit3A_1830 = arith.constant 4 : i32
          %div3A_1831 = arith.divsi %mul3A_1513, %jit3A_1830 : i32
          %sign3A_1832 = arith.constant 0 : i32
          %sign3A_1833 = arith.cmpi sgt, %mul3A_1513, %sign3A_1832 : i32
          %sign3A_1834 = arith.extui %sign3A_1833 : i1 to i32
          %sign3A_1835 = arith.constant 0 : i32
          %sign3A_1836 = arith.cmpi slt, %mul3A_1513, %sign3A_1835 : i32
          %sign3A_1837 = arith.extui %sign3A_1836 : i1 to i32
          %sign3A_1838 = arith.subi %sign3A_1834, %sign3A_1837 : i32
          %sign3A_1839 = arith.constant 0 : i32
          %sign3A_1840 = arith.cmpi sgt, %jit3A_1830, %sign3A_1839 : i32
          %sign3A_1841 = arith.extui %sign3A_1840 : i1 to i32
          %sign3A_1842 = arith.constant 0 : i32
          %sign3A_1843 = arith.cmpi slt, %jit3A_1830, %sign3A_1842 : i32
          %sign3A_1844 = arith.extui %sign3A_1843 : i1 to i32
          %sign3A_1845 = arith.subi %sign3A_1841, %sign3A_1844 : i32
          %ne3A_1846 = arith.cmpi ne, %sign3A_1838, %sign3A_1845 : i32
          %rem3A_1847 = arith.remsi %mul3A_1513, %jit3A_1830 : i32
          %ne3A_1848 = arith.constant 0 : i32
          %ne3A_1849 = arith.cmpi ne, %rem3A_1847, %ne3A_1848 : i32
          %and3A_1850 = arith.andi %ne3A_1846, %ne3A_1849 : i1
          %sub3A_1851 = arith.constant 1 : i32
          %sub3A_1852 = arith.subi %div3A_1831, %sub3A_1851 : i32
          %select_n3A_1853 = arith.select %and3A_1850, %sub3A_1852, %div3A_1831 : i32
          %add3A_1854 = arith.addi %mul3A_1829, %select_n3A_1853 : i32
          %add3A_1855 = vector.broadcast %add3A_1854 : i32 to vector<16xi32>
          %add3A_1856 = arith.addi %select_n3A_129, %add3A_1855 : vector<16xi32>
          %add3A_1857 = vector.broadcast %mul3A_1495 : i32 to vector<16xi32>
          %add3A_1858 = arith.addi %add3A_352, %add3A_1857 : vector<16xi32>
          tpu.vector_store_idx %arg7[%add3A_1856, %add3A_1858], %gather3A_1569 : memref<128x128xf32, #tpu.memory_space<vmem>>[vector<16xi32>, vector<16xi32>], vector<16xf32>,
          %mul3A_1859 = arith.constant 32 : i32
          %mul3A_1860 = arith.muli %select_n3A_1453, %mul3A_1859 : i32
          %jit3A_1861 = arith.constant 4 : i32
          %div3A_1862 = arith.divsi %mul3A_1513, %jit3A_1861 : i32
          %sign3A_1863 = arith.constant 0 : i32
          %sign3A_1864 = arith.cmpi sgt, %mul3A_1513, %sign3A_1863 : i32
          %sign3A_1865 = arith.extui %sign3A_1864 : i1 to i32
          %sign3A_1866 = arith.constant 0 : i32
          %sign3A_1867 = arith.cmpi slt, %mul3A_1513, %sign3A_1866 : i32
          %sign3A_1868 = arith.extui %sign3A_1867 : i1 to i32
          %sign3A_1869 = arith.subi %sign3A_1865, %sign3A_1868 : i32
          %sign3A_1870 = arith.constant 0 : i32
          %sign3A_1871 = arith.cmpi sgt, %jit3A_1861, %sign3A_1870 : i32
          %sign3A_1872 = arith.extui %sign3A_1871 : i1 to i32
          %sign3A_1873 = arith.constant 0 : i32
          %sign3A_1874 = arith.cmpi slt, %jit3A_1861, %sign3A_1873 : i32
          %sign3A_1875 = arith.extui %sign3A_1874 : i1 to i32
          %sign3A_1876 = arith.subi %sign3A_1872, %sign3A_1875 : i32
          %ne3A_1877 = arith.cmpi ne, %sign3A_1869, %sign3A_1876 : i32
          %rem3A_1878 = arith.remsi %mul3A_1513, %jit3A_1861 : i32
          %ne3A_1879 = arith.constant 0 : i32
          %ne3A_1880 = arith.cmpi ne, %rem3A_1878, %ne3A_1879 : i32
          %and3A_1881 = arith.andi %ne3A_1877, %ne3A_1880 : i1
          %sub3A_1882 = arith.constant 1 : i32
          %sub3A_1883 = arith.subi %div3A_1862, %sub3A_1882 : i32
          %select_n3A_1884 = arith.select %and3A_1881, %sub3A_1883, %div3A_1862 : i32
          %add3A_1885 = arith.addi %mul3A_1860, %select_n3A_1884 : i32
          %add3A_1886 = vector.broadcast %add3A_1885 : i32 to vector<16xi32>
          %add3A_1887 = arith.addi %select_n3A_129, %add3A_1886 : vector<16xi32>
          %add3A_1888 = vector.broadcast %mul3A_1495 : i32 to vector<16xi32>
          %add3A_1889 = arith.addi %add3A_384, %add3A_1888 : vector<16xi32>
          tpu.vector_store_idx %arg7[%add3A_1887, %add3A_1889], %gather3A_1577 : memref<128x128xf32, #tpu.memory_space<vmem>>[vector<16xi32>, vector<16xi32>], vector<16xf32>,
          %mul3A_1890 = arith.constant 32 : i32
          %mul3A_1891 = arith.muli %select_n3A_1453, %mul3A_1890 : i32
          %jit3A_1892 = arith.constant 4 : i32
          %div3A_1893 = arith.divsi %mul3A_1513, %jit3A_1892 : i32
          %sign3A_1894 = arith.constant 0 : i32
          %sign3A_1895 = arith.cmpi sgt, %mul3A_1513, %sign3A_1894 : i32
          %sign3A_1896 = arith.extui %sign3A_1895 : i1 to i32
          %sign3A_1897 = arith.constant 0 : i32
          %sign3A_1898 = arith.cmpi slt, %mul3A_1513, %sign3A_1897 : i32
          %sign3A_1899 = arith.extui %sign3A_1898 : i1 to i32
          %sign3A_1900 = arith.subi %sign3A_1896, %sign3A_1899 : i32
          %sign3A_1901 = arith.constant 0 : i32
          %sign3A_1902 = arith.cmpi sgt, %jit3A_1892, %sign3A_1901 : i32
          %sign3A_1903 = arith.extui %sign3A_1902 : i1 to i32
          %sign3A_1904 = arith.constant 0 : i32
          %sign3A_1905 = arith.cmpi slt, %jit3A_1892, %sign3A_1904 : i32
          %sign3A_1906 = arith.extui %sign3A_1905 : i1 to i32
          %sign3A_1907 = arith.subi %sign3A_1903, %sign3A_1906 : i32
          %ne3A_1908 = arith.cmpi ne, %sign3A_1900, %sign3A_1907 : i32
          %rem3A_1909 = arith.remsi %mul3A_1513, %jit3A_1892 : i32
          %ne3A_1910 = arith.constant 0 : i32
          %ne3A_1911 = arith.cmpi ne, %rem3A_1909, %ne3A_1910 : i32
          %and3A_1912 = arith.andi %ne3A_1908, %ne3A_1911 : i1
          %sub3A_1913 = arith.constant 1 : i32
          %sub3A_1914 = arith.subi %div3A_1893, %sub3A_1913 : i32
          %select_n3A_1915 = arith.select %and3A_1912, %sub3A_1914, %div3A_1893 : i32
          %add3A_1916 = arith.addi %mul3A_1891, %select_n3A_1915 : i32
          %add3A_1917 = vector.broadcast %add3A_1916 : i32 to vector<16xi32>
          %add3A_1918 = arith.addi %select_n3A_129, %add3A_1917 : vector<16xi32>
          %add3A_1919 = vector.broadcast %mul3A_1495 : i32 to vector<16xi32>
          %add3A_1920 = arith.addi %add3A_416, %add3A_1919 : vector<16xi32>
          tpu.vector_store_idx %arg7[%add3A_1918, %add3A_1920], %gather3A_1585 : memref<128x128xf32, #tpu.memory_space<vmem>>[vector<16xi32>, vector<16xi32>], vector<16xf32>,
          %mul3A_1921 = arith.constant 32 : i32
          %mul3A_1922 = arith.muli %select_n3A_1453, %mul3A_1921 : i32
          %jit3A_1923 = arith.constant 4 : i32
          %div3A_1924 = arith.divsi %mul3A_1513, %jit3A_1923 : i32
          %sign3A_1925 = arith.constant 0 : i32
          %sign3A_1926 = arith.cmpi sgt, %mul3A_1513, %sign3A_1925 : i32
          %sign3A_1927 = arith.extui %sign3A_1926 : i1 to i32
          %sign3A_1928 = arith.constant 0 : i32
          %sign3A_1929 = arith.cmpi slt, %mul3A_1513, %sign3A_1928 : i32
          %sign3A_1930 = arith.extui %sign3A_1929 : i1 to i32
          %sign3A_1931 = arith.subi %sign3A_1927, %sign3A_1930 : i32
          %sign3A_1932 = arith.constant 0 : i32
          %sign3A_1933 = arith.cmpi sgt, %jit3A_1923, %sign3A_1932 : i32
          %sign3A_1934 = arith.extui %sign3A_1933 : i1 to i32
          %sign3A_1935 = arith.constant 0 : i32
          %sign3A_1936 = arith.cmpi slt, %jit3A_1923, %sign3A_1935 : i32
          %sign3A_1937 = arith.extui %sign3A_1936 : i1 to i32
          %sign3A_1938 = arith.subi %sign3A_1934, %sign3A_1937 : i32
          %ne3A_1939 = arith.cmpi ne, %sign3A_1931, %sign3A_1938 : i32
          %rem3A_1940 = arith.remsi %mul3A_1513, %jit3A_1923 : i32
          %ne3A_1941 = arith.constant 0 : i32
          %ne3A_1942 = arith.cmpi ne, %rem3A_1940, %ne3A_1941 : i32
          %and3A_1943 = arith.andi %ne3A_1939, %ne3A_1942 : i1
          %sub3A_1944 = arith.constant 1 : i32
          %sub3A_1945 = arith.subi %div3A_1924, %sub3A_1944 : i32
          %select_n3A_1946 = arith.select %and3A_1943, %sub3A_1945, %div3A_1924 : i32
          %add3A_1947 = arith.addi %mul3A_1922, %select_n3A_1946 : i32
          %add3A_1948 = vector.broadcast %add3A_1947 : i32 to vector<16xi32>
          %add3A_1949 = arith.addi %select_n3A_129, %add3A_1948 : vector<16xi32>
          %add3A_1950 = vector.broadcast %mul3A_1495 : i32 to vector<16xi32>
          %add3A_1951 = arith.addi %add3A_448, %add3A_1950 : vector<16xi32>
          tpu.vector_store_idx %arg7[%add3A_1949, %add3A_1951], %gather3A_1593 : memref<128x128xf32, #tpu.memory_space<vmem>>[vector<16xi32>, vector<16xi32>], vector<16xf32>,
          %mul3A_1952 = arith.constant 32 : i32
          %mul3A_1953 = arith.muli %select_n3A_1453, %mul3A_1952 : i32
          %jit3A_1954 = arith.constant 4 : i32
          %div3A_1955 = arith.divsi %mul3A_1513, %jit3A_1954 : i32
          %sign3A_1956 = arith.constant 0 : i32
          %sign3A_1957 = arith.cmpi sgt, %mul3A_1513, %sign3A_1956 : i32
          %sign3A_1958 = arith.extui %sign3A_1957 : i1 to i32
          %sign3A_1959 = arith.constant 0 : i32
          %sign3A_1960 = arith.cmpi slt, %mul3A_1513, %sign3A_1959 : i32
          %sign3A_1961 = arith.extui %sign3A_1960 : i1 to i32
          %sign3A_1962 = arith.subi %sign3A_1958, %sign3A_1961 : i32
          %sign3A_1963 = arith.constant 0 : i32
          %sign3A_1964 = arith.cmpi sgt, %jit3A_1954, %sign3A_1963 : i32
          %sign3A_1965 = arith.extui %sign3A_1964 : i1 to i32
          %sign3A_1966 = arith.constant 0 : i32
          %sign3A_1967 = arith.cmpi slt, %jit3A_1954, %sign3A_1966 : i32
          %sign3A_1968 = arith.extui %sign3A_1967 : i1 to i32
          %sign3A_1969 = arith.subi %sign3A_1965, %sign3A_1968 : i32
          %ne3A_1970 = arith.cmpi ne, %sign3A_1962, %sign3A_1969 : i32
          %rem3A_1971 = arith.remsi %mul3A_1513, %jit3A_1954 : i32
          %ne3A_1972 = arith.constant 0 : i32
          %ne3A_1973 = arith.cmpi ne, %rem3A_1971, %ne3A_1972 : i32
          %and3A_1974 = arith.andi %ne3A_1970, %ne3A_1973 : i1
          %sub3A_1975 = arith.constant 1 : i32
          %sub3A_1976 = arith.subi %div3A_1955, %sub3A_1975 : i32
          %select_n3A_1977 = arith.select %and3A_1974, %sub3A_1976, %div3A_1955 : i32
          %add3A_1978 = arith.addi %mul3A_1953, %select_n3A_1977 : i32
          %add3A_1979 = vector.broadcast %add3A_1978 : i32 to vector<16xi32>
          %add3A_1980 = arith.addi %select_n3A_129, %add3A_1979 : vector<16xi32>
          %add3A_1981 = vector.broadcast %mul3A_1495 : i32 to vector<16xi32>
          %add3A_1982 = arith.addi %add3A_480, %add3A_1981 : vector<16xi32>
          tpu.vector_store_idx %arg7[%add3A_1980, %add3A_1982], %gather3A_1601 : memref<128x128xf32, #tpu.memory_space<vmem>>[vector<16xi32>, vector<16xi32>], vector<16xf32>,
          %mul3A_1983 = arith.constant 32 : i32
          %mul3A_1984 = arith.muli %select_n3A_1453, %mul3A_1983 : i32
          %jit3A_1985 = arith.constant 4 : i32
          %div3A_1986 = arith.divsi %mul3A_1513, %jit3A_1985 : i32
          %sign3A_1987 = arith.constant 0 : i32
          %sign3A_1988 = arith.cmpi sgt, %mul3A_1513, %sign3A_1987 : i32
          %sign3A_1989 = arith.extui %sign3A_1988 : i1 to i32
          %sign3A_1990 = arith.constant 0 : i32
          %sign3A_1991 = arith.cmpi slt, %mul3A_1513, %sign3A_1990 : i32
          %sign3A_1992 = arith.extui %sign3A_1991 : i1 to i32
          %sign3A_1993 = arith.subi %sign3A_1989, %sign3A_1992 : i32
          %sign3A_1994 = arith.constant 0 : i32
          %sign3A_1995 = arith.cmpi sgt, %jit3A_1985, %sign3A_1994 : i32
          %sign3A_1996 = arith.extui %sign3A_1995 : i1 to i32
          %sign3A_1997 = arith.constant 0 : i32
          %sign3A_1998 = arith.cmpi slt, %jit3A_1985, %sign3A_1997 : i32
          %sign3A_1999 = arith.extui %sign3A_1998 : i1 to i32
          %sign3A_2000 = arith.subi %sign3A_1996, %sign3A_1999 : i32
          %ne3A_2001 = arith.cmpi ne, %sign3A_1993, %sign3A_2000 : i32
          %rem3A_2002 = arith.remsi %mul3A_1513, %jit3A_1985 : i32
          %ne3A_2003 = arith.constant 0 : i32
          %ne3A_2004 = arith.cmpi ne, %rem3A_2002, %ne3A_2003 : i32
          %and3A_2005 = arith.andi %ne3A_2001, %ne3A_2004 : i1
          %sub3A_2006 = arith.constant 1 : i32
          %sub3A_2007 = arith.subi %div3A_1986, %sub3A_2006 : i32
          %select_n3A_2008 = arith.select %and3A_2005, %sub3A_2007, %div3A_1986 : i32
          %add3A_2009 = arith.addi %mul3A_1984, %select_n3A_2008 : i32
          %add3A_2010 = vector.broadcast %add3A_2009 : i32 to vector<16xi32>
          %add3A_2011 = arith.addi %select_n3A_129, %add3A_2010 : vector<16xi32>
          %add3A_2012 = vector.broadcast %mul3A_1495 : i32 to vector<16xi32>
          %add3A_2013 = arith.addi %add3A_512, %add3A_2012 : vector<16xi32>
          tpu.vector_store_idx %arg7[%add3A_2011, %add3A_2013], %gather3A_1609 : memref<128x128xf32, #tpu.memory_space<vmem>>[vector<16xi32>, vector<16xi32>], vector<16xf32>,
          %mul3A_2014 = arith.constant 32 : i32
          %mul3A_2015 = arith.muli %select_n3A_1453, %mul3A_2014 : i32
          %jit3A_2016 = arith.constant 4 : i32
          %div3A_2017 = arith.divsi %mul3A_1513, %jit3A_2016 : i32
          %sign3A_2018 = arith.constant 0 : i32
          %sign3A_2019 = arith.cmpi sgt, %mul3A_1513, %sign3A_2018 : i32
          %sign3A_2020 = arith.extui %sign3A_2019 : i1 to i32
          %sign3A_2021 = arith.constant 0 : i32
          %sign3A_2022 = arith.cmpi slt, %mul3A_1513, %sign3A_2021 : i32
          %sign3A_2023 = arith.extui %sign3A_2022 : i1 to i32
          %sign3A_2024 = arith.subi %sign3A_2020, %sign3A_2023 : i32
          %sign3A_2025 = arith.constant 0 : i32
          %sign3A_2026 = arith.cmpi sgt, %jit3A_2016, %sign3A_2025 : i32
          %sign3A_2027 = arith.extui %sign3A_2026 : i1 to i32
          %sign3A_2028 = arith.constant 0 : i32
          %sign3A_2029 = arith.cmpi slt, %jit3A_2016, %sign3A_2028 : i32
          %sign3A_2030 = arith.extui %sign3A_2029 : i1 to i32
          %sign3A_2031 = arith.subi %sign3A_2027, %sign3A_2030 : i32
          %ne3A_2032 = arith.cmpi ne, %sign3A_2024, %sign3A_2031 : i32
          %rem3A_2033 = arith.remsi %mul3A_1513, %jit3A_2016 : i32
          %ne3A_2034 = arith.constant 0 : i32
          %ne3A_2035 = arith.cmpi ne, %rem3A_2033, %ne3A_2034 : i32
          %and3A_2036 = arith.andi %ne3A_2032, %ne3A_2035 : i1
          %sub3A_2037 = arith.constant 1 : i32
          %sub3A_2038 = arith.subi %div3A_2017, %sub3A_2037 : i32
          %select_n3A_2039 = arith.select %and3A_2036, %sub3A_2038, %div3A_2017 : i32
          %add3A_2040 = arith.addi %mul3A_2015, %select_n3A_2039 : i32
          %add3A_2041 = vector.broadcast %add3A_2040 : i32 to vector<16xi32>
          %add3A_2042 = arith.addi %select_n3A_129, %add3A_2041 : vector<16xi32>
          %add3A_2043 = vector.broadcast %mul3A_1495 : i32 to vector<16xi32>
          %add3A_2044 = arith.addi %add3A_544, %add3A_2043 : vector<16xi32>
          tpu.vector_store_idx %arg7[%add3A_2042, %add3A_2044], %gather3A_1617 : memref<128x128xf32, #tpu.memory_space<vmem>>[vector<16xi32>, vector<16xi32>], vector<16xf32>,
          %mul3A_2045 = arith.constant 32 : i32
          %mul3A_2046 = arith.muli %select_n3A_1453, %mul3A_2045 : i32
          %jit3A_2047 = arith.constant 4 : i32
          %div3A_2048 = arith.divsi %mul3A_1513, %jit3A_2047 : i32
          %sign3A_2049 = arith.constant 0 : i32
          %sign3A_2050 = arith.cmpi sgt, %mul3A_1513, %sign3A_2049 : i32
          %sign3A_2051 = arith.extui %sign3A_2050 : i1 to i32
          %sign3A_2052 = arith.constant 0 : i32
          %sign3A_2053 = arith.cmpi slt, %mul3A_1513, %sign3A_2052 : i32
          %sign3A_2054 = arith.extui %sign3A_2053 : i1 to i32
          %sign3A_2055 = arith.subi %sign3A_2051, %sign3A_2054 : i32
          %sign3A_2056 = arith.constant 0 : i32
          %sign3A_2057 = arith.cmpi sgt, %jit3A_2047, %sign3A_2056 : i32
          %sign3A_2058 = arith.extui %sign3A_2057 : i1 to i32
          %sign3A_2059 = arith.constant 0 : i32
          %sign3A_2060 = arith.cmpi slt, %jit3A_2047, %sign3A_2059 : i32
          %sign3A_2061 = arith.extui %sign3A_2060 : i1 to i32
          %sign3A_2062 = arith.subi %sign3A_2058, %sign3A_2061 : i32
          %ne3A_2063 = arith.cmpi ne, %sign3A_2055, %sign3A_2062 : i32
          %rem3A_2064 = arith.remsi %mul3A_1513, %jit3A_2047 : i32
          %ne3A_2065 = arith.constant 0 : i32
          %ne3A_2066 = arith.cmpi ne, %rem3A_2064, %ne3A_2065 : i32
          %and3A_2067 = arith.andi %ne3A_2063, %ne3A_2066 : i1
          %sub3A_2068 = arith.constant 1 : i32
          %sub3A_2069 = arith.subi %div3A_2048, %sub3A_2068 : i32
          %select_n3A_2070 = arith.select %and3A_2067, %sub3A_2069, %div3A_2048 : i32
          %add3A_2071 = arith.addi %mul3A_2046, %select_n3A_2070 : i32
          %add3A_2072 = vector.broadcast %add3A_2071 : i32 to vector<16xi32>
          %add3A_2073 = arith.addi %select_n3A_129, %add3A_2072 : vector<16xi32>
          %add3A_2074 = vector.broadcast %mul3A_1495 : i32 to vector<16xi32>
          %add3A_2075 = arith.addi %add3A_576, %add3A_2074 : vector<16xi32>
          tpu.vector_store_idx %arg7[%add3A_2073, %add3A_2075], %gather3A_1625 : memref<128x128xf32, #tpu.memory_space<vmem>>[vector<16xi32>, vector<16xi32>], vector<16xf32>,
          %mul3A_2076 = arith.constant 32 : i32
          %mul3A_2077 = arith.muli %select_n3A_1453, %mul3A_2076 : i32
          %jit3A_2078 = arith.constant 4 : i32
          %div3A_2079 = arith.divsi %mul3A_1513, %jit3A_2078 : i32
          %sign3A_2080 = arith.constant 0 : i32
          %sign3A_2081 = arith.cmpi sgt, %mul3A_1513, %sign3A_2080 : i32
          %sign3A_2082 = arith.extui %sign3A_2081 : i1 to i32
          %sign3A_2083 = arith.constant 0 : i32
          %sign3A_2084 = arith.cmpi slt, %mul3A_1513, %sign3A_2083 : i32
          %sign3A_2085 = arith.extui %sign3A_2084 : i1 to i32
          %sign3A_2086 = arith.subi %sign3A_2082, %sign3A_2085 : i32
          %sign3A_2087 = arith.constant 0 : i32
          %sign3A_2088 = arith.cmpi sgt, %jit3A_2078, %sign3A_2087 : i32
          %sign3A_2089 = arith.extui %sign3A_2088 : i1 to i32
          %sign3A_2090 = arith.constant 0 : i32
          %sign3A_2091 = arith.cmpi slt, %jit3A_2078, %sign3A_2090 : i32
          %sign3A_2092 = arith.extui %sign3A_2091 : i1 to i32
          %sign3A_2093 = arith.subi %sign3A_2089, %sign3A_2092 : i32
          %ne3A_2094 = arith.cmpi ne, %sign3A_2086, %sign3A_2093 : i32
          %rem3A_2095 = arith.remsi %mul3A_1513, %jit3A_2078 : i32
          %ne3A_2096 = arith.constant 0 : i32
          %ne3A_2097 = arith.cmpi ne, %rem3A_2095, %ne3A_2096 : i32
          %and3A_2098 = arith.andi %ne3A_2094, %ne3A_2097 : i1
          %sub3A_2099 = arith.constant 1 : i32
          %sub3A_2100 = arith.subi %div3A_2079, %sub3A_2099 : i32
          %select_n3A_2101 = arith.select %and3A_2098, %sub3A_2100, %div3A_2079 : i32
          %add3A_2102 = arith.addi %mul3A_2077, %select_n3A_2101 : i32
          %add3A_2103 = vector.broadcast %add3A_2102 : i32 to vector<16xi32>
          %add3A_2104 = arith.addi %select_n3A_129, %add3A_2103 : vector<16xi32>
          %add3A_2105 = vector.broadcast %mul3A_1495 : i32 to vector<16xi32>
          %add3A_2106 = arith.addi %add3A_608, %add3A_2105 : vector<16xi32>
          tpu.vector_store_idx %arg7[%add3A_2104, %add3A_2106], %gather3A_1633 : memref<128x128xf32, #tpu.memory_space<vmem>>[vector<16xi32>, vector<16xi32>], vector<16xf32>,
          %mul3A_2107 = arith.constant 32 : i32
          %mul3A_2108 = arith.muli %select_n3A_1453, %mul3A_2107 : i32
          %jit3A_2109 = arith.constant 4 : i32
          %div3A_2110 = arith.divsi %mul3A_1513, %jit3A_2109 : i32
          %sign3A_2111 = arith.constant 0 : i32
          %sign3A_2112 = arith.cmpi sgt, %mul3A_1513, %sign3A_2111 : i32
          %sign3A_2113 = arith.extui %sign3A_2112 : i1 to i32
          %sign3A_2114 = arith.constant 0 : i32
          %sign3A_2115 = arith.cmpi slt, %mul3A_1513, %sign3A_2114 : i32
          %sign3A_2116 = arith.extui %sign3A_2115 : i1 to i32
          %sign3A_2117 = arith.subi %sign3A_2113, %sign3A_2116 : i32
          %sign3A_2118 = arith.constant 0 : i32
          %sign3A_2119 = arith.cmpi sgt, %jit3A_2109, %sign3A_2118 : i32
          %sign3A_2120 = arith.extui %sign3A_2119 : i1 to i32
          %sign3A_2121 = arith.constant 0 : i32
          %sign3A_2122 = arith.cmpi slt, %jit3A_2109, %sign3A_2121 : i32
          %sign3A_2123 = arith.extui %sign3A_2122 : i1 to i32
          %sign3A_2124 = arith.subi %sign3A_2120, %sign3A_2123 : i32
          %ne3A_2125 = arith.cmpi ne, %sign3A_2117, %sign3A_2124 : i32
          %rem3A_2126 = arith.remsi %mul3A_1513, %jit3A_2109 : i32
          %ne3A_2127 = arith.constant 0 : i32
          %ne3A_2128 = arith.cmpi ne, %rem3A_2126, %ne3A_2127 : i32
          %and3A_2129 = arith.andi %ne3A_2125, %ne3A_2128 : i1
          %sub3A_2130 = arith.constant 1 : i32
          %sub3A_2131 = arith.subi %div3A_2110, %sub3A_2130 : i32
          %select_n3A_2132 = arith.select %and3A_2129, %sub3A_2131, %div3A_2110 : i32
          %add3A_2133 = arith.addi %mul3A_2108, %select_n3A_2132 : i32
          %add3A_2134 = vector.broadcast %add3A_2133 : i32 to vector<16xi32>
          %add3A_2135 = arith.addi %select_n3A_129, %add3A_2134 : vector<16xi32>
          %add3A_2136 = vector.broadcast %mul3A_1495 : i32 to vector<16xi32>
          %add3A_2137 = arith.addi %add3A_640, %add3A_2136 : vector<16xi32>
          tpu.vector_store_idx %arg7[%add3A_2135, %add3A_2137], %gather3A_1641 : memref<128x128xf32, #tpu.memory_space<vmem>>[vector<16xi32>, vector<16xi32>], vector<16xf32>,
        }
        %scan3A_705 = arith.constant 32 : i32
        %add3A_706 = arith.addi %add3A_8, %add3A_671 : i32
        %mul3A_707 = arith.constant 128 : i32
        %mul3A_708 = arith.muli %add3A_706, %mul3A_707 : i32
        %multiple_of3A_709 = tpu.assume_multiple %mul3A_708, 128 : i32
        %dma_start3A_710 = arith.constant 0 : i32
        %dma_start3A_711 = tpu.memref_slice %arg4[%multiple_of3A_709, %dma_start3A_710] : memref<250000x128xf32, #tpu.memory_space<hbm>> -> memref<128x128xf32, #tpu.memory_space<hbm>>
        %dma_start3A_712 = arith.constant 0 : i32
        %dma_start3A_713 = tpu.memref_slice %arg4[%multiple_of3A_709, %dma_start3A_712] : memref<250000x128xf32, #tpu.memory_space<hbm>> -> memref<128x128xf32, #tpu.memory_space<hbm>>
        tpu.enqueue_dma source(%arg7 : memref<128x128xf32, #tpu.memory_space<vmem>>) target(%dma_start3A_713 : memref<128x128xf32, #tpu.memory_space<hbm>>) target_semaphore(%arg11 : memref<!tpu.dma_semaphore, #tpu.memory_space<semaphore_mem>>)
      } else {
      }
      %mul3A_676 = arith.constant 2 : i32
      %mul3A_677 = arith.muli %mul3A_676, %scan3A_667 : i32
      %add3A_678 = arith.constant 1 : i32
      %add3A_679 = arith.addi %mul3A_677, %add3A_678 : i32
      %lt3A_680 = arith.cmpi slt, %add3A_679, %add3A_4 : i32
      %convert_element_type3A_681 = arith.extui %lt3A_680 : i1 to i32
      %cond3A_682 = arith.constant 0 : i32
      %cond3A_683 = arith.cmpi ne, %convert_element_type3A_681, %cond3A_682 : i32
      scf.if %cond3A_683 {
        %add3A_684 = arith.constant 1 : i32
        %add3A_685 = arith.addi %add3A_679, %add3A_684 : i32
        %lt3A_686 = arith.cmpi slt, %add3A_685, %add3A_4 : i32
        %convert_element_type3A_687 = arith.extui %lt3A_686 : i1 to i32
        %cond3A_688 = arith.constant 0 : i32
        %cond3A_689 = arith.cmpi ne, %convert_element_type3A_687, %cond3A_688 : i32
        scf.if %cond3A_689 {
          %add3A_714 = arith.constant 1 : i32
          %add3A_715 = arith.addi %add3A_679, %add3A_714 : i32
          %add3A_716 = arith.addi %add3A_8, %add3A_715 : i32
          %mul3A_717 = arith.constant 512 : i32
          %mul3A_718 = arith.muli %add3A_716, %mul3A_717 : i32
          %multiple_of3A_719 = tpu.assume_multiple %mul3A_718, 512 : i32
          %dma_start3A_720 = arith.constant 0 : i32
          %dma_start3A_721 = tpu.memref_slice %arg2[%dma_start3A_720, %multiple_of3A_719] : memref<32x1000000xf32, #tpu.memory_space<hbm>> -> memref<32x512xf32, #tpu.memory_space<hbm>>
          %dma_start3A_722 = arith.constant 0 : i32
          %dma_start3A_723 = tpu.memref_slice %arg2[%dma_start3A_722, %multiple_of3A_719] : memref<32x1000000xf32, #tpu.memory_space<hbm>> -> memref<32x512xf32, #tpu.memory_space<hbm>>
          tpu.enqueue_dma source(%dma_start3A_723 : memref<32x512xf32, #tpu.memory_space<hbm>>) target(%arg5 : memref<32x512xf32, #tpu.memory_space<vmem>>) target_semaphore(%arg9 : memref<!tpu.dma_semaphore, #tpu.memory_space<semaphore_mem>>)
        } else {
        }
        %dma_wait3A_690 = arith.constant 0 : i32
        %dma_wait3A_691 = arith.constant 0 : i32
        %dma_wait3A_692 = tpu.memref_slice %arg2[%dma_wait3A_690, %dma_wait3A_691] : memref<32x1000000xf32, #tpu.memory_space<hbm>> -> memref<32x512xf32, #tpu.memory_space<hbm>>
        %dma_wait3A_693 = arith.constant 0 : i32
        %dma_wait3A_694 = arith.constant 0 : i32
        %dma_wait3A_695 = tpu.memref_slice %arg2[%dma_wait3A_693, %dma_wait3A_694] : memref<32x1000000xf32, #tpu.memory_space<hbm>> -> memref<32x512xf32, #tpu.memory_space<hbm>>
        tpu.wait_dma2 semaphore(%arg10 : memref<!tpu.dma_semaphore, #tpu.memory_space<semaphore_mem>>) src(%dma_wait3A_695 : memref<32x512xf32, #tpu.memory_space<hbm>>) dst(%arg6 : memref<32x512xf32, #tpu.memory_space<vmem>>)
        %ge3A = arith.constant 2 : i32
        %ge3A_696 = arith.cmpi sge, %add3A_679, %ge3A : i32
        %convert_element_type3A_697 = arith.extui %ge3A_696 : i1 to i32
        %cond3A_698 = arith.constant 0 : i32
        %cond3A_699 = arith.cmpi ne, %convert_element_type3A_697, %cond3A_698 : i32
        scf.if %cond3A_699 {
          %dma_wait3A_714 = arith.constant 0 : i32
          %dma_wait3A_715 = arith.constant 0 : i32
          %dma_wait3A_716 = tpu.memref_slice %arg4[%dma_wait3A_714, %dma_wait3A_715] : memref<250000x128xf32, #tpu.memory_space<hbm>> -> memref<128x128xf32, #tpu.memory_space<hbm>>
          %dma_wait3A_717 = arith.constant 0 : i32
          %dma_wait3A_718 = arith.constant 0 : i32
          %dma_wait3A_719 = tpu.memref_slice %arg4[%dma_wait3A_717, %dma_wait3A_718] : memref<250000x128xf32, #tpu.memory_space<hbm>> -> memref<128x128xf32, #tpu.memory_space<hbm>>
          tpu.wait_dma2 semaphore(%arg12 : memref<!tpu.dma_semaphore, #tpu.memory_space<semaphore_mem>>) src(%arg8 : memref<128x128xf32, #tpu.memory_space<vmem>>) dst(%dma_wait3A_719 : memref<128x128xf32, #tpu.memory_space<hbm>>)
        } else {
        }
        %scan3A_700 = arith.constant 0 : i32
        %scan3A_701 = arith.constant 0 : i32
        %scan3A_702 = arith.constant 32 : i32
        %scan3A_703 = arith.addi %scan3A_701, %scan3A_702 : i32
        %scan3A_704 = arith.constant 1 : i32
        scf.for %scan3A_714 = %scan3A_701 to %scan3A_703 step %scan3A_704  : i32 {
          %mul3A_715 = arith.constant 2 : i32
          %mul3A_716 = arith.muli %mul3A_715, %scan3A_714 : i32
          %add3A_717 = arith.constant 0 : i32
          %add3A_718 = arith.addi %mul3A_716, %add3A_717 : i32
          %jit3A_719 = arith.constant 16 : i32
          %div3A_720 = arith.divsi %add3A_718, %jit3A_719 : i32
          %sign3A_721 = arith.constant 0 : i32
          %sign3A_722 = arith.cmpi sgt, %add3A_718, %sign3A_721 : i32
          %sign3A_723 = arith.extui %sign3A_722 : i1 to i32
          %sign3A_724 = arith.constant 0 : i32
          %sign3A_725 = arith.cmpi slt, %add3A_718, %sign3A_724 : i32
          %sign3A_726 = arith.extui %sign3A_725 : i1 to i32
          %sign3A_727 = arith.subi %sign3A_723, %sign3A_726 : i32
          %sign3A_728 = arith.constant 0 : i32
          %sign3A_729 = arith.cmpi sgt, %jit3A_719, %sign3A_728 : i32
          %sign3A_730 = arith.extui %sign3A_729 : i1 to i32
          %sign3A_731 = arith.constant 0 : i32
          %sign3A_732 = arith.cmpi slt, %jit3A_719, %sign3A_731 : i32
          %sign3A_733 = arith.extui %sign3A_732 : i1 to i32
          %sign3A_734 = arith.subi %sign3A_730, %sign3A_733 : i32
          %ne3A_735 = arith.cmpi ne, %sign3A_727, %sign3A_734 : i32
          %rem3A_736 = arith.remsi %add3A_718, %jit3A_719 : i32
          %ne3A_737 = arith.constant 0 : i32
          %ne3A_738 = arith.cmpi ne, %rem3A_736, %ne3A_737 : i32
          %and3A_739 = arith.andi %ne3A_735, %ne3A_738 : i1
          %sub3A_740 = arith.constant 1 : i32
          %sub3A_741 = arith.subi %div3A_720, %sub3A_740 : i32
          %select_n3A_742 = arith.select %and3A_739, %sub3A_741, %div3A_720 : i32
          %jit3A_743 = arith.constant 8 : i32
          %div3A_744 = arith.divsi %add3A_718, %jit3A_743 : i32
          %sign3A_745 = arith.constant 0 : i32
          %sign3A_746 = arith.cmpi sgt, %add3A_718, %sign3A_745 : i32
          %sign3A_747 = arith.extui %sign3A_746 : i1 to i32
          %sign3A_748 = arith.constant 0 : i32
          %sign3A_749 = arith.cmpi slt, %add3A_718, %sign3A_748 : i32
          %sign3A_750 = arith.extui %sign3A_749 : i1 to i32
          %sign3A_751 = arith.subi %sign3A_747, %sign3A_750 : i32
          %sign3A_752 = arith.constant 0 : i32
          %sign3A_753 = arith.cmpi sgt, %jit3A_743, %sign3A_752 : i32
          %sign3A_754 = arith.extui %sign3A_753 : i1 to i32
          %sign3A_755 = arith.constant 0 : i32
          %sign3A_756 = arith.cmpi slt, %jit3A_743, %sign3A_755 : i32
          %sign3A_757 = arith.extui %sign3A_756 : i1 to i32
          %sign3A_758 = arith.subi %sign3A_754, %sign3A_757 : i32
          %ne3A_759 = arith.cmpi ne, %sign3A_751, %sign3A_758 : i32
          %rem3A_760 = arith.remsi %add3A_718, %jit3A_743 : i32
          %ne3A_761 = arith.constant 0 : i32
          %ne3A_762 = arith.cmpi ne, %rem3A_760, %ne3A_761 : i32
          %and3A_763 = arith.andi %ne3A_759, %ne3A_762 : i1
          %sub3A_764 = arith.constant 1 : i32
          %sub3A_765 = arith.subi %div3A_744, %sub3A_764 : i32
          %select_n3A_766 = arith.select %and3A_763, %sub3A_765, %div3A_744 : i32
          %jit3A_767 = arith.constant 2 : i32
          %eq3A_768 = arith.constant 0 : i32
          %eq3A_769 = arith.cmpi eq, %jit3A_767, %eq3A_768 : i32
          %jit3A_770 = arith.constant 1 : i32
          %select_n3A_771 = arith.select %eq3A_769, %jit3A_770, %jit3A_767 : i32
          %rem3A_772 = arith.remsi %select_n3A_766, %select_n3A_771 : i32
          %ne3A_773 = arith.constant 0 : i32
          %ne3A_774 = arith.cmpi ne, %rem3A_772, %ne3A_773 : i32
          %lt3A_775 = arith.constant 0 : i32
          %lt3A_776 = arith.cmpi slt, %rem3A_772, %lt3A_775 : i32
          %lt3A_777 = arith.constant 0 : i32
          %lt3A_778 = arith.cmpi slt, %select_n3A_771, %lt3A_777 : i32
          %ne3A_779 = arith.xori %lt3A_776, %lt3A_778 : i1
          %and3A_780 = arith.andi %ne3A_779, %ne3A_774 : i1
          %add3A_781 = arith.addi %rem3A_772, %select_n3A_771 : i32
          %select_n3A_782 = arith.select %and3A_780, %add3A_781, %rem3A_772 : i32
          %mul3A_783 = arith.constant 16 : i32
          %mul3A_784 = arith.muli %select_n3A_782, %mul3A_783 : i32
          %jit3A_785 = arith.constant 8 : i32
          %eq3A_786 = arith.constant 0 : i32
          %eq3A_787 = arith.cmpi eq, %jit3A_785, %eq3A_786 : i32
          %jit3A_788 = arith.constant 1 : i32
          %select_n3A_789 = arith.select %eq3A_787, %jit3A_788, %jit3A_785 : i32
          %rem3A_790 = arith.remsi %add3A_718, %select_n3A_789 : i32
          %ne3A_791 = arith.constant 0 : i32
          %ne3A_792 = arith.cmpi ne, %rem3A_790, %ne3A_791 : i32
          %lt3A_793 = arith.constant 0 : i32
          %lt3A_794 = arith.cmpi slt, %rem3A_790, %lt3A_793 : i32
          %lt3A_795 = arith.constant 0 : i32
          %lt3A_796 = arith.cmpi slt, %select_n3A_789, %lt3A_795 : i32
          %ne3A_797 = arith.xori %lt3A_794, %lt3A_796 : i1
          %and3A_798 = arith.andi %ne3A_797, %ne3A_792 : i1
          %add3A_799 = arith.addi %rem3A_790, %select_n3A_789 : i32
          %select_n3A_800 = arith.select %and3A_798, %add3A_799, %rem3A_790 : i32
          %mul3A_801 = arith.constant 16 : i32
          %mul3A_802 = arith.muli %select_n3A_800, %mul3A_801 : i32
          %add3A_803 = vector.broadcast %mul3A_784 : i32 to vector<16xi32>
          %add3A_804 = arith.addi %and3A_13, %add3A_803 : vector<16xi32>
          %mul3A_805 = arith.constant 128 : i32
          %mul3A_806 = arith.muli %select_n3A_742, %mul3A_805 : i32
          %add3A_807 = arith.addi %mul3A_806, %mul3A_802 : i32
          %add3A_808 = vector.broadcast %add3A_807 : i32 to vector<16xi32>
          %add3A_809 = arith.addi %iota3A, %add3A_808 : vector<16xi32>
          %gather3A = tpu.vector_load_idx %arg6[%add3A_804, %add3A_809] : memref<32x512xf32, #tpu.memory_space<vmem>>[vector<16xi32>, vector<16xi32>], vector<16xf32>,
          %add3A_810 = vector.broadcast %mul3A_784 : i32 to vector<16xi32>
          %add3A_811 = arith.addi %and3A_19, %add3A_810 : vector<16xi32>
          %mul3A_812 = arith.constant 128 : i32
          %mul3A_813 = arith.muli %select_n3A_742, %mul3A_812 : i32
          %add3A_814 = arith.addi %mul3A_813, %mul3A_802 : i32
          %add3A_815 = vector.broadcast %add3A_814 : i32 to vector<16xi32>
          %add3A_816 = arith.addi %iota3A, %add3A_815 : vector<16xi32>
          %gather3A_817 = tpu.vector_load_idx %arg6[%add3A_811, %add3A_816] : memref<32x512xf32, #tpu.memory_space<vmem>>[vector<16xi32>, vector<16xi32>], vector<16xf32>,
          %add3A_818 = vector.broadcast %mul3A_784 : i32 to vector<16xi32>
          %add3A_819 = arith.addi %and3A_25, %add3A_818 : vector<16xi32>
          %mul3A_820 = arith.constant 128 : i32
          %mul3A_821 = arith.muli %select_n3A_742, %mul3A_820 : i32
          %add3A_822 = arith.addi %mul3A_821, %mul3A_802 : i32
          %add3A_823 = vector.broadcast %add3A_822 : i32 to vector<16xi32>
          %add3A_824 = arith.addi %iota3A, %add3A_823 : vector<16xi32>
          %gather3A_825 = tpu.vector_load_idx %arg6[%add3A_819, %add3A_824] : memref<32x512xf32, #tpu.memory_space<vmem>>[vector<16xi32>, vector<16xi32>], vector<16xf32>,
          %add3A_826 = vector.broadcast %mul3A_784 : i32 to vector<16xi32>
          %add3A_827 = arith.addi %and3A_31, %add3A_826 : vector<16xi32>
          %mul3A_828 = arith.constant 128 : i32
          %mul3A_829 = arith.muli %select_n3A_742, %mul3A_828 : i32
          %add3A_830 = arith.addi %mul3A_829, %mul3A_802 : i32
          %add3A_831 = vector.broadcast %add3A_830 : i32 to vector<16xi32>
          %add3A_832 = arith.addi %iota3A, %add3A_831 : vector<16xi32>
          %gather3A_833 = tpu.vector_load_idx %arg6[%add3A_827, %add3A_832] : memref<32x512xf32, #tpu.memory_space<vmem>>[vector<16xi32>, vector<16xi32>], vector<16xf32>,
          %add3A_834 = vector.broadcast %mul3A_784 : i32 to vector<16xi32>
          %add3A_835 = arith.addi %and3A_37, %add3A_834 : vector<16xi32>
          %mul3A_836 = arith.constant 128 : i32
          %mul3A_837 = arith.muli %select_n3A_742, %mul3A_836 : i32
          %add3A_838 = arith.addi %mul3A_837, %mul3A_802 : i32
          %add3A_839 = vector.broadcast %add3A_838 : i32 to vector<16xi32>
          %add3A_840 = arith.addi %iota3A, %add3A_839 : vector<16xi32>
          %gather3A_841 = tpu.vector_load_idx %arg6[%add3A_835, %add3A_840] : memref<32x512xf32, #tpu.memory_space<vmem>>[vector<16xi32>, vector<16xi32>], vector<16xf32>,
          %add3A_842 = vector.broadcast %mul3A_784 : i32 to vector<16xi32>
          %add3A_843 = arith.addi %and3A_43, %add3A_842 : vector<16xi32>
          %mul3A_844 = arith.constant 128 : i32
          %mul3A_845 = arith.muli %select_n3A_742, %mul3A_844 : i32
          %add3A_846 = arith.addi %mul3A_845, %mul3A_802 : i32
          %add3A_847 = vector.broadcast %add3A_846 : i32 to vector<16xi32>
          %add3A_848 = arith.addi %iota3A, %add3A_847 : vector<16xi32>
          %gather3A_849 = tpu.vector_load_idx %arg6[%add3A_843, %add3A_848] : memref<32x512xf32, #tpu.memory_space<vmem>>[vector<16xi32>, vector<16xi32>], vector<16xf32>,
          %add3A_850 = vector.broadcast %mul3A_784 : i32 to vector<16xi32>
          %add3A_851 = arith.addi %and3A_49, %add3A_850 : vector<16xi32>
          %mul3A_852 = arith.constant 128 : i32
          %mul3A_853 = arith.muli %select_n3A_742, %mul3A_852 : i32
          %add3A_854 = arith.addi %mul3A_853, %mul3A_802 : i32
          %add3A_855 = vector.broadcast %add3A_854 : i32 to vector<16xi32>
          %add3A_856 = arith.addi %iota3A, %add3A_855 : vector<16xi32>
          %gather3A_857 = tpu.vector_load_idx %arg6[%add3A_851, %add3A_856] : memref<32x512xf32, #tpu.memory_space<vmem>>[vector<16xi32>, vector<16xi32>], vector<16xf32>,
          %add3A_858 = vector.broadcast %mul3A_784 : i32 to vector<16xi32>
          %add3A_859 = arith.addi %and3A_55, %add3A_858 : vector<16xi32>
          %mul3A_860 = arith.constant 128 : i32
          %mul3A_861 = arith.muli %select_n3A_742, %mul3A_860 : i32
          %add3A_862 = arith.addi %mul3A_861, %mul3A_802 : i32
          %add3A_863 = vector.broadcast %add3A_862 : i32 to vector<16xi32>
          %add3A_864 = arith.addi %iota3A, %add3A_863 : vector<16xi32>
          %gather3A_865 = tpu.vector_load_idx %arg6[%add3A_859, %add3A_864] : memref<32x512xf32, #tpu.memory_space<vmem>>[vector<16xi32>, vector<16xi32>], vector<16xf32>,
          %add3A_866 = vector.broadcast %mul3A_784 : i32 to vector<16xi32>
          %add3A_867 = arith.addi %and3A_61, %add3A_866 : vector<16xi32>
          %mul3A_868 = arith.constant 128 : i32
          %mul3A_869 = arith.muli %select_n3A_742, %mul3A_868 : i32
          %add3A_870 = arith.addi %mul3A_869, %mul3A_802 : i32
          %add3A_871 = vector.broadcast %add3A_870 : i32 to vector<16xi32>
          %add3A_872 = arith.addi %iota3A, %add3A_871 : vector<16xi32>
          %gather3A_873 = tpu.vector_load_idx %arg6[%add3A_867, %add3A_872] : memref<32x512xf32, #tpu.memory_space<vmem>>[vector<16xi32>, vector<16xi32>], vector<16xf32>,
          %add3A_874 = vector.broadcast %mul3A_784 : i32 to vector<16xi32>
          %add3A_875 = arith.addi %and3A_67, %add3A_874 : vector<16xi32>
          %mul3A_876 = arith.constant 128 : i32
          %mul3A_877 = arith.muli %select_n3A_742, %mul3A_876 : i32
          %add3A_878 = arith.addi %mul3A_877, %mul3A_802 : i32
          %add3A_879 = vector.broadcast %add3A_878 : i32 to vector<16xi32>
          %add3A_880 = arith.addi %iota3A, %add3A_879 : vector<16xi32>
          %gather3A_881 = tpu.vector_load_idx %arg6[%add3A_875, %add3A_880] : memref<32x512xf32, #tpu.memory_space<vmem>>[vector<16xi32>, vector<16xi32>], vector<16xf32>,
          %add3A_882 = vector.broadcast %mul3A_784 : i32 to vector<16xi32>
          %add3A_883 = arith.addi %and3A_73, %add3A_882 : vector<16xi32>
          %mul3A_884 = arith.constant 128 : i32
          %mul3A_885 = arith.muli %select_n3A_742, %mul3A_884 : i32
          %add3A_886 = arith.addi %mul3A_885, %mul3A_802 : i32
          %add3A_887 = vector.broadcast %add3A_886 : i32 to vector<16xi32>
          %add3A_888 = arith.addi %iota3A, %add3A_887 : vector<16xi32>
          %gather3A_889 = tpu.vector_load_idx %arg6[%add3A_883, %add3A_888] : memref<32x512xf32, #tpu.memory_space<vmem>>[vector<16xi32>, vector<16xi32>], vector<16xf32>,
          %add3A_890 = vector.broadcast %mul3A_784 : i32 to vector<16xi32>
          %add3A_891 = arith.addi %and3A_79, %add3A_890 : vector<16xi32>
          %mul3A_892 = arith.constant 128 : i32
          %mul3A_893 = arith.muli %select_n3A_742, %mul3A_892 : i32
          %add3A_894 = arith.addi %mul3A_893, %mul3A_802 : i32
          %add3A_895 = vector.broadcast %add3A_894 : i32 to vector<16xi32>
          %add3A_896 = arith.addi %iota3A, %add3A_895 : vector<16xi32>
          %gather3A_897 = tpu.vector_load_idx %arg6[%add3A_891, %add3A_896] : memref<32x512xf32, #tpu.memory_space<vmem>>[vector<16xi32>, vector<16xi32>], vector<16xf32>,
          %add3A_898 = vector.broadcast %mul3A_784 : i32 to vector<16xi32>
          %add3A_899 = arith.addi %and3A_85, %add3A_898 : vector<16xi32>
          %mul3A_900 = arith.constant 128 : i32
          %mul3A_901 = arith.muli %select_n3A_742, %mul3A_900 : i32
          %add3A_902 = arith.addi %mul3A_901, %mul3A_802 : i32
          %add3A_903 = vector.broadcast %add3A_902 : i32 to vector<16xi32>
          %add3A_904 = arith.addi %iota3A, %add3A_903 : vector<16xi32>
          %gather3A_905 = tpu.vector_load_idx %arg6[%add3A_899, %add3A_904] : memref<32x512xf32, #tpu.memory_space<vmem>>[vector<16xi32>, vector<16xi32>], vector<16xf32>,
          %add3A_906 = vector.broadcast %mul3A_784 : i32 to vector<16xi32>
          %add3A_907 = arith.addi %and3A_91, %add3A_906 : vector<16xi32>
          %mul3A_908 = arith.constant 128 : i32
          %mul3A_909 = arith.muli %select_n3A_742, %mul3A_908 : i32
          %add3A_910 = arith.addi %mul3A_909, %mul3A_802 : i32
          %add3A_911 = vector.broadcast %add3A_910 : i32 to vector<16xi32>
          %add3A_912 = arith.addi %iota3A, %add3A_911 : vector<16xi32>
          %gather3A_913 = tpu.vector_load_idx %arg6[%add3A_907, %add3A_912] : memref<32x512xf32, #tpu.memory_space<vmem>>[vector<16xi32>, vector<16xi32>], vector<16xf32>,
          %add3A_914 = vector.broadcast %mul3A_784 : i32 to vector<16xi32>
          %add3A_915 = arith.addi %and3A_97, %add3A_914 : vector<16xi32>
          %mul3A_916 = arith.constant 128 : i32
          %mul3A_917 = arith.muli %select_n3A_742, %mul3A_916 : i32
          %add3A_918 = arith.addi %mul3A_917, %mul3A_802 : i32
          %add3A_919 = vector.broadcast %add3A_918 : i32 to vector<16xi32>
          %add3A_920 = arith.addi %iota3A, %add3A_919 : vector<16xi32>
          %gather3A_921 = tpu.vector_load_idx %arg6[%add3A_915, %add3A_920] : memref<32x512xf32, #tpu.memory_space<vmem>>[vector<16xi32>, vector<16xi32>], vector<16xf32>,
          %add3A_922 = vector.broadcast %mul3A_784 : i32 to vector<16xi32>
          %add3A_923 = arith.addi %and3A_103, %add3A_922 : vector<16xi32>
          %mul3A_924 = arith.constant 128 : i32
          %mul3A_925 = arith.muli %select_n3A_742, %mul3A_924 : i32
          %add3A_926 = arith.addi %mul3A_925, %mul3A_802 : i32
          %add3A_927 = vector.broadcast %add3A_926 : i32 to vector<16xi32>
          %add3A_928 = arith.addi %iota3A, %add3A_927 : vector<16xi32>
          %gather3A_929 = tpu.vector_load_idx %arg6[%add3A_923, %add3A_928] : memref<32x512xf32, #tpu.memory_space<vmem>>[vector<16xi32>, vector<16xi32>], vector<16xf32>,
          %mul3A_930 = arith.constant 32 : i32
          %mul3A_931 = arith.muli %select_n3A_742, %mul3A_930 : i32
          %jit3A_932 = arith.constant 4 : i32
          %div3A_933 = arith.divsi %mul3A_802, %jit3A_932 : i32
          %sign3A_934 = arith.constant 0 : i32
          %sign3A_935 = arith.cmpi sgt, %mul3A_802, %sign3A_934 : i32
          %sign3A_936 = arith.extui %sign3A_935 : i1 to i32
          %sign3A_937 = arith.constant 0 : i32
          %sign3A_938 = arith.cmpi slt, %mul3A_802, %sign3A_937 : i32
          %sign3A_939 = arith.extui %sign3A_938 : i1 to i32
          %sign3A_940 = arith.subi %sign3A_936, %sign3A_939 : i32
          %sign3A_941 = arith.constant 0 : i32
          %sign3A_942 = arith.cmpi sgt, %jit3A_932, %sign3A_941 : i32
          %sign3A_943 = arith.extui %sign3A_942 : i1 to i32
          %sign3A_944 = arith.constant 0 : i32
          %sign3A_945 = arith.cmpi slt, %jit3A_932, %sign3A_944 : i32
          %sign3A_946 = arith.extui %sign3A_945 : i1 to i32
          %sign3A_947 = arith.subi %sign3A_943, %sign3A_946 : i32
          %ne3A_948 = arith.cmpi ne, %sign3A_940, %sign3A_947 : i32
          %rem3A_949 = arith.remsi %mul3A_802, %jit3A_932 : i32
          %ne3A_950 = arith.constant 0 : i32
          %ne3A_951 = arith.cmpi ne, %rem3A_949, %ne3A_950 : i32
          %and3A_952 = arith.andi %ne3A_948, %ne3A_951 : i1
          %sub3A_953 = arith.constant 1 : i32
          %sub3A_954 = arith.subi %div3A_933, %sub3A_953 : i32
          %select_n3A_955 = arith.select %and3A_952, %sub3A_954, %div3A_933 : i32
          %add3A_956 = arith.addi %mul3A_931, %select_n3A_955 : i32
          %add3A_957 = vector.broadcast %add3A_956 : i32 to vector<16xi32>
          %add3A_958 = arith.addi %select_n3A_129, %add3A_957 : vector<16xi32>
          %add3A_959 = vector.broadcast %mul3A_784 : i32 to vector<16xi32>
          %add3A_960 = arith.addi %add3A_160, %add3A_959 : vector<16xi32>
          tpu.vector_store_idx %arg8[%add3A_958, %add3A_960], %gather3A : memref<128x128xf32, #tpu.memory_space<vmem>>[vector<16xi32>, vector<16xi32>], vector<16xf32>,
          %mul3A_961 = arith.constant 32 : i32
          %mul3A_962 = arith.muli %select_n3A_742, %mul3A_961 : i32
          %jit3A_963 = arith.constant 4 : i32
          %div3A_964 = arith.divsi %mul3A_802, %jit3A_963 : i32
          %sign3A_965 = arith.constant 0 : i32
          %sign3A_966 = arith.cmpi sgt, %mul3A_802, %sign3A_965 : i32
          %sign3A_967 = arith.extui %sign3A_966 : i1 to i32
          %sign3A_968 = arith.constant 0 : i32
          %sign3A_969 = arith.cmpi slt, %mul3A_802, %sign3A_968 : i32
          %sign3A_970 = arith.extui %sign3A_969 : i1 to i32
          %sign3A_971 = arith.subi %sign3A_967, %sign3A_970 : i32
          %sign3A_972 = arith.constant 0 : i32
          %sign3A_973 = arith.cmpi sgt, %jit3A_963, %sign3A_972 : i32
          %sign3A_974 = arith.extui %sign3A_973 : i1 to i32
          %sign3A_975 = arith.constant 0 : i32
          %sign3A_976 = arith.cmpi slt, %jit3A_963, %sign3A_975 : i32
          %sign3A_977 = arith.extui %sign3A_976 : i1 to i32
          %sign3A_978 = arith.subi %sign3A_974, %sign3A_977 : i32
          %ne3A_979 = arith.cmpi ne, %sign3A_971, %sign3A_978 : i32
          %rem3A_980 = arith.remsi %mul3A_802, %jit3A_963 : i32
          %ne3A_981 = arith.constant 0 : i32
          %ne3A_982 = arith.cmpi ne, %rem3A_980, %ne3A_981 : i32
          %and3A_983 = arith.andi %ne3A_979, %ne3A_982 : i1
          %sub3A_984 = arith.constant 1 : i32
          %sub3A_985 = arith.subi %div3A_964, %sub3A_984 : i32
          %select_n3A_986 = arith.select %and3A_983, %sub3A_985, %div3A_964 : i32
          %add3A_987 = arith.addi %mul3A_962, %select_n3A_986 : i32
          %add3A_988 = vector.broadcast %add3A_987 : i32 to vector<16xi32>
          %add3A_989 = arith.addi %select_n3A_129, %add3A_988 : vector<16xi32>
          %add3A_990 = vector.broadcast %mul3A_784 : i32 to vector<16xi32>
          %add3A_991 = arith.addi %add3A_192, %add3A_990 : vector<16xi32>
          tpu.vector_store_idx %arg8[%add3A_989, %add3A_991], %gather3A_817 : memref<128x128xf32, #tpu.memory_space<vmem>>[vector<16xi32>, vector<16xi32>], vector<16xf32>,
          %mul3A_992 = arith.constant 32 : i32
          %mul3A_993 = arith.muli %select_n3A_742, %mul3A_992 : i32
          %jit3A_994 = arith.constant 4 : i32
          %div3A_995 = arith.divsi %mul3A_802, %jit3A_994 : i32
          %sign3A_996 = arith.constant 0 : i32
          %sign3A_997 = arith.cmpi sgt, %mul3A_802, %sign3A_996 : i32
          %sign3A_998 = arith.extui %sign3A_997 : i1 to i32
          %sign3A_999 = arith.constant 0 : i32
          %sign3A_1000 = arith.cmpi slt, %mul3A_802, %sign3A_999 : i32
          %sign3A_1001 = arith.extui %sign3A_1000 : i1 to i32
          %sign3A_1002 = arith.subi %sign3A_998, %sign3A_1001 : i32
          %sign3A_1003 = arith.constant 0 : i32
          %sign3A_1004 = arith.cmpi sgt, %jit3A_994, %sign3A_1003 : i32
          %sign3A_1005 = arith.extui %sign3A_1004 : i1 to i32
          %sign3A_1006 = arith.constant 0 : i32
          %sign3A_1007 = arith.cmpi slt, %jit3A_994, %sign3A_1006 : i32
          %sign3A_1008 = arith.extui %sign3A_1007 : i1 to i32
          %sign3A_1009 = arith.subi %sign3A_1005, %sign3A_1008 : i32
          %ne3A_1010 = arith.cmpi ne, %sign3A_1002, %sign3A_1009 : i32
          %rem3A_1011 = arith.remsi %mul3A_802, %jit3A_994 : i32
          %ne3A_1012 = arith.constant 0 : i32
          %ne3A_1013 = arith.cmpi ne, %rem3A_1011, %ne3A_1012 : i32
          %and3A_1014 = arith.andi %ne3A_1010, %ne3A_1013 : i1
          %sub3A_1015 = arith.constant 1 : i32
          %sub3A_1016 = arith.subi %div3A_995, %sub3A_1015 : i32
          %select_n3A_1017 = arith.select %and3A_1014, %sub3A_1016, %div3A_995 : i32
          %add3A_1018 = arith.addi %mul3A_993, %select_n3A_1017 : i32
          %add3A_1019 = vector.broadcast %add3A_1018 : i32 to vector<16xi32>
          %add3A_1020 = arith.addi %select_n3A_129, %add3A_1019 : vector<16xi32>
          %add3A_1021 = vector.broadcast %mul3A_784 : i32 to vector<16xi32>
          %add3A_1022 = arith.addi %add3A_224, %add3A_1021 : vector<16xi32>
          tpu.vector_store_idx %arg8[%add3A_1020, %add3A_1022], %gather3A_825 : memref<128x128xf32, #tpu.memory_space<vmem>>[vector<16xi32>, vector<16xi32>], vector<16xf32>,
          %mul3A_1023 = arith.constant 32 : i32
          %mul3A_1024 = arith.muli %select_n3A_742, %mul3A_1023 : i32
          %jit3A_1025 = arith.constant 4 : i32
          %div3A_1026 = arith.divsi %mul3A_802, %jit3A_1025 : i32
          %sign3A_1027 = arith.constant 0 : i32
          %sign3A_1028 = arith.cmpi sgt, %mul3A_802, %sign3A_1027 : i32
          %sign3A_1029 = arith.extui %sign3A_1028 : i1 to i32
          %sign3A_1030 = arith.constant 0 : i32
          %sign3A_1031 = arith.cmpi slt, %mul3A_802, %sign3A_1030 : i32
          %sign3A_1032 = arith.extui %sign3A_1031 : i1 to i32
          %sign3A_1033 = arith.subi %sign3A_1029, %sign3A_1032 : i32
          %sign3A_1034 = arith.constant 0 : i32
          %sign3A_1035 = arith.cmpi sgt, %jit3A_1025, %sign3A_1034 : i32
          %sign3A_1036 = arith.extui %sign3A_1035 : i1 to i32
          %sign3A_1037 = arith.constant 0 : i32
          %sign3A_1038 = arith.cmpi slt, %jit3A_1025, %sign3A_1037 : i32
          %sign3A_1039 = arith.extui %sign3A_1038 : i1 to i32
          %sign3A_1040 = arith.subi %sign3A_1036, %sign3A_1039 : i32
          %ne3A_1041 = arith.cmpi ne, %sign3A_1033, %sign3A_1040 : i32
          %rem3A_1042 = arith.remsi %mul3A_802, %jit3A_1025 : i32
          %ne3A_1043 = arith.constant 0 : i32
          %ne3A_1044 = arith.cmpi ne, %rem3A_1042, %ne3A_1043 : i32
          %and3A_1045 = arith.andi %ne3A_1041, %ne3A_1044 : i1
          %sub3A_1046 = arith.constant 1 : i32
          %sub3A_1047 = arith.subi %div3A_1026, %sub3A_1046 : i32
          %select_n3A_1048 = arith.select %and3A_1045, %sub3A_1047, %div3A_1026 : i32
          %add3A_1049 = arith.addi %mul3A_1024, %select_n3A_1048 : i32
          %add3A_1050 = vector.broadcast %add3A_1049 : i32 to vector<16xi32>
          %add3A_1051 = arith.addi %select_n3A_129, %add3A_1050 : vector<16xi32>
          %add3A_1052 = vector.broadcast %mul3A_784 : i32 to vector<16xi32>
          %add3A_1053 = arith.addi %add3A_256, %add3A_1052 : vector<16xi32>
          tpu.vector_store_idx %arg8[%add3A_1051, %add3A_1053], %gather3A_833 : memref<128x128xf32, #tpu.memory_space<vmem>>[vector<16xi32>, vector<16xi32>], vector<16xf32>,
          %mul3A_1054 = arith.constant 32 : i32
          %mul3A_1055 = arith.muli %select_n3A_742, %mul3A_1054 : i32
          %jit3A_1056 = arith.constant 4 : i32
          %div3A_1057 = arith.divsi %mul3A_802, %jit3A_1056 : i32
          %sign3A_1058 = arith.constant 0 : i32
          %sign3A_1059 = arith.cmpi sgt, %mul3A_802, %sign3A_1058 : i32
          %sign3A_1060 = arith.extui %sign3A_1059 : i1 to i32
          %sign3A_1061 = arith.constant 0 : i32
          %sign3A_1062 = arith.cmpi slt, %mul3A_802, %sign3A_1061 : i32
          %sign3A_1063 = arith.extui %sign3A_1062 : i1 to i32
          %sign3A_1064 = arith.subi %sign3A_1060, %sign3A_1063 : i32
          %sign3A_1065 = arith.constant 0 : i32
          %sign3A_1066 = arith.cmpi sgt, %jit3A_1056, %sign3A_1065 : i32
          %sign3A_1067 = arith.extui %sign3A_1066 : i1 to i32
          %sign3A_1068 = arith.constant 0 : i32
          %sign3A_1069 = arith.cmpi slt, %jit3A_1056, %sign3A_1068 : i32
          %sign3A_1070 = arith.extui %sign3A_1069 : i1 to i32
          %sign3A_1071 = arith.subi %sign3A_1067, %sign3A_1070 : i32
          %ne3A_1072 = arith.cmpi ne, %sign3A_1064, %sign3A_1071 : i32
          %rem3A_1073 = arith.remsi %mul3A_802, %jit3A_1056 : i32
          %ne3A_1074 = arith.constant 0 : i32
          %ne3A_1075 = arith.cmpi ne, %rem3A_1073, %ne3A_1074 : i32
          %and3A_1076 = arith.andi %ne3A_1072, %ne3A_1075 : i1
          %sub3A_1077 = arith.constant 1 : i32
          %sub3A_1078 = arith.subi %div3A_1057, %sub3A_1077 : i32
          %select_n3A_1079 = arith.select %and3A_1076, %sub3A_1078, %div3A_1057 : i32
          %add3A_1080 = arith.addi %mul3A_1055, %select_n3A_1079 : i32
          %add3A_1081 = vector.broadcast %add3A_1080 : i32 to vector<16xi32>
          %add3A_1082 = arith.addi %select_n3A_129, %add3A_1081 : vector<16xi32>
          %add3A_1083 = vector.broadcast %mul3A_784 : i32 to vector<16xi32>
          %add3A_1084 = arith.addi %add3A_288, %add3A_1083 : vector<16xi32>
          tpu.vector_store_idx %arg8[%add3A_1082, %add3A_1084], %gather3A_841 : memref<128x128xf32, #tpu.memory_space<vmem>>[vector<16xi32>, vector<16xi32>], vector<16xf32>,
          %mul3A_1085 = arith.constant 32 : i32
          %mul3A_1086 = arith.muli %select_n3A_742, %mul3A_1085 : i32
          %jit3A_1087 = arith.constant 4 : i32
          %div3A_1088 = arith.divsi %mul3A_802, %jit3A_1087 : i32
          %sign3A_1089 = arith.constant 0 : i32
          %sign3A_1090 = arith.cmpi sgt, %mul3A_802, %sign3A_1089 : i32
          %sign3A_1091 = arith.extui %sign3A_1090 : i1 to i32
          %sign3A_1092 = arith.constant 0 : i32
          %sign3A_1093 = arith.cmpi slt, %mul3A_802, %sign3A_1092 : i32
          %sign3A_1094 = arith.extui %sign3A_1093 : i1 to i32
          %sign3A_1095 = arith.subi %sign3A_1091, %sign3A_1094 : i32
          %sign3A_1096 = arith.constant 0 : i32
          %sign3A_1097 = arith.cmpi sgt, %jit3A_1087, %sign3A_1096 : i32
          %sign3A_1098 = arith.extui %sign3A_1097 : i1 to i32
          %sign3A_1099 = arith.constant 0 : i32
          %sign3A_1100 = arith.cmpi slt, %jit3A_1087, %sign3A_1099 : i32
          %sign3A_1101 = arith.extui %sign3A_1100 : i1 to i32
          %sign3A_1102 = arith.subi %sign3A_1098, %sign3A_1101 : i32
          %ne3A_1103 = arith.cmpi ne, %sign3A_1095, %sign3A_1102 : i32
          %rem3A_1104 = arith.remsi %mul3A_802, %jit3A_1087 : i32
          %ne3A_1105 = arith.constant 0 : i32
          %ne3A_1106 = arith.cmpi ne, %rem3A_1104, %ne3A_1105 : i32
          %and3A_1107 = arith.andi %ne3A_1103, %ne3A_1106 : i1
          %sub3A_1108 = arith.constant 1 : i32
          %sub3A_1109 = arith.subi %div3A_1088, %sub3A_1108 : i32
          %select_n3A_1110 = arith.select %and3A_1107, %sub3A_1109, %div3A_1088 : i32
          %add3A_1111 = arith.addi %mul3A_1086, %select_n3A_1110 : i32
          %add3A_1112 = vector.broadcast %add3A_1111 : i32 to vector<16xi32>
          %add3A_1113 = arith.addi %select_n3A_129, %add3A_1112 : vector<16xi32>
          %add3A_1114 = vector.broadcast %mul3A_784 : i32 to vector<16xi32>
          %add3A_1115 = arith.addi %add3A_320, %add3A_1114 : vector<16xi32>
          tpu.vector_store_idx %arg8[%add3A_1113, %add3A_1115], %gather3A_849 : memref<128x128xf32, #tpu.memory_space<vmem>>[vector<16xi32>, vector<16xi32>], vector<16xf32>,
          %mul3A_1116 = arith.constant 32 : i32
          %mul3A_1117 = arith.muli %select_n3A_742, %mul3A_1116 : i32
          %jit3A_1118 = arith.constant 4 : i32
          %div3A_1119 = arith.divsi %mul3A_802, %jit3A_1118 : i32
          %sign3A_1120 = arith.constant 0 : i32
          %sign3A_1121 = arith.cmpi sgt, %mul3A_802, %sign3A_1120 : i32
          %sign3A_1122 = arith.extui %sign3A_1121 : i1 to i32
          %sign3A_1123 = arith.constant 0 : i32
          %sign3A_1124 = arith.cmpi slt, %mul3A_802, %sign3A_1123 : i32
          %sign3A_1125 = arith.extui %sign3A_1124 : i1 to i32
          %sign3A_1126 = arith.subi %sign3A_1122, %sign3A_1125 : i32
          %sign3A_1127 = arith.constant 0 : i32
          %sign3A_1128 = arith.cmpi sgt, %jit3A_1118, %sign3A_1127 : i32
          %sign3A_1129 = arith.extui %sign3A_1128 : i1 to i32
          %sign3A_1130 = arith.constant 0 : i32
          %sign3A_1131 = arith.cmpi slt, %jit3A_1118, %sign3A_1130 : i32
          %sign3A_1132 = arith.extui %sign3A_1131 : i1 to i32
          %sign3A_1133 = arith.subi %sign3A_1129, %sign3A_1132 : i32
          %ne3A_1134 = arith.cmpi ne, %sign3A_1126, %sign3A_1133 : i32
          %rem3A_1135 = arith.remsi %mul3A_802, %jit3A_1118 : i32
          %ne3A_1136 = arith.constant 0 : i32
          %ne3A_1137 = arith.cmpi ne, %rem3A_1135, %ne3A_1136 : i32
          %and3A_1138 = arith.andi %ne3A_1134, %ne3A_1137 : i1
          %sub3A_1139 = arith.constant 1 : i32
          %sub3A_1140 = arith.subi %div3A_1119, %sub3A_1139 : i32
          %select_n3A_1141 = arith.select %and3A_1138, %sub3A_1140, %div3A_1119 : i32
          %add3A_1142 = arith.addi %mul3A_1117, %select_n3A_1141 : i32
          %add3A_1143 = vector.broadcast %add3A_1142 : i32 to vector<16xi32>
          %add3A_1144 = arith.addi %select_n3A_129, %add3A_1143 : vector<16xi32>
          %add3A_1145 = vector.broadcast %mul3A_784 : i32 to vector<16xi32>
          %add3A_1146 = arith.addi %add3A_352, %add3A_1145 : vector<16xi32>
          tpu.vector_store_idx %arg8[%add3A_1144, %add3A_1146], %gather3A_857 : memref<128x128xf32, #tpu.memory_space<vmem>>[vector<16xi32>, vector<16xi32>], vector<16xf32>,
          %mul3A_1147 = arith.constant 32 : i32
          %mul3A_1148 = arith.muli %select_n3A_742, %mul3A_1147 : i32
          %jit3A_1149 = arith.constant 4 : i32
          %div3A_1150 = arith.divsi %mul3A_802, %jit3A_1149 : i32
          %sign3A_1151 = arith.constant 0 : i32
          %sign3A_1152 = arith.cmpi sgt, %mul3A_802, %sign3A_1151 : i32
          %sign3A_1153 = arith.extui %sign3A_1152 : i1 to i32
          %sign3A_1154 = arith.constant 0 : i32
          %sign3A_1155 = arith.cmpi slt, %mul3A_802, %sign3A_1154 : i32
          %sign3A_1156 = arith.extui %sign3A_1155 : i1 to i32
          %sign3A_1157 = arith.subi %sign3A_1153, %sign3A_1156 : i32
          %sign3A_1158 = arith.constant 0 : i32
          %sign3A_1159 = arith.cmpi sgt, %jit3A_1149, %sign3A_1158 : i32
          %sign3A_1160 = arith.extui %sign3A_1159 : i1 to i32
          %sign3A_1161 = arith.constant 0 : i32
          %sign3A_1162 = arith.cmpi slt, %jit3A_1149, %sign3A_1161 : i32
          %sign3A_1163 = arith.extui %sign3A_1162 : i1 to i32
          %sign3A_1164 = arith.subi %sign3A_1160, %sign3A_1163 : i32
          %ne3A_1165 = arith.cmpi ne, %sign3A_1157, %sign3A_1164 : i32
          %rem3A_1166 = arith.remsi %mul3A_802, %jit3A_1149 : i32
          %ne3A_1167 = arith.constant 0 : i32
          %ne3A_1168 = arith.cmpi ne, %rem3A_1166, %ne3A_1167 : i32
          %and3A_1169 = arith.andi %ne3A_1165, %ne3A_1168 : i1
          %sub3A_1170 = arith.constant 1 : i32
          %sub3A_1171 = arith.subi %div3A_1150, %sub3A_1170 : i32
          %select_n3A_1172 = arith.select %and3A_1169, %sub3A_1171, %div3A_1150 : i32
          %add3A_1173 = arith.addi %mul3A_1148, %select_n3A_1172 : i32
          %add3A_1174 = vector.broadcast %add3A_1173 : i32 to vector<16xi32>
          %add3A_1175 = arith.addi %select_n3A_129, %add3A_1174 : vector<16xi32>
          %add3A_1176 = vector.broadcast %mul3A_784 : i32 to vector<16xi32>
          %add3A_1177 = arith.addi %add3A_384, %add3A_1176 : vector<16xi32>
          tpu.vector_store_idx %arg8[%add3A_1175, %add3A_1177], %gather3A_865 : memref<128x128xf32, #tpu.memory_space<vmem>>[vector<16xi32>, vector<16xi32>], vector<16xf32>,
          %mul3A_1178 = arith.constant 32 : i32
          %mul3A_1179 = arith.muli %select_n3A_742, %mul3A_1178 : i32
          %jit3A_1180 = arith.constant 4 : i32
          %div3A_1181 = arith.divsi %mul3A_802, %jit3A_1180 : i32
          %sign3A_1182 = arith.constant 0 : i32
          %sign3A_1183 = arith.cmpi sgt, %mul3A_802, %sign3A_1182 : i32
          %sign3A_1184 = arith.extui %sign3A_1183 : i1 to i32
          %sign3A_1185 = arith.constant 0 : i32
          %sign3A_1186 = arith.cmpi slt, %mul3A_802, %sign3A_1185 : i32
          %sign3A_1187 = arith.extui %sign3A_1186 : i1 to i32
          %sign3A_1188 = arith.subi %sign3A_1184, %sign3A_1187 : i32
          %sign3A_1189 = arith.constant 0 : i32
          %sign3A_1190 = arith.cmpi sgt, %jit3A_1180, %sign3A_1189 : i32
          %sign3A_1191 = arith.extui %sign3A_1190 : i1 to i32
          %sign3A_1192 = arith.constant 0 : i32
          %sign3A_1193 = arith.cmpi slt, %jit3A_1180, %sign3A_1192 : i32
          %sign3A_1194 = arith.extui %sign3A_1193 : i1 to i32
          %sign3A_1195 = arith.subi %sign3A_1191, %sign3A_1194 : i32
          %ne3A_1196 = arith.cmpi ne, %sign3A_1188, %sign3A_1195 : i32
          %rem3A_1197 = arith.remsi %mul3A_802, %jit3A_1180 : i32
          %ne3A_1198 = arith.constant 0 : i32
          %ne3A_1199 = arith.cmpi ne, %rem3A_1197, %ne3A_1198 : i32
          %and3A_1200 = arith.andi %ne3A_1196, %ne3A_1199 : i1
          %sub3A_1201 = arith.constant 1 : i32
          %sub3A_1202 = arith.subi %div3A_1181, %sub3A_1201 : i32
          %select_n3A_1203 = arith.select %and3A_1200, %sub3A_1202, %div3A_1181 : i32
          %add3A_1204 = arith.addi %mul3A_1179, %select_n3A_1203 : i32
          %add3A_1205 = vector.broadcast %add3A_1204 : i32 to vector<16xi32>
          %add3A_1206 = arith.addi %select_n3A_129, %add3A_1205 : vector<16xi32>
          %add3A_1207 = vector.broadcast %mul3A_784 : i32 to vector<16xi32>
          %add3A_1208 = arith.addi %add3A_416, %add3A_1207 : vector<16xi32>
          tpu.vector_store_idx %arg8[%add3A_1206, %add3A_1208], %gather3A_873 : memref<128x128xf32, #tpu.memory_space<vmem>>[vector<16xi32>, vector<16xi32>], vector<16xf32>,
          %mul3A_1209 = arith.constant 32 : i32
          %mul3A_1210 = arith.muli %select_n3A_742, %mul3A_1209 : i32
          %jit3A_1211 = arith.constant 4 : i32
          %div3A_1212 = arith.divsi %mul3A_802, %jit3A_1211 : i32
          %sign3A_1213 = arith.constant 0 : i32
          %sign3A_1214 = arith.cmpi sgt, %mul3A_802, %sign3A_1213 : i32
          %sign3A_1215 = arith.extui %sign3A_1214 : i1 to i32
          %sign3A_1216 = arith.constant 0 : i32
          %sign3A_1217 = arith.cmpi slt, %mul3A_802, %sign3A_1216 : i32
          %sign3A_1218 = arith.extui %sign3A_1217 : i1 to i32
          %sign3A_1219 = arith.subi %sign3A_1215, %sign3A_1218 : i32
          %sign3A_1220 = arith.constant 0 : i32
          %sign3A_1221 = arith.cmpi sgt, %jit3A_1211, %sign3A_1220 : i32
          %sign3A_1222 = arith.extui %sign3A_1221 : i1 to i32
          %sign3A_1223 = arith.constant 0 : i32
          %sign3A_1224 = arith.cmpi slt, %jit3A_1211, %sign3A_1223 : i32
          %sign3A_1225 = arith.extui %sign3A_1224 : i1 to i32
          %sign3A_1226 = arith.subi %sign3A_1222, %sign3A_1225 : i32
          %ne3A_1227 = arith.cmpi ne, %sign3A_1219, %sign3A_1226 : i32
          %rem3A_1228 = arith.remsi %mul3A_802, %jit3A_1211 : i32
          %ne3A_1229 = arith.constant 0 : i32
          %ne3A_1230 = arith.cmpi ne, %rem3A_1228, %ne3A_1229 : i32
          %and3A_1231 = arith.andi %ne3A_1227, %ne3A_1230 : i1
          %sub3A_1232 = arith.constant 1 : i32
          %sub3A_1233 = arith.subi %div3A_1212, %sub3A_1232 : i32
          %select_n3A_1234 = arith.select %and3A_1231, %sub3A_1233, %div3A_1212 : i32
          %add3A_1235 = arith.addi %mul3A_1210, %select_n3A_1234 : i32
          %add3A_1236 = vector.broadcast %add3A_1235 : i32 to vector<16xi32>
          %add3A_1237 = arith.addi %select_n3A_129, %add3A_1236 : vector<16xi32>
          %add3A_1238 = vector.broadcast %mul3A_784 : i32 to vector<16xi32>
          %add3A_1239 = arith.addi %add3A_448, %add3A_1238 : vector<16xi32>
          tpu.vector_store_idx %arg8[%add3A_1237, %add3A_1239], %gather3A_881 : memref<128x128xf32, #tpu.memory_space<vmem>>[vector<16xi32>, vector<16xi32>], vector<16xf32>,
          %mul3A_1240 = arith.constant 32 : i32
          %mul3A_1241 = arith.muli %select_n3A_742, %mul3A_1240 : i32
          %jit3A_1242 = arith.constant 4 : i32
          %div3A_1243 = arith.divsi %mul3A_802, %jit3A_1242 : i32
          %sign3A_1244 = arith.constant 0 : i32
          %sign3A_1245 = arith.cmpi sgt, %mul3A_802, %sign3A_1244 : i32
          %sign3A_1246 = arith.extui %sign3A_1245 : i1 to i32
          %sign3A_1247 = arith.constant 0 : i32
          %sign3A_1248 = arith.cmpi slt, %mul3A_802, %sign3A_1247 : i32
          %sign3A_1249 = arith.extui %sign3A_1248 : i1 to i32
          %sign3A_1250 = arith.subi %sign3A_1246, %sign3A_1249 : i32
          %sign3A_1251 = arith.constant 0 : i32
          %sign3A_1252 = arith.cmpi sgt, %jit3A_1242, %sign3A_1251 : i32
          %sign3A_1253 = arith.extui %sign3A_1252 : i1 to i32
          %sign3A_1254 = arith.constant 0 : i32
          %sign3A_1255 = arith.cmpi slt, %jit3A_1242, %sign3A_1254 : i32
          %sign3A_1256 = arith.extui %sign3A_1255 : i1 to i32
          %sign3A_1257 = arith.subi %sign3A_1253, %sign3A_1256 : i32
          %ne3A_1258 = arith.cmpi ne, %sign3A_1250, %sign3A_1257 : i32
          %rem3A_1259 = arith.remsi %mul3A_802, %jit3A_1242 : i32
          %ne3A_1260 = arith.constant 0 : i32
          %ne3A_1261 = arith.cmpi ne, %rem3A_1259, %ne3A_1260 : i32
          %and3A_1262 = arith.andi %ne3A_1258, %ne3A_1261 : i1
          %sub3A_1263 = arith.constant 1 : i32
          %sub3A_1264 = arith.subi %div3A_1243, %sub3A_1263 : i32
          %select_n3A_1265 = arith.select %and3A_1262, %sub3A_1264, %div3A_1243 : i32
          %add3A_1266 = arith.addi %mul3A_1241, %select_n3A_1265 : i32
          %add3A_1267 = vector.broadcast %add3A_1266 : i32 to vector<16xi32>
          %add3A_1268 = arith.addi %select_n3A_129, %add3A_1267 : vector<16xi32>
          %add3A_1269 = vector.broadcast %mul3A_784 : i32 to vector<16xi32>
          %add3A_1270 = arith.addi %add3A_480, %add3A_1269 : vector<16xi32>
          tpu.vector_store_idx %arg8[%add3A_1268, %add3A_1270], %gather3A_889 : memref<128x128xf32, #tpu.memory_space<vmem>>[vector<16xi32>, vector<16xi32>], vector<16xf32>,
          %mul3A_1271 = arith.constant 32 : i32
          %mul3A_1272 = arith.muli %select_n3A_742, %mul3A_1271 : i32
          %jit3A_1273 = arith.constant 4 : i32
          %div3A_1274 = arith.divsi %mul3A_802, %jit3A_1273 : i32
          %sign3A_1275 = arith.constant 0 : i32
          %sign3A_1276 = arith.cmpi sgt, %mul3A_802, %sign3A_1275 : i32
          %sign3A_1277 = arith.extui %sign3A_1276 : i1 to i32
          %sign3A_1278 = arith.constant 0 : i32
          %sign3A_1279 = arith.cmpi slt, %mul3A_802, %sign3A_1278 : i32
          %sign3A_1280 = arith.extui %sign3A_1279 : i1 to i32
          %sign3A_1281 = arith.subi %sign3A_1277, %sign3A_1280 : i32
          %sign3A_1282 = arith.constant 0 : i32
          %sign3A_1283 = arith.cmpi sgt, %jit3A_1273, %sign3A_1282 : i32
          %sign3A_1284 = arith.extui %sign3A_1283 : i1 to i32
          %sign3A_1285 = arith.constant 0 : i32
          %sign3A_1286 = arith.cmpi slt, %jit3A_1273, %sign3A_1285 : i32
          %sign3A_1287 = arith.extui %sign3A_1286 : i1 to i32
          %sign3A_1288 = arith.subi %sign3A_1284, %sign3A_1287 : i32
          %ne3A_1289 = arith.cmpi ne, %sign3A_1281, %sign3A_1288 : i32
          %rem3A_1290 = arith.remsi %mul3A_802, %jit3A_1273 : i32
          %ne3A_1291 = arith.constant 0 : i32
          %ne3A_1292 = arith.cmpi ne, %rem3A_1290, %ne3A_1291 : i32
          %and3A_1293 = arith.andi %ne3A_1289, %ne3A_1292 : i1
          %sub3A_1294 = arith.constant 1 : i32
          %sub3A_1295 = arith.subi %div3A_1274, %sub3A_1294 : i32
          %select_n3A_1296 = arith.select %and3A_1293, %sub3A_1295, %div3A_1274 : i32
          %add3A_1297 = arith.addi %mul3A_1272, %select_n3A_1296 : i32
          %add3A_1298 = vector.broadcast %add3A_1297 : i32 to vector<16xi32>
          %add3A_1299 = arith.addi %select_n3A_129, %add3A_1298 : vector<16xi32>
          %add3A_1300 = vector.broadcast %mul3A_784 : i32 to vector<16xi32>
          %add3A_1301 = arith.addi %add3A_512, %add3A_1300 : vector<16xi32>
          tpu.vector_store_idx %arg8[%add3A_1299, %add3A_1301], %gather3A_897 : memref<128x128xf32, #tpu.memory_space<vmem>>[vector<16xi32>, vector<16xi32>], vector<16xf32>,
          %mul3A_1302 = arith.constant 32 : i32
          %mul3A_1303 = arith.muli %select_n3A_742, %mul3A_1302 : i32
          %jit3A_1304 = arith.constant 4 : i32
          %div3A_1305 = arith.divsi %mul3A_802, %jit3A_1304 : i32
          %sign3A_1306 = arith.constant 0 : i32
          %sign3A_1307 = arith.cmpi sgt, %mul3A_802, %sign3A_1306 : i32
          %sign3A_1308 = arith.extui %sign3A_1307 : i1 to i32
          %sign3A_1309 = arith.constant 0 : i32
          %sign3A_1310 = arith.cmpi slt, %mul3A_802, %sign3A_1309 : i32
          %sign3A_1311 = arith.extui %sign3A_1310 : i1 to i32
          %sign3A_1312 = arith.subi %sign3A_1308, %sign3A_1311 : i32
          %sign3A_1313 = arith.constant 0 : i32
          %sign3A_1314 = arith.cmpi sgt, %jit3A_1304, %sign3A_1313 : i32
          %sign3A_1315 = arith.extui %sign3A_1314 : i1 to i32
          %sign3A_1316 = arith.constant 0 : i32
          %sign3A_1317 = arith.cmpi slt, %jit3A_1304, %sign3A_1316 : i32
          %sign3A_1318 = arith.extui %sign3A_1317 : i1 to i32
          %sign3A_1319 = arith.subi %sign3A_1315, %sign3A_1318 : i32
          %ne3A_1320 = arith.cmpi ne, %sign3A_1312, %sign3A_1319 : i32
          %rem3A_1321 = arith.remsi %mul3A_802, %jit3A_1304 : i32
          %ne3A_1322 = arith.constant 0 : i32
          %ne3A_1323 = arith.cmpi ne, %rem3A_1321, %ne3A_1322 : i32
          %and3A_1324 = arith.andi %ne3A_1320, %ne3A_1323 : i1
          %sub3A_1325 = arith.constant 1 : i32
          %sub3A_1326 = arith.subi %div3A_1305, %sub3A_1325 : i32
          %select_n3A_1327 = arith.select %and3A_1324, %sub3A_1326, %div3A_1305 : i32
          %add3A_1328 = arith.addi %mul3A_1303, %select_n3A_1327 : i32
          %add3A_1329 = vector.broadcast %add3A_1328 : i32 to vector<16xi32>
          %add3A_1330 = arith.addi %select_n3A_129, %add3A_1329 : vector<16xi32>
          %add3A_1331 = vector.broadcast %mul3A_784 : i32 to vector<16xi32>
          %add3A_1332 = arith.addi %add3A_544, %add3A_1331 : vector<16xi32>
          tpu.vector_store_idx %arg8[%add3A_1330, %add3A_1332], %gather3A_905 : memref<128x128xf32, #tpu.memory_space<vmem>>[vector<16xi32>, vector<16xi32>], vector<16xf32>,
          %mul3A_1333 = arith.constant 32 : i32
          %mul3A_1334 = arith.muli %select_n3A_742, %mul3A_1333 : i32
          %jit3A_1335 = arith.constant 4 : i32
          %div3A_1336 = arith.divsi %mul3A_802, %jit3A_1335 : i32
          %sign3A_1337 = arith.constant 0 : i32
          %sign3A_1338 = arith.cmpi sgt, %mul3A_802, %sign3A_1337 : i32
          %sign3A_1339 = arith.extui %sign3A_1338 : i1 to i32
          %sign3A_1340 = arith.constant 0 : i32
          %sign3A_1341 = arith.cmpi slt, %mul3A_802, %sign3A_1340 : i32
          %sign3A_1342 = arith.extui %sign3A_1341 : i1 to i32
          %sign3A_1343 = arith.subi %sign3A_1339, %sign3A_1342 : i32
          %sign3A_1344 = arith.constant 0 : i32
          %sign3A_1345 = arith.cmpi sgt, %jit3A_1335, %sign3A_1344 : i32
          %sign3A_1346 = arith.extui %sign3A_1345 : i1 to i32
          %sign3A_1347 = arith.constant 0 : i32
          %sign3A_1348 = arith.cmpi slt, %jit3A_1335, %sign3A_1347 : i32
          %sign3A_1349 = arith.extui %sign3A_1348 : i1 to i32
          %sign3A_1350 = arith.subi %sign3A_1346, %sign3A_1349 : i32
          %ne3A_1351 = arith.cmpi ne, %sign3A_1343, %sign3A_1350 : i32
          %rem3A_1352 = arith.remsi %mul3A_802, %jit3A_1335 : i32
          %ne3A_1353 = arith.constant 0 : i32
          %ne3A_1354 = arith.cmpi ne, %rem3A_1352, %ne3A_1353 : i32
          %and3A_1355 = arith.andi %ne3A_1351, %ne3A_1354 : i1
          %sub3A_1356 = arith.constant 1 : i32
          %sub3A_1357 = arith.subi %div3A_1336, %sub3A_1356 : i32
          %select_n3A_1358 = arith.select %and3A_1355, %sub3A_1357, %div3A_1336 : i32
          %add3A_1359 = arith.addi %mul3A_1334, %select_n3A_1358 : i32
          %add3A_1360 = vector.broadcast %add3A_1359 : i32 to vector<16xi32>
          %add3A_1361 = arith.addi %select_n3A_129, %add3A_1360 : vector<16xi32>
          %add3A_1362 = vector.broadcast %mul3A_784 : i32 to vector<16xi32>
          %add3A_1363 = arith.addi %add3A_576, %add3A_1362 : vector<16xi32>
          tpu.vector_store_idx %arg8[%add3A_1361, %add3A_1363], %gather3A_913 : memref<128x128xf32, #tpu.memory_space<vmem>>[vector<16xi32>, vector<16xi32>], vector<16xf32>,
          %mul3A_1364 = arith.constant 32 : i32
          %mul3A_1365 = arith.muli %select_n3A_742, %mul3A_1364 : i32
          %jit3A_1366 = arith.constant 4 : i32
          %div3A_1367 = arith.divsi %mul3A_802, %jit3A_1366 : i32
          %sign3A_1368 = arith.constant 0 : i32
          %sign3A_1369 = arith.cmpi sgt, %mul3A_802, %sign3A_1368 : i32
          %sign3A_1370 = arith.extui %sign3A_1369 : i1 to i32
          %sign3A_1371 = arith.constant 0 : i32
          %sign3A_1372 = arith.cmpi slt, %mul3A_802, %sign3A_1371 : i32
          %sign3A_1373 = arith.extui %sign3A_1372 : i1 to i32
          %sign3A_1374 = arith.subi %sign3A_1370, %sign3A_1373 : i32
          %sign3A_1375 = arith.constant 0 : i32
          %sign3A_1376 = arith.cmpi sgt, %jit3A_1366, %sign3A_1375 : i32
          %sign3A_1377 = arith.extui %sign3A_1376 : i1 to i32
          %sign3A_1378 = arith.constant 0 : i32
          %sign3A_1379 = arith.cmpi slt, %jit3A_1366, %sign3A_1378 : i32
          %sign3A_1380 = arith.extui %sign3A_1379 : i1 to i32
          %sign3A_1381 = arith.subi %sign3A_1377, %sign3A_1380 : i32
          %ne3A_1382 = arith.cmpi ne, %sign3A_1374, %sign3A_1381 : i32
          %rem3A_1383 = arith.remsi %mul3A_802, %jit3A_1366 : i32
          %ne3A_1384 = arith.constant 0 : i32
          %ne3A_1385 = arith.cmpi ne, %rem3A_1383, %ne3A_1384 : i32
          %and3A_1386 = arith.andi %ne3A_1382, %ne3A_1385 : i1
          %sub3A_1387 = arith.constant 1 : i32
          %sub3A_1388 = arith.subi %div3A_1367, %sub3A_1387 : i32
          %select_n3A_1389 = arith.select %and3A_1386, %sub3A_1388, %div3A_1367 : i32
          %add3A_1390 = arith.addi %mul3A_1365, %select_n3A_1389 : i32
          %add3A_1391 = vector.broadcast %add3A_1390 : i32 to vector<16xi32>
          %add3A_1392 = arith.addi %select_n3A_129, %add3A_1391 : vector<16xi32>
          %add3A_1393 = vector.broadcast %mul3A_784 : i32 to vector<16xi32>
          %add3A_1394 = arith.addi %add3A_608, %add3A_1393 : vector<16xi32>
          tpu.vector_store_idx %arg8[%add3A_1392, %add3A_1394], %gather3A_921 : memref<128x128xf32, #tpu.memory_space<vmem>>[vector<16xi32>, vector<16xi32>], vector<16xf32>,
          %mul3A_1395 = arith.constant 32 : i32
          %mul3A_1396 = arith.muli %select_n3A_742, %mul3A_1395 : i32
          %jit3A_1397 = arith.constant 4 : i32
          %div3A_1398 = arith.divsi %mul3A_802, %jit3A_1397 : i32
          %sign3A_1399 = arith.constant 0 : i32
          %sign3A_1400 = arith.cmpi sgt, %mul3A_802, %sign3A_1399 : i32
          %sign3A_1401 = arith.extui %sign3A_1400 : i1 to i32
          %sign3A_1402 = arith.constant 0 : i32
          %sign3A_1403 = arith.cmpi slt, %mul3A_802, %sign3A_1402 : i32
          %sign3A_1404 = arith.extui %sign3A_1403 : i1 to i32
          %sign3A_1405 = arith.subi %sign3A_1401, %sign3A_1404 : i32
          %sign3A_1406 = arith.constant 0 : i32
          %sign3A_1407 = arith.cmpi sgt, %jit3A_1397, %sign3A_1406 : i32
          %sign3A_1408 = arith.extui %sign3A_1407 : i1 to i32
          %sign3A_1409 = arith.constant 0 : i32
          %sign3A_1410 = arith.cmpi slt, %jit3A_1397, %sign3A_1409 : i32
          %sign3A_1411 = arith.extui %sign3A_1410 : i1 to i32
          %sign3A_1412 = arith.subi %sign3A_1408, %sign3A_1411 : i32
          %ne3A_1413 = arith.cmpi ne, %sign3A_1405, %sign3A_1412 : i32
          %rem3A_1414 = arith.remsi %mul3A_802, %jit3A_1397 : i32
          %ne3A_1415 = arith.constant 0 : i32
          %ne3A_1416 = arith.cmpi ne, %rem3A_1414, %ne3A_1415 : i32
          %and3A_1417 = arith.andi %ne3A_1413, %ne3A_1416 : i1
          %sub3A_1418 = arith.constant 1 : i32
          %sub3A_1419 = arith.subi %div3A_1398, %sub3A_1418 : i32
          %select_n3A_1420 = arith.select %and3A_1417, %sub3A_1419, %div3A_1398 : i32
          %add3A_1421 = arith.addi %mul3A_1396, %select_n3A_1420 : i32
          %add3A_1422 = vector.broadcast %add3A_1421 : i32 to vector<16xi32>
          %add3A_1423 = arith.addi %select_n3A_129, %add3A_1422 : vector<16xi32>
          %add3A_1424 = vector.broadcast %mul3A_784 : i32 to vector<16xi32>
          %add3A_1425 = arith.addi %add3A_640, %add3A_1424 : vector<16xi32>
          tpu.vector_store_idx %arg8[%add3A_1423, %add3A_1425], %gather3A_929 : memref<128x128xf32, #tpu.memory_space<vmem>>[vector<16xi32>, vector<16xi32>], vector<16xf32>,
          %mul3A_1426 = arith.constant 2 : i32
          %mul3A_1427 = arith.muli %mul3A_1426, %scan3A_714 : i32
          %add3A_1428 = arith.constant 1 : i32
          %add3A_1429 = arith.addi %mul3A_1427, %add3A_1428 : i32
          %jit3A_1430 = arith.constant 16 : i32
          %div3A_1431 = arith.divsi %add3A_1429, %jit3A_1430 : i32
          %sign3A_1432 = arith.constant 0 : i32
          %sign3A_1433 = arith.cmpi sgt, %add3A_1429, %sign3A_1432 : i32
          %sign3A_1434 = arith.extui %sign3A_1433 : i1 to i32
          %sign3A_1435 = arith.constant 0 : i32
          %sign3A_1436 = arith.cmpi slt, %add3A_1429, %sign3A_1435 : i32
          %sign3A_1437 = arith.extui %sign3A_1436 : i1 to i32
          %sign3A_1438 = arith.subi %sign3A_1434, %sign3A_1437 : i32
          %sign3A_1439 = arith.constant 0 : i32
          %sign3A_1440 = arith.cmpi sgt, %jit3A_1430, %sign3A_1439 : i32
          %sign3A_1441 = arith.extui %sign3A_1440 : i1 to i32
          %sign3A_1442 = arith.constant 0 : i32
          %sign3A_1443 = arith.cmpi slt, %jit3A_1430, %sign3A_1442 : i32
          %sign3A_1444 = arith.extui %sign3A_1443 : i1 to i32
          %sign3A_1445 = arith.subi %sign3A_1441, %sign3A_1444 : i32
          %ne3A_1446 = arith.cmpi ne, %sign3A_1438, %sign3A_1445 : i32
          %rem3A_1447 = arith.remsi %add3A_1429, %jit3A_1430 : i32
          %ne3A_1448 = arith.constant 0 : i32
          %ne3A_1449 = arith.cmpi ne, %rem3A_1447, %ne3A_1448 : i32
          %and3A_1450 = arith.andi %ne3A_1446, %ne3A_1449 : i1
          %sub3A_1451 = arith.constant 1 : i32
          %sub3A_1452 = arith.subi %div3A_1431, %sub3A_1451 : i32
          %select_n3A_1453 = arith.select %and3A_1450, %sub3A_1452, %div3A_1431 : i32
          %jit3A_1454 = arith.constant 8 : i32
          %div3A_1455 = arith.divsi %add3A_1429, %jit3A_1454 : i32
          %sign3A_1456 = arith.constant 0 : i32
          %sign3A_1457 = arith.cmpi sgt, %add3A_1429, %sign3A_1456 : i32
          %sign3A_1458 = arith.extui %sign3A_1457 : i1 to i32
          %sign3A_1459 = arith.constant 0 : i32
          %sign3A_1460 = arith.cmpi slt, %add3A_1429, %sign3A_1459 : i32
          %sign3A_1461 = arith.extui %sign3A_1460 : i1 to i32
          %sign3A_1462 = arith.subi %sign3A_1458, %sign3A_1461 : i32
          %sign3A_1463 = arith.constant 0 : i32
          %sign3A_1464 = arith.cmpi sgt, %jit3A_1454, %sign3A_1463 : i32
          %sign3A_1465 = arith.extui %sign3A_1464 : i1 to i32
          %sign3A_1466 = arith.constant 0 : i32
          %sign3A_1467 = arith.cmpi slt, %jit3A_1454, %sign3A_1466 : i32
          %sign3A_1468 = arith.extui %sign3A_1467 : i1 to i32
          %sign3A_1469 = arith.subi %sign3A_1465, %sign3A_1468 : i32
          %ne3A_1470 = arith.cmpi ne, %sign3A_1462, %sign3A_1469 : i32
          %rem3A_1471 = arith.remsi %add3A_1429, %jit3A_1454 : i32
          %ne3A_1472 = arith.constant 0 : i32
          %ne3A_1473 = arith.cmpi ne, %rem3A_1471, %ne3A_1472 : i32
          %and3A_1474 = arith.andi %ne3A_1470, %ne3A_1473 : i1
          %sub3A_1475 = arith.constant 1 : i32
          %sub3A_1476 = arith.subi %div3A_1455, %sub3A_1475 : i32
          %select_n3A_1477 = arith.select %and3A_1474, %sub3A_1476, %div3A_1455 : i32
          %jit3A_1478 = arith.constant 2 : i32
          %eq3A_1479 = arith.constant 0 : i32
          %eq3A_1480 = arith.cmpi eq, %jit3A_1478, %eq3A_1479 : i32
          %jit3A_1481 = arith.constant 1 : i32
          %select_n3A_1482 = arith.select %eq3A_1480, %jit3A_1481, %jit3A_1478 : i32
          %rem3A_1483 = arith.remsi %select_n3A_1477, %select_n3A_1482 : i32
          %ne3A_1484 = arith.constant 0 : i32
          %ne3A_1485 = arith.cmpi ne, %rem3A_1483, %ne3A_1484 : i32
          %lt3A_1486 = arith.constant 0 : i32
          %lt3A_1487 = arith.cmpi slt, %rem3A_1483, %lt3A_1486 : i32
          %lt3A_1488 = arith.constant 0 : i32
          %lt3A_1489 = arith.cmpi slt, %select_n3A_1482, %lt3A_1488 : i32
          %ne3A_1490 = arith.xori %lt3A_1487, %lt3A_1489 : i1
          %and3A_1491 = arith.andi %ne3A_1490, %ne3A_1485 : i1
          %add3A_1492 = arith.addi %rem3A_1483, %select_n3A_1482 : i32
          %select_n3A_1493 = arith.select %and3A_1491, %add3A_1492, %rem3A_1483 : i32
          %mul3A_1494 = arith.constant 16 : i32
          %mul3A_1495 = arith.muli %select_n3A_1493, %mul3A_1494 : i32
          %jit3A_1496 = arith.constant 8 : i32
          %eq3A_1497 = arith.constant 0 : i32
          %eq3A_1498 = arith.cmpi eq, %jit3A_1496, %eq3A_1497 : i32
          %jit3A_1499 = arith.constant 1 : i32
          %select_n3A_1500 = arith.select %eq3A_1498, %jit3A_1499, %jit3A_1496 : i32
          %rem3A_1501 = arith.remsi %add3A_1429, %select_n3A_1500 : i32
          %ne3A_1502 = arith.constant 0 : i32
          %ne3A_1503 = arith.cmpi ne, %rem3A_1501, %ne3A_1502 : i32
          %lt3A_1504 = arith.constant 0 : i32
          %lt3A_1505 = arith.cmpi slt, %rem3A_1501, %lt3A_1504 : i32
          %lt3A_1506 = arith.constant 0 : i32
          %lt3A_1507 = arith.cmpi slt, %select_n3A_1500, %lt3A_1506 : i32
          %ne3A_1508 = arith.xori %lt3A_1505, %lt3A_1507 : i1
          %and3A_1509 = arith.andi %ne3A_1508, %ne3A_1503 : i1
          %add3A_1510 = arith.addi %rem3A_1501, %select_n3A_1500 : i32
          %select_n3A_1511 = arith.select %and3A_1509, %add3A_1510, %rem3A_1501 : i32
          %mul3A_1512 = arith.constant 16 : i32
          %mul3A_1513 = arith.muli %select_n3A_1511, %mul3A_1512 : i32
          %add3A_1514 = vector.broadcast %mul3A_1495 : i32 to vector<16xi32>
          %add3A_1515 = arith.addi %and3A_13, %add3A_1514 : vector<16xi32>
          %mul3A_1516 = arith.constant 128 : i32
          %mul3A_1517 = arith.muli %select_n3A_1453, %mul3A_1516 : i32
          %add3A_1518 = arith.addi %mul3A_1517, %mul3A_1513 : i32
          %add3A_1519 = vector.broadcast %add3A_1518 : i32 to vector<16xi32>
          %add3A_1520 = arith.addi %iota3A, %add3A_1519 : vector<16xi32>
          %gather3A_1521 = tpu.vector_load_idx %arg6[%add3A_1515, %add3A_1520] : memref<32x512xf32, #tpu.memory_space<vmem>>[vector<16xi32>, vector<16xi32>], vector<16xf32>,
          %add3A_1522 = vector.broadcast %mul3A_1495 : i32 to vector<16xi32>
          %add3A_1523 = arith.addi %and3A_19, %add3A_1522 : vector<16xi32>
          %mul3A_1524 = arith.constant 128 : i32
          %mul3A_1525 = arith.muli %select_n3A_1453, %mul3A_1524 : i32
          %add3A_1526 = arith.addi %mul3A_1525, %mul3A_1513 : i32
          %add3A_1527 = vector.broadcast %add3A_1526 : i32 to vector<16xi32>
          %add3A_1528 = arith.addi %iota3A, %add3A_1527 : vector<16xi32>
          %gather3A_1529 = tpu.vector_load_idx %arg6[%add3A_1523, %add3A_1528] : memref<32x512xf32, #tpu.memory_space<vmem>>[vector<16xi32>, vector<16xi32>], vector<16xf32>,
          %add3A_1530 = vector.broadcast %mul3A_1495 : i32 to vector<16xi32>
          %add3A_1531 = arith.addi %and3A_25, %add3A_1530 : vector<16xi32>
          %mul3A_1532 = arith.constant 128 : i32
          %mul3A_1533 = arith.muli %select_n3A_1453, %mul3A_1532 : i32
          %add3A_1534 = arith.addi %mul3A_1533, %mul3A_1513 : i32
          %add3A_1535 = vector.broadcast %add3A_1534 : i32 to vector<16xi32>
          %add3A_1536 = arith.addi %iota3A, %add3A_1535 : vector<16xi32>
          %gather3A_1537 = tpu.vector_load_idx %arg6[%add3A_1531, %add3A_1536] : memref<32x512xf32, #tpu.memory_space<vmem>>[vector<16xi32>, vector<16xi32>], vector<16xf32>,
          %add3A_1538 = vector.broadcast %mul3A_1495 : i32 to vector<16xi32>
          %add3A_1539 = arith.addi %and3A_31, %add3A_1538 : vector<16xi32>
          %mul3A_1540 = arith.constant 128 : i32
          %mul3A_1541 = arith.muli %select_n3A_1453, %mul3A_1540 : i32
          %add3A_1542 = arith.addi %mul3A_1541, %mul3A_1513 : i32
          %add3A_1543 = vector.broadcast %add3A_1542 : i32 to vector<16xi32>
          %add3A_1544 = arith.addi %iota3A, %add3A_1543 : vector<16xi32>
          %gather3A_1545 = tpu.vector_load_idx %arg6[%add3A_1539, %add3A_1544] : memref<32x512xf32, #tpu.memory_space<vmem>>[vector<16xi32>, vector<16xi32>], vector<16xf32>,
          %add3A_1546 = vector.broadcast %mul3A_1495 : i32 to vector<16xi32>
          %add3A_1547 = arith.addi %and3A_37, %add3A_1546 : vector<16xi32>
          %mul3A_1548 = arith.constant 128 : i32
          %mul3A_1549 = arith.muli %select_n3A_1453, %mul3A_1548 : i32
          %add3A_1550 = arith.addi %mul3A_1549, %mul3A_1513 : i32
          %add3A_1551 = vector.broadcast %add3A_1550 : i32 to vector<16xi32>
          %add3A_1552 = arith.addi %iota3A, %add3A_1551 : vector<16xi32>
          %gather3A_1553 = tpu.vector_load_idx %arg6[%add3A_1547, %add3A_1552] : memref<32x512xf32, #tpu.memory_space<vmem>>[vector<16xi32>, vector<16xi32>], vector<16xf32>,
          %add3A_1554 = vector.broadcast %mul3A_1495 : i32 to vector<16xi32>
          %add3A_1555 = arith.addi %and3A_43, %add3A_1554 : vector<16xi32>
          %mul3A_1556 = arith.constant 128 : i32
          %mul3A_1557 = arith.muli %select_n3A_1453, %mul3A_1556 : i32
          %add3A_1558 = arith.addi %mul3A_1557, %mul3A_1513 : i32
          %add3A_1559 = vector.broadcast %add3A_1558 : i32 to vector<16xi32>
          %add3A_1560 = arith.addi %iota3A, %add3A_1559 : vector<16xi32>
          %gather3A_1561 = tpu.vector_load_idx %arg6[%add3A_1555, %add3A_1560] : memref<32x512xf32, #tpu.memory_space<vmem>>[vector<16xi32>, vector<16xi32>], vector<16xf32>,
          %add3A_1562 = vector.broadcast %mul3A_1495 : i32 to vector<16xi32>
          %add3A_1563 = arith.addi %and3A_49, %add3A_1562 : vector<16xi32>
          %mul3A_1564 = arith.constant 128 : i32
          %mul3A_1565 = arith.muli %select_n3A_1453, %mul3A_1564 : i32
          %add3A_1566 = arith.addi %mul3A_1565, %mul3A_1513 : i32
          %add3A_1567 = vector.broadcast %add3A_1566 : i32 to vector<16xi32>
          %add3A_1568 = arith.addi %iota3A, %add3A_1567 : vector<16xi32>
          %gather3A_1569 = tpu.vector_load_idx %arg6[%add3A_1563, %add3A_1568] : memref<32x512xf32, #tpu.memory_space<vmem>>[vector<16xi32>, vector<16xi32>], vector<16xf32>,
          %add3A_1570 = vector.broadcast %mul3A_1495 : i32 to vector<16xi32>
          %add3A_1571 = arith.addi %and3A_55, %add3A_1570 : vector<16xi32>
          %mul3A_1572 = arith.constant 128 : i32
          %mul3A_1573 = arith.muli %select_n3A_1453, %mul3A_1572 : i32
          %add3A_1574 = arith.addi %mul3A_1573, %mul3A_1513 : i32
          %add3A_1575 = vector.broadcast %add3A_1574 : i32 to vector<16xi32>
          %add3A_1576 = arith.addi %iota3A, %add3A_1575 : vector<16xi32>
          %gather3A_1577 = tpu.vector_load_idx %arg6[%add3A_1571, %add3A_1576] : memref<32x512xf32, #tpu.memory_space<vmem>>[vector<16xi32>, vector<16xi32>], vector<16xf32>,
          %add3A_1578 = vector.broadcast %mul3A_1495 : i32 to vector<16xi32>
          %add3A_1579 = arith.addi %and3A_61, %add3A_1578 : vector<16xi32>
          %mul3A_1580 = arith.constant 128 : i32
          %mul3A_1581 = arith.muli %select_n3A_1453, %mul3A_1580 : i32
          %add3A_1582 = arith.addi %mul3A_1581, %mul3A_1513 : i32
          %add3A_1583 = vector.broadcast %add3A_1582 : i32 to vector<16xi32>
          %add3A_1584 = arith.addi %iota3A, %add3A_1583 : vector<16xi32>
          %gather3A_1585 = tpu.vector_load_idx %arg6[%add3A_1579, %add3A_1584] : memref<32x512xf32, #tpu.memory_space<vmem>>[vector<16xi32>, vector<16xi32>], vector<16xf32>,
          %add3A_1586 = vector.broadcast %mul3A_1495 : i32 to vector<16xi32>
          %add3A_1587 = arith.addi %and3A_67, %add3A_1586 : vector<16xi32>
          %mul3A_1588 = arith.constant 128 : i32
          %mul3A_1589 = arith.muli %select_n3A_1453, %mul3A_1588 : i32
          %add3A_1590 = arith.addi %mul3A_1589, %mul3A_1513 : i32
          %add3A_1591 = vector.broadcast %add3A_1590 : i32 to vector<16xi32>
          %add3A_1592 = arith.addi %iota3A, %add3A_1591 : vector<16xi32>
          %gather3A_1593 = tpu.vector_load_idx %arg6[%add3A_1587, %add3A_1592] : memref<32x512xf32, #tpu.memory_space<vmem>>[vector<16xi32>, vector<16xi32>], vector<16xf32>,
          %add3A_1594 = vector.broadcast %mul3A_1495 : i32 to vector<16xi32>
          %add3A_1595 = arith.addi %and3A_73, %add3A_1594 : vector<16xi32>
          %mul3A_1596 = arith.constant 128 : i32
          %mul3A_1597 = arith.muli %select_n3A_1453, %mul3A_1596 : i32
          %add3A_1598 = arith.addi %mul3A_1597, %mul3A_1513 : i32
          %add3A_1599 = vector.broadcast %add3A_1598 : i32 to vector<16xi32>
          %add3A_1600 = arith.addi %iota3A, %add3A_1599 : vector<16xi32>
          %gather3A_1601 = tpu.vector_load_idx %arg6[%add3A_1595, %add3A_1600] : memref<32x512xf32, #tpu.memory_space<vmem>>[vector<16xi32>, vector<16xi32>], vector<16xf32>,
          %add3A_1602 = vector.broadcast %mul3A_1495 : i32 to vector<16xi32>
          %add3A_1603 = arith.addi %and3A_79, %add3A_1602 : vector<16xi32>
          %mul3A_1604 = arith.constant 128 : i32
          %mul3A_1605 = arith.muli %select_n3A_1453, %mul3A_1604 : i32
          %add3A_1606 = arith.addi %mul3A_1605, %mul3A_1513 : i32
          %add3A_1607 = vector.broadcast %add3A_1606 : i32 to vector<16xi32>
          %add3A_1608 = arith.addi %iota3A, %add3A_1607 : vector<16xi32>
          %gather3A_1609 = tpu.vector_load_idx %arg6[%add3A_1603, %add3A_1608] : memref<32x512xf32, #tpu.memory_space<vmem>>[vector<16xi32>, vector<16xi32>], vector<16xf32>,
          %add3A_1610 = vector.broadcast %mul3A_1495 : i32 to vector<16xi32>
          %add3A_1611 = arith.addi %and3A_85, %add3A_1610 : vector<16xi32>
          %mul3A_1612 = arith.constant 128 : i32
          %mul3A_1613 = arith.muli %select_n3A_1453, %mul3A_1612 : i32
          %add3A_1614 = arith.addi %mul3A_1613, %mul3A_1513 : i32
          %add3A_1615 = vector.broadcast %add3A_1614 : i32 to vector<16xi32>
          %add3A_1616 = arith.addi %iota3A, %add3A_1615 : vector<16xi32>
          %gather3A_1617 = tpu.vector_load_idx %arg6[%add3A_1611, %add3A_1616] : memref<32x512xf32, #tpu.memory_space<vmem>>[vector<16xi32>, vector<16xi32>], vector<16xf32>,
          %add3A_1618 = vector.broadcast %mul3A_1495 : i32 to vector<16xi32>
          %add3A_1619 = arith.addi %and3A_91, %add3A_1618 : vector<16xi32>
          %mul3A_1620 = arith.constant 128 : i32
          %mul3A_1621 = arith.muli %select_n3A_1453, %mul3A_1620 : i32
          %add3A_1622 = arith.addi %mul3A_1621, %mul3A_1513 : i32
          %add3A_1623 = vector.broadcast %add3A_1622 : i32 to vector<16xi32>
          %add3A_1624 = arith.addi %iota3A, %add3A_1623 : vector<16xi32>
          %gather3A_1625 = tpu.vector_load_idx %arg6[%add3A_1619, %add3A_1624] : memref<32x512xf32, #tpu.memory_space<vmem>>[vector<16xi32>, vector<16xi32>], vector<16xf32>,
          %add3A_1626 = vector.broadcast %mul3A_1495 : i32 to vector<16xi32>
          %add3A_1627 = arith.addi %and3A_97, %add3A_1626 : vector<16xi32>
          %mul3A_1628 = arith.constant 128 : i32
          %mul3A_1629 = arith.muli %select_n3A_1453, %mul3A_1628 : i32
          %add3A_1630 = arith.addi %mul3A_1629, %mul3A_1513 : i32
          %add3A_1631 = vector.broadcast %add3A_1630 : i32 to vector<16xi32>
          %add3A_1632 = arith.addi %iota3A, %add3A_1631 : vector<16xi32>
          %gather3A_1633 = tpu.vector_load_idx %arg6[%add3A_1627, %add3A_1632] : memref<32x512xf32, #tpu.memory_space<vmem>>[vector<16xi32>, vector<16xi32>], vector<16xf32>,
          %add3A_1634 = vector.broadcast %mul3A_1495 : i32 to vector<16xi32>
          %add3A_1635 = arith.addi %and3A_103, %add3A_1634 : vector<16xi32>
          %mul3A_1636 = arith.constant 128 : i32
          %mul3A_1637 = arith.muli %select_n3A_1453, %mul3A_1636 : i32
          %add3A_1638 = arith.addi %mul3A_1637, %mul3A_1513 : i32
          %add3A_1639 = vector.broadcast %add3A_1638 : i32 to vector<16xi32>
          %add3A_1640 = arith.addi %iota3A, %add3A_1639 : vector<16xi32>
          %gather3A_1641 = tpu.vector_load_idx %arg6[%add3A_1635, %add3A_1640] : memref<32x512xf32, #tpu.memory_space<vmem>>[vector<16xi32>, vector<16xi32>], vector<16xf32>,
          %mul3A_1642 = arith.constant 32 : i32
          %mul3A_1643 = arith.muli %select_n3A_1453, %mul3A_1642 : i32
          %jit3A_1644 = arith.constant 4 : i32
          %div3A_1645 = arith.divsi %mul3A_1513, %jit3A_1644 : i32
          %sign3A_1646 = arith.constant 0 : i32
          %sign3A_1647 = arith.cmpi sgt, %mul3A_1513, %sign3A_1646 : i32
          %sign3A_1648 = arith.extui %sign3A_1647 : i1 to i32
          %sign3A_1649 = arith.constant 0 : i32
          %sign3A_1650 = arith.cmpi slt, %mul3A_1513, %sign3A_1649 : i32
          %sign3A_1651 = arith.extui %sign3A_1650 : i1 to i32
          %sign3A_1652 = arith.subi %sign3A_1648, %sign3A_1651 : i32
          %sign3A_1653 = arith.constant 0 : i32
          %sign3A_1654 = arith.cmpi sgt, %jit3A_1644, %sign3A_1653 : i32
          %sign3A_1655 = arith.extui %sign3A_1654 : i1 to i32
          %sign3A_1656 = arith.constant 0 : i32
          %sign3A_1657 = arith.cmpi slt, %jit3A_1644, %sign3A_1656 : i32
          %sign3A_1658 = arith.extui %sign3A_1657 : i1 to i32
          %sign3A_1659 = arith.subi %sign3A_1655, %sign3A_1658 : i32
          %ne3A_1660 = arith.cmpi ne, %sign3A_1652, %sign3A_1659 : i32
          %rem3A_1661 = arith.remsi %mul3A_1513, %jit3A_1644 : i32
          %ne3A_1662 = arith.constant 0 : i32
          %ne3A_1663 = arith.cmpi ne, %rem3A_1661, %ne3A_1662 : i32
          %and3A_1664 = arith.andi %ne3A_1660, %ne3A_1663 : i1
          %sub3A_1665 = arith.constant 1 : i32
          %sub3A_1666 = arith.subi %div3A_1645, %sub3A_1665 : i32
          %select_n3A_1667 = arith.select %and3A_1664, %sub3A_1666, %div3A_1645 : i32
          %add3A_1668 = arith.addi %mul3A_1643, %select_n3A_1667 : i32
          %add3A_1669 = vector.broadcast %add3A_1668 : i32 to vector<16xi32>
          %add3A_1670 = arith.addi %select_n3A_129, %add3A_1669 : vector<16xi32>
          %add3A_1671 = vector.broadcast %mul3A_1495 : i32 to vector<16xi32>
          %add3A_1672 = arith.addi %add3A_160, %add3A_1671 : vector<16xi32>
          tpu.vector_store_idx %arg8[%add3A_1670, %add3A_1672], %gather3A_1521 : memref<128x128xf32, #tpu.memory_space<vmem>>[vector<16xi32>, vector<16xi32>], vector<16xf32>,
          %mul3A_1673 = arith.constant 32 : i32
          %mul3A_1674 = arith.muli %select_n3A_1453, %mul3A_1673 : i32
          %jit3A_1675 = arith.constant 4 : i32
          %div3A_1676 = arith.divsi %mul3A_1513, %jit3A_1675 : i32
          %sign3A_1677 = arith.constant 0 : i32
          %sign3A_1678 = arith.cmpi sgt, %mul3A_1513, %sign3A_1677 : i32
          %sign3A_1679 = arith.extui %sign3A_1678 : i1 to i32
          %sign3A_1680 = arith.constant 0 : i32
          %sign3A_1681 = arith.cmpi slt, %mul3A_1513, %sign3A_1680 : i32
          %sign3A_1682 = arith.extui %sign3A_1681 : i1 to i32
          %sign3A_1683 = arith.subi %sign3A_1679, %sign3A_1682 : i32
          %sign3A_1684 = arith.constant 0 : i32
          %sign3A_1685 = arith.cmpi sgt, %jit3A_1675, %sign3A_1684 : i32
          %sign3A_1686 = arith.extui %sign3A_1685 : i1 to i32
          %sign3A_1687 = arith.constant 0 : i32
          %sign3A_1688 = arith.cmpi slt, %jit3A_1675, %sign3A_1687 : i32
          %sign3A_1689 = arith.extui %sign3A_1688 : i1 to i32
          %sign3A_1690 = arith.subi %sign3A_1686, %sign3A_1689 : i32
          %ne3A_1691 = arith.cmpi ne, %sign3A_1683, %sign3A_1690 : i32
          %rem3A_1692 = arith.remsi %mul3A_1513, %jit3A_1675 : i32
          %ne3A_1693 = arith.constant 0 : i32
          %ne3A_1694 = arith.cmpi ne, %rem3A_1692, %ne3A_1693 : i32
          %and3A_1695 = arith.andi %ne3A_1691, %ne3A_1694 : i1
          %sub3A_1696 = arith.constant 1 : i32
          %sub3A_1697 = arith.subi %div3A_1676, %sub3A_1696 : i32
          %select_n3A_1698 = arith.select %and3A_1695, %sub3A_1697, %div3A_1676 : i32
          %add3A_1699 = arith.addi %mul3A_1674, %select_n3A_1698 : i32
          %add3A_1700 = vector.broadcast %add3A_1699 : i32 to vector<16xi32>
          %add3A_1701 = arith.addi %select_n3A_129, %add3A_1700 : vector<16xi32>
          %add3A_1702 = vector.broadcast %mul3A_1495 : i32 to vector<16xi32>
          %add3A_1703 = arith.addi %add3A_192, %add3A_1702 : vector<16xi32>
          tpu.vector_store_idx %arg8[%add3A_1701, %add3A_1703], %gather3A_1529 : memref<128x128xf32, #tpu.memory_space<vmem>>[vector<16xi32>, vector<16xi32>], vector<16xf32>,
          %mul3A_1704 = arith.constant 32 : i32
          %mul3A_1705 = arith.muli %select_n3A_1453, %mul3A_1704 : i32
          %jit3A_1706 = arith.constant 4 : i32
          %div3A_1707 = arith.divsi %mul3A_1513, %jit3A_1706 : i32
          %sign3A_1708 = arith.constant 0 : i32
          %sign3A_1709 = arith.cmpi sgt, %mul3A_1513, %sign3A_1708 : i32
          %sign3A_1710 = arith.extui %sign3A_1709 : i1 to i32
          %sign3A_1711 = arith.constant 0 : i32
          %sign3A_1712 = arith.cmpi slt, %mul3A_1513, %sign3A_1711 : i32
          %sign3A_1713 = arith.extui %sign3A_1712 : i1 to i32
          %sign3A_1714 = arith.subi %sign3A_1710, %sign3A_1713 : i32
          %sign3A_1715 = arith.constant 0 : i32
          %sign3A_1716 = arith.cmpi sgt, %jit3A_1706, %sign3A_1715 : i32
          %sign3A_1717 = arith.extui %sign3A_1716 : i1 to i32
          %sign3A_1718 = arith.constant 0 : i32
          %sign3A_1719 = arith.cmpi slt, %jit3A_1706, %sign3A_1718 : i32
          %sign3A_1720 = arith.extui %sign3A_1719 : i1 to i32
          %sign3A_1721 = arith.subi %sign3A_1717, %sign3A_1720 : i32
          %ne3A_1722 = arith.cmpi ne, %sign3A_1714, %sign3A_1721 : i32
          %rem3A_1723 = arith.remsi %mul3A_1513, %jit3A_1706 : i32
          %ne3A_1724 = arith.constant 0 : i32
          %ne3A_1725 = arith.cmpi ne, %rem3A_1723, %ne3A_1724 : i32
          %and3A_1726 = arith.andi %ne3A_1722, %ne3A_1725 : i1
          %sub3A_1727 = arith.constant 1 : i32
          %sub3A_1728 = arith.subi %div3A_1707, %sub3A_1727 : i32
          %select_n3A_1729 = arith.select %and3A_1726, %sub3A_1728, %div3A_1707 : i32
          %add3A_1730 = arith.addi %mul3A_1705, %select_n3A_1729 : i32
          %add3A_1731 = vector.broadcast %add3A_1730 : i32 to vector<16xi32>
          %add3A_1732 = arith.addi %select_n3A_129, %add3A_1731 : vector<16xi32>
          %add3A_1733 = vector.broadcast %mul3A_1495 : i32 to vector<16xi32>
          %add3A_1734 = arith.addi %add3A_224, %add3A_1733 : vector<16xi32>
          tpu.vector_store_idx %arg8[%add3A_1732, %add3A_1734], %gather3A_1537 : memref<128x128xf32, #tpu.memory_space<vmem>>[vector<16xi32>, vector<16xi32>], vector<16xf32>,
          %mul3A_1735 = arith.constant 32 : i32
          %mul3A_1736 = arith.muli %select_n3A_1453, %mul3A_1735 : i32
          %jit3A_1737 = arith.constant 4 : i32
          %div3A_1738 = arith.divsi %mul3A_1513, %jit3A_1737 : i32
          %sign3A_1739 = arith.constant 0 : i32
          %sign3A_1740 = arith.cmpi sgt, %mul3A_1513, %sign3A_1739 : i32
          %sign3A_1741 = arith.extui %sign3A_1740 : i1 to i32
          %sign3A_1742 = arith.constant 0 : i32
          %sign3A_1743 = arith.cmpi slt, %mul3A_1513, %sign3A_1742 : i32
          %sign3A_1744 = arith.extui %sign3A_1743 : i1 to i32
          %sign3A_1745 = arith.subi %sign3A_1741, %sign3A_1744 : i32
          %sign3A_1746 = arith.constant 0 : i32
          %sign3A_1747 = arith.cmpi sgt, %jit3A_1737, %sign3A_1746 : i32
          %sign3A_1748 = arith.extui %sign3A_1747 : i1 to i32
          %sign3A_1749 = arith.constant 0 : i32
          %sign3A_1750 = arith.cmpi slt, %jit3A_1737, %sign3A_1749 : i32
          %sign3A_1751 = arith.extui %sign3A_1750 : i1 to i32
          %sign3A_1752 = arith.subi %sign3A_1748, %sign3A_1751 : i32
          %ne3A_1753 = arith.cmpi ne, %sign3A_1745, %sign3A_1752 : i32
          %rem3A_1754 = arith.remsi %mul3A_1513, %jit3A_1737 : i32
          %ne3A_1755 = arith.constant 0 : i32
          %ne3A_1756 = arith.cmpi ne, %rem3A_1754, %ne3A_1755 : i32
          %and3A_1757 = arith.andi %ne3A_1753, %ne3A_1756 : i1
          %sub3A_1758 = arith.constant 1 : i32
          %sub3A_1759 = arith.subi %div3A_1738, %sub3A_1758 : i32
          %select_n3A_1760 = arith.select %and3A_1757, %sub3A_1759, %div3A_1738 : i32
          %add3A_1761 = arith.addi %mul3A_1736, %select_n3A_1760 : i32
          %add3A_1762 = vector.broadcast %add3A_1761 : i32 to vector<16xi32>
          %add3A_1763 = arith.addi %select_n3A_129, %add3A_1762 : vector<16xi32>
          %add3A_1764 = vector.broadcast %mul3A_1495 : i32 to vector<16xi32>
          %add3A_1765 = arith.addi %add3A_256, %add3A_1764 : vector<16xi32>
          tpu.vector_store_idx %arg8[%add3A_1763, %add3A_1765], %gather3A_1545 : memref<128x128xf32, #tpu.memory_space<vmem>>[vector<16xi32>, vector<16xi32>], vector<16xf32>,
          %mul3A_1766 = arith.constant 32 : i32
          %mul3A_1767 = arith.muli %select_n3A_1453, %mul3A_1766 : i32
          %jit3A_1768 = arith.constant 4 : i32
          %div3A_1769 = arith.divsi %mul3A_1513, %jit3A_1768 : i32
          %sign3A_1770 = arith.constant 0 : i32
          %sign3A_1771 = arith.cmpi sgt, %mul3A_1513, %sign3A_1770 : i32
          %sign3A_1772 = arith.extui %sign3A_1771 : i1 to i32
          %sign3A_1773 = arith.constant 0 : i32
          %sign3A_1774 = arith.cmpi slt, %mul3A_1513, %sign3A_1773 : i32
          %sign3A_1775 = arith.extui %sign3A_1774 : i1 to i32
          %sign3A_1776 = arith.subi %sign3A_1772, %sign3A_1775 : i32
          %sign3A_1777 = arith.constant 0 : i32
          %sign3A_1778 = arith.cmpi sgt, %jit3A_1768, %sign3A_1777 : i32
          %sign3A_1779 = arith.extui %sign3A_1778 : i1 to i32
          %sign3A_1780 = arith.constant 0 : i32
          %sign3A_1781 = arith.cmpi slt, %jit3A_1768, %sign3A_1780 : i32
          %sign3A_1782 = arith.extui %sign3A_1781 : i1 to i32
          %sign3A_1783 = arith.subi %sign3A_1779, %sign3A_1782 : i32
          %ne3A_1784 = arith.cmpi ne, %sign3A_1776, %sign3A_1783 : i32
          %rem3A_1785 = arith.remsi %mul3A_1513, %jit3A_1768 : i32
          %ne3A_1786 = arith.constant 0 : i32
          %ne3A_1787 = arith.cmpi ne, %rem3A_1785, %ne3A_1786 : i32
          %and3A_1788 = arith.andi %ne3A_1784, %ne3A_1787 : i1
          %sub3A_1789 = arith.constant 1 : i32
          %sub3A_1790 = arith.subi %div3A_1769, %sub3A_1789 : i32
          %select_n3A_1791 = arith.select %and3A_1788, %sub3A_1790, %div3A_1769 : i32
          %add3A_1792 = arith.addi %mul3A_1767, %select_n3A_1791 : i32
          %add3A_1793 = vector.broadcast %add3A_1792 : i32 to vector<16xi32>
          %add3A_1794 = arith.addi %select_n3A_129, %add3A_1793 : vector<16xi32>
          %add3A_1795 = vector.broadcast %mul3A_1495 : i32 to vector<16xi32>
          %add3A_1796 = arith.addi %add3A_288, %add3A_1795 : vector<16xi32>
          tpu.vector_store_idx %arg8[%add3A_1794, %add3A_1796], %gather3A_1553 : memref<128x128xf32, #tpu.memory_space<vmem>>[vector<16xi32>, vector<16xi32>], vector<16xf32>,
          %mul3A_1797 = arith.constant 32 : i32
          %mul3A_1798 = arith.muli %select_n3A_1453, %mul3A_1797 : i32
          %jit3A_1799 = arith.constant 4 : i32
          %div3A_1800 = arith.divsi %mul3A_1513, %jit3A_1799 : i32
          %sign3A_1801 = arith.constant 0 : i32
          %sign3A_1802 = arith.cmpi sgt, %mul3A_1513, %sign3A_1801 : i32
          %sign3A_1803 = arith.extui %sign3A_1802 : i1 to i32
          %sign3A_1804 = arith.constant 0 : i32
          %sign3A_1805 = arith.cmpi slt, %mul3A_1513, %sign3A_1804 : i32
          %sign3A_1806 = arith.extui %sign3A_1805 : i1 to i32
          %sign3A_1807 = arith.subi %sign3A_1803, %sign3A_1806 : i32
          %sign3A_1808 = arith.constant 0 : i32
          %sign3A_1809 = arith.cmpi sgt, %jit3A_1799, %sign3A_1808 : i32
          %sign3A_1810 = arith.extui %sign3A_1809 : i1 to i32
          %sign3A_1811 = arith.constant 0 : i32
          %sign3A_1812 = arith.cmpi slt, %jit3A_1799, %sign3A_1811 : i32
          %sign3A_1813 = arith.extui %sign3A_1812 : i1 to i32
          %sign3A_1814 = arith.subi %sign3A_1810, %sign3A_1813 : i32
          %ne3A_1815 = arith.cmpi ne, %sign3A_1807, %sign3A_1814 : i32
          %rem3A_1816 = arith.remsi %mul3A_1513, %jit3A_1799 : i32
          %ne3A_1817 = arith.constant 0 : i32
          %ne3A_1818 = arith.cmpi ne, %rem3A_1816, %ne3A_1817 : i32
          %and3A_1819 = arith.andi %ne3A_1815, %ne3A_1818 : i1
          %sub3A_1820 = arith.constant 1 : i32
          %sub3A_1821 = arith.subi %div3A_1800, %sub3A_1820 : i32
          %select_n3A_1822 = arith.select %and3A_1819, %sub3A_1821, %div3A_1800 : i32
          %add3A_1823 = arith.addi %mul3A_1798, %select_n3A_1822 : i32
          %add3A_1824 = vector.broadcast %add3A_1823 : i32 to vector<16xi32>
          %add3A_1825 = arith.addi %select_n3A_129, %add3A_1824 : vector<16xi32>
          %add3A_1826 = vector.broadcast %mul3A_1495 : i32 to vector<16xi32>
          %add3A_1827 = arith.addi %add3A_320, %add3A_1826 : vector<16xi32>
          tpu.vector_store_idx %arg8[%add3A_1825, %add3A_1827], %gather3A_1561 : memref<128x128xf32, #tpu.memory_space<vmem>>[vector<16xi32>, vector<16xi32>], vector<16xf32>,
          %mul3A_1828 = arith.constant 32 : i32
          %mul3A_1829 = arith.muli %select_n3A_1453, %mul3A_1828 : i32
          %jit3A_1830 = arith.constant 4 : i32
          %div3A_1831 = arith.divsi %mul3A_1513, %jit3A_1830 : i32
          %sign3A_1832 = arith.constant 0 : i32
          %sign3A_1833 = arith.cmpi sgt, %mul3A_1513, %sign3A_1832 : i32
          %sign3A_1834 = arith.extui %sign3A_1833 : i1 to i32
          %sign3A_1835 = arith.constant 0 : i32
          %sign3A_1836 = arith.cmpi slt, %mul3A_1513, %sign3A_1835 : i32
          %sign3A_1837 = arith.extui %sign3A_1836 : i1 to i32
          %sign3A_1838 = arith.subi %sign3A_1834, %sign3A_1837 : i32
          %sign3A_1839 = arith.constant 0 : i32
          %sign3A_1840 = arith.cmpi sgt, %jit3A_1830, %sign3A_1839 : i32
          %sign3A_1841 = arith.extui %sign3A_1840 : i1 to i32
          %sign3A_1842 = arith.constant 0 : i32
          %sign3A_1843 = arith.cmpi slt, %jit3A_1830, %sign3A_1842 : i32
          %sign3A_1844 = arith.extui %sign3A_1843 : i1 to i32
          %sign3A_1845 = arith.subi %sign3A_1841, %sign3A_1844 : i32
          %ne3A_1846 = arith.cmpi ne, %sign3A_1838, %sign3A_1845 : i32
          %rem3A_1847 = arith.remsi %mul3A_1513, %jit3A_1830 : i32
          %ne3A_1848 = arith.constant 0 : i32
          %ne3A_1849 = arith.cmpi ne, %rem3A_1847, %ne3A_1848 : i32
          %and3A_1850 = arith.andi %ne3A_1846, %ne3A_1849 : i1
          %sub3A_1851 = arith.constant 1 : i32
          %sub3A_1852 = arith.subi %div3A_1831, %sub3A_1851 : i32
          %select_n3A_1853 = arith.select %and3A_1850, %sub3A_1852, %div3A_1831 : i32
          %add3A_1854 = arith.addi %mul3A_1829, %select_n3A_1853 : i32
          %add3A_1855 = vector.broadcast %add3A_1854 : i32 to vector<16xi32>
          %add3A_1856 = arith.addi %select_n3A_129, %add3A_1855 : vector<16xi32>
          %add3A_1857 = vector.broadcast %mul3A_1495 : i32 to vector<16xi32>
          %add3A_1858 = arith.addi %add3A_352, %add3A_1857 : vector<16xi32>
          tpu.vector_store_idx %arg8[%add3A_1856, %add3A_1858], %gather3A_1569 : memref<128x128xf32, #tpu.memory_space<vmem>>[vector<16xi32>, vector<16xi32>], vector<16xf32>,
          %mul3A_1859 = arith.constant 32 : i32
          %mul3A_1860 = arith.muli %select_n3A_1453, %mul3A_1859 : i32
          %jit3A_1861 = arith.constant 4 : i32
          %div3A_1862 = arith.divsi %mul3A_1513, %jit3A_1861 : i32
          %sign3A_1863 = arith.constant 0 : i32
          %sign3A_1864 = arith.cmpi sgt, %mul3A_1513, %sign3A_1863 : i32
          %sign3A_1865 = arith.extui %sign3A_1864 : i1 to i32
          %sign3A_1866 = arith.constant 0 : i32
          %sign3A_1867 = arith.cmpi slt, %mul3A_1513, %sign3A_1866 : i32
          %sign3A_1868 = arith.extui %sign3A_1867 : i1 to i32
          %sign3A_1869 = arith.subi %sign3A_1865, %sign3A_1868 : i32
          %sign3A_1870 = arith.constant 0 : i32
          %sign3A_1871 = arith.cmpi sgt, %jit3A_1861, %sign3A_1870 : i32
          %sign3A_1872 = arith.extui %sign3A_1871 : i1 to i32
          %sign3A_1873 = arith.constant 0 : i32
          %sign3A_1874 = arith.cmpi slt, %jit3A_1861, %sign3A_1873 : i32
          %sign3A_1875 = arith.extui %sign3A_1874 : i1 to i32
          %sign3A_1876 = arith.subi %sign3A_1872, %sign3A_1875 : i32
          %ne3A_1877 = arith.cmpi ne, %sign3A_1869, %sign3A_1876 : i32
          %rem3A_1878 = arith.remsi %mul3A_1513, %jit3A_1861 : i32
          %ne3A_1879 = arith.constant 0 : i32
          %ne3A_1880 = arith.cmpi ne, %rem3A_1878, %ne3A_1879 : i32
          %and3A_1881 = arith.andi %ne3A_1877, %ne3A_1880 : i1
          %sub3A_1882 = arith.constant 1 : i32
          %sub3A_1883 = arith.subi %div3A_1862, %sub3A_1882 : i32
          %select_n3A_1884 = arith.select %and3A_1881, %sub3A_1883, %div3A_1862 : i32
          %add3A_1885 = arith.addi %mul3A_1860, %select_n3A_1884 : i32
          %add3A_1886 = vector.broadcast %add3A_1885 : i32 to vector<16xi32>
          %add3A_1887 = arith.addi %select_n3A_129, %add3A_1886 : vector<16xi32>
          %add3A_1888 = vector.broadcast %mul3A_1495 : i32 to vector<16xi32>
          %add3A_1889 = arith.addi %add3A_384, %add3A_1888 : vector<16xi32>
          tpu.vector_store_idx %arg8[%add3A_1887, %add3A_1889], %gather3A_1577 : memref<128x128xf32, #tpu.memory_space<vmem>>[vector<16xi32>, vector<16xi32>], vector<16xf32>,
          %mul3A_1890 = arith.constant 32 : i32
          %mul3A_1891 = arith.muli %select_n3A_1453, %mul3A_1890 : i32
          %jit3A_1892 = arith.constant 4 : i32
          %div3A_1893 = arith.divsi %mul3A_1513, %jit3A_1892 : i32
          %sign3A_1894 = arith.constant 0 : i32
          %sign3A_1895 = arith.cmpi sgt, %mul3A_1513, %sign3A_1894 : i32
          %sign3A_1896 = arith.extui %sign3A_1895 : i1 to i32
          %sign3A_1897 = arith.constant 0 : i32
          %sign3A_1898 = arith.cmpi slt, %mul3A_1513, %sign3A_1897 : i32
          %sign3A_1899 = arith.extui %sign3A_1898 : i1 to i32
          %sign3A_1900 = arith.subi %sign3A_1896, %sign3A_1899 : i32
          %sign3A_1901 = arith.constant 0 : i32
          %sign3A_1902 = arith.cmpi sgt, %jit3A_1892, %sign3A_1901 : i32
          %sign3A_1903 = arith.extui %sign3A_1902 : i1 to i32
          %sign3A_1904 = arith.constant 0 : i32
          %sign3A_1905 = arith.cmpi slt, %jit3A_1892, %sign3A_1904 : i32
          %sign3A_1906 = arith.extui %sign3A_1905 : i1 to i32
          %sign3A_1907 = arith.subi %sign3A_1903, %sign3A_1906 : i32
          %ne3A_1908 = arith.cmpi ne, %sign3A_1900, %sign3A_1907 : i32
          %rem3A_1909 = arith.remsi %mul3A_1513, %jit3A_1892 : i32
          %ne3A_1910 = arith.constant 0 : i32
          %ne3A_1911 = arith.cmpi ne, %rem3A_1909, %ne3A_1910 : i32
          %and3A_1912 = arith.andi %ne3A_1908, %ne3A_1911 : i1
          %sub3A_1913 = arith.constant 1 : i32
          %sub3A_1914 = arith.subi %div3A_1893, %sub3A_1913 : i32
          %select_n3A_1915 = arith.select %and3A_1912, %sub3A_1914, %div3A_1893 : i32
          %add3A_1916 = arith.addi %mul3A_1891, %select_n3A_1915 : i32
          %add3A_1917 = vector.broadcast %add3A_1916 : i32 to vector<16xi32>
          %add3A_1918 = arith.addi %select_n3A_129, %add3A_1917 : vector<16xi32>
          %add3A_1919 = vector.broadcast %mul3A_1495 : i32 to vector<16xi32>
          %add3A_1920 = arith.addi %add3A_416, %add3A_1919 : vector<16xi32>
          tpu.vector_store_idx %arg8[%add3A_1918, %add3A_1920], %gather3A_1585 : memref<128x128xf32, #tpu.memory_space<vmem>>[vector<16xi32>, vector<16xi32>], vector<16xf32>,
          %mul3A_1921 = arith.constant 32 : i32
          %mul3A_1922 = arith.muli %select_n3A_1453, %mul3A_1921 : i32
          %jit3A_1923 = arith.constant 4 : i32
          %div3A_1924 = arith.divsi %mul3A_1513, %jit3A_1923 : i32
          %sign3A_1925 = arith.constant 0 : i32
          %sign3A_1926 = arith.cmpi sgt, %mul3A_1513, %sign3A_1925 : i32
          %sign3A_1927 = arith.extui %sign3A_1926 : i1 to i32
          %sign3A_1928 = arith.constant 0 : i32
          %sign3A_1929 = arith.cmpi slt, %mul3A_1513, %sign3A_1928 : i32
          %sign3A_1930 = arith.extui %sign3A_1929 : i1 to i32
          %sign3A_1931 = arith.subi %sign3A_1927, %sign3A_1930 : i32
          %sign3A_1932 = arith.constant 0 : i32
          %sign3A_1933 = arith.cmpi sgt, %jit3A_1923, %sign3A_1932 : i32
          %sign3A_1934 = arith.extui %sign3A_1933 : i1 to i32
          %sign3A_1935 = arith.constant 0 : i32
          %sign3A_1936 = arith.cmpi slt, %jit3A_1923, %sign3A_1935 : i32
          %sign3A_1937 = arith.extui %sign3A_1936 : i1 to i32
          %sign3A_1938 = arith.subi %sign3A_1934, %sign3A_1937 : i32
          %ne3A_1939 = arith.cmpi ne, %sign3A_1931, %sign3A_1938 : i32
          %rem3A_1940 = arith.remsi %mul3A_1513, %jit3A_1923 : i32
          %ne3A_1941 = arith.constant 0 : i32
          %ne3A_1942 = arith.cmpi ne, %rem3A_1940, %ne3A_1941 : i32
          %and3A_1943 = arith.andi %ne3A_1939, %ne3A_1942 : i1
          %sub3A_1944 = arith.constant 1 : i32
          %sub3A_1945 = arith.subi %div3A_1924, %sub3A_1944 : i32
          %select_n3A_1946 = arith.select %and3A_1943, %sub3A_1945, %div3A_1924 : i32
          %add3A_1947 = arith.addi %mul3A_1922, %select_n3A_1946 : i32
          %add3A_1948 = vector.broadcast %add3A_1947 : i32 to vector<16xi32>
          %add3A_1949 = arith.addi %select_n3A_129, %add3A_1948 : vector<16xi32>
          %add3A_1950 = vector.broadcast %mul3A_1495 : i32 to vector<16xi32>
          %add3A_1951 = arith.addi %add3A_448, %add3A_1950 : vector<16xi32>
          tpu.vector_store_idx %arg8[%add3A_1949, %add3A_1951], %gather3A_1593 : memref<128x128xf32, #tpu.memory_space<vmem>>[vector<16xi32>, vector<16xi32>], vector<16xf32>,
          %mul3A_1952 = arith.constant 32 : i32
          %mul3A_1953 = arith.muli %select_n3A_1453, %mul3A_1952 : i32
          %jit3A_1954 = arith.constant 4 : i32
          %div3A_1955 = arith.divsi %mul3A_1513, %jit3A_1954 : i32
          %sign3A_1956 = arith.constant 0 : i32
          %sign3A_1957 = arith.cmpi sgt, %mul3A_1513, %sign3A_1956 : i32
          %sign3A_1958 = arith.extui %sign3A_1957 : i1 to i32
          %sign3A_1959 = arith.constant 0 : i32
          %sign3A_1960 = arith.cmpi slt, %mul3A_1513, %sign3A_1959 : i32
          %sign3A_1961 = arith.extui %sign3A_1960 : i1 to i32
          %sign3A_1962 = arith.subi %sign3A_1958, %sign3A_1961 : i32
          %sign3A_1963 = arith.constant 0 : i32
          %sign3A_1964 = arith.cmpi sgt, %jit3A_1954, %sign3A_1963 : i32
          %sign3A_1965 = arith.extui %sign3A_1964 : i1 to i32
          %sign3A_1966 = arith.constant 0 : i32
          %sign3A_1967 = arith.cmpi slt, %jit3A_1954, %sign3A_1966 : i32
          %sign3A_1968 = arith.extui %sign3A_1967 : i1 to i32
          %sign3A_1969 = arith.subi %sign3A_1965, %sign3A_1968 : i32
          %ne3A_1970 = arith.cmpi ne, %sign3A_1962, %sign3A_1969 : i32
          %rem3A_1971 = arith.remsi %mul3A_1513, %jit3A_1954 : i32
          %ne3A_1972 = arith.constant 0 : i32
          %ne3A_1973 = arith.cmpi ne, %rem3A_1971, %ne3A_1972 : i32
          %and3A_1974 = arith.andi %ne3A_1970, %ne3A_1973 : i1
          %sub3A_1975 = arith.constant 1 : i32
          %sub3A_1976 = arith.subi %div3A_1955, %sub3A_1975 : i32
          %select_n3A_1977 = arith.select %and3A_1974, %sub3A_1976, %div3A_1955 : i32
          %add3A_1978 = arith.addi %mul3A_1953, %select_n3A_1977 : i32
          %add3A_1979 = vector.broadcast %add3A_1978 : i32 to vector<16xi32>
          %add3A_1980 = arith.addi %select_n3A_129, %add3A_1979 : vector<16xi32>
          %add3A_1981 = vector.broadcast %mul3A_1495 : i32 to vector<16xi32>
          %add3A_1982 = arith.addi %add3A_480, %add3A_1981 : vector<16xi32>
          tpu.vector_store_idx %arg8[%add3A_1980, %add3A_1982], %gather3A_1601 : memref<128x128xf32, #tpu.memory_space<vmem>>[vector<16xi32>, vector<16xi32>], vector<16xf32>,
          %mul3A_1983 = arith.constant 32 : i32
          %mul3A_1984 = arith.muli %select_n3A_1453, %mul3A_1983 : i32
          %jit3A_1985 = arith.constant 4 : i32
          %div3A_1986 = arith.divsi %mul3A_1513, %jit3A_1985 : i32
          %sign3A_1987 = arith.constant 0 : i32
          %sign3A_1988 = arith.cmpi sgt, %mul3A_1513, %sign3A_1987 : i32
          %sign3A_1989 = arith.extui %sign3A_1988 : i1 to i32
          %sign3A_1990 = arith.constant 0 : i32
          %sign3A_1991 = arith.cmpi slt, %mul3A_1513, %sign3A_1990 : i32
          %sign3A_1992 = arith.extui %sign3A_1991 : i1 to i32
          %sign3A_1993 = arith.subi %sign3A_1989, %sign3A_1992 : i32
          %sign3A_1994 = arith.constant 0 : i32
          %sign3A_1995 = arith.cmpi sgt, %jit3A_1985, %sign3A_1994 : i32
          %sign3A_1996 = arith.extui %sign3A_1995 : i1 to i32
          %sign3A_1997 = arith.constant 0 : i32
          %sign3A_1998 = arith.cmpi slt, %jit3A_1985, %sign3A_1997 : i32
          %sign3A_1999 = arith.extui %sign3A_1998 : i1 to i32
          %sign3A_2000 = arith.subi %sign3A_1996, %sign3A_1999 : i32
          %ne3A_2001 = arith.cmpi ne, %sign3A_1993, %sign3A_2000 : i32
          %rem3A_2002 = arith.remsi %mul3A_1513, %jit3A_1985 : i32
          %ne3A_2003 = arith.constant 0 : i32
          %ne3A_2004 = arith.cmpi ne, %rem3A_2002, %ne3A_2003 : i32
          %and3A_2005 = arith.andi %ne3A_2001, %ne3A_2004 : i1
          %sub3A_2006 = arith.constant 1 : i32
          %sub3A_2007 = arith.subi %div3A_1986, %sub3A_2006 : i32
          %select_n3A_2008 = arith.select %and3A_2005, %sub3A_2007, %div3A_1986 : i32
          %add3A_2009 = arith.addi %mul3A_1984, %select_n3A_2008 : i32
          %add3A_2010 = vector.broadcast %add3A_2009 : i32 to vector<16xi32>
          %add3A_2011 = arith.addi %select_n3A_129, %add3A_2010 : vector<16xi32>
          %add3A_2012 = vector.broadcast %mul3A_1495 : i32 to vector<16xi32>
          %add3A_2013 = arith.addi %add3A_512, %add3A_2012 : vector<16xi32>
          tpu.vector_store_idx %arg8[%add3A_2011, %add3A_2013], %gather3A_1609 : memref<128x128xf32, #tpu.memory_space<vmem>>[vector<16xi32>, vector<16xi32>], vector<16xf32>,
          %mul3A_2014 = arith.constant 32 : i32
          %mul3A_2015 = arith.muli %select_n3A_1453, %mul3A_2014 : i32
          %jit3A_2016 = arith.constant 4 : i32
          %div3A_2017 = arith.divsi %mul3A_1513, %jit3A_2016 : i32
          %sign3A_2018 = arith.constant 0 : i32
          %sign3A_2019 = arith.cmpi sgt, %mul3A_1513, %sign3A_2018 : i32
          %sign3A_2020 = arith.extui %sign3A_2019 : i1 to i32
          %sign3A_2021 = arith.constant 0 : i32
          %sign3A_2022 = arith.cmpi slt, %mul3A_1513, %sign3A_2021 : i32
          %sign3A_2023 = arith.extui %sign3A_2022 : i1 to i32
          %sign3A_2024 = arith.subi %sign3A_2020, %sign3A_2023 : i32
          %sign3A_2025 = arith.constant 0 : i32
          %sign3A_2026 = arith.cmpi sgt, %jit3A_2016, %sign3A_2025 : i32
          %sign3A_2027 = arith.extui %sign3A_2026 : i1 to i32
          %sign3A_2028 = arith.constant 0 : i32
          %sign3A_2029 = arith.cmpi slt, %jit3A_2016, %sign3A_2028 : i32
          %sign3A_2030 = arith.extui %sign3A_2029 : i1 to i32
          %sign3A_2031 = arith.subi %sign3A_2027, %sign3A_2030 : i32
          %ne3A_2032 = arith.cmpi ne, %sign3A_2024, %sign3A_2031 : i32
          %rem3A_2033 = arith.remsi %mul3A_1513, %jit3A_2016 : i32
          %ne3A_2034 = arith.constant 0 : i32
          %ne3A_2035 = arith.cmpi ne, %rem3A_2033, %ne3A_2034 : i32
          %and3A_2036 = arith.andi %ne3A_2032, %ne3A_2035 : i1
          %sub3A_2037 = arith.constant 1 : i32
          %sub3A_2038 = arith.subi %div3A_2017, %sub3A_2037 : i32
          %select_n3A_2039 = arith.select %and3A_2036, %sub3A_2038, %div3A_2017 : i32
          %add3A_2040 = arith.addi %mul3A_2015, %select_n3A_2039 : i32
          %add3A_2041 = vector.broadcast %add3A_2040 : i32 to vector<16xi32>
          %add3A_2042 = arith.addi %select_n3A_129, %add3A_2041 : vector<16xi32>
          %add3A_2043 = vector.broadcast %mul3A_1495 : i32 to vector<16xi32>
          %add3A_2044 = arith.addi %add3A_544, %add3A_2043 : vector<16xi32>
          tpu.vector_store_idx %arg8[%add3A_2042, %add3A_2044], %gather3A_1617 : memref<128x128xf32, #tpu.memory_space<vmem>>[vector<16xi32>, vector<16xi32>], vector<16xf32>,
          %mul3A_2045 = arith.constant 32 : i32
          %mul3A_2046 = arith.muli %select_n3A_1453, %mul3A_2045 : i32
          %jit3A_2047 = arith.constant 4 : i32
          %div3A_2048 = arith.divsi %mul3A_1513, %jit3A_2047 : i32
          %sign3A_2049 = arith.constant 0 : i32
          %sign3A_2050 = arith.cmpi sgt, %mul3A_1513, %sign3A_2049 : i32
          %sign3A_2051 = arith.extui %sign3A_2050 : i1 to i32
          %sign3A_2052 = arith.constant 0 : i32
          %sign3A_2053 = arith.cmpi slt, %mul3A_1513, %sign3A_2052 : i32
          %sign3A_2054 = arith.extui %sign3A_2053 : i1 to i32
          %sign3A_2055 = arith.subi %sign3A_2051, %sign3A_2054 : i32
          %sign3A_2056 = arith.constant 0 : i32
          %sign3A_2057 = arith.cmpi sgt, %jit3A_2047, %sign3A_2056 : i32
          %sign3A_2058 = arith.extui %sign3A_2057 : i1 to i32
          %sign3A_2059 = arith.constant 0 : i32
          %sign3A_2060 = arith.cmpi slt, %jit3A_2047, %sign3A_2059 : i32
          %sign3A_2061 = arith.extui %sign3A_2060 : i1 to i32
          %sign3A_2062 = arith.subi %sign3A_2058, %sign3A_2061 : i32
          %ne3A_2063 = arith.cmpi ne, %sign3A_2055, %sign3A_2062 : i32
          %rem3A_2064 = arith.remsi %mul3A_1513, %jit3A_2047 : i32
          %ne3A_2065 = arith.constant 0 : i32
          %ne3A_2066 = arith.cmpi ne, %rem3A_2064, %ne3A_2065 : i32
          %and3A_2067 = arith.andi %ne3A_2063, %ne3A_2066 : i1
          %sub3A_2068 = arith.constant 1 : i32
          %sub3A_2069 = arith.subi %div3A_2048, %sub3A_2068 : i32
          %select_n3A_2070 = arith.select %and3A_2067, %sub3A_2069, %div3A_2048 : i32
          %add3A_2071 = arith.addi %mul3A_2046, %select_n3A_2070 : i32
          %add3A_2072 = vector.broadcast %add3A_2071 : i32 to vector<16xi32>
          %add3A_2073 = arith.addi %select_n3A_129, %add3A_2072 : vector<16xi32>
          %add3A_2074 = vector.broadcast %mul3A_1495 : i32 to vector<16xi32>
          %add3A_2075 = arith.addi %add3A_576, %add3A_2074 : vector<16xi32>
          tpu.vector_store_idx %arg8[%add3A_2073, %add3A_2075], %gather3A_1625 : memref<128x128xf32, #tpu.memory_space<vmem>>[vector<16xi32>, vector<16xi32>], vector<16xf32>,
          %mul3A_2076 = arith.constant 32 : i32
          %mul3A_2077 = arith.muli %select_n3A_1453, %mul3A_2076 : i32
          %jit3A_2078 = arith.constant 4 : i32
          %div3A_2079 = arith.divsi %mul3A_1513, %jit3A_2078 : i32
          %sign3A_2080 = arith.constant 0 : i32
          %sign3A_2081 = arith.cmpi sgt, %mul3A_1513, %sign3A_2080 : i32
          %sign3A_2082 = arith.extui %sign3A_2081 : i1 to i32
          %sign3A_2083 = arith.constant 0 : i32
          %sign3A_2084 = arith.cmpi slt, %mul3A_1513, %sign3A_2083 : i32
          %sign3A_2085 = arith.extui %sign3A_2084 : i1 to i32
          %sign3A_2086 = arith.subi %sign3A_2082, %sign3A_2085 : i32
          %sign3A_2087 = arith.constant 0 : i32
          %sign3A_2088 = arith.cmpi sgt, %jit3A_2078, %sign3A_2087 : i32
          %sign3A_2089 = arith.extui %sign3A_2088 : i1 to i32
          %sign3A_2090 = arith.constant 0 : i32
          %sign3A_2091 = arith.cmpi slt, %jit3A_2078, %sign3A_2090 : i32
          %sign3A_2092 = arith.extui %sign3A_2091 : i1 to i32
          %sign3A_2093 = arith.subi %sign3A_2089, %sign3A_2092 : i32
          %ne3A_2094 = arith.cmpi ne, %sign3A_2086, %sign3A_2093 : i32
          %rem3A_2095 = arith.remsi %mul3A_1513, %jit3A_2078 : i32
          %ne3A_2096 = arith.constant 0 : i32
          %ne3A_2097 = arith.cmpi ne, %rem3A_2095, %ne3A_2096 : i32
          %and3A_2098 = arith.andi %ne3A_2094, %ne3A_2097 : i1
          %sub3A_2099 = arith.constant 1 : i32
          %sub3A_2100 = arith.subi %div3A_2079, %sub3A_2099 : i32
          %select_n3A_2101 = arith.select %and3A_2098, %sub3A_2100, %div3A_2079 : i32
          %add3A_2102 = arith.addi %mul3A_2077, %select_n3A_2101 : i32
          %add3A_2103 = vector.broadcast %add3A_2102 : i32 to vector<16xi32>
          %add3A_2104 = arith.addi %select_n3A_129, %add3A_2103 : vector<16xi32>
          %add3A_2105 = vector.broadcast %mul3A_1495 : i32 to vector<16xi32>
          %add3A_2106 = arith.addi %add3A_608, %add3A_2105 : vector<16xi32>
          tpu.vector_store_idx %arg8[%add3A_2104, %add3A_2106], %gather3A_1633 : memref<128x128xf32, #tpu.memory_space<vmem>>[vector<16xi32>, vector<16xi32>], vector<16xf32>,
          %mul3A_2107 = arith.constant 32 : i32
          %mul3A_2108 = arith.muli %select_n3A_1453, %mul3A_2107 : i32
          %jit3A_2109 = arith.constant 4 : i32
          %div3A_2110 = arith.divsi %mul3A_1513, %jit3A_2109 : i32
          %sign3A_2111 = arith.constant 0 : i32
          %sign3A_2112 = arith.cmpi sgt, %mul3A_1513, %sign3A_2111 : i32
          %sign3A_2113 = arith.extui %sign3A_2112 : i1 to i32
          %sign3A_2114 = arith.constant 0 : i32
          %sign3A_2115 = arith.cmpi slt, %mul3A_1513, %sign3A_2114 : i32
          %sign3A_2116 = arith.extui %sign3A_2115 : i1 to i32
          %sign3A_2117 = arith.subi %sign3A_2113, %sign3A_2116 : i32
          %sign3A_2118 = arith.constant 0 : i32
          %sign3A_2119 = arith.cmpi sgt, %jit3A_2109, %sign3A_2118 : i32
          %sign3A_2120 = arith.extui %sign3A_2119 : i1 to i32
          %sign3A_2121 = arith.constant 0 : i32
          %sign3A_2122 = arith.cmpi slt, %jit3A_2109, %sign3A_2121 : i32
          %sign3A_2123 = arith.extui %sign3A_2122 : i1 to i32
          %sign3A_2124 = arith.subi %sign3A_2120, %sign3A_2123 : i32
          %ne3A_2125 = arith.cmpi ne, %sign3A_2117, %sign3A_2124 : i32
          %rem3A_2126 = arith.remsi %mul3A_1513, %jit3A_2109 : i32
          %ne3A_2127 = arith.constant 0 : i32
          %ne3A_2128 = arith.cmpi ne, %rem3A_2126, %ne3A_2127 : i32
          %and3A_2129 = arith.andi %ne3A_2125, %ne3A_2128 : i1
          %sub3A_2130 = arith.constant 1 : i32
          %sub3A_2131 = arith.subi %div3A_2110, %sub3A_2130 : i32
          %select_n3A_2132 = arith.select %and3A_2129, %sub3A_2131, %div3A_2110 : i32
          %add3A_2133 = arith.addi %mul3A_2108, %select_n3A_2132 : i32
          %add3A_2134 = vector.broadcast %add3A_2133 : i32 to vector<16xi32>
          %add3A_2135 = arith.addi %select_n3A_129, %add3A_2134 : vector<16xi32>
          %add3A_2136 = vector.broadcast %mul3A_1495 : i32 to vector<16xi32>
          %add3A_2137 = arith.addi %add3A_640, %add3A_2136 : vector<16xi32>
          tpu.vector_store_idx %arg8[%add3A_2135, %add3A_2137], %gather3A_1641 : memref<128x128xf32, #tpu.memory_space<vmem>>[vector<16xi32>, vector<16xi32>], vector<16xf32>,
        }
        %scan3A_705 = arith.constant 32 : i32
        %add3A_706 = arith.addi %add3A_8, %add3A_679 : i32
        %mul3A_707 = arith.constant 128 : i32
        %mul3A_708 = arith.muli %add3A_706, %mul3A_707 : i32
        %multiple_of3A_709 = tpu.assume_multiple %mul3A_708, 128 : i32
        %dma_start3A_710 = arith.constant 0 : i32
        %dma_start3A_711 = tpu.memref_slice %arg4[%multiple_of3A_709, %dma_start3A_710] : memref<250000x128xf32, #tpu.memory_space<hbm>> -> memref<128x128xf32, #tpu.memory_space<hbm>>
        %dma_start3A_712 = arith.constant 0 : i32
        %dma_start3A_713 = tpu.memref_slice %arg4[%multiple_of3A_709, %dma_start3A_712] : memref<250000x128xf32, #tpu.memory_space<hbm>> -> memref<128x128xf32, #tpu.memory_space<hbm>>
        tpu.enqueue_dma source(%arg8 : memref<128x128xf32, #tpu.memory_space<vmem>>) target(%dma_start3A_713 : memref<128x128xf32, #tpu.memory_space<hbm>>) target_semaphore(%arg12 : memref<!tpu.dma_semaphore, #tpu.memory_space<semaphore_mem>>)
      } else {
      }
    }
    %scan3A_652 = arith.constant 31 : i32
    %dma_wait3A = arith.constant 0 : i32
    %dma_wait3A_653 = arith.constant 0 : i32
    %dma_wait3A_654 = tpu.memref_slice %arg4[%dma_wait3A, %dma_wait3A_653] : memref<250000x128xf32, #tpu.memory_space<hbm>> -> memref<128x128xf32, #tpu.memory_space<hbm>>
    %dma_wait3A_655 = arith.constant 0 : i32
    %dma_wait3A_656 = arith.constant 0 : i32
    %dma_wait3A_657 = tpu.memref_slice %arg4[%dma_wait3A_655, %dma_wait3A_656] : memref<250000x128xf32, #tpu.memory_space<hbm>> -> memref<128x128xf32, #tpu.memory_space<hbm>>
    tpu.wait_dma2 semaphore(%arg11 : memref<!tpu.dma_semaphore, #tpu.memory_space<semaphore_mem>>) src(%arg7 : memref<128x128xf32, #tpu.memory_space<vmem>>) dst(%dma_wait3A_657 : memref<128x128xf32, #tpu.memory_space<hbm>>)
    %dma_wait3A_658 = arith.constant 0 : i32
    %dma_wait3A_659 = arith.constant 0 : i32
    %dma_wait3A_660 = tpu.memref_slice %arg4[%dma_wait3A_658, %dma_wait3A_659] : memref<250000x128xf32, #tpu.memory_space<hbm>> -> memref<128x128xf32, #tpu.memory_space<hbm>>
    %dma_wait3A_661 = arith.constant 0 : i32
    %dma_wait3A_662 = arith.constant 0 : i32
    %dma_wait3A_663 = tpu.memref_slice %arg4[%dma_wait3A_661, %dma_wait3A_662] : memref<250000x128xf32, #tpu.memory_space<hbm>> -> memref<128x128xf32, #tpu.memory_space<hbm>>
    tpu.wait_dma2 semaphore(%arg12 : memref<!tpu.dma_semaphore, #tpu.memory_space<semaphore_mem>>) src(%arg8 : memref<128x128xf32, #tpu.memory_space<vmem>>) dst(%dma_wait3A_663 : memref<128x128xf32, #tpu.memory_space<hbm>>)
    %eq3A_664 = arith.constant 31 : i32
    %eq3A_665 = arith.cmpi eq, %add3A, %eq3A_664 : i32
    %convert_element_type3A = arith.extui %eq3A_665 : i1 to i32
    %cond3A = arith.constant 0 : i32
    %cond3A_666 = arith.cmpi ne, %convert_element_type3A, %cond3A : i32
    scf.if %cond3A_666 {
      "tpu.region"() ({
        %run_scoped3A = tpu.sem_alloc : memref<!tpu.dma_semaphore, #tpu.memory_space<semaphore_mem>>
        %dma_start3A_667 = arith.constant 0 : i32
        %dma_start3A_668 = arith.constant 0 : i32
        %dma_start3A_669 = tpu.memref_slice %arg5[%dma_start3A_667, %dma_start3A_668] : memref<32x512xf32, #tpu.memory_space<vmem>> -> memref<16x128xf32, #tpu.memory_space<vmem>>
        %dma_start3A_670 = arith.constant 0 : i32
        %dma_start3A_671 = arith.constant 0 : i32
        %dma_start3A_672 = tpu.memref_slice %arg5[%dma_start3A_670, %dma_start3A_671] : memref<32x512xf32, #tpu.memory_space<vmem>> -> memref<16x128xf32, #tpu.memory_space<vmem>>
        tpu.enqueue_dma source(%arg3 : memref<16x128xf32, #tpu.memory_space<hbm>>) target(%dma_start3A_672 : memref<16x128xf32, #tpu.memory_space<vmem>>) target_semaphore(%run_scoped3A : memref<!tpu.dma_semaphore, #tpu.memory_space<semaphore_mem>>)
        %dma_wait3A_673 = arith.constant 0 : i32
        %dma_wait3A_674 = arith.constant 0 : i32
        %dma_wait3A_675 = tpu.memref_slice %arg5[%dma_wait3A_673, %dma_wait3A_674] : memref<32x512xf32, #tpu.memory_space<vmem>> -> memref<16x128xf32, #tpu.memory_space<vmem>>
        %dma_wait3A_676 = arith.constant 0 : i32
        %dma_wait3A_677 = arith.constant 0 : i32
        %dma_wait3A_678 = tpu.memref_slice %arg5[%dma_wait3A_676, %dma_wait3A_677] : memref<32x512xf32, #tpu.memory_space<vmem>> -> memref<16x128xf32, #tpu.memory_space<vmem>>
        tpu.wait_dma2 semaphore(%run_scoped3A : memref<!tpu.dma_semaphore, #tpu.memory_space<semaphore_mem>>) src(%arg3 : memref<16x128xf32, #tpu.memory_space<hbm>>) dst(%dma_wait3A_678 : memref<16x128xf32, #tpu.memory_space<vmem>>)
        tpu.yield
      }) : () -> ()
      "tpu.region"() ({
        %run_scoped3A = tpu.sem_alloc : memref<!tpu.dma_semaphore, #tpu.memory_space<semaphore_mem>>
        %dma_start3A_667 = arith.constant 0 : i32
        %dma_start3A_668 = arith.constant 0 : i32
        %dma_start3A_669 = tpu.memref_slice %arg5[%dma_start3A_667, %dma_start3A_668] : memref<32x512xf32, #tpu.memory_space<vmem>> -> memref<16x128xf32, #tpu.memory_space<vmem>>
        %dma_start3A_670 = arith.constant 249984 : i32
        %dma_start3A_671 = arith.constant 0 : i32
        %dma_start3A_672 = tpu.memref_slice %arg4[%dma_start3A_670, %dma_start3A_671] : memref<250000x128xf32, #tpu.memory_space<hbm>> -> memref<16x128xf32, #tpu.memory_space<hbm>>
        %dma_start3A_673 = arith.constant 249984 : i32
        %dma_start3A_674 = arith.constant 0 : i32
        %dma_start3A_675 = tpu.memref_slice %arg4[%dma_start3A_673, %dma_start3A_674] : memref<250000x128xf32, #tpu.memory_space<hbm>> -> memref<16x128xf32, #tpu.memory_space<hbm>>
        %dma_start3A_676 = arith.constant 0 : i32
        %dma_start3A_677 = arith.constant 0 : i32
        %dma_start3A_678 = tpu.memref_slice %arg5[%dma_start3A_676, %dma_start3A_677] : memref<32x512xf32, #tpu.memory_space<vmem>> -> memref<16x128xf32, #tpu.memory_space<vmem>>
        tpu.enqueue_dma source(%dma_start3A_678 : memref<16x128xf32, #tpu.memory_space<vmem>>) target(%dma_start3A_675 : memref<16x128xf32, #tpu.memory_space<hbm>>) target_semaphore(%run_scoped3A : memref<!tpu.dma_semaphore, #tpu.memory_space<semaphore_mem>>)
        %dma_wait3A_679 = arith.constant 0 : i32
        %dma_wait3A_680 = arith.constant 0 : i32
        %dma_wait3A_681 = tpu.memref_slice %arg5[%dma_wait3A_679, %dma_wait3A_680] : memref<32x512xf32, #tpu.memory_space<vmem>> -> memref<16x128xf32, #tpu.memory_space<vmem>>
        %dma_wait3A_682 = arith.constant 249984 : i32
        %dma_wait3A_683 = arith.constant 0 : i32
        %dma_wait3A_684 = tpu.memref_slice %arg4[%dma_wait3A_682, %dma_wait3A_683] : memref<250000x128xf32, #tpu.memory_space<hbm>> -> memref<16x128xf32, #tpu.memory_space<hbm>>
        %dma_wait3A_685 = arith.constant 249984 : i32
        %dma_wait3A_686 = arith.constant 0 : i32
        %dma_wait3A_687 = tpu.memref_slice %arg4[%dma_wait3A_685, %dma_wait3A_686] : memref<250000x128xf32, #tpu.memory_space<hbm>> -> memref<16x128xf32, #tpu.memory_space<hbm>>
        %dma_wait3A_688 = arith.constant 0 : i32
        %dma_wait3A_689 = arith.constant 0 : i32
        %dma_wait3A_690 = tpu.memref_slice %arg5[%dma_wait3A_688, %dma_wait3A_689] : memref<32x512xf32, #tpu.memory_space<vmem>> -> memref<16x128xf32, #tpu.memory_space<vmem>>
        tpu.wait_dma2 semaphore(%run_scoped3A : memref<!tpu.dma_semaphore, #tpu.memory_space<semaphore_mem>>) src(%dma_wait3A_690 : memref<16x128xf32, #tpu.memory_space<vmem>>) dst(%dma_wait3A_687 : memref<16x128xf32, #tpu.memory_space<hbm>>)
        tpu.yield
      }) : () -> ()
    } else {
    }
    return
  }
}

#map = affine_map<(d0, d1) -> (0, 0)>
#map1 = affine_map<(d0, d1) -> (0)>
#map2 = affine_map<(d0, d1) -> (0, 0, 0)>
module attributes {stable_mosaic.version = 14 : i64} {
  func.func @gather_kernel(%arg0: i32, %arg1: i32, %arg2: memref<1000000x32xf32, #tpu.memory_space<hbm>>, %arg3: memref<425984xi32, #tpu.memory_space<hbm>>, %arg4: memref<26x32x16384xf32, #tpu.memory_space<hbm>>, %arg5: memref<512xi32, #tpu.memory_space<vmem>>, %arg6: memref<512xi32, #tpu.memory_space<vmem>>, %arg7: memref<512x32xf32, #tpu.memory_space<vmem>>, %arg8: memref<512x32xf32, #tpu.memory_space<vmem>>, %arg9: memref<32x512xf32, #tpu.memory_space<vmem>>, %arg10: memref<32x512xf32, #tpu.memory_space<vmem>>, %arg11: memref<!tpu.dma_semaphore, #tpu.memory_space<semaphore_mem>>, %arg12: memref<!tpu.dma_semaphore, #tpu.memory_space<semaphore_mem>>, %arg13: memref<!tpu.dma_semaphore, #tpu.memory_space<semaphore_mem>>, %arg14: memref<!tpu.dma_semaphore, #tpu.memory_space<semaphore_mem>>) attributes {dimension_semantics = [#tpu.dimension_semantics<core_parallel>, #tpu.dimension_semantics<subcore_parallel>], iteration_bounds = array<i64: 2, 16>, scalar_prefetch = 0 : i64, scratch_operands = 10 : i64, tpu.core_type = #tpu.core_type<sc_vector_subcore>, window_params = [{transform_indices = #map}, {transform_indices = #map1}, {transform_indices = #map2}]} {
    %mul3A = arith.constant 2 : i32
    %mul3A_0 = arith.muli %arg1, %mul3A : i32
    %add3A = arith.addi %mul3A_0, %arg0 : i32
    %mul3A_1 = arith.constant 512 : i32
    %mul3A_2 = arith.muli %add3A, %mul3A_1 : i32
    %iota3A = tpu.iota {dimensions = array<i32: 0>} : vector<16xi32>
    %add3A_3 = arith.constant 0 : i32
    %add3A_4 = vector.broadcast %add3A_3 : i32 to vector<16xi32>
    %add3A_5 = arith.addi %iota3A, %add3A_4 : vector<16xi32>
    %and3A = arith.constant 15 : i32
    %and3A_6 = vector.broadcast %and3A : i32 to vector<16xi32>
    %and3A_7 = arith.andi %add3A_5, %and3A_6 : vector<16xi32>
    %add3A_8 = arith.constant 1 : i32
    %add3A_9 = vector.broadcast %add3A_8 : i32 to vector<16xi32>
    %add3A_10 = arith.addi %iota3A, %add3A_9 : vector<16xi32>
    %and3A_11 = arith.constant 15 : i32
    %and3A_12 = vector.broadcast %and3A_11 : i32 to vector<16xi32>
    %and3A_13 = arith.andi %add3A_10, %and3A_12 : vector<16xi32>
    %add3A_14 = arith.constant 2 : i32
    %add3A_15 = vector.broadcast %add3A_14 : i32 to vector<16xi32>
    %add3A_16 = arith.addi %iota3A, %add3A_15 : vector<16xi32>
    %and3A_17 = arith.constant 15 : i32
    %and3A_18 = vector.broadcast %and3A_17 : i32 to vector<16xi32>
    %and3A_19 = arith.andi %add3A_16, %and3A_18 : vector<16xi32>
    %add3A_20 = arith.constant 3 : i32
    %add3A_21 = vector.broadcast %add3A_20 : i32 to vector<16xi32>
    %add3A_22 = arith.addi %iota3A, %add3A_21 : vector<16xi32>
    %and3A_23 = arith.constant 15 : i32
    %and3A_24 = vector.broadcast %and3A_23 : i32 to vector<16xi32>
    %and3A_25 = arith.andi %add3A_22, %and3A_24 : vector<16xi32>
    %add3A_26 = arith.constant 4 : i32
    %add3A_27 = vector.broadcast %add3A_26 : i32 to vector<16xi32>
    %add3A_28 = arith.addi %iota3A, %add3A_27 : vector<16xi32>
    %and3A_29 = arith.constant 15 : i32
    %and3A_30 = vector.broadcast %and3A_29 : i32 to vector<16xi32>
    %and3A_31 = arith.andi %add3A_28, %and3A_30 : vector<16xi32>
    %add3A_32 = arith.constant 5 : i32
    %add3A_33 = vector.broadcast %add3A_32 : i32 to vector<16xi32>
    %add3A_34 = arith.addi %iota3A, %add3A_33 : vector<16xi32>
    %and3A_35 = arith.constant 15 : i32
    %and3A_36 = vector.broadcast %and3A_35 : i32 to vector<16xi32>
    %and3A_37 = arith.andi %add3A_34, %and3A_36 : vector<16xi32>
    %add3A_38 = arith.constant 6 : i32
    %add3A_39 = vector.broadcast %add3A_38 : i32 to vector<16xi32>
    %add3A_40 = arith.addi %iota3A, %add3A_39 : vector<16xi32>
    %and3A_41 = arith.constant 15 : i32
    %and3A_42 = vector.broadcast %and3A_41 : i32 to vector<16xi32>
    %and3A_43 = arith.andi %add3A_40, %and3A_42 : vector<16xi32>
    %add3A_44 = arith.constant 7 : i32
    %add3A_45 = vector.broadcast %add3A_44 : i32 to vector<16xi32>
    %add3A_46 = arith.addi %iota3A, %add3A_45 : vector<16xi32>
    %and3A_47 = arith.constant 15 : i32
    %and3A_48 = vector.broadcast %and3A_47 : i32 to vector<16xi32>
    %and3A_49 = arith.andi %add3A_46, %and3A_48 : vector<16xi32>
    %add3A_50 = arith.constant 8 : i32
    %add3A_51 = vector.broadcast %add3A_50 : i32 to vector<16xi32>
    %add3A_52 = arith.addi %iota3A, %add3A_51 : vector<16xi32>
    %and3A_53 = arith.constant 15 : i32
    %and3A_54 = vector.broadcast %and3A_53 : i32 to vector<16xi32>
    %and3A_55 = arith.andi %add3A_52, %and3A_54 : vector<16xi32>
    %add3A_56 = arith.constant 9 : i32
    %add3A_57 = vector.broadcast %add3A_56 : i32 to vector<16xi32>
    %add3A_58 = arith.addi %iota3A, %add3A_57 : vector<16xi32>
    %and3A_59 = arith.constant 15 : i32
    %and3A_60 = vector.broadcast %and3A_59 : i32 to vector<16xi32>
    %and3A_61 = arith.andi %add3A_58, %and3A_60 : vector<16xi32>
    %add3A_62 = arith.constant 10 : i32
    %add3A_63 = vector.broadcast %add3A_62 : i32 to vector<16xi32>
    %add3A_64 = arith.addi %iota3A, %add3A_63 : vector<16xi32>
    %and3A_65 = arith.constant 15 : i32
    %and3A_66 = vector.broadcast %and3A_65 : i32 to vector<16xi32>
    %and3A_67 = arith.andi %add3A_64, %and3A_66 : vector<16xi32>
    %add3A_68 = arith.constant 11 : i32
    %add3A_69 = vector.broadcast %add3A_68 : i32 to vector<16xi32>
    %add3A_70 = arith.addi %iota3A, %add3A_69 : vector<16xi32>
    %and3A_71 = arith.constant 15 : i32
    %and3A_72 = vector.broadcast %and3A_71 : i32 to vector<16xi32>
    %and3A_73 = arith.andi %add3A_70, %and3A_72 : vector<16xi32>
    %add3A_74 = arith.constant 12 : i32
    %add3A_75 = vector.broadcast %add3A_74 : i32 to vector<16xi32>
    %add3A_76 = arith.addi %iota3A, %add3A_75 : vector<16xi32>
    %and3A_77 = arith.constant 15 : i32
    %and3A_78 = vector.broadcast %and3A_77 : i32 to vector<16xi32>
    %and3A_79 = arith.andi %add3A_76, %and3A_78 : vector<16xi32>
    %add3A_80 = arith.constant 13 : i32
    %add3A_81 = vector.broadcast %add3A_80 : i32 to vector<16xi32>
    %add3A_82 = arith.addi %iota3A, %add3A_81 : vector<16xi32>
    %and3A_83 = arith.constant 15 : i32
    %and3A_84 = vector.broadcast %and3A_83 : i32 to vector<16xi32>
    %and3A_85 = arith.andi %add3A_82, %and3A_84 : vector<16xi32>
    %add3A_86 = arith.constant 14 : i32
    %add3A_87 = vector.broadcast %add3A_86 : i32 to vector<16xi32>
    %add3A_88 = arith.addi %iota3A, %add3A_87 : vector<16xi32>
    %and3A_89 = arith.constant 15 : i32
    %and3A_90 = vector.broadcast %and3A_89 : i32 to vector<16xi32>
    %and3A_91 = arith.andi %add3A_88, %and3A_90 : vector<16xi32>
    %add3A_92 = arith.constant 15 : i32
    %add3A_93 = vector.broadcast %add3A_92 : i32 to vector<16xi32>
    %add3A_94 = arith.addi %iota3A, %add3A_93 : vector<16xi32>
    %and3A_95 = arith.constant 15 : i32
    %and3A_96 = vector.broadcast %and3A_95 : i32 to vector<16xi32>
    %and3A_97 = arith.andi %add3A_94, %and3A_96 : vector<16xi32>
    %add3A_98 = arith.constant 0 : i32
    %add3A_99 = arith.addi %add3A_98, %mul3A_2 : i32
    "tpu.region"() ({
      %run_scoped3A = tpu.sem_alloc : memref<!tpu.dma_semaphore, #tpu.memory_space<semaphore_mem>>
      %dma_start3A_120 = tpu.memref_slice %arg3[%add3A_99] : memref<425984xi32, #tpu.memory_space<hbm>> -> memref<512xi32, #tpu.memory_space<hbm>>
      %dma_start3A_121 = tpu.memref_slice %arg3[%add3A_99] : memref<425984xi32, #tpu.memory_space<hbm>> -> memref<512xi32, #tpu.memory_space<hbm>>
      tpu.enqueue_dma source(%dma_start3A_121 : memref<512xi32, #tpu.memory_space<hbm>>) target(%arg5 : memref<512xi32, #tpu.memory_space<vmem>>) target_semaphore(%run_scoped3A : memref<!tpu.dma_semaphore, #tpu.memory_space<semaphore_mem>>)
      %dma_wait3A_122 = tpu.memref_slice %arg3[%add3A_99] : memref<425984xi32, #tpu.memory_space<hbm>> -> memref<512xi32, #tpu.memory_space<hbm>>
      %dma_wait3A_123 = tpu.memref_slice %arg3[%add3A_99] : memref<425984xi32, #tpu.memory_space<hbm>> -> memref<512xi32, #tpu.memory_space<hbm>>
      tpu.wait_dma2 semaphore(%run_scoped3A : memref<!tpu.dma_semaphore, #tpu.memory_space<semaphore_mem>>) src(%dma_wait3A_123 : memref<512xi32, #tpu.memory_space<hbm>>) dst(%arg5 : memref<512xi32, #tpu.memory_space<vmem>>)
      tpu.yield
    }) : () -> ()
    %dma_start3A = arith.constant 0 : i32
    %dma_start3A_100 = arith.constant 0 : i32
    %dma_start3A_101 = tpu.memref_slice %arg2[%dma_start3A, %dma_start3A_100] : memref<1000000x32xf32, #tpu.memory_space<hbm>> -> memref<1000000x32xf32, #tpu.memory_space<hbm>>
    tpu.enqueue_indirect_dma source(%dma_start3A_101 : memref<1000000x32xf32, #tpu.memory_space<hbm>>) target(%arg7 : memref<512x32xf32, #tpu.memory_space<vmem>>) offsets(%arg5 : memref<512xi32, #tpu.memory_space<vmem>>) semaphore(%arg11 : memref<!tpu.dma_semaphore, #tpu.memory_space<semaphore_mem>>)
    %scan3A = arith.constant 0 : i32
    %scan3A_102 = arith.constant 0 : i32
    %scan3A_103 = arith.constant 13 : i32
    %scan3A_104 = arith.addi %scan3A_102, %scan3A_103 : i32
    %scan3A_105 = arith.constant 1 : i32
    scf.for %scan3A_120 = %scan3A_102 to %scan3A_104 step %scan3A_105  : i32 {
      %mul3A_121 = arith.constant 2 : i32
      %mul3A_122 = arith.muli %mul3A_121, %scan3A_120 : i32
      %add3A_123 = arith.constant 0 : i32
      %add3A_124 = arith.addi %mul3A_122, %add3A_123 : i32
      %add3A_125 = arith.constant 1 : i32
      %add3A_126 = arith.addi %add3A_124, %add3A_125 : i32
      %lt3A = arith.constant 26 : i32
      %lt3A_127 = arith.cmpi slt, %add3A_126, %lt3A : i32
      %convert_element_type3A = arith.extui %lt3A_127 : i1 to i32
      %cond3A = arith.constant 0 : i32
      %cond3A_128 = arith.cmpi ne, %convert_element_type3A, %cond3A : i32
      scf.if %cond3A_128 {
        %add3A_179 = arith.constant 1 : i32
        %add3A_180 = arith.addi %add3A_124, %add3A_179 : i32
        %mul3A_181 = arith.constant 16384 : i32
        %mul3A_182 = arith.muli %add3A_180, %mul3A_181 : i32
        %add3A_183 = arith.addi %mul3A_182, %mul3A_2 : i32
        "tpu.region"() ({
          %run_scoped3A = tpu.sem_alloc : memref<!tpu.dma_semaphore, #tpu.memory_space<semaphore_mem>>
          %dma_start3A_187 = tpu.memref_slice %arg3[%add3A_183] : memref<425984xi32, #tpu.memory_space<hbm>> -> memref<512xi32, #tpu.memory_space<hbm>>
          %dma_start3A_188 = tpu.memref_slice %arg3[%add3A_183] : memref<425984xi32, #tpu.memory_space<hbm>> -> memref<512xi32, #tpu.memory_space<hbm>>
          tpu.enqueue_dma source(%dma_start3A_188 : memref<512xi32, #tpu.memory_space<hbm>>) target(%arg6 : memref<512xi32, #tpu.memory_space<vmem>>) target_semaphore(%run_scoped3A : memref<!tpu.dma_semaphore, #tpu.memory_space<semaphore_mem>>)
          %dma_wait3A_189 = tpu.memref_slice %arg3[%add3A_183] : memref<425984xi32, #tpu.memory_space<hbm>> -> memref<512xi32, #tpu.memory_space<hbm>>
          %dma_wait3A_190 = tpu.memref_slice %arg3[%add3A_183] : memref<425984xi32, #tpu.memory_space<hbm>> -> memref<512xi32, #tpu.memory_space<hbm>>
          tpu.wait_dma2 semaphore(%run_scoped3A : memref<!tpu.dma_semaphore, #tpu.memory_space<semaphore_mem>>) src(%dma_wait3A_190 : memref<512xi32, #tpu.memory_space<hbm>>) dst(%arg6 : memref<512xi32, #tpu.memory_space<vmem>>)
          tpu.yield
        }) : () -> ()
        %dma_start3A_184 = arith.constant 0 : i32
        %dma_start3A_185 = arith.constant 0 : i32
        %dma_start3A_186 = tpu.memref_slice %arg2[%dma_start3A_184, %dma_start3A_185] : memref<1000000x32xf32, #tpu.memory_space<hbm>> -> memref<1000000x32xf32, #tpu.memory_space<hbm>>
        tpu.enqueue_indirect_dma source(%dma_start3A_186 : memref<1000000x32xf32, #tpu.memory_space<hbm>>) target(%arg8 : memref<512x32xf32, #tpu.memory_space<vmem>>) offsets(%arg6 : memref<512xi32, #tpu.memory_space<vmem>>) semaphore(%arg12 : memref<!tpu.dma_semaphore, #tpu.memory_space<semaphore_mem>>)
      } else {
      }
      %dma_wait3A_129 = arith.constant 0 : i32
      %dma_wait3A_130 = arith.constant 0 : i32
      %dma_wait3A_131 = tpu.memref_slice %arg2[%dma_wait3A_129, %dma_wait3A_130] : memref<1000000x32xf32, #tpu.memory_space<hbm>> -> memref<1000000x32xf32, #tpu.memory_space<hbm>>
      tpu.wait_indirect_dma semaphore(%arg11 : memref<!tpu.dma_semaphore, #tpu.memory_space<semaphore_mem>>) src(%dma_wait3A_131 : memref<1000000x32xf32, #tpu.memory_space<hbm>>) dst(%arg7 : memref<512x32xf32, #tpu.memory_space<vmem>>)
      %ge3A = arith.constant 2 : i32
      %ge3A_132 = arith.cmpi sge, %add3A_124, %ge3A : i32
      %convert_element_type3A_133 = arith.extui %ge3A_132 : i1 to i32
      %cond3A_134 = arith.constant 0 : i32
      %cond3A_135 = arith.cmpi ne, %convert_element_type3A_133, %cond3A_134 : i32
      scf.if %cond3A_135 {
        %dma_wait3A_179 = arith.constant 0 : i32
        %dma_wait3A_180 = arith.constant 0 : i32
        %dma_wait3A_181 = tpu.memref_slice %arg4[%dma_wait3A_179, %dma_wait3A_180, %mul3A_2] : memref<26x32x16384xf32, #tpu.memory_space<hbm>> -> memref<1x32x512xf32, #tpu.memory_space<hbm>>
        %dma_wait3A_182 = tpu.memref_squeeze %dma_wait3A_181 : memref<1x32x512xf32, #tpu.memory_space<hbm>> -> memref<32x512xf32, #tpu.memory_space<hbm>>
        %dma_wait3A_183 = arith.constant 0 : i32
        %dma_wait3A_184 = tpu.memref_slice %arg4[%dma_wait3A_179, %dma_wait3A_183, %mul3A_2] : memref<26x32x16384xf32, #tpu.memory_space<hbm>> -> memref<1x32x512xf32, #tpu.memory_space<hbm>>
        %dma_wait3A_185 = tpu.memref_squeeze %dma_wait3A_184 : memref<1x32x512xf32, #tpu.memory_space<hbm>> -> memref<32x512xf32, #tpu.memory_space<hbm>>
        tpu.wait_dma2 semaphore(%arg13 : memref<!tpu.dma_semaphore, #tpu.memory_space<semaphore_mem>>) src(%arg9 : memref<32x512xf32, #tpu.memory_space<vmem>>) dst(%dma_wait3A_185 : memref<32x512xf32, #tpu.memory_space<hbm>>)
      } else {
      }
      %scan3A_136 = arith.constant 0 : i32
      %scan3A_137 = arith.constant 0 : i32
      %scan3A_138 = arith.constant 32 : i32
      %scan3A_139 = arith.addi %scan3A_137, %scan3A_138 : i32
      %scan3A_140 = arith.constant 1 : i32
      scf.for %scan3A_179 = %scan3A_137 to %scan3A_139 step %scan3A_140  : i32 {
        %mul3A_180 = arith.constant 16 : i32
        %mul3A_181 = arith.muli %scan3A_179, %mul3A_180 : i32
        %add3A_182 = vector.broadcast %mul3A_181 : i32 to vector<16xi32>
        %add3A_183 = arith.addi %iota3A, %add3A_182 : vector<16xi32>
        %add3A_184 = arith.constant 0 : i32
        %add3A_185 = vector.broadcast %add3A_184 : i32 to vector<16xi32>
        %add3A_186 = arith.addi %and3A_7, %add3A_185 : vector<16xi32>
        %gather3A = tpu.vector_load_idx %arg7[%add3A_183, %add3A_186] : memref<512x32xf32, #tpu.memory_space<vmem>>[vector<16xi32>, vector<16xi32>], vector<16xf32>,
        %add3A_187 = vector.broadcast %mul3A_181 : i32 to vector<16xi32>
        %add3A_188 = arith.addi %iota3A, %add3A_187 : vector<16xi32>
        %add3A_189 = arith.constant 0 : i32
        %add3A_190 = vector.broadcast %add3A_189 : i32 to vector<16xi32>
        %add3A_191 = arith.addi %and3A_13, %add3A_190 : vector<16xi32>
        %gather3A_192 = tpu.vector_load_idx %arg7[%add3A_188, %add3A_191] : memref<512x32xf32, #tpu.memory_space<vmem>>[vector<16xi32>, vector<16xi32>], vector<16xf32>,
        %add3A_193 = vector.broadcast %mul3A_181 : i32 to vector<16xi32>
        %add3A_194 = arith.addi %iota3A, %add3A_193 : vector<16xi32>
        %add3A_195 = arith.constant 0 : i32
        %add3A_196 = vector.broadcast %add3A_195 : i32 to vector<16xi32>
        %add3A_197 = arith.addi %and3A_19, %add3A_196 : vector<16xi32>
        %gather3A_198 = tpu.vector_load_idx %arg7[%add3A_194, %add3A_197] : memref<512x32xf32, #tpu.memory_space<vmem>>[vector<16xi32>, vector<16xi32>], vector<16xf32>,
        %add3A_199 = vector.broadcast %mul3A_181 : i32 to vector<16xi32>
        %add3A_200 = arith.addi %iota3A, %add3A_199 : vector<16xi32>
        %add3A_201 = arith.constant 0 : i32
        %add3A_202 = vector.broadcast %add3A_201 : i32 to vector<16xi32>
        %add3A_203 = arith.addi %and3A_25, %add3A_202 : vector<16xi32>
        %gather3A_204 = tpu.vector_load_idx %arg7[%add3A_200, %add3A_203] : memref<512x32xf32, #tpu.memory_space<vmem>>[vector<16xi32>, vector<16xi32>], vector<16xf32>,
        %add3A_205 = vector.broadcast %mul3A_181 : i32 to vector<16xi32>
        %add3A_206 = arith.addi %iota3A, %add3A_205 : vector<16xi32>
        %add3A_207 = arith.constant 0 : i32
        %add3A_208 = vector.broadcast %add3A_207 : i32 to vector<16xi32>
        %add3A_209 = arith.addi %and3A_31, %add3A_208 : vector<16xi32>
        %gather3A_210 = tpu.vector_load_idx %arg7[%add3A_206, %add3A_209] : memref<512x32xf32, #tpu.memory_space<vmem>>[vector<16xi32>, vector<16xi32>], vector<16xf32>,
        %add3A_211 = vector.broadcast %mul3A_181 : i32 to vector<16xi32>
        %add3A_212 = arith.addi %iota3A, %add3A_211 : vector<16xi32>
        %add3A_213 = arith.constant 0 : i32
        %add3A_214 = vector.broadcast %add3A_213 : i32 to vector<16xi32>
        %add3A_215 = arith.addi %and3A_37, %add3A_214 : vector<16xi32>
        %gather3A_216 = tpu.vector_load_idx %arg7[%add3A_212, %add3A_215] : memref<512x32xf32, #tpu.memory_space<vmem>>[vector<16xi32>, vector<16xi32>], vector<16xf32>,
        %add3A_217 = vector.broadcast %mul3A_181 : i32 to vector<16xi32>
        %add3A_218 = arith.addi %iota3A, %add3A_217 : vector<16xi32>
        %add3A_219 = arith.constant 0 : i32
        %add3A_220 = vector.broadcast %add3A_219 : i32 to vector<16xi32>
        %add3A_221 = arith.addi %and3A_43, %add3A_220 : vector<16xi32>
        %gather3A_222 = tpu.vector_load_idx %arg7[%add3A_218, %add3A_221] : memref<512x32xf32, #tpu.memory_space<vmem>>[vector<16xi32>, vector<16xi32>], vector<16xf32>,
        %add3A_223 = vector.broadcast %mul3A_181 : i32 to vector<16xi32>
        %add3A_224 = arith.addi %iota3A, %add3A_223 : vector<16xi32>
        %add3A_225 = arith.constant 0 : i32
        %add3A_226 = vector.broadcast %add3A_225 : i32 to vector<16xi32>
        %add3A_227 = arith.addi %and3A_49, %add3A_226 : vector<16xi32>
        %gather3A_228 = tpu.vector_load_idx %arg7[%add3A_224, %add3A_227] : memref<512x32xf32, #tpu.memory_space<vmem>>[vector<16xi32>, vector<16xi32>], vector<16xf32>,
        %add3A_229 = vector.broadcast %mul3A_181 : i32 to vector<16xi32>
        %add3A_230 = arith.addi %iota3A, %add3A_229 : vector<16xi32>
        %add3A_231 = arith.constant 0 : i32
        %add3A_232 = vector.broadcast %add3A_231 : i32 to vector<16xi32>
        %add3A_233 = arith.addi %and3A_55, %add3A_232 : vector<16xi32>
        %gather3A_234 = tpu.vector_load_idx %arg7[%add3A_230, %add3A_233] : memref<512x32xf32, #tpu.memory_space<vmem>>[vector<16xi32>, vector<16xi32>], vector<16xf32>,
        %add3A_235 = vector.broadcast %mul3A_181 : i32 to vector<16xi32>
        %add3A_236 = arith.addi %iota3A, %add3A_235 : vector<16xi32>
        %add3A_237 = arith.constant 0 : i32
        %add3A_238 = vector.broadcast %add3A_237 : i32 to vector<16xi32>
        %add3A_239 = arith.addi %and3A_61, %add3A_238 : vector<16xi32>
        %gather3A_240 = tpu.vector_load_idx %arg7[%add3A_236, %add3A_239] : memref<512x32xf32, #tpu.memory_space<vmem>>[vector<16xi32>, vector<16xi32>], vector<16xf32>,
        %add3A_241 = vector.broadcast %mul3A_181 : i32 to vector<16xi32>
        %add3A_242 = arith.addi %iota3A, %add3A_241 : vector<16xi32>
        %add3A_243 = arith.constant 0 : i32
        %add3A_244 = vector.broadcast %add3A_243 : i32 to vector<16xi32>
        %add3A_245 = arith.addi %and3A_67, %add3A_244 : vector<16xi32>
        %gather3A_246 = tpu.vector_load_idx %arg7[%add3A_242, %add3A_245] : memref<512x32xf32, #tpu.memory_space<vmem>>[vector<16xi32>, vector<16xi32>], vector<16xf32>,
        %add3A_247 = vector.broadcast %mul3A_181 : i32 to vector<16xi32>
        %add3A_248 = arith.addi %iota3A, %add3A_247 : vector<16xi32>
        %add3A_249 = arith.constant 0 : i32
        %add3A_250 = vector.broadcast %add3A_249 : i32 to vector<16xi32>
        %add3A_251 = arith.addi %and3A_73, %add3A_250 : vector<16xi32>
        %gather3A_252 = tpu.vector_load_idx %arg7[%add3A_248, %add3A_251] : memref<512x32xf32, #tpu.memory_space<vmem>>[vector<16xi32>, vector<16xi32>], vector<16xf32>,
        %add3A_253 = vector.broadcast %mul3A_181 : i32 to vector<16xi32>
        %add3A_254 = arith.addi %iota3A, %add3A_253 : vector<16xi32>
        %add3A_255 = arith.constant 0 : i32
        %add3A_256 = vector.broadcast %add3A_255 : i32 to vector<16xi32>
        %add3A_257 = arith.addi %and3A_79, %add3A_256 : vector<16xi32>
        %gather3A_258 = tpu.vector_load_idx %arg7[%add3A_254, %add3A_257] : memref<512x32xf32, #tpu.memory_space<vmem>>[vector<16xi32>, vector<16xi32>], vector<16xf32>,
        %add3A_259 = vector.broadcast %mul3A_181 : i32 to vector<16xi32>
        %add3A_260 = arith.addi %iota3A, %add3A_259 : vector<16xi32>
        %add3A_261 = arith.constant 0 : i32
        %add3A_262 = vector.broadcast %add3A_261 : i32 to vector<16xi32>
        %add3A_263 = arith.addi %and3A_85, %add3A_262 : vector<16xi32>
        %gather3A_264 = tpu.vector_load_idx %arg7[%add3A_260, %add3A_263] : memref<512x32xf32, #tpu.memory_space<vmem>>[vector<16xi32>, vector<16xi32>], vector<16xf32>,
        %add3A_265 = vector.broadcast %mul3A_181 : i32 to vector<16xi32>
        %add3A_266 = arith.addi %iota3A, %add3A_265 : vector<16xi32>
        %add3A_267 = arith.constant 0 : i32
        %add3A_268 = vector.broadcast %add3A_267 : i32 to vector<16xi32>
        %add3A_269 = arith.addi %and3A_91, %add3A_268 : vector<16xi32>
        %gather3A_270 = tpu.vector_load_idx %arg7[%add3A_266, %add3A_269] : memref<512x32xf32, #tpu.memory_space<vmem>>[vector<16xi32>, vector<16xi32>], vector<16xf32>,
        %add3A_271 = vector.broadcast %mul3A_181 : i32 to vector<16xi32>
        %add3A_272 = arith.addi %iota3A, %add3A_271 : vector<16xi32>
        %add3A_273 = arith.constant 0 : i32
        %add3A_274 = vector.broadcast %add3A_273 : i32 to vector<16xi32>
        %add3A_275 = arith.addi %and3A_97, %add3A_274 : vector<16xi32>
        %gather3A_276 = tpu.vector_load_idx %arg7[%add3A_272, %add3A_275] : memref<512x32xf32, #tpu.memory_space<vmem>>[vector<16xi32>, vector<16xi32>], vector<16xf32>,
        %add3A_277 = arith.constant 0 : i32
        %add3A_278 = vector.broadcast %add3A_277 : i32 to vector<16xi32>
        %add3A_279 = arith.addi %and3A_7, %add3A_278 : vector<16xi32>
        %add3A_280 = vector.broadcast %mul3A_181 : i32 to vector<16xi32>
        %add3A_281 = arith.addi %iota3A, %add3A_280 : vector<16xi32>
        tpu.vector_store_idx %arg9[%add3A_279, %add3A_281], %gather3A : memref<32x512xf32, #tpu.memory_space<vmem>>[vector<16xi32>, vector<16xi32>], vector<16xf32>,
        %add3A_282 = arith.constant 0 : i32
        %add3A_283 = vector.broadcast %add3A_282 : i32 to vector<16xi32>
        %add3A_284 = arith.addi %and3A_13, %add3A_283 : vector<16xi32>
        %add3A_285 = vector.broadcast %mul3A_181 : i32 to vector<16xi32>
        %add3A_286 = arith.addi %iota3A, %add3A_285 : vector<16xi32>
        tpu.vector_store_idx %arg9[%add3A_284, %add3A_286], %gather3A_192 : memref<32x512xf32, #tpu.memory_space<vmem>>[vector<16xi32>, vector<16xi32>], vector<16xf32>,
        %add3A_287 = arith.constant 0 : i32
        %add3A_288 = vector.broadcast %add3A_287 : i32 to vector<16xi32>
        %add3A_289 = arith.addi %and3A_19, %add3A_288 : vector<16xi32>
        %add3A_290 = vector.broadcast %mul3A_181 : i32 to vector<16xi32>
        %add3A_291 = arith.addi %iota3A, %add3A_290 : vector<16xi32>
        tpu.vector_store_idx %arg9[%add3A_289, %add3A_291], %gather3A_198 : memref<32x512xf32, #tpu.memory_space<vmem>>[vector<16xi32>, vector<16xi32>], vector<16xf32>,
        %add3A_292 = arith.constant 0 : i32
        %add3A_293 = vector.broadcast %add3A_292 : i32 to vector<16xi32>
        %add3A_294 = arith.addi %and3A_25, %add3A_293 : vector<16xi32>
        %add3A_295 = vector.broadcast %mul3A_181 : i32 to vector<16xi32>
        %add3A_296 = arith.addi %iota3A, %add3A_295 : vector<16xi32>
        tpu.vector_store_idx %arg9[%add3A_294, %add3A_296], %gather3A_204 : memref<32x512xf32, #tpu.memory_space<vmem>>[vector<16xi32>, vector<16xi32>], vector<16xf32>,
        %add3A_297 = arith.constant 0 : i32
        %add3A_298 = vector.broadcast %add3A_297 : i32 to vector<16xi32>
        %add3A_299 = arith.addi %and3A_31, %add3A_298 : vector<16xi32>
        %add3A_300 = vector.broadcast %mul3A_181 : i32 to vector<16xi32>
        %add3A_301 = arith.addi %iota3A, %add3A_300 : vector<16xi32>
        tpu.vector_store_idx %arg9[%add3A_299, %add3A_301], %gather3A_210 : memref<32x512xf32, #tpu.memory_space<vmem>>[vector<16xi32>, vector<16xi32>], vector<16xf32>,
        %add3A_302 = arith.constant 0 : i32
        %add3A_303 = vector.broadcast %add3A_302 : i32 to vector<16xi32>
        %add3A_304 = arith.addi %and3A_37, %add3A_303 : vector<16xi32>
        %add3A_305 = vector.broadcast %mul3A_181 : i32 to vector<16xi32>
        %add3A_306 = arith.addi %iota3A, %add3A_305 : vector<16xi32>
        tpu.vector_store_idx %arg9[%add3A_304, %add3A_306], %gather3A_216 : memref<32x512xf32, #tpu.memory_space<vmem>>[vector<16xi32>, vector<16xi32>], vector<16xf32>,
        %add3A_307 = arith.constant 0 : i32
        %add3A_308 = vector.broadcast %add3A_307 : i32 to vector<16xi32>
        %add3A_309 = arith.addi %and3A_43, %add3A_308 : vector<16xi32>
        %add3A_310 = vector.broadcast %mul3A_181 : i32 to vector<16xi32>
        %add3A_311 = arith.addi %iota3A, %add3A_310 : vector<16xi32>
        tpu.vector_store_idx %arg9[%add3A_309, %add3A_311], %gather3A_222 : memref<32x512xf32, #tpu.memory_space<vmem>>[vector<16xi32>, vector<16xi32>], vector<16xf32>,
        %add3A_312 = arith.constant 0 : i32
        %add3A_313 = vector.broadcast %add3A_312 : i32 to vector<16xi32>
        %add3A_314 = arith.addi %and3A_49, %add3A_313 : vector<16xi32>
        %add3A_315 = vector.broadcast %mul3A_181 : i32 to vector<16xi32>
        %add3A_316 = arith.addi %iota3A, %add3A_315 : vector<16xi32>
        tpu.vector_store_idx %arg9[%add3A_314, %add3A_316], %gather3A_228 : memref<32x512xf32, #tpu.memory_space<vmem>>[vector<16xi32>, vector<16xi32>], vector<16xf32>,
        %add3A_317 = arith.constant 0 : i32
        %add3A_318 = vector.broadcast %add3A_317 : i32 to vector<16xi32>
        %add3A_319 = arith.addi %and3A_55, %add3A_318 : vector<16xi32>
        %add3A_320 = vector.broadcast %mul3A_181 : i32 to vector<16xi32>
        %add3A_321 = arith.addi %iota3A, %add3A_320 : vector<16xi32>
        tpu.vector_store_idx %arg9[%add3A_319, %add3A_321], %gather3A_234 : memref<32x512xf32, #tpu.memory_space<vmem>>[vector<16xi32>, vector<16xi32>], vector<16xf32>,
        %add3A_322 = arith.constant 0 : i32
        %add3A_323 = vector.broadcast %add3A_322 : i32 to vector<16xi32>
        %add3A_324 = arith.addi %and3A_61, %add3A_323 : vector<16xi32>
        %add3A_325 = vector.broadcast %mul3A_181 : i32 to vector<16xi32>
        %add3A_326 = arith.addi %iota3A, %add3A_325 : vector<16xi32>
        tpu.vector_store_idx %arg9[%add3A_324, %add3A_326], %gather3A_240 : memref<32x512xf32, #tpu.memory_space<vmem>>[vector<16xi32>, vector<16xi32>], vector<16xf32>,
        %add3A_327 = arith.constant 0 : i32
        %add3A_328 = vector.broadcast %add3A_327 : i32 to vector<16xi32>
        %add3A_329 = arith.addi %and3A_67, %add3A_328 : vector<16xi32>
        %add3A_330 = vector.broadcast %mul3A_181 : i32 to vector<16xi32>
        %add3A_331 = arith.addi %iota3A, %add3A_330 : vector<16xi32>
        tpu.vector_store_idx %arg9[%add3A_329, %add3A_331], %gather3A_246 : memref<32x512xf32, #tpu.memory_space<vmem>>[vector<16xi32>, vector<16xi32>], vector<16xf32>,
        %add3A_332 = arith.constant 0 : i32
        %add3A_333 = vector.broadcast %add3A_332 : i32 to vector<16xi32>
        %add3A_334 = arith.addi %and3A_73, %add3A_333 : vector<16xi32>
        %add3A_335 = vector.broadcast %mul3A_181 : i32 to vector<16xi32>
        %add3A_336 = arith.addi %iota3A, %add3A_335 : vector<16xi32>
        tpu.vector_store_idx %arg9[%add3A_334, %add3A_336], %gather3A_252 : memref<32x512xf32, #tpu.memory_space<vmem>>[vector<16xi32>, vector<16xi32>], vector<16xf32>,
        %add3A_337 = arith.constant 0 : i32
        %add3A_338 = vector.broadcast %add3A_337 : i32 to vector<16xi32>
        %add3A_339 = arith.addi %and3A_79, %add3A_338 : vector<16xi32>
        %add3A_340 = vector.broadcast %mul3A_181 : i32 to vector<16xi32>
        %add3A_341 = arith.addi %iota3A, %add3A_340 : vector<16xi32>
        tpu.vector_store_idx %arg9[%add3A_339, %add3A_341], %gather3A_258 : memref<32x512xf32, #tpu.memory_space<vmem>>[vector<16xi32>, vector<16xi32>], vector<16xf32>,
        %add3A_342 = arith.constant 0 : i32
        %add3A_343 = vector.broadcast %add3A_342 : i32 to vector<16xi32>
        %add3A_344 = arith.addi %and3A_85, %add3A_343 : vector<16xi32>
        %add3A_345 = vector.broadcast %mul3A_181 : i32 to vector<16xi32>
        %add3A_346 = arith.addi %iota3A, %add3A_345 : vector<16xi32>
        tpu.vector_store_idx %arg9[%add3A_344, %add3A_346], %gather3A_264 : memref<32x512xf32, #tpu.memory_space<vmem>>[vector<16xi32>, vector<16xi32>], vector<16xf32>,
        %add3A_347 = arith.constant 0 : i32
        %add3A_348 = vector.broadcast %add3A_347 : i32 to vector<16xi32>
        %add3A_349 = arith.addi %and3A_91, %add3A_348 : vector<16xi32>
        %add3A_350 = vector.broadcast %mul3A_181 : i32 to vector<16xi32>
        %add3A_351 = arith.addi %iota3A, %add3A_350 : vector<16xi32>
        tpu.vector_store_idx %arg9[%add3A_349, %add3A_351], %gather3A_270 : memref<32x512xf32, #tpu.memory_space<vmem>>[vector<16xi32>, vector<16xi32>], vector<16xf32>,
        %add3A_352 = arith.constant 0 : i32
        %add3A_353 = vector.broadcast %add3A_352 : i32 to vector<16xi32>
        %add3A_354 = arith.addi %and3A_97, %add3A_353 : vector<16xi32>
        %add3A_355 = vector.broadcast %mul3A_181 : i32 to vector<16xi32>
        %add3A_356 = arith.addi %iota3A, %add3A_355 : vector<16xi32>
        tpu.vector_store_idx %arg9[%add3A_354, %add3A_356], %gather3A_276 : memref<32x512xf32, #tpu.memory_space<vmem>>[vector<16xi32>, vector<16xi32>], vector<16xf32>,
        %add3A_357 = vector.broadcast %mul3A_181 : i32 to vector<16xi32>
        %add3A_358 = arith.addi %iota3A, %add3A_357 : vector<16xi32>
        %add3A_359 = arith.constant 16 : i32
        %add3A_360 = vector.broadcast %add3A_359 : i32 to vector<16xi32>
        %add3A_361 = arith.addi %and3A_7, %add3A_360 : vector<16xi32>
        %gather3A_362 = tpu.vector_load_idx %arg7[%add3A_358, %add3A_361] : memref<512x32xf32, #tpu.memory_space<vmem>>[vector<16xi32>, vector<16xi32>], vector<16xf32>,
        %add3A_363 = vector.broadcast %mul3A_181 : i32 to vector<16xi32>
        %add3A_364 = arith.addi %iota3A, %add3A_363 : vector<16xi32>
        %add3A_365 = arith.constant 16 : i32
        %add3A_366 = vector.broadcast %add3A_365 : i32 to vector<16xi32>
        %add3A_367 = arith.addi %and3A_13, %add3A_366 : vector<16xi32>
        %gather3A_368 = tpu.vector_load_idx %arg7[%add3A_364, %add3A_367] : memref<512x32xf32, #tpu.memory_space<vmem>>[vector<16xi32>, vector<16xi32>], vector<16xf32>,
        %add3A_369 = vector.broadcast %mul3A_181 : i32 to vector<16xi32>
        %add3A_370 = arith.addi %iota3A, %add3A_369 : vector<16xi32>
        %add3A_371 = arith.constant 16 : i32
        %add3A_372 = vector.broadcast %add3A_371 : i32 to vector<16xi32>
        %add3A_373 = arith.addi %and3A_19, %add3A_372 : vector<16xi32>
        %gather3A_374 = tpu.vector_load_idx %arg7[%add3A_370, %add3A_373] : memref<512x32xf32, #tpu.memory_space<vmem>>[vector<16xi32>, vector<16xi32>], vector<16xf32>,
        %add3A_375 = vector.broadcast %mul3A_181 : i32 to vector<16xi32>
        %add3A_376 = arith.addi %iota3A, %add3A_375 : vector<16xi32>
        %add3A_377 = arith.constant 16 : i32
        %add3A_378 = vector.broadcast %add3A_377 : i32 to vector<16xi32>
        %add3A_379 = arith.addi %and3A_25, %add3A_378 : vector<16xi32>
        %gather3A_380 = tpu.vector_load_idx %arg7[%add3A_376, %add3A_379] : memref<512x32xf32, #tpu.memory_space<vmem>>[vector<16xi32>, vector<16xi32>], vector<16xf32>,
        %add3A_381 = vector.broadcast %mul3A_181 : i32 to vector<16xi32>
        %add3A_382 = arith.addi %iota3A, %add3A_381 : vector<16xi32>
        %add3A_383 = arith.constant 16 : i32
        %add3A_384 = vector.broadcast %add3A_383 : i32 to vector<16xi32>
        %add3A_385 = arith.addi %and3A_31, %add3A_384 : vector<16xi32>
        %gather3A_386 = tpu.vector_load_idx %arg7[%add3A_382, %add3A_385] : memref<512x32xf32, #tpu.memory_space<vmem>>[vector<16xi32>, vector<16xi32>], vector<16xf32>,
        %add3A_387 = vector.broadcast %mul3A_181 : i32 to vector<16xi32>
        %add3A_388 = arith.addi %iota3A, %add3A_387 : vector<16xi32>
        %add3A_389 = arith.constant 16 : i32
        %add3A_390 = vector.broadcast %add3A_389 : i32 to vector<16xi32>
        %add3A_391 = arith.addi %and3A_37, %add3A_390 : vector<16xi32>
        %gather3A_392 = tpu.vector_load_idx %arg7[%add3A_388, %add3A_391] : memref<512x32xf32, #tpu.memory_space<vmem>>[vector<16xi32>, vector<16xi32>], vector<16xf32>,
        %add3A_393 = vector.broadcast %mul3A_181 : i32 to vector<16xi32>
        %add3A_394 = arith.addi %iota3A, %add3A_393 : vector<16xi32>
        %add3A_395 = arith.constant 16 : i32
        %add3A_396 = vector.broadcast %add3A_395 : i32 to vector<16xi32>
        %add3A_397 = arith.addi %and3A_43, %add3A_396 : vector<16xi32>
        %gather3A_398 = tpu.vector_load_idx %arg7[%add3A_394, %add3A_397] : memref<512x32xf32, #tpu.memory_space<vmem>>[vector<16xi32>, vector<16xi32>], vector<16xf32>,
        %add3A_399 = vector.broadcast %mul3A_181 : i32 to vector<16xi32>
        %add3A_400 = arith.addi %iota3A, %add3A_399 : vector<16xi32>
        %add3A_401 = arith.constant 16 : i32
        %add3A_402 = vector.broadcast %add3A_401 : i32 to vector<16xi32>
        %add3A_403 = arith.addi %and3A_49, %add3A_402 : vector<16xi32>
        %gather3A_404 = tpu.vector_load_idx %arg7[%add3A_400, %add3A_403] : memref<512x32xf32, #tpu.memory_space<vmem>>[vector<16xi32>, vector<16xi32>], vector<16xf32>,
        %add3A_405 = vector.broadcast %mul3A_181 : i32 to vector<16xi32>
        %add3A_406 = arith.addi %iota3A, %add3A_405 : vector<16xi32>
        %add3A_407 = arith.constant 16 : i32
        %add3A_408 = vector.broadcast %add3A_407 : i32 to vector<16xi32>
        %add3A_409 = arith.addi %and3A_55, %add3A_408 : vector<16xi32>
        %gather3A_410 = tpu.vector_load_idx %arg7[%add3A_406, %add3A_409] : memref<512x32xf32, #tpu.memory_space<vmem>>[vector<16xi32>, vector<16xi32>], vector<16xf32>,
        %add3A_411 = vector.broadcast %mul3A_181 : i32 to vector<16xi32>
        %add3A_412 = arith.addi %iota3A, %add3A_411 : vector<16xi32>
        %add3A_413 = arith.constant 16 : i32
        %add3A_414 = vector.broadcast %add3A_413 : i32 to vector<16xi32>
        %add3A_415 = arith.addi %and3A_61, %add3A_414 : vector<16xi32>
        %gather3A_416 = tpu.vector_load_idx %arg7[%add3A_412, %add3A_415] : memref<512x32xf32, #tpu.memory_space<vmem>>[vector<16xi32>, vector<16xi32>], vector<16xf32>,
        %add3A_417 = vector.broadcast %mul3A_181 : i32 to vector<16xi32>
        %add3A_418 = arith.addi %iota3A, %add3A_417 : vector<16xi32>
        %add3A_419 = arith.constant 16 : i32
        %add3A_420 = vector.broadcast %add3A_419 : i32 to vector<16xi32>
        %add3A_421 = arith.addi %and3A_67, %add3A_420 : vector<16xi32>
        %gather3A_422 = tpu.vector_load_idx %arg7[%add3A_418, %add3A_421] : memref<512x32xf32, #tpu.memory_space<vmem>>[vector<16xi32>, vector<16xi32>], vector<16xf32>,
        %add3A_423 = vector.broadcast %mul3A_181 : i32 to vector<16xi32>
        %add3A_424 = arith.addi %iota3A, %add3A_423 : vector<16xi32>
        %add3A_425 = arith.constant 16 : i32
        %add3A_426 = vector.broadcast %add3A_425 : i32 to vector<16xi32>
        %add3A_427 = arith.addi %and3A_73, %add3A_426 : vector<16xi32>
        %gather3A_428 = tpu.vector_load_idx %arg7[%add3A_424, %add3A_427] : memref<512x32xf32, #tpu.memory_space<vmem>>[vector<16xi32>, vector<16xi32>], vector<16xf32>,
        %add3A_429 = vector.broadcast %mul3A_181 : i32 to vector<16xi32>
        %add3A_430 = arith.addi %iota3A, %add3A_429 : vector<16xi32>
        %add3A_431 = arith.constant 16 : i32
        %add3A_432 = vector.broadcast %add3A_431 : i32 to vector<16xi32>
        %add3A_433 = arith.addi %and3A_79, %add3A_432 : vector<16xi32>
        %gather3A_434 = tpu.vector_load_idx %arg7[%add3A_430, %add3A_433] : memref<512x32xf32, #tpu.memory_space<vmem>>[vector<16xi32>, vector<16xi32>], vector<16xf32>,
        %add3A_435 = vector.broadcast %mul3A_181 : i32 to vector<16xi32>
        %add3A_436 = arith.addi %iota3A, %add3A_435 : vector<16xi32>
        %add3A_437 = arith.constant 16 : i32
        %add3A_438 = vector.broadcast %add3A_437 : i32 to vector<16xi32>
        %add3A_439 = arith.addi %and3A_85, %add3A_438 : vector<16xi32>
        %gather3A_440 = tpu.vector_load_idx %arg7[%add3A_436, %add3A_439] : memref<512x32xf32, #tpu.memory_space<vmem>>[vector<16xi32>, vector<16xi32>], vector<16xf32>,
        %add3A_441 = vector.broadcast %mul3A_181 : i32 to vector<16xi32>
        %add3A_442 = arith.addi %iota3A, %add3A_441 : vector<16xi32>
        %add3A_443 = arith.constant 16 : i32
        %add3A_444 = vector.broadcast %add3A_443 : i32 to vector<16xi32>
        %add3A_445 = arith.addi %and3A_91, %add3A_444 : vector<16xi32>
        %gather3A_446 = tpu.vector_load_idx %arg7[%add3A_442, %add3A_445] : memref<512x32xf32, #tpu.memory_space<vmem>>[vector<16xi32>, vector<16xi32>], vector<16xf32>,
        %add3A_447 = vector.broadcast %mul3A_181 : i32 to vector<16xi32>
        %add3A_448 = arith.addi %iota3A, %add3A_447 : vector<16xi32>
        %add3A_449 = arith.constant 16 : i32
        %add3A_450 = vector.broadcast %add3A_449 : i32 to vector<16xi32>
        %add3A_451 = arith.addi %and3A_97, %add3A_450 : vector<16xi32>
        %gather3A_452 = tpu.vector_load_idx %arg7[%add3A_448, %add3A_451] : memref<512x32xf32, #tpu.memory_space<vmem>>[vector<16xi32>, vector<16xi32>], vector<16xf32>,
        %add3A_453 = arith.constant 16 : i32
        %add3A_454 = vector.broadcast %add3A_453 : i32 to vector<16xi32>
        %add3A_455 = arith.addi %and3A_7, %add3A_454 : vector<16xi32>
        %add3A_456 = vector.broadcast %mul3A_181 : i32 to vector<16xi32>
        %add3A_457 = arith.addi %iota3A, %add3A_456 : vector<16xi32>
        tpu.vector_store_idx %arg9[%add3A_455, %add3A_457], %gather3A_362 : memref<32x512xf32, #tpu.memory_space<vmem>>[vector<16xi32>, vector<16xi32>], vector<16xf32>,
        %add3A_458 = arith.constant 16 : i32
        %add3A_459 = vector.broadcast %add3A_458 : i32 to vector<16xi32>
        %add3A_460 = arith.addi %and3A_13, %add3A_459 : vector<16xi32>
        %add3A_461 = vector.broadcast %mul3A_181 : i32 to vector<16xi32>
        %add3A_462 = arith.addi %iota3A, %add3A_461 : vector<16xi32>
        tpu.vector_store_idx %arg9[%add3A_460, %add3A_462], %gather3A_368 : memref<32x512xf32, #tpu.memory_space<vmem>>[vector<16xi32>, vector<16xi32>], vector<16xf32>,
        %add3A_463 = arith.constant 16 : i32
        %add3A_464 = vector.broadcast %add3A_463 : i32 to vector<16xi32>
        %add3A_465 = arith.addi %and3A_19, %add3A_464 : vector<16xi32>
        %add3A_466 = vector.broadcast %mul3A_181 : i32 to vector<16xi32>
        %add3A_467 = arith.addi %iota3A, %add3A_466 : vector<16xi32>
        tpu.vector_store_idx %arg9[%add3A_465, %add3A_467], %gather3A_374 : memref<32x512xf32, #tpu.memory_space<vmem>>[vector<16xi32>, vector<16xi32>], vector<16xf32>,
        %add3A_468 = arith.constant 16 : i32
        %add3A_469 = vector.broadcast %add3A_468 : i32 to vector<16xi32>
        %add3A_470 = arith.addi %and3A_25, %add3A_469 : vector<16xi32>
        %add3A_471 = vector.broadcast %mul3A_181 : i32 to vector<16xi32>
        %add3A_472 = arith.addi %iota3A, %add3A_471 : vector<16xi32>
        tpu.vector_store_idx %arg9[%add3A_470, %add3A_472], %gather3A_380 : memref<32x512xf32, #tpu.memory_space<vmem>>[vector<16xi32>, vector<16xi32>], vector<16xf32>,
        %add3A_473 = arith.constant 16 : i32
        %add3A_474 = vector.broadcast %add3A_473 : i32 to vector<16xi32>
        %add3A_475 = arith.addi %and3A_31, %add3A_474 : vector<16xi32>
        %add3A_476 = vector.broadcast %mul3A_181 : i32 to vector<16xi32>
        %add3A_477 = arith.addi %iota3A, %add3A_476 : vector<16xi32>
        tpu.vector_store_idx %arg9[%add3A_475, %add3A_477], %gather3A_386 : memref<32x512xf32, #tpu.memory_space<vmem>>[vector<16xi32>, vector<16xi32>], vector<16xf32>,
        %add3A_478 = arith.constant 16 : i32
        %add3A_479 = vector.broadcast %add3A_478 : i32 to vector<16xi32>
        %add3A_480 = arith.addi %and3A_37, %add3A_479 : vector<16xi32>
        %add3A_481 = vector.broadcast %mul3A_181 : i32 to vector<16xi32>
        %add3A_482 = arith.addi %iota3A, %add3A_481 : vector<16xi32>
        tpu.vector_store_idx %arg9[%add3A_480, %add3A_482], %gather3A_392 : memref<32x512xf32, #tpu.memory_space<vmem>>[vector<16xi32>, vector<16xi32>], vector<16xf32>,
        %add3A_483 = arith.constant 16 : i32
        %add3A_484 = vector.broadcast %add3A_483 : i32 to vector<16xi32>
        %add3A_485 = arith.addi %and3A_43, %add3A_484 : vector<16xi32>
        %add3A_486 = vector.broadcast %mul3A_181 : i32 to vector<16xi32>
        %add3A_487 = arith.addi %iota3A, %add3A_486 : vector<16xi32>
        tpu.vector_store_idx %arg9[%add3A_485, %add3A_487], %gather3A_398 : memref<32x512xf32, #tpu.memory_space<vmem>>[vector<16xi32>, vector<16xi32>], vector<16xf32>,
        %add3A_488 = arith.constant 16 : i32
        %add3A_489 = vector.broadcast %add3A_488 : i32 to vector<16xi32>
        %add3A_490 = arith.addi %and3A_49, %add3A_489 : vector<16xi32>
        %add3A_491 = vector.broadcast %mul3A_181 : i32 to vector<16xi32>
        %add3A_492 = arith.addi %iota3A, %add3A_491 : vector<16xi32>
        tpu.vector_store_idx %arg9[%add3A_490, %add3A_492], %gather3A_404 : memref<32x512xf32, #tpu.memory_space<vmem>>[vector<16xi32>, vector<16xi32>], vector<16xf32>,
        %add3A_493 = arith.constant 16 : i32
        %add3A_494 = vector.broadcast %add3A_493 : i32 to vector<16xi32>
        %add3A_495 = arith.addi %and3A_55, %add3A_494 : vector<16xi32>
        %add3A_496 = vector.broadcast %mul3A_181 : i32 to vector<16xi32>
        %add3A_497 = arith.addi %iota3A, %add3A_496 : vector<16xi32>
        tpu.vector_store_idx %arg9[%add3A_495, %add3A_497], %gather3A_410 : memref<32x512xf32, #tpu.memory_space<vmem>>[vector<16xi32>, vector<16xi32>], vector<16xf32>,
        %add3A_498 = arith.constant 16 : i32
        %add3A_499 = vector.broadcast %add3A_498 : i32 to vector<16xi32>
        %add3A_500 = arith.addi %and3A_61, %add3A_499 : vector<16xi32>
        %add3A_501 = vector.broadcast %mul3A_181 : i32 to vector<16xi32>
        %add3A_502 = arith.addi %iota3A, %add3A_501 : vector<16xi32>
        tpu.vector_store_idx %arg9[%add3A_500, %add3A_502], %gather3A_416 : memref<32x512xf32, #tpu.memory_space<vmem>>[vector<16xi32>, vector<16xi32>], vector<16xf32>,
        %add3A_503 = arith.constant 16 : i32
        %add3A_504 = vector.broadcast %add3A_503 : i32 to vector<16xi32>
        %add3A_505 = arith.addi %and3A_67, %add3A_504 : vector<16xi32>
        %add3A_506 = vector.broadcast %mul3A_181 : i32 to vector<16xi32>
        %add3A_507 = arith.addi %iota3A, %add3A_506 : vector<16xi32>
        tpu.vector_store_idx %arg9[%add3A_505, %add3A_507], %gather3A_422 : memref<32x512xf32, #tpu.memory_space<vmem>>[vector<16xi32>, vector<16xi32>], vector<16xf32>,
        %add3A_508 = arith.constant 16 : i32
        %add3A_509 = vector.broadcast %add3A_508 : i32 to vector<16xi32>
        %add3A_510 = arith.addi %and3A_73, %add3A_509 : vector<16xi32>
        %add3A_511 = vector.broadcast %mul3A_181 : i32 to vector<16xi32>
        %add3A_512 = arith.addi %iota3A, %add3A_511 : vector<16xi32>
        tpu.vector_store_idx %arg9[%add3A_510, %add3A_512], %gather3A_428 : memref<32x512xf32, #tpu.memory_space<vmem>>[vector<16xi32>, vector<16xi32>], vector<16xf32>,
        %add3A_513 = arith.constant 16 : i32
        %add3A_514 = vector.broadcast %add3A_513 : i32 to vector<16xi32>
        %add3A_515 = arith.addi %and3A_79, %add3A_514 : vector<16xi32>
        %add3A_516 = vector.broadcast %mul3A_181 : i32 to vector<16xi32>
        %add3A_517 = arith.addi %iota3A, %add3A_516 : vector<16xi32>
        tpu.vector_store_idx %arg9[%add3A_515, %add3A_517], %gather3A_434 : memref<32x512xf32, #tpu.memory_space<vmem>>[vector<16xi32>, vector<16xi32>], vector<16xf32>,
        %add3A_518 = arith.constant 16 : i32
        %add3A_519 = vector.broadcast %add3A_518 : i32 to vector<16xi32>
        %add3A_520 = arith.addi %and3A_85, %add3A_519 : vector<16xi32>
        %add3A_521 = vector.broadcast %mul3A_181 : i32 to vector<16xi32>
        %add3A_522 = arith.addi %iota3A, %add3A_521 : vector<16xi32>
        tpu.vector_store_idx %arg9[%add3A_520, %add3A_522], %gather3A_440 : memref<32x512xf32, #tpu.memory_space<vmem>>[vector<16xi32>, vector<16xi32>], vector<16xf32>,
        %add3A_523 = arith.constant 16 : i32
        %add3A_524 = vector.broadcast %add3A_523 : i32 to vector<16xi32>
        %add3A_525 = arith.addi %and3A_91, %add3A_524 : vector<16xi32>
        %add3A_526 = vector.broadcast %mul3A_181 : i32 to vector<16xi32>
        %add3A_527 = arith.addi %iota3A, %add3A_526 : vector<16xi32>
        tpu.vector_store_idx %arg9[%add3A_525, %add3A_527], %gather3A_446 : memref<32x512xf32, #tpu.memory_space<vmem>>[vector<16xi32>, vector<16xi32>], vector<16xf32>,
        %add3A_528 = arith.constant 16 : i32
        %add3A_529 = vector.broadcast %add3A_528 : i32 to vector<16xi32>
        %add3A_530 = arith.addi %and3A_97, %add3A_529 : vector<16xi32>
        %add3A_531 = vector.broadcast %mul3A_181 : i32 to vector<16xi32>
        %add3A_532 = arith.addi %iota3A, %add3A_531 : vector<16xi32>
        tpu.vector_store_idx %arg9[%add3A_530, %add3A_532], %gather3A_452 : memref<32x512xf32, #tpu.memory_space<vmem>>[vector<16xi32>, vector<16xi32>], vector<16xf32>,
      }
      %scan3A_141 = arith.constant 32 : i32
      %dma_start3A_142 = arith.constant 0 : i32
      %dma_start3A_143 = tpu.memref_slice %arg4[%add3A_124, %dma_start3A_142, %mul3A_2] : memref<26x32x16384xf32, #tpu.memory_space<hbm>> -> memref<1x32x512xf32, #tpu.memory_space<hbm>>
      %dma_start3A_144 = tpu.memref_squeeze %dma_start3A_143 : memref<1x32x512xf32, #tpu.memory_space<hbm>> -> memref<32x512xf32, #tpu.memory_space<hbm>>
      %dma_start3A_145 = arith.constant 0 : i32
      %dma_start3A_146 = tpu.memref_slice %arg4[%add3A_124, %dma_start3A_145, %mul3A_2] : memref<26x32x16384xf32, #tpu.memory_space<hbm>> -> memref<1x32x512xf32, #tpu.memory_space<hbm>>
      %dma_start3A_147 = tpu.memref_squeeze %dma_start3A_146 : memref<1x32x512xf32, #tpu.memory_space<hbm>> -> memref<32x512xf32, #tpu.memory_space<hbm>>
      tpu.enqueue_dma source(%arg9 : memref<32x512xf32, #tpu.memory_space<vmem>>) target(%dma_start3A_147 : memref<32x512xf32, #tpu.memory_space<hbm>>) target_semaphore(%arg13 : memref<!tpu.dma_semaphore, #tpu.memory_space<semaphore_mem>>)
      %mul3A_148 = arith.constant 2 : i32
      %mul3A_149 = arith.muli %mul3A_148, %scan3A_120 : i32
      %add3A_150 = arith.constant 1 : i32
      %add3A_151 = arith.addi %mul3A_149, %add3A_150 : i32
      %add3A_152 = arith.constant 1 : i32
      %add3A_153 = arith.addi %add3A_151, %add3A_152 : i32
      %lt3A_154 = arith.constant 26 : i32
      %lt3A_155 = arith.cmpi slt, %add3A_153, %lt3A_154 : i32
      %convert_element_type3A_156 = arith.extui %lt3A_155 : i1 to i32
      %cond3A_157 = arith.constant 0 : i32
      %cond3A_158 = arith.cmpi ne, %convert_element_type3A_156, %cond3A_157 : i32
      scf.if %cond3A_158 {
        %add3A_179 = arith.constant 1 : i32
        %add3A_180 = arith.addi %add3A_151, %add3A_179 : i32
        %mul3A_181 = arith.constant 16384 : i32
        %mul3A_182 = arith.muli %add3A_180, %mul3A_181 : i32
        %add3A_183 = arith.addi %mul3A_182, %mul3A_2 : i32
        "tpu.region"() ({
          %run_scoped3A = tpu.sem_alloc : memref<!tpu.dma_semaphore, #tpu.memory_space<semaphore_mem>>
          %dma_start3A_187 = tpu.memref_slice %arg3[%add3A_183] : memref<425984xi32, #tpu.memory_space<hbm>> -> memref<512xi32, #tpu.memory_space<hbm>>
          %dma_start3A_188 = tpu.memref_slice %arg3[%add3A_183] : memref<425984xi32, #tpu.memory_space<hbm>> -> memref<512xi32, #tpu.memory_space<hbm>>
          tpu.enqueue_dma source(%dma_start3A_188 : memref<512xi32, #tpu.memory_space<hbm>>) target(%arg5 : memref<512xi32, #tpu.memory_space<vmem>>) target_semaphore(%run_scoped3A : memref<!tpu.dma_semaphore, #tpu.memory_space<semaphore_mem>>)
          %dma_wait3A_189 = tpu.memref_slice %arg3[%add3A_183] : memref<425984xi32, #tpu.memory_space<hbm>> -> memref<512xi32, #tpu.memory_space<hbm>>
          %dma_wait3A_190 = tpu.memref_slice %arg3[%add3A_183] : memref<425984xi32, #tpu.memory_space<hbm>> -> memref<512xi32, #tpu.memory_space<hbm>>
          tpu.wait_dma2 semaphore(%run_scoped3A : memref<!tpu.dma_semaphore, #tpu.memory_space<semaphore_mem>>) src(%dma_wait3A_190 : memref<512xi32, #tpu.memory_space<hbm>>) dst(%arg5 : memref<512xi32, #tpu.memory_space<vmem>>)
          tpu.yield
        }) : () -> ()
        %dma_start3A_184 = arith.constant 0 : i32
        %dma_start3A_185 = arith.constant 0 : i32
        %dma_start3A_186 = tpu.memref_slice %arg2[%dma_start3A_184, %dma_start3A_185] : memref<1000000x32xf32, #tpu.memory_space<hbm>> -> memref<1000000x32xf32, #tpu.memory_space<hbm>>
        tpu.enqueue_indirect_dma source(%dma_start3A_186 : memref<1000000x32xf32, #tpu.memory_space<hbm>>) target(%arg7 : memref<512x32xf32, #tpu.memory_space<vmem>>) offsets(%arg5 : memref<512xi32, #tpu.memory_space<vmem>>) semaphore(%arg11 : memref<!tpu.dma_semaphore, #tpu.memory_space<semaphore_mem>>)
      } else {
      }
      %dma_wait3A_159 = arith.constant 0 : i32
      %dma_wait3A_160 = arith.constant 0 : i32
      %dma_wait3A_161 = tpu.memref_slice %arg2[%dma_wait3A_159, %dma_wait3A_160] : memref<1000000x32xf32, #tpu.memory_space<hbm>> -> memref<1000000x32xf32, #tpu.memory_space<hbm>>
      tpu.wait_indirect_dma semaphore(%arg12 : memref<!tpu.dma_semaphore, #tpu.memory_space<semaphore_mem>>) src(%dma_wait3A_161 : memref<1000000x32xf32, #tpu.memory_space<hbm>>) dst(%arg8 : memref<512x32xf32, #tpu.memory_space<vmem>>)
      %ge3A_162 = arith.constant 2 : i32
      %ge3A_163 = arith.cmpi sge, %add3A_151, %ge3A_162 : i32
      %convert_element_type3A_164 = arith.extui %ge3A_163 : i1 to i32
      %cond3A_165 = arith.constant 0 : i32
      %cond3A_166 = arith.cmpi ne, %convert_element_type3A_164, %cond3A_165 : i32
      scf.if %cond3A_166 {
        %dma_wait3A_179 = arith.constant 0 : i32
        %dma_wait3A_180 = arith.constant 0 : i32
        %dma_wait3A_181 = tpu.memref_slice %arg4[%dma_wait3A_179, %dma_wait3A_180, %mul3A_2] : memref<26x32x16384xf32, #tpu.memory_space<hbm>> -> memref<1x32x512xf32, #tpu.memory_space<hbm>>
        %dma_wait3A_182 = tpu.memref_squeeze %dma_wait3A_181 : memref<1x32x512xf32, #tpu.memory_space<hbm>> -> memref<32x512xf32, #tpu.memory_space<hbm>>
        %dma_wait3A_183 = arith.constant 0 : i32
        %dma_wait3A_184 = tpu.memref_slice %arg4[%dma_wait3A_179, %dma_wait3A_183, %mul3A_2] : memref<26x32x16384xf32, #tpu.memory_space<hbm>> -> memref<1x32x512xf32, #tpu.memory_space<hbm>>
        %dma_wait3A_185 = tpu.memref_squeeze %dma_wait3A_184 : memref<1x32x512xf32, #tpu.memory_space<hbm>> -> memref<32x512xf32, #tpu.memory_space<hbm>>
        tpu.wait_dma2 semaphore(%arg14 : memref<!tpu.dma_semaphore, #tpu.memory_space<semaphore_mem>>) src(%arg10 : memref<32x512xf32, #tpu.memory_space<vmem>>) dst(%dma_wait3A_185 : memref<32x512xf32, #tpu.memory_space<hbm>>)
      } else {
      }
      %scan3A_167 = arith.constant 0 : i32
      %scan3A_168 = arith.constant 0 : i32
      %scan3A_169 = arith.constant 32 : i32
      %scan3A_170 = arith.addi %scan3A_168, %scan3A_169 : i32
      %scan3A_171 = arith.constant 1 : i32
      scf.for %scan3A_179 = %scan3A_168 to %scan3A_170 step %scan3A_171  : i32 {
        %mul3A_180 = arith.constant 16 : i32
        %mul3A_181 = arith.muli %scan3A_179, %mul3A_180 : i32
        %add3A_182 = vector.broadcast %mul3A_181 : i32 to vector<16xi32>
        %add3A_183 = arith.addi %iota3A, %add3A_182 : vector<16xi32>
        %add3A_184 = arith.constant 0 : i32
        %add3A_185 = vector.broadcast %add3A_184 : i32 to vector<16xi32>
        %add3A_186 = arith.addi %and3A_7, %add3A_185 : vector<16xi32>
        %gather3A = tpu.vector_load_idx %arg8[%add3A_183, %add3A_186] : memref<512x32xf32, #tpu.memory_space<vmem>>[vector<16xi32>, vector<16xi32>], vector<16xf32>,
        %add3A_187 = vector.broadcast %mul3A_181 : i32 to vector<16xi32>
        %add3A_188 = arith.addi %iota3A, %add3A_187 : vector<16xi32>
        %add3A_189 = arith.constant 0 : i32
        %add3A_190 = vector.broadcast %add3A_189 : i32 to vector<16xi32>
        %add3A_191 = arith.addi %and3A_13, %add3A_190 : vector<16xi32>
        %gather3A_192 = tpu.vector_load_idx %arg8[%add3A_188, %add3A_191] : memref<512x32xf32, #tpu.memory_space<vmem>>[vector<16xi32>, vector<16xi32>], vector<16xf32>,
        %add3A_193 = vector.broadcast %mul3A_181 : i32 to vector<16xi32>
        %add3A_194 = arith.addi %iota3A, %add3A_193 : vector<16xi32>
        %add3A_195 = arith.constant 0 : i32
        %add3A_196 = vector.broadcast %add3A_195 : i32 to vector<16xi32>
        %add3A_197 = arith.addi %and3A_19, %add3A_196 : vector<16xi32>
        %gather3A_198 = tpu.vector_load_idx %arg8[%add3A_194, %add3A_197] : memref<512x32xf32, #tpu.memory_space<vmem>>[vector<16xi32>, vector<16xi32>], vector<16xf32>,
        %add3A_199 = vector.broadcast %mul3A_181 : i32 to vector<16xi32>
        %add3A_200 = arith.addi %iota3A, %add3A_199 : vector<16xi32>
        %add3A_201 = arith.constant 0 : i32
        %add3A_202 = vector.broadcast %add3A_201 : i32 to vector<16xi32>
        %add3A_203 = arith.addi %and3A_25, %add3A_202 : vector<16xi32>
        %gather3A_204 = tpu.vector_load_idx %arg8[%add3A_200, %add3A_203] : memref<512x32xf32, #tpu.memory_space<vmem>>[vector<16xi32>, vector<16xi32>], vector<16xf32>,
        %add3A_205 = vector.broadcast %mul3A_181 : i32 to vector<16xi32>
        %add3A_206 = arith.addi %iota3A, %add3A_205 : vector<16xi32>
        %add3A_207 = arith.constant 0 : i32
        %add3A_208 = vector.broadcast %add3A_207 : i32 to vector<16xi32>
        %add3A_209 = arith.addi %and3A_31, %add3A_208 : vector<16xi32>
        %gather3A_210 = tpu.vector_load_idx %arg8[%add3A_206, %add3A_209] : memref<512x32xf32, #tpu.memory_space<vmem>>[vector<16xi32>, vector<16xi32>], vector<16xf32>,
        %add3A_211 = vector.broadcast %mul3A_181 : i32 to vector<16xi32>
        %add3A_212 = arith.addi %iota3A, %add3A_211 : vector<16xi32>
        %add3A_213 = arith.constant 0 : i32
        %add3A_214 = vector.broadcast %add3A_213 : i32 to vector<16xi32>
        %add3A_215 = arith.addi %and3A_37, %add3A_214 : vector<16xi32>
        %gather3A_216 = tpu.vector_load_idx %arg8[%add3A_212, %add3A_215] : memref<512x32xf32, #tpu.memory_space<vmem>>[vector<16xi32>, vector<16xi32>], vector<16xf32>,
        %add3A_217 = vector.broadcast %mul3A_181 : i32 to vector<16xi32>
        %add3A_218 = arith.addi %iota3A, %add3A_217 : vector<16xi32>
        %add3A_219 = arith.constant 0 : i32
        %add3A_220 = vector.broadcast %add3A_219 : i32 to vector<16xi32>
        %add3A_221 = arith.addi %and3A_43, %add3A_220 : vector<16xi32>
        %gather3A_222 = tpu.vector_load_idx %arg8[%add3A_218, %add3A_221] : memref<512x32xf32, #tpu.memory_space<vmem>>[vector<16xi32>, vector<16xi32>], vector<16xf32>,
        %add3A_223 = vector.broadcast %mul3A_181 : i32 to vector<16xi32>
        %add3A_224 = arith.addi %iota3A, %add3A_223 : vector<16xi32>
        %add3A_225 = arith.constant 0 : i32
        %add3A_226 = vector.broadcast %add3A_225 : i32 to vector<16xi32>
        %add3A_227 = arith.addi %and3A_49, %add3A_226 : vector<16xi32>
        %gather3A_228 = tpu.vector_load_idx %arg8[%add3A_224, %add3A_227] : memref<512x32xf32, #tpu.memory_space<vmem>>[vector<16xi32>, vector<16xi32>], vector<16xf32>,
        %add3A_229 = vector.broadcast %mul3A_181 : i32 to vector<16xi32>
        %add3A_230 = arith.addi %iota3A, %add3A_229 : vector<16xi32>
        %add3A_231 = arith.constant 0 : i32
        %add3A_232 = vector.broadcast %add3A_231 : i32 to vector<16xi32>
        %add3A_233 = arith.addi %and3A_55, %add3A_232 : vector<16xi32>
        %gather3A_234 = tpu.vector_load_idx %arg8[%add3A_230, %add3A_233] : memref<512x32xf32, #tpu.memory_space<vmem>>[vector<16xi32>, vector<16xi32>], vector<16xf32>,
        %add3A_235 = vector.broadcast %mul3A_181 : i32 to vector<16xi32>
        %add3A_236 = arith.addi %iota3A, %add3A_235 : vector<16xi32>
        %add3A_237 = arith.constant 0 : i32
        %add3A_238 = vector.broadcast %add3A_237 : i32 to vector<16xi32>
        %add3A_239 = arith.addi %and3A_61, %add3A_238 : vector<16xi32>
        %gather3A_240 = tpu.vector_load_idx %arg8[%add3A_236, %add3A_239] : memref<512x32xf32, #tpu.memory_space<vmem>>[vector<16xi32>, vector<16xi32>], vector<16xf32>,
        %add3A_241 = vector.broadcast %mul3A_181 : i32 to vector<16xi32>
        %add3A_242 = arith.addi %iota3A, %add3A_241 : vector<16xi32>
        %add3A_243 = arith.constant 0 : i32
        %add3A_244 = vector.broadcast %add3A_243 : i32 to vector<16xi32>
        %add3A_245 = arith.addi %and3A_67, %add3A_244 : vector<16xi32>
        %gather3A_246 = tpu.vector_load_idx %arg8[%add3A_242, %add3A_245] : memref<512x32xf32, #tpu.memory_space<vmem>>[vector<16xi32>, vector<16xi32>], vector<16xf32>,
        %add3A_247 = vector.broadcast %mul3A_181 : i32 to vector<16xi32>
        %add3A_248 = arith.addi %iota3A, %add3A_247 : vector<16xi32>
        %add3A_249 = arith.constant 0 : i32
        %add3A_250 = vector.broadcast %add3A_249 : i32 to vector<16xi32>
        %add3A_251 = arith.addi %and3A_73, %add3A_250 : vector<16xi32>
        %gather3A_252 = tpu.vector_load_idx %arg8[%add3A_248, %add3A_251] : memref<512x32xf32, #tpu.memory_space<vmem>>[vector<16xi32>, vector<16xi32>], vector<16xf32>,
        %add3A_253 = vector.broadcast %mul3A_181 : i32 to vector<16xi32>
        %add3A_254 = arith.addi %iota3A, %add3A_253 : vector<16xi32>
        %add3A_255 = arith.constant 0 : i32
        %add3A_256 = vector.broadcast %add3A_255 : i32 to vector<16xi32>
        %add3A_257 = arith.addi %and3A_79, %add3A_256 : vector<16xi32>
        %gather3A_258 = tpu.vector_load_idx %arg8[%add3A_254, %add3A_257] : memref<512x32xf32, #tpu.memory_space<vmem>>[vector<16xi32>, vector<16xi32>], vector<16xf32>,
        %add3A_259 = vector.broadcast %mul3A_181 : i32 to vector<16xi32>
        %add3A_260 = arith.addi %iota3A, %add3A_259 : vector<16xi32>
        %add3A_261 = arith.constant 0 : i32
        %add3A_262 = vector.broadcast %add3A_261 : i32 to vector<16xi32>
        %add3A_263 = arith.addi %and3A_85, %add3A_262 : vector<16xi32>
        %gather3A_264 = tpu.vector_load_idx %arg8[%add3A_260, %add3A_263] : memref<512x32xf32, #tpu.memory_space<vmem>>[vector<16xi32>, vector<16xi32>], vector<16xf32>,
        %add3A_265 = vector.broadcast %mul3A_181 : i32 to vector<16xi32>
        %add3A_266 = arith.addi %iota3A, %add3A_265 : vector<16xi32>
        %add3A_267 = arith.constant 0 : i32
        %add3A_268 = vector.broadcast %add3A_267 : i32 to vector<16xi32>
        %add3A_269 = arith.addi %and3A_91, %add3A_268 : vector<16xi32>
        %gather3A_270 = tpu.vector_load_idx %arg8[%add3A_266, %add3A_269] : memref<512x32xf32, #tpu.memory_space<vmem>>[vector<16xi32>, vector<16xi32>], vector<16xf32>,
        %add3A_271 = vector.broadcast %mul3A_181 : i32 to vector<16xi32>
        %add3A_272 = arith.addi %iota3A, %add3A_271 : vector<16xi32>
        %add3A_273 = arith.constant 0 : i32
        %add3A_274 = vector.broadcast %add3A_273 : i32 to vector<16xi32>
        %add3A_275 = arith.addi %and3A_97, %add3A_274 : vector<16xi32>
        %gather3A_276 = tpu.vector_load_idx %arg8[%add3A_272, %add3A_275] : memref<512x32xf32, #tpu.memory_space<vmem>>[vector<16xi32>, vector<16xi32>], vector<16xf32>,
        %add3A_277 = arith.constant 0 : i32
        %add3A_278 = vector.broadcast %add3A_277 : i32 to vector<16xi32>
        %add3A_279 = arith.addi %and3A_7, %add3A_278 : vector<16xi32>
        %add3A_280 = vector.broadcast %mul3A_181 : i32 to vector<16xi32>
        %add3A_281 = arith.addi %iota3A, %add3A_280 : vector<16xi32>
        tpu.vector_store_idx %arg10[%add3A_279, %add3A_281], %gather3A : memref<32x512xf32, #tpu.memory_space<vmem>>[vector<16xi32>, vector<16xi32>], vector<16xf32>,
        %add3A_282 = arith.constant 0 : i32
        %add3A_283 = vector.broadcast %add3A_282 : i32 to vector<16xi32>
        %add3A_284 = arith.addi %and3A_13, %add3A_283 : vector<16xi32>
        %add3A_285 = vector.broadcast %mul3A_181 : i32 to vector<16xi32>
        %add3A_286 = arith.addi %iota3A, %add3A_285 : vector<16xi32>
        tpu.vector_store_idx %arg10[%add3A_284, %add3A_286], %gather3A_192 : memref<32x512xf32, #tpu.memory_space<vmem>>[vector<16xi32>, vector<16xi32>], vector<16xf32>,
        %add3A_287 = arith.constant 0 : i32
        %add3A_288 = vector.broadcast %add3A_287 : i32 to vector<16xi32>
        %add3A_289 = arith.addi %and3A_19, %add3A_288 : vector<16xi32>
        %add3A_290 = vector.broadcast %mul3A_181 : i32 to vector<16xi32>
        %add3A_291 = arith.addi %iota3A, %add3A_290 : vector<16xi32>
        tpu.vector_store_idx %arg10[%add3A_289, %add3A_291], %gather3A_198 : memref<32x512xf32, #tpu.memory_space<vmem>>[vector<16xi32>, vector<16xi32>], vector<16xf32>,
        %add3A_292 = arith.constant 0 : i32
        %add3A_293 = vector.broadcast %add3A_292 : i32 to vector<16xi32>
        %add3A_294 = arith.addi %and3A_25, %add3A_293 : vector<16xi32>
        %add3A_295 = vector.broadcast %mul3A_181 : i32 to vector<16xi32>
        %add3A_296 = arith.addi %iota3A, %add3A_295 : vector<16xi32>
        tpu.vector_store_idx %arg10[%add3A_294, %add3A_296], %gather3A_204 : memref<32x512xf32, #tpu.memory_space<vmem>>[vector<16xi32>, vector<16xi32>], vector<16xf32>,
        %add3A_297 = arith.constant 0 : i32
        %add3A_298 = vector.broadcast %add3A_297 : i32 to vector<16xi32>
        %add3A_299 = arith.addi %and3A_31, %add3A_298 : vector<16xi32>
        %add3A_300 = vector.broadcast %mul3A_181 : i32 to vector<16xi32>
        %add3A_301 = arith.addi %iota3A, %add3A_300 : vector<16xi32>
        tpu.vector_store_idx %arg10[%add3A_299, %add3A_301], %gather3A_210 : memref<32x512xf32, #tpu.memory_space<vmem>>[vector<16xi32>, vector<16xi32>], vector<16xf32>,
        %add3A_302 = arith.constant 0 : i32
        %add3A_303 = vector.broadcast %add3A_302 : i32 to vector<16xi32>
        %add3A_304 = arith.addi %and3A_37, %add3A_303 : vector<16xi32>
        %add3A_305 = vector.broadcast %mul3A_181 : i32 to vector<16xi32>
        %add3A_306 = arith.addi %iota3A, %add3A_305 : vector<16xi32>
        tpu.vector_store_idx %arg10[%add3A_304, %add3A_306], %gather3A_216 : memref<32x512xf32, #tpu.memory_space<vmem>>[vector<16xi32>, vector<16xi32>], vector<16xf32>,
        %add3A_307 = arith.constant 0 : i32
        %add3A_308 = vector.broadcast %add3A_307 : i32 to vector<16xi32>
        %add3A_309 = arith.addi %and3A_43, %add3A_308 : vector<16xi32>
        %add3A_310 = vector.broadcast %mul3A_181 : i32 to vector<16xi32>
        %add3A_311 = arith.addi %iota3A, %add3A_310 : vector<16xi32>
        tpu.vector_store_idx %arg10[%add3A_309, %add3A_311], %gather3A_222 : memref<32x512xf32, #tpu.memory_space<vmem>>[vector<16xi32>, vector<16xi32>], vector<16xf32>,
        %add3A_312 = arith.constant 0 : i32
        %add3A_313 = vector.broadcast %add3A_312 : i32 to vector<16xi32>
        %add3A_314 = arith.addi %and3A_49, %add3A_313 : vector<16xi32>
        %add3A_315 = vector.broadcast %mul3A_181 : i32 to vector<16xi32>
        %add3A_316 = arith.addi %iota3A, %add3A_315 : vector<16xi32>
        tpu.vector_store_idx %arg10[%add3A_314, %add3A_316], %gather3A_228 : memref<32x512xf32, #tpu.memory_space<vmem>>[vector<16xi32>, vector<16xi32>], vector<16xf32>,
        %add3A_317 = arith.constant 0 : i32
        %add3A_318 = vector.broadcast %add3A_317 : i32 to vector<16xi32>
        %add3A_319 = arith.addi %and3A_55, %add3A_318 : vector<16xi32>
        %add3A_320 = vector.broadcast %mul3A_181 : i32 to vector<16xi32>
        %add3A_321 = arith.addi %iota3A, %add3A_320 : vector<16xi32>
        tpu.vector_store_idx %arg10[%add3A_319, %add3A_321], %gather3A_234 : memref<32x512xf32, #tpu.memory_space<vmem>>[vector<16xi32>, vector<16xi32>], vector<16xf32>,
        %add3A_322 = arith.constant 0 : i32
        %add3A_323 = vector.broadcast %add3A_322 : i32 to vector<16xi32>
        %add3A_324 = arith.addi %and3A_61, %add3A_323 : vector<16xi32>
        %add3A_325 = vector.broadcast %mul3A_181 : i32 to vector<16xi32>
        %add3A_326 = arith.addi %iota3A, %add3A_325 : vector<16xi32>
        tpu.vector_store_idx %arg10[%add3A_324, %add3A_326], %gather3A_240 : memref<32x512xf32, #tpu.memory_space<vmem>>[vector<16xi32>, vector<16xi32>], vector<16xf32>,
        %add3A_327 = arith.constant 0 : i32
        %add3A_328 = vector.broadcast %add3A_327 : i32 to vector<16xi32>
        %add3A_329 = arith.addi %and3A_67, %add3A_328 : vector<16xi32>
        %add3A_330 = vector.broadcast %mul3A_181 : i32 to vector<16xi32>
        %add3A_331 = arith.addi %iota3A, %add3A_330 : vector<16xi32>
        tpu.vector_store_idx %arg10[%add3A_329, %add3A_331], %gather3A_246 : memref<32x512xf32, #tpu.memory_space<vmem>>[vector<16xi32>, vector<16xi32>], vector<16xf32>,
        %add3A_332 = arith.constant 0 : i32
        %add3A_333 = vector.broadcast %add3A_332 : i32 to vector<16xi32>
        %add3A_334 = arith.addi %and3A_73, %add3A_333 : vector<16xi32>
        %add3A_335 = vector.broadcast %mul3A_181 : i32 to vector<16xi32>
        %add3A_336 = arith.addi %iota3A, %add3A_335 : vector<16xi32>
        tpu.vector_store_idx %arg10[%add3A_334, %add3A_336], %gather3A_252 : memref<32x512xf32, #tpu.memory_space<vmem>>[vector<16xi32>, vector<16xi32>], vector<16xf32>,
        %add3A_337 = arith.constant 0 : i32
        %add3A_338 = vector.broadcast %add3A_337 : i32 to vector<16xi32>
        %add3A_339 = arith.addi %and3A_79, %add3A_338 : vector<16xi32>
        %add3A_340 = vector.broadcast %mul3A_181 : i32 to vector<16xi32>
        %add3A_341 = arith.addi %iota3A, %add3A_340 : vector<16xi32>
        tpu.vector_store_idx %arg10[%add3A_339, %add3A_341], %gather3A_258 : memref<32x512xf32, #tpu.memory_space<vmem>>[vector<16xi32>, vector<16xi32>], vector<16xf32>,
        %add3A_342 = arith.constant 0 : i32
        %add3A_343 = vector.broadcast %add3A_342 : i32 to vector<16xi32>
        %add3A_344 = arith.addi %and3A_85, %add3A_343 : vector<16xi32>
        %add3A_345 = vector.broadcast %mul3A_181 : i32 to vector<16xi32>
        %add3A_346 = arith.addi %iota3A, %add3A_345 : vector<16xi32>
        tpu.vector_store_idx %arg10[%add3A_344, %add3A_346], %gather3A_264 : memref<32x512xf32, #tpu.memory_space<vmem>>[vector<16xi32>, vector<16xi32>], vector<16xf32>,
        %add3A_347 = arith.constant 0 : i32
        %add3A_348 = vector.broadcast %add3A_347 : i32 to vector<16xi32>
        %add3A_349 = arith.addi %and3A_91, %add3A_348 : vector<16xi32>
        %add3A_350 = vector.broadcast %mul3A_181 : i32 to vector<16xi32>
        %add3A_351 = arith.addi %iota3A, %add3A_350 : vector<16xi32>
        tpu.vector_store_idx %arg10[%add3A_349, %add3A_351], %gather3A_270 : memref<32x512xf32, #tpu.memory_space<vmem>>[vector<16xi32>, vector<16xi32>], vector<16xf32>,
        %add3A_352 = arith.constant 0 : i32
        %add3A_353 = vector.broadcast %add3A_352 : i32 to vector<16xi32>
        %add3A_354 = arith.addi %and3A_97, %add3A_353 : vector<16xi32>
        %add3A_355 = vector.broadcast %mul3A_181 : i32 to vector<16xi32>
        %add3A_356 = arith.addi %iota3A, %add3A_355 : vector<16xi32>
        tpu.vector_store_idx %arg10[%add3A_354, %add3A_356], %gather3A_276 : memref<32x512xf32, #tpu.memory_space<vmem>>[vector<16xi32>, vector<16xi32>], vector<16xf32>,
        %add3A_357 = vector.broadcast %mul3A_181 : i32 to vector<16xi32>
        %add3A_358 = arith.addi %iota3A, %add3A_357 : vector<16xi32>
        %add3A_359 = arith.constant 16 : i32
        %add3A_360 = vector.broadcast %add3A_359 : i32 to vector<16xi32>
        %add3A_361 = arith.addi %and3A_7, %add3A_360 : vector<16xi32>
        %gather3A_362 = tpu.vector_load_idx %arg8[%add3A_358, %add3A_361] : memref<512x32xf32, #tpu.memory_space<vmem>>[vector<16xi32>, vector<16xi32>], vector<16xf32>,
        %add3A_363 = vector.broadcast %mul3A_181 : i32 to vector<16xi32>
        %add3A_364 = arith.addi %iota3A, %add3A_363 : vector<16xi32>
        %add3A_365 = arith.constant 16 : i32
        %add3A_366 = vector.broadcast %add3A_365 : i32 to vector<16xi32>
        %add3A_367 = arith.addi %and3A_13, %add3A_366 : vector<16xi32>
        %gather3A_368 = tpu.vector_load_idx %arg8[%add3A_364, %add3A_367] : memref<512x32xf32, #tpu.memory_space<vmem>>[vector<16xi32>, vector<16xi32>], vector<16xf32>,
        %add3A_369 = vector.broadcast %mul3A_181 : i32 to vector<16xi32>
        %add3A_370 = arith.addi %iota3A, %add3A_369 : vector<16xi32>
        %add3A_371 = arith.constant 16 : i32
        %add3A_372 = vector.broadcast %add3A_371 : i32 to vector<16xi32>
        %add3A_373 = arith.addi %and3A_19, %add3A_372 : vector<16xi32>
        %gather3A_374 = tpu.vector_load_idx %arg8[%add3A_370, %add3A_373] : memref<512x32xf32, #tpu.memory_space<vmem>>[vector<16xi32>, vector<16xi32>], vector<16xf32>,
        %add3A_375 = vector.broadcast %mul3A_181 : i32 to vector<16xi32>
        %add3A_376 = arith.addi %iota3A, %add3A_375 : vector<16xi32>
        %add3A_377 = arith.constant 16 : i32
        %add3A_378 = vector.broadcast %add3A_377 : i32 to vector<16xi32>
        %add3A_379 = arith.addi %and3A_25, %add3A_378 : vector<16xi32>
        %gather3A_380 = tpu.vector_load_idx %arg8[%add3A_376, %add3A_379] : memref<512x32xf32, #tpu.memory_space<vmem>>[vector<16xi32>, vector<16xi32>], vector<16xf32>,
        %add3A_381 = vector.broadcast %mul3A_181 : i32 to vector<16xi32>
        %add3A_382 = arith.addi %iota3A, %add3A_381 : vector<16xi32>
        %add3A_383 = arith.constant 16 : i32
        %add3A_384 = vector.broadcast %add3A_383 : i32 to vector<16xi32>
        %add3A_385 = arith.addi %and3A_31, %add3A_384 : vector<16xi32>
        %gather3A_386 = tpu.vector_load_idx %arg8[%add3A_382, %add3A_385] : memref<512x32xf32, #tpu.memory_space<vmem>>[vector<16xi32>, vector<16xi32>], vector<16xf32>,
        %add3A_387 = vector.broadcast %mul3A_181 : i32 to vector<16xi32>
        %add3A_388 = arith.addi %iota3A, %add3A_387 : vector<16xi32>
        %add3A_389 = arith.constant 16 : i32
        %add3A_390 = vector.broadcast %add3A_389 : i32 to vector<16xi32>
        %add3A_391 = arith.addi %and3A_37, %add3A_390 : vector<16xi32>
        %gather3A_392 = tpu.vector_load_idx %arg8[%add3A_388, %add3A_391] : memref<512x32xf32, #tpu.memory_space<vmem>>[vector<16xi32>, vector<16xi32>], vector<16xf32>,
        %add3A_393 = vector.broadcast %mul3A_181 : i32 to vector<16xi32>
        %add3A_394 = arith.addi %iota3A, %add3A_393 : vector<16xi32>
        %add3A_395 = arith.constant 16 : i32
        %add3A_396 = vector.broadcast %add3A_395 : i32 to vector<16xi32>
        %add3A_397 = arith.addi %and3A_43, %add3A_396 : vector<16xi32>
        %gather3A_398 = tpu.vector_load_idx %arg8[%add3A_394, %add3A_397] : memref<512x32xf32, #tpu.memory_space<vmem>>[vector<16xi32>, vector<16xi32>], vector<16xf32>,
        %add3A_399 = vector.broadcast %mul3A_181 : i32 to vector<16xi32>
        %add3A_400 = arith.addi %iota3A, %add3A_399 : vector<16xi32>
        %add3A_401 = arith.constant 16 : i32
        %add3A_402 = vector.broadcast %add3A_401 : i32 to vector<16xi32>
        %add3A_403 = arith.addi %and3A_49, %add3A_402 : vector<16xi32>
        %gather3A_404 = tpu.vector_load_idx %arg8[%add3A_400, %add3A_403] : memref<512x32xf32, #tpu.memory_space<vmem>>[vector<16xi32>, vector<16xi32>], vector<16xf32>,
        %add3A_405 = vector.broadcast %mul3A_181 : i32 to vector<16xi32>
        %add3A_406 = arith.addi %iota3A, %add3A_405 : vector<16xi32>
        %add3A_407 = arith.constant 16 : i32
        %add3A_408 = vector.broadcast %add3A_407 : i32 to vector<16xi32>
        %add3A_409 = arith.addi %and3A_55, %add3A_408 : vector<16xi32>
        %gather3A_410 = tpu.vector_load_idx %arg8[%add3A_406, %add3A_409] : memref<512x32xf32, #tpu.memory_space<vmem>>[vector<16xi32>, vector<16xi32>], vector<16xf32>,
        %add3A_411 = vector.broadcast %mul3A_181 : i32 to vector<16xi32>
        %add3A_412 = arith.addi %iota3A, %add3A_411 : vector<16xi32>
        %add3A_413 = arith.constant 16 : i32
        %add3A_414 = vector.broadcast %add3A_413 : i32 to vector<16xi32>
        %add3A_415 = arith.addi %and3A_61, %add3A_414 : vector<16xi32>
        %gather3A_416 = tpu.vector_load_idx %arg8[%add3A_412, %add3A_415] : memref<512x32xf32, #tpu.memory_space<vmem>>[vector<16xi32>, vector<16xi32>], vector<16xf32>,
        %add3A_417 = vector.broadcast %mul3A_181 : i32 to vector<16xi32>
        %add3A_418 = arith.addi %iota3A, %add3A_417 : vector<16xi32>
        %add3A_419 = arith.constant 16 : i32
        %add3A_420 = vector.broadcast %add3A_419 : i32 to vector<16xi32>
        %add3A_421 = arith.addi %and3A_67, %add3A_420 : vector<16xi32>
        %gather3A_422 = tpu.vector_load_idx %arg8[%add3A_418, %add3A_421] : memref<512x32xf32, #tpu.memory_space<vmem>>[vector<16xi32>, vector<16xi32>], vector<16xf32>,
        %add3A_423 = vector.broadcast %mul3A_181 : i32 to vector<16xi32>
        %add3A_424 = arith.addi %iota3A, %add3A_423 : vector<16xi32>
        %add3A_425 = arith.constant 16 : i32
        %add3A_426 = vector.broadcast %add3A_425 : i32 to vector<16xi32>
        %add3A_427 = arith.addi %and3A_73, %add3A_426 : vector<16xi32>
        %gather3A_428 = tpu.vector_load_idx %arg8[%add3A_424, %add3A_427] : memref<512x32xf32, #tpu.memory_space<vmem>>[vector<16xi32>, vector<16xi32>], vector<16xf32>,
        %add3A_429 = vector.broadcast %mul3A_181 : i32 to vector<16xi32>
        %add3A_430 = arith.addi %iota3A, %add3A_429 : vector<16xi32>
        %add3A_431 = arith.constant 16 : i32
        %add3A_432 = vector.broadcast %add3A_431 : i32 to vector<16xi32>
        %add3A_433 = arith.addi %and3A_79, %add3A_432 : vector<16xi32>
        %gather3A_434 = tpu.vector_load_idx %arg8[%add3A_430, %add3A_433] : memref<512x32xf32, #tpu.memory_space<vmem>>[vector<16xi32>, vector<16xi32>], vector<16xf32>,
        %add3A_435 = vector.broadcast %mul3A_181 : i32 to vector<16xi32>
        %add3A_436 = arith.addi %iota3A, %add3A_435 : vector<16xi32>
        %add3A_437 = arith.constant 16 : i32
        %add3A_438 = vector.broadcast %add3A_437 : i32 to vector<16xi32>
        %add3A_439 = arith.addi %and3A_85, %add3A_438 : vector<16xi32>
        %gather3A_440 = tpu.vector_load_idx %arg8[%add3A_436, %add3A_439] : memref<512x32xf32, #tpu.memory_space<vmem>>[vector<16xi32>, vector<16xi32>], vector<16xf32>,
        %add3A_441 = vector.broadcast %mul3A_181 : i32 to vector<16xi32>
        %add3A_442 = arith.addi %iota3A, %add3A_441 : vector<16xi32>
        %add3A_443 = arith.constant 16 : i32
        %add3A_444 = vector.broadcast %add3A_443 : i32 to vector<16xi32>
        %add3A_445 = arith.addi %and3A_91, %add3A_444 : vector<16xi32>
        %gather3A_446 = tpu.vector_load_idx %arg8[%add3A_442, %add3A_445] : memref<512x32xf32, #tpu.memory_space<vmem>>[vector<16xi32>, vector<16xi32>], vector<16xf32>,
        %add3A_447 = vector.broadcast %mul3A_181 : i32 to vector<16xi32>
        %add3A_448 = arith.addi %iota3A, %add3A_447 : vector<16xi32>
        %add3A_449 = arith.constant 16 : i32
        %add3A_450 = vector.broadcast %add3A_449 : i32 to vector<16xi32>
        %add3A_451 = arith.addi %and3A_97, %add3A_450 : vector<16xi32>
        %gather3A_452 = tpu.vector_load_idx %arg8[%add3A_448, %add3A_451] : memref<512x32xf32, #tpu.memory_space<vmem>>[vector<16xi32>, vector<16xi32>], vector<16xf32>,
        %add3A_453 = arith.constant 16 : i32
        %add3A_454 = vector.broadcast %add3A_453 : i32 to vector<16xi32>
        %add3A_455 = arith.addi %and3A_7, %add3A_454 : vector<16xi32>
        %add3A_456 = vector.broadcast %mul3A_181 : i32 to vector<16xi32>
        %add3A_457 = arith.addi %iota3A, %add3A_456 : vector<16xi32>
        tpu.vector_store_idx %arg10[%add3A_455, %add3A_457], %gather3A_362 : memref<32x512xf32, #tpu.memory_space<vmem>>[vector<16xi32>, vector<16xi32>], vector<16xf32>,
        %add3A_458 = arith.constant 16 : i32
        %add3A_459 = vector.broadcast %add3A_458 : i32 to vector<16xi32>
        %add3A_460 = arith.addi %and3A_13, %add3A_459 : vector<16xi32>
        %add3A_461 = vector.broadcast %mul3A_181 : i32 to vector<16xi32>
        %add3A_462 = arith.addi %iota3A, %add3A_461 : vector<16xi32>
        tpu.vector_store_idx %arg10[%add3A_460, %add3A_462], %gather3A_368 : memref<32x512xf32, #tpu.memory_space<vmem>>[vector<16xi32>, vector<16xi32>], vector<16xf32>,
        %add3A_463 = arith.constant 16 : i32
        %add3A_464 = vector.broadcast %add3A_463 : i32 to vector<16xi32>
        %add3A_465 = arith.addi %and3A_19, %add3A_464 : vector<16xi32>
        %add3A_466 = vector.broadcast %mul3A_181 : i32 to vector<16xi32>
        %add3A_467 = arith.addi %iota3A, %add3A_466 : vector<16xi32>
        tpu.vector_store_idx %arg10[%add3A_465, %add3A_467], %gather3A_374 : memref<32x512xf32, #tpu.memory_space<vmem>>[vector<16xi32>, vector<16xi32>], vector<16xf32>,
        %add3A_468 = arith.constant 16 : i32
        %add3A_469 = vector.broadcast %add3A_468 : i32 to vector<16xi32>
        %add3A_470 = arith.addi %and3A_25, %add3A_469 : vector<16xi32>
        %add3A_471 = vector.broadcast %mul3A_181 : i32 to vector<16xi32>
        %add3A_472 = arith.addi %iota3A, %add3A_471 : vector<16xi32>
        tpu.vector_store_idx %arg10[%add3A_470, %add3A_472], %gather3A_380 : memref<32x512xf32, #tpu.memory_space<vmem>>[vector<16xi32>, vector<16xi32>], vector<16xf32>,
        %add3A_473 = arith.constant 16 : i32
        %add3A_474 = vector.broadcast %add3A_473 : i32 to vector<16xi32>
        %add3A_475 = arith.addi %and3A_31, %add3A_474 : vector<16xi32>
        %add3A_476 = vector.broadcast %mul3A_181 : i32 to vector<16xi32>
        %add3A_477 = arith.addi %iota3A, %add3A_476 : vector<16xi32>
        tpu.vector_store_idx %arg10[%add3A_475, %add3A_477], %gather3A_386 : memref<32x512xf32, #tpu.memory_space<vmem>>[vector<16xi32>, vector<16xi32>], vector<16xf32>,
        %add3A_478 = arith.constant 16 : i32
        %add3A_479 = vector.broadcast %add3A_478 : i32 to vector<16xi32>
        %add3A_480 = arith.addi %and3A_37, %add3A_479 : vector<16xi32>
        %add3A_481 = vector.broadcast %mul3A_181 : i32 to vector<16xi32>
        %add3A_482 = arith.addi %iota3A, %add3A_481 : vector<16xi32>
        tpu.vector_store_idx %arg10[%add3A_480, %add3A_482], %gather3A_392 : memref<32x512xf32, #tpu.memory_space<vmem>>[vector<16xi32>, vector<16xi32>], vector<16xf32>,
        %add3A_483 = arith.constant 16 : i32
        %add3A_484 = vector.broadcast %add3A_483 : i32 to vector<16xi32>
        %add3A_485 = arith.addi %and3A_43, %add3A_484 : vector<16xi32>
        %add3A_486 = vector.broadcast %mul3A_181 : i32 to vector<16xi32>
        %add3A_487 = arith.addi %iota3A, %add3A_486 : vector<16xi32>
        tpu.vector_store_idx %arg10[%add3A_485, %add3A_487], %gather3A_398 : memref<32x512xf32, #tpu.memory_space<vmem>>[vector<16xi32>, vector<16xi32>], vector<16xf32>,
        %add3A_488 = arith.constant 16 : i32
        %add3A_489 = vector.broadcast %add3A_488 : i32 to vector<16xi32>
        %add3A_490 = arith.addi %and3A_49, %add3A_489 : vector<16xi32>
        %add3A_491 = vector.broadcast %mul3A_181 : i32 to vector<16xi32>
        %add3A_492 = arith.addi %iota3A, %add3A_491 : vector<16xi32>
        tpu.vector_store_idx %arg10[%add3A_490, %add3A_492], %gather3A_404 : memref<32x512xf32, #tpu.memory_space<vmem>>[vector<16xi32>, vector<16xi32>], vector<16xf32>,
        %add3A_493 = arith.constant 16 : i32
        %add3A_494 = vector.broadcast %add3A_493 : i32 to vector<16xi32>
        %add3A_495 = arith.addi %and3A_55, %add3A_494 : vector<16xi32>
        %add3A_496 = vector.broadcast %mul3A_181 : i32 to vector<16xi32>
        %add3A_497 = arith.addi %iota3A, %add3A_496 : vector<16xi32>
        tpu.vector_store_idx %arg10[%add3A_495, %add3A_497], %gather3A_410 : memref<32x512xf32, #tpu.memory_space<vmem>>[vector<16xi32>, vector<16xi32>], vector<16xf32>,
        %add3A_498 = arith.constant 16 : i32
        %add3A_499 = vector.broadcast %add3A_498 : i32 to vector<16xi32>
        %add3A_500 = arith.addi %and3A_61, %add3A_499 : vector<16xi32>
        %add3A_501 = vector.broadcast %mul3A_181 : i32 to vector<16xi32>
        %add3A_502 = arith.addi %iota3A, %add3A_501 : vector<16xi32>
        tpu.vector_store_idx %arg10[%add3A_500, %add3A_502], %gather3A_416 : memref<32x512xf32, #tpu.memory_space<vmem>>[vector<16xi32>, vector<16xi32>], vector<16xf32>,
        %add3A_503 = arith.constant 16 : i32
        %add3A_504 = vector.broadcast %add3A_503 : i32 to vector<16xi32>
        %add3A_505 = arith.addi %and3A_67, %add3A_504 : vector<16xi32>
        %add3A_506 = vector.broadcast %mul3A_181 : i32 to vector<16xi32>
        %add3A_507 = arith.addi %iota3A, %add3A_506 : vector<16xi32>
        tpu.vector_store_idx %arg10[%add3A_505, %add3A_507], %gather3A_422 : memref<32x512xf32, #tpu.memory_space<vmem>>[vector<16xi32>, vector<16xi32>], vector<16xf32>,
        %add3A_508 = arith.constant 16 : i32
        %add3A_509 = vector.broadcast %add3A_508 : i32 to vector<16xi32>
        %add3A_510 = arith.addi %and3A_73, %add3A_509 : vector<16xi32>
        %add3A_511 = vector.broadcast %mul3A_181 : i32 to vector<16xi32>
        %add3A_512 = arith.addi %iota3A, %add3A_511 : vector<16xi32>
        tpu.vector_store_idx %arg10[%add3A_510, %add3A_512], %gather3A_428 : memref<32x512xf32, #tpu.memory_space<vmem>>[vector<16xi32>, vector<16xi32>], vector<16xf32>,
        %add3A_513 = arith.constant 16 : i32
        %add3A_514 = vector.broadcast %add3A_513 : i32 to vector<16xi32>
        %add3A_515 = arith.addi %and3A_79, %add3A_514 : vector<16xi32>
        %add3A_516 = vector.broadcast %mul3A_181 : i32 to vector<16xi32>
        %add3A_517 = arith.addi %iota3A, %add3A_516 : vector<16xi32>
        tpu.vector_store_idx %arg10[%add3A_515, %add3A_517], %gather3A_434 : memref<32x512xf32, #tpu.memory_space<vmem>>[vector<16xi32>, vector<16xi32>], vector<16xf32>,
        %add3A_518 = arith.constant 16 : i32
        %add3A_519 = vector.broadcast %add3A_518 : i32 to vector<16xi32>
        %add3A_520 = arith.addi %and3A_85, %add3A_519 : vector<16xi32>
        %add3A_521 = vector.broadcast %mul3A_181 : i32 to vector<16xi32>
        %add3A_522 = arith.addi %iota3A, %add3A_521 : vector<16xi32>
        tpu.vector_store_idx %arg10[%add3A_520, %add3A_522], %gather3A_440 : memref<32x512xf32, #tpu.memory_space<vmem>>[vector<16xi32>, vector<16xi32>], vector<16xf32>,
        %add3A_523 = arith.constant 16 : i32
        %add3A_524 = vector.broadcast %add3A_523 : i32 to vector<16xi32>
        %add3A_525 = arith.addi %and3A_91, %add3A_524 : vector<16xi32>
        %add3A_526 = vector.broadcast %mul3A_181 : i32 to vector<16xi32>
        %add3A_527 = arith.addi %iota3A, %add3A_526 : vector<16xi32>
        tpu.vector_store_idx %arg10[%add3A_525, %add3A_527], %gather3A_446 : memref<32x512xf32, #tpu.memory_space<vmem>>[vector<16xi32>, vector<16xi32>], vector<16xf32>,
        %add3A_528 = arith.constant 16 : i32
        %add3A_529 = vector.broadcast %add3A_528 : i32 to vector<16xi32>
        %add3A_530 = arith.addi %and3A_97, %add3A_529 : vector<16xi32>
        %add3A_531 = vector.broadcast %mul3A_181 : i32 to vector<16xi32>
        %add3A_532 = arith.addi %iota3A, %add3A_531 : vector<16xi32>
        tpu.vector_store_idx %arg10[%add3A_530, %add3A_532], %gather3A_452 : memref<32x512xf32, #tpu.memory_space<vmem>>[vector<16xi32>, vector<16xi32>], vector<16xf32>,
      }
      %scan3A_172 = arith.constant 32 : i32
      %dma_start3A_173 = arith.constant 0 : i32
      %dma_start3A_174 = tpu.memref_slice %arg4[%add3A_151, %dma_start3A_173, %mul3A_2] : memref<26x32x16384xf32, #tpu.memory_space<hbm>> -> memref<1x32x512xf32, #tpu.memory_space<hbm>>
      %dma_start3A_175 = tpu.memref_squeeze %dma_start3A_174 : memref<1x32x512xf32, #tpu.memory_space<hbm>> -> memref<32x512xf32, #tpu.memory_space<hbm>>
      %dma_start3A_176 = arith.constant 0 : i32
      %dma_start3A_177 = tpu.memref_slice %arg4[%add3A_151, %dma_start3A_176, %mul3A_2] : memref<26x32x16384xf32, #tpu.memory_space<hbm>> -> memref<1x32x512xf32, #tpu.memory_space<hbm>>
      %dma_start3A_178 = tpu.memref_squeeze %dma_start3A_177 : memref<1x32x512xf32, #tpu.memory_space<hbm>> -> memref<32x512xf32, #tpu.memory_space<hbm>>
      tpu.enqueue_dma source(%arg10 : memref<32x512xf32, #tpu.memory_space<vmem>>) target(%dma_start3A_178 : memref<32x512xf32, #tpu.memory_space<hbm>>) target_semaphore(%arg14 : memref<!tpu.dma_semaphore, #tpu.memory_space<semaphore_mem>>)
    }
    %scan3A_106 = arith.constant 13 : i32
    %dma_wait3A = arith.constant 0 : i32
    %dma_wait3A_107 = arith.constant 0 : i32
    %dma_wait3A_108 = tpu.memref_slice %arg4[%dma_wait3A, %dma_wait3A_107, %mul3A_2] : memref<26x32x16384xf32, #tpu.memory_space<hbm>> -> memref<1x32x512xf32, #tpu.memory_space<hbm>>
    %dma_wait3A_109 = tpu.memref_squeeze %dma_wait3A_108 : memref<1x32x512xf32, #tpu.memory_space<hbm>> -> memref<32x512xf32, #tpu.memory_space<hbm>>
    %dma_wait3A_110 = arith.constant 0 : i32
    %dma_wait3A_111 = tpu.memref_slice %arg4[%dma_wait3A, %dma_wait3A_110, %mul3A_2] : memref<26x32x16384xf32, #tpu.memory_space<hbm>> -> memref<1x32x512xf32, #tpu.memory_space<hbm>>
    %dma_wait3A_112 = tpu.memref_squeeze %dma_wait3A_111 : memref<1x32x512xf32, #tpu.memory_space<hbm>> -> memref<32x512xf32, #tpu.memory_space<hbm>>
    tpu.wait_dma2 semaphore(%arg13 : memref<!tpu.dma_semaphore, #tpu.memory_space<semaphore_mem>>) src(%arg9 : memref<32x512xf32, #tpu.memory_space<vmem>>) dst(%dma_wait3A_112 : memref<32x512xf32, #tpu.memory_space<hbm>>)
    %dma_wait3A_113 = arith.constant 0 : i32
    %dma_wait3A_114 = arith.constant 0 : i32
    %dma_wait3A_115 = tpu.memref_slice %arg4[%dma_wait3A_113, %dma_wait3A_114, %mul3A_2] : memref<26x32x16384xf32, #tpu.memory_space<hbm>> -> memref<1x32x512xf32, #tpu.memory_space<hbm>>
    %dma_wait3A_116 = tpu.memref_squeeze %dma_wait3A_115 : memref<1x32x512xf32, #tpu.memory_space<hbm>> -> memref<32x512xf32, #tpu.memory_space<hbm>>
    %dma_wait3A_117 = arith.constant 0 : i32
    %dma_wait3A_118 = tpu.memref_slice %arg4[%dma_wait3A_113, %dma_wait3A_117, %mul3A_2] : memref<26x32x16384xf32, #tpu.memory_space<hbm>> -> memref<1x32x512xf32, #tpu.memory_space<hbm>>
    %dma_wait3A_119 = tpu.memref_squeeze %dma_wait3A_118 : memref<1x32x512xf32, #tpu.memory_space<hbm>> -> memref<32x512xf32, #tpu.memory_space<hbm>>
    tpu.wait_dma2 semaphore(%arg14 : memref<!tpu.dma_semaphore, #tpu.memory_space<semaphore_mem>>) src(%arg10 : memref<32x512xf32, #tpu.memory_space<vmem>>) dst(%dma_wait3A_119 : memref<32x512xf32, #tpu.memory_space<hbm>>)
    return
  }
}

</mosaic_0001>

<sc_bundles>
// kernel: kernel.4.cloned.1.call-start
scs
__scs_entry_jumppad:
0x0: {  	(pc) =	sbr.rel $0x88, $3  }
0x1: {  	(tag) =	ssettag $0x0;
	lr =	simm.s32 $0x1  }
0x2: {  	[smem:$0x3F9F] =	sst lr;
	_ =	strace $0xD0000000  }
0x3: {  	_ = 	snop  }
0x4: {  	_ = 	snop  }
0x5: {  	_ = 	snop  }
0x6: {  	_ = 	snop  }
0x7: {  	_ = 	snop  }
__scs_overlays_trampoline_lowered:
0x8: {  	[smem:$0x3FAE] =	sst s0  }
0x9: {  	[smem:$0x3FAF] =	sst s1  }
0xa: {  	[smem:$0x3FB0] =	sst s2  }
0xb: {  	[smem:$0x3FB1] =	sst s3  }
0xc: {  	[smem:$0x3FB2] =	sst s4  }
0xd: {  	[smem:$0x3FB3] =	sst s5  }
0xe: {  	[smem:$0x3FB4] =	sst s6  }
0xf: {  	[smem:$0x3FB5] =	sst s7  }
0x10: {  	[smem:$0x3FB6] =	sst s8  }
0x11: {  	[smem:$0x3FB7] =	sst s9;
	s0 =	simm.s32 @!p0 $0x0  }
0x12: {  	s1 =	sld [smem:$0x3F9D];
	s0 =	simm.s32 @p0 $0x1  }
0x13: {  	[smem:$0x3FB8] =	sst s0;
	s0 =	simm.s32 @!p1 $0x0  }
0x14: {  	s2 =	sld [smem:$0x3F9C];
	s0 =	simm.s32 @p1 $0x1  }
0x15: {  	[smem:$0x3FB9] =	sst s0;
	s0 =	simm.s32 @!p2 $0x0  }
0x16: {  	s3 =	sld [smem:$0x3FDB];
	s0 =	simm.s32 @p2 $0x1  }
0x17: {  	s4 =	simm.s32 $0x1BF5;
	[smem:$0x3FBB] =	sst s0  }
0x18: {  	s0 =	sld [smem:$0x3F9E];
	_ =	swait.ge [sflag:s4], $0x0  }
0x19: {  	s7 =	sld [smem:$0x3F9F]  }
0x1a: {  	s8 =	sadd.s32 $0xFFFFE003, lr  }
0x1b: {  	s9 =	sadd.s32 $0xFFFFFEF7, lr;
	s5 =	simm.s32 $0xFFFFFFFF;
	p2 =	slt.u32 s8, $0xFFFFF086  }
0x1c: {  	p1 =	slt.u32 s9, $0xF7A;
	s5 =	simm.s32 @!p2 $0x0  }
0x1d: {  	s5 =	simm.s32 @p1 $0x1;
	p0 =	seq.s32 s7, s2  }
0x1e: {  	s7 =	smul.u32 @!p0 $0xF7A, s2;
	p2 =	seq.s32 @!p0 s5, $0x0  }
0x1f: {  	s9 =	smul.u32 $0xF7A, s1;
	s8 =	simm.s32 @!p0 $0x1BF5;
	p2 =	por !p2, p0  }
0x20: {  	[sflag:s8] =	ssyncset.s32 @!p0 $0xFFFFF086;
	s6 =	sadd.s32 @!p0 s3, s7;
	s7 =	simm.s32 @!p0 $0x108  }
0x21: {  	s3 =	sadd.s32 s3, s9;
	s6 =	sadd.s32 @!p0 $0x88, s6;
	s7 =	simm.s32 @p2 $0x1082  }
0x22: {  	[simem:s7], [sflag:s8] =	dma.local @!p0 [hbm:s6], $0xF7A  }
0x23: {  	s9 =	sor.u32 $0xD0000000, s2;
	s6 =	simm.s32 $0x108;
	_ =	swait.ge @!p0 [sflag:s8], $0x0  }
0x24: {  	s3 =	sadd.s32 $0x88, s3;
	s6 =	simm.s32 @!p1 $0x1082;
	[sflag:s4] =	ssyncset.s32 $0xFFFFF086  }
0x25: {  	[simem:s6], [sflag:s4] =	dma.local [hbm:s3], $0xF7A  }
0x26: {  	[smem:$0x3F9F] =	sst s1;
	(tag) =	ssettag s2;
	_ =	strace s9  }
0x27: {  	s1 =	sld [smem:$0x3FAF]  }
0x28: {  	s2 =	sld [smem:$0x3FB0]  }
0x29: {  	s4 =	sld [smem:$0x3FB2]  }
0x2a: {  	p0 =	seq.s32 s5, $0x0;
	s5 =	sld [smem:$0x3FB3]  }
0x2b: {  	s6 =	sld [smem:$0x3FB4]  }
0x2c: {  	s7 =	sld [smem:$0x3FB5]  }
0x2d: {  	s3 =	simm.s32 $0x108;
	s8 =	sld [smem:$0x3FB6]  }
0x2e: {  	s3 =	simm.s32 @!p0 $0x1082;
	s9 =	sld [smem:$0x3FB7]  }
0x2f: {  	lr =	sadd.s32 s0, s3;
	s0 =	sld [smem:$0x3FAE]  }
0x30: {  	s3 =	sld [smem:$0x3FB1]  }
0x31: {  	[smem:$0x3FBA] =	sst s10  }
0x32: {  	s10 =	sld [smem:$0x3FB8];
	_ =	sdelay $0x3  }
0x33: {  	p0 =	seq.s32 s10, $0x1;
	s10 =	sld [smem:$0x3FBA];
	_ =	sdelay $0x3  }
0x34: {  	[smem:$0x3FBA] =	sst s10  }
0x35: {  	s10 =	sld [smem:$0x3FB9];
	_ =	sdelay $0x3  }
0x36: {  	p1 =	seq.s32 s10, $0x1;
	s10 =	sld [smem:$0x3FBA];
	_ =	sdelay $0x3  }
0x37: {  	[smem:$0x3FBA] =	sst s10  }
0x38: {  	s10 =	sld [smem:$0x3FBB]  }
0x39: {  	_ = 	snop;
	(pc) =	sbr.ind lr, $3  }
0x3a: {  	_ = 	snop  }
0x3b: {  	_ = 	snop  }
0x3c: {  	p2 =	seq.s32 s10, $0x1;
	s10 =	sld [smem:$0x3FBA]  }
0x3d: {  	_ =	shalt  }
0x3e: {  	_ =	shalt  }
0x3f: {  	_ =	shalt  }
0x40: {  	_ =	shalt  }
0x41: {  	_ =	shalt  }
0x42: {  	_ =	shalt  }
0x43: {  	_ =	shalt  }
0x44: {  	_ =	shalt  }
0x45: {  	_ =	shalt  }
0x46: {  	_ =	shalt  }
0x47: {  	_ =	shalt  }
0x48: {  	_ =	shalt  }
0x49: {  	_ =	shalt  }
0x4a: {  	_ =	shalt  }
0x4b: {  	_ =	shalt  }
0x4c: {  	_ =	shalt  }
0x4d: {  	_ =	shalt  }
0x4e: {  	_ =	shalt  }
0x4f: {  	_ =	shalt  }
0x50: {  	_ =	shalt  }
0x51: {  	_ =	shalt  }
0x52: {  	_ =	shalt  }
0x53: {  	_ =	shalt  }
0x54: {  	_ =	shalt  }
0x55: {  	_ =	shalt  }
0x56: {  	_ =	shalt  }
0x57: {  	_ =	shalt  }
0x58: {  	_ =	shalt  }
0x59: {  	_ =	shalt  }
0x5a: {  	_ =	shalt  }
0x5b: {  	_ =	shalt  }
0x5c: {  	_ =	shalt  }
0x5d: {  	_ =	shalt  }
0x5e: {  	_ =	shalt  }
0x5f: {  	_ =	shalt  }
0x60: {  	_ =	shalt  }
0x61: {  	_ =	shalt  }
0x62: {  	_ =	shalt  }
0x63: {  	_ =	shalt  }
0x64: {  	_ =	shalt  }
0x65: {  	_ =	shalt  }
0x66: {  	_ =	shalt  }
0x67: {  	_ =	shalt  }
0x68: {  	_ =	shalt  }
0x69: {  	_ =	shalt  }
0x6a: {  	_ =	shalt  }
0x6b: {  	_ =	shalt  }
0x6c: {  	_ =	shalt  }
0x6d: {  	_ =	shalt  }
0x6e: {  	_ =	shalt  }
0x6f: {  	_ =	shalt  }
0x70: {  	_ =	shalt  }
0x71: {  	_ =	shalt  }
0x72: {  	_ =	shalt  }
0x73: {  	_ =	shalt  }
0x74: {  	_ =	shalt  }
0x75: {  	_ =	shalt  }
0x76: {  	_ =	shalt  }
0x77: {  	_ =	shalt  }
0x78: {  	_ =	shalt  }
0x79: {  	_ =	shalt  }
0x7a: {  	_ =	shalt  }
0x7b: {  	_ =	shalt  }
0x7c: {  	_ =	shalt  }
0x7d: {  	_ =	shalt  }
0x7e: {  	_ =	shalt  }
0x7f: {  	_ =	shalt  }
0x80: {  	_ =	shalt  }
0x81: {  	_ =	shalt  }
0x82: {  	_ =	shalt  }
0x83: {  	_ =	shalt  }
0x84: {  	_ =	shalt  }
0x85: {  	_ =	shalt  }
0x86: {  	_ =	shalt  }
0x87: {  	_ =	shalt  }
.Lfunc_end0:
.L_simem_size_0:
called_computation_lowered:
.L_overlay_start_0:
0x88: {  	s2 =	sld [smem:$0x3FD9]  }
0x89: {  	s3 =	sld [smem:$0x3FFE];
	_ =	sdelay $0x1  }
0x8a: {  	s1 =	srdreg.scid  }
0x8b: {  	s0 =	sand.u32 $0x1, s1  }
0x8c: {  	s17 =	sshll.u32 s0, $0xA;
	s2 =	sadd.s32 s3, s2  }
0x8d: {  	s2 =	sadd.s32 s2, s17  }
0x8e: {  	[smem:$0x3FC6] =	sst s2  }
0x8f: {  	_ = 	snop  }
0x90: {  	s2 =	sld [smem:$0x3FC8];
	(tm) =	ssettm $0x1  }
0x91: {  	s18 =	sld [smem:$0x3FFB];
	_ =	sdelay $0x3  }
0x92: {  	_ =	strace s18  }
0x93: {  	s3 =	sld [smem:$0x3FFC];
	_ =	sdelay $0x3  }
0x94: {  	_ =	strace s3  }
0x95: {  	s3 =	sld [smem:$0x3FFD];
	_ =	sdelay $0x3  }
0x96: {  	_ =	strace s3  }
0x97: {  	_ =	strace $0x8FFFFFFF  }
0x98: {  	s19 =	sld [smem:$0x3FDB];
	_ =	sdelay $0x1  }
0x99: {  	s4 =	simm.s32 $_scs_section_size  }
0x9a: {  	s5 =	simm.s32 $_size__tile_overlayer_lowered;
	s6 =	simm.s32 $_tile_overlayer_lowered  }
0x9b: {  	s22 =	simm.s32 $0x1BFF;
	s21 =	sshll.u32 s6, $0x1;
	s3 =	sadd.s32 s4, s19  }
0x9c: {  	s7 =	simm.s32 $0x0;
	s20 =	sshll.u32 s5, $0x1;
	s5 =	sadd.s32 s21, s3  }
0x9d: {  	[timem:s7], [sflag:s22] =	dma.local [hbm:s5], s20  }
0x9e: {  	_ =	swait.ge [sflag:s22], s20  }
0x9f: {  	s4 =	ssub.s32 $0x0, s20;
	[sflag:s22] =	ssyncset.done $0x0  }
0xa0: {  	[sflag:s22] =	ssyncadd.s32 s4;
	_ =	sdelay $0x1  }
0xa1: {  	s23 =	simm.s32 $0x1B8B  }
0xa2: {  	_ =	swait.ge [sflag:s23], $0x1  }
0xa3: {  	[sflag:s23] =	ssyncset.done $0x0  }
0xa4: {  	s25 =	simm.s32 $0x1B8E;
	s24 =	sld [smem:$0x3FFE];
	[sflag:s23] =	ssyncadd.s32 $0xFFFFFFFF  }
0xa5: {  	s26 =	simm.s32 $execute0_lowered;
	[smem:$0x3FD2] =	sst s25  }
0xa6: {  	s5 =	sshll.u32 s26, $0x1;
	_ =	strace $0x80000046;
	[dreg:$0x1] =	wrdreg $0xFFFFFFFF  }
0xa7: {  	s28 =	simm.s32 $_size_execute0_lowered;
	s3 =	sadd.s32 s3, s5;
	[dreg:$0x0] =	wrdreg $0x0  }
0xa8: {  	s5 =	sshll.u32 s28, $0x1;
	[dreg:$0x2] =	wrdreg s3  }
0xa9: {  	[dreg:$0x3] =	wrdreg s5  }
0xaa: {  	[dreg:$0x4] =	wrdreg $0xC0  }
0xab: {  	_ =	task [dreg:s7], $0x5FFFF  }
0xac: {  	[dreg:$0x1] =	wrdreg $0xFFFFFFFF  }
0xad: {  	[dreg:$0x0] =	wrdreg $0x60  }
0xae: {  	[dreg:$0x2] =	wrdreg s2  }
0xaf: {  	[dreg:$0x3] =	wrdreg s24  }
0xb0: {  	[dreg:$0x4] =	wrdreg $0x9  }
0xb1: {  	_ =	task.clear_ibuf [dreg:s7], $0x5FFFF;
	_ =	strace $0x90000046  }
0xb2: {  	s29 =	simm.s32 $0x9;
	_ =	strace $0x80000048  }
0xb3: {  	_ =	swait.ge [sflag:s29], $0x1  }
0xb4: {  	[sflag:s29] =	ssyncadd.s32 $0xFFFFFFFF  }
0xb5: {  	_ =	strace $0x90000048  }
0xb6: {  	_ =	sfence  }
0xb7: {  	s30 =	sld [smem:$0x0];
	_ =	sdelay $0x2  }
0xb8: {  	s31 =	sshll.u32 s1, $0xD;
	s1 =	sshrl.u32 s1, $0x2  }
0xb9: {  	s3 =	sand.u32 $0x4000, s31;
	s1 =	sadd.s32 s1, s30  }
0xba: {  	s0 =	sor.u32 s3, s0;
	s1 =	sshll.u32 s1, $0x11  }
0xbb: {  	s0 =	sor.u32 s1, s0  }
0xbc: {  	s0 =	sadd.s32 $0x8F2B, s0  }
0xbd: {  	[sflag:s0] =	ssyncadd.remote.s32 $0x1  }
0xbe: {  	_ =	sfence.sel $0xFFFF  }
0xbf: {  	[dreg:$0x0] =	wrdreg $0xFFFFFFFF;
	(pc) =	sbr.abs _section_cstart, $3  }
0xc0: {  	[dreg:$0x1] =	wrdreg $0xFFFFFFFF  }
0xc1: {  	_ =	task.clear_ibuf [dreg:s7], $0x2FFFF;
	_ =	strace $0x9FFFFFFF  }
0xc2: {  	(tm) =	ssettm $0x7FFFFFFF  }
0xc3: {  	_ =	shalt  }
tec
execute0_lowered:
.L_overlay_start_1:
0x0: {  	(tag) =	ssettag $0x1  }
0x1: {  	v0 =	vimm.s32 $0x1C00;
	vm13 =	vcmask $0x300;
	vm12 =	vcmask $0x704  }
0x2: {  	vm11 =	vcmask $0xB08;
	vm10 =	vcmask $0xF0C;
	vm9 =	vcmask $0x1310  }
0x3: {  	vm7 =	vcmask $0x1714;
	vm4 =	vcmask $0x1B18;
	vm14 =	vcmask $0x1F1C  }
0x4: {  	vm8 =	vcmask $0x2320;
	vm5 =	vcmask $0x2724;
	vm6 =	vcmask $0x2B28  }
0x5: {  	vm2 =	vcmask $0x2F2C;
	v8 =	vlaneseq.u32;
	v1 =	vimm.s32 $0x1A00  }
0x6: {  	vm0 =	vcmask $0x3330;
	v2 =	vimm.s32 $0x1800;
	vm1 =	vcmask $0x3734  }
0x7: {  	vm3 =	vcmask $0x3B38;
	v54 =	vimm.s32 $0x1600;
	v58 =	vimm.s32 $0x1400  }
0x8: {  	v59 =	vimm.s32 $0x1200;
	v62 =	vimm.s32 $0x1000;
	v32 =	vimm.s32 $0xE00  }
0x9: {  	v33 =	vimm.s32 $0xC00;
	v36 =	vimm.s32 $0xA00;
	v40 =	vimm.s32 $0x800  }
0xa: {  	v41 =	vimm.s32 $0x600;
	v44 =	vimm.s32 $0x400;
	v48 =	vimm.s32 $0x200  }
0xb: {  	v3 =	vimm.s32 $0x0;
	v7 =	vimm.s32 $0x64432201;
	v29 =	vimm.s32 $0x68472605  }
0xc: {  	v31 =	vimm.s32 $0x6D4C2B0A;
	v0 =	vsel vm13, $0x1E00, v0;
	v1 =	vsel vm13, $0x1C00, v1  }
0xd: {  	v2 =	vsel vm13, $0x1A00, v2;
	v49 =	vsel vm13, $0x400, v48;
	v0 =	vsel vm12, $0x0, v0  }
0xe: {  	v1 =	vsel vm12, $0x1E00, v1;
	v2 =	vsel vm12, $0x1C00, v2;
	v0 =	vsel vm11, $0x200, v0  }
0xf: {  	v1 =	vsel vm11, $0x0, v1;
	v2 =	vsel vm11, $0x1E00, v2;
	v0 =	vsel vm10, $0x400, v0  }
0x10: {  	v1 =	vsel vm10, $0x200, v1;
	v2 =	vsel vm10, $0x0, v2;
	v0 =	vsel vm9, $0x600, v0  }
0x11: {  	v1 =	vsel vm9, $0x400, v1;
	v53 =	vsel vm9, $0x200, v2;
	v2 =	vsel vm13, $0x1800, v54  }
0x12: {  	v0 =	vsel vm7, $0x800, v0;
	v52 =	vsel vm7, $0x600, v1;
	v1 =	vsel vm7, $0x400, v53  }
0x13: {  	v2 =	vsel vm12, $0x1A00, v2;
	v0 =	vsel vm4, $0xA00, v0;
	v1 =	vsel vm4, $0x600, v1  }
0x14: {  	v2 =	vsel vm11, $0x1C00, v2;
	v0 =	vsel vm14, $0xC00, v0;
	v1 =	vsel vm14, $0x800, v1  }
0x15: {  	v2 =	vsel vm10, $0x1E00, v2;
	v0 =	vsel vm8, $0xE00, v0;
	v1 =	vsel vm8, $0xA00, v1  }
0x16: {  	v2 =	vsel vm9, $0x0, v2;
	v0 =	vsel vm5, $0x1000, v0;
	v1 =	vsel vm5, $0xC00, v1  }
0x17: {  	v2 =	vsel vm7, $0x200, v2;
	v0 =	vsel vm6, $0x1200, v0;
	v1 =	vsel vm6, $0xE00, v1  }
0x18: {  	v2 =	vsel vm4, $0x400, v2;
	v0 =	vsel vm2, $0x1400, v0;
	v1 =	vsel vm2, $0x1000, v1  }
0x19: {  	v56 =	vsel vm14, $0x600, v2;
	v2 =	vsel vm13, $0x1400, v59;
	v0 =	vsel vm0, $0x1600, v0  }
0x1a: {  	v1 =	vsel vm0, $0x1200, v1;
	v57 =	vsel vm8, $0x800, v56;
	v2 =	vsel vm12, $0x1600, v2  }
0x1b: {  	v56 =	vimm.s32 $0x80;
	v0 =	vsel vm1, $0x1800, v0;
	v55 =	vsel vm1, $0x1400, v1  }
0x1c: {  	v1 =	vsel vm13, $0x1600, v58;
	v2 =	vsel vm11, $0x1800, v2;
	v58 =	vimm.s32 $0x100  }
0x1d: {  	v27 =	vsel vm3, $0x1A00, v0;
	v0 =	vsel vm4, $0x800, v52;
	v24 =	vsel vm3, $0x1600, v55  }
0x1e: {  	v1 =	vsel vm12, $0x1800, v1;
	v2 =	vsel vm10, $0x1A00, v2;
	v0 =	vsel vm14, $0xA00, v0  }
0x1f: {  	v1 =	vsel vm11, $0x1A00, v1;
	v61 =	vsel vm9, $0x1C00, v2;
	v2 =	vsel vm13, $0x1200, v62  }
0x20: {  	v0 =	vsel vm8, $0xC00, v0;
	v1 =	vsel vm10, $0x1C00, v1;
	v2 =	vsel vm12, $0x1400, v2  }
0x21: {  	v0 =	vsel vm5, $0xE00, v0;
	v1 =	vsel vm9, $0x1E00, v1;
	v2 =	vsel vm11, $0x1600, v2  }
0x22: {  	v0 =	vsel vm6, $0x1000, v0;
	v60 =	vsel vm7, $0x0, v1;
	v1 =	vsel vm7, $0x1E00, v61  }
0x23: {  	v2 =	vsel vm10, $0x1800, v2;
	v61 =	vimm.s32 $0x180;
	v0 =	vsel vm2, $0x1200, v0  }
0x24: {  	v1 =	vsel vm4, $0x0, v1;
	v2 =	vsel vm9, $0x1A00, v2;
	v0 =	vsel vm0, $0x1400, v0  }
0x25: {  	v1 =	vsel vm14, $0x200, v1;
	v2 =	vsel vm7, $0x1C00, v2;
	v0 =	vsel vm1, $0x1600, v0  }
0x26: {  	v1 =	vsel vm8, $0x400, v1;
	v2 =	vsel vm4, $0x1E00, v2;
	v25 =	vsel vm3, $0x1800, v0  }
0x27: {  	v0 =	vsel vm5, $0xA00, v57;
	v1 =	vsel vm5, $0x600, v1;
	v4 =	vsel vm14, $0x0, v2  }
0x28: {  	v2 =	vsel vm13, $0xE00, v33;
	v57 =	vsel vm13, $0x100, v56;
	v0 =	vsel vm6, $0xC00, v0  }
0x29: {  	v1 =	vsel vm6, $0x800, v1;
	v5 =	vsel vm8, $0x200, v4;
	v2 =	vsel vm12, $0x1000, v2  }
0x2a: {  	v4 =	vsel vm13, $0x200, v3;
	v3 =	vsel vm13, $0x80, v3;
	v0 =	vsel vm2, $0xE00, v0  }
0x2b: {  	v1 =	vsel vm2, $0xA00, v1;
	v2 =	vsel vm11, $0x1200, v2;
	v4 =	vsel vm12, $0x400, v4  }
0x2c: {  	v3 =	vsel vm12, $0x100, v3;
	v0 =	vsel vm0, $0x1000, v0;
	v1 =	vsel vm0, $0xC00, v1  }
0x2d: {  	v2 =	vsel vm10, $0x1400, v2;
	v4 =	vsel vm11, $0x600, v4;
	v3 =	vsel vm11, $0x180, v3  }
0x2e: {  	v0 =	vsel vm1, $0x1200, v0;
	v63 =	vsel vm1, $0xE00, v1;
	v1 =	vsel vm13, $0x1000, v32  }
0x2f: {  	v35 =	vsel vm9, $0x1600, v2;
	v2 =	vsel vm13, $0xC00, v36;
	v4 =	vsel vm10, $0x800, v4  }
0x30: {  	v3 =	vsel vm10, $0x200, v3;
	v16 =	vsel vm3, $0x1400, v0;
	v0 =	vsel vm4, $0x200, v60  }
0x31: {  	v12 =	vsel vm3, $0x1000, v63;
	v1 =	vsel vm12, $0x1200, v1;
	v2 =	vsel vm12, $0xE00, v2  }
0x32: {  	v51 =	vsel vm9, $0xA00, v4;
	v3 =	vsel vm9, $0x280, v3;
	v60 =	vsel vm13, $0x180, v58  }
0x33: {  	v0 =	vsel vm14, $0x400, v0;
	v1 =	vsel vm11, $0x1400, v1;
	v2 =	vsel vm11, $0x1000, v2  }
0x34: {  	v3 =	vsel vm7, $0x300, v3;
	v0 =	vsel vm8, $0x600, v0;
	v1 =	vsel vm10, $0x1600, v1  }
0x35: {  	v2 =	vsel vm10, $0x1200, v2;
	v3 =	vsel vm4, $0x380, v3;
	v0 =	vsel vm5, $0x800, v0  }
0x36: {  	v1 =	vsel vm9, $0x1800, v1;
	v2 =	vsel vm9, $0x1400, v2;
	v3 =	vsel vm8, $0x80, v3  }
0x37: {  	v0 =	vsel vm6, $0xA00, v0;
	v34 =	vsel vm7, $0x1A00, v1;
	v1 =	vsel vm7, $0x1800, v35  }
0x38: {  	v2 =	vsel vm7, $0x1600, v2;
	v53 =	vsel vm5, $0x100, v3;
	v3 =	vsel vm13, $0x200, v61  }
0x39: {  	v61 =	vimm.s32 $0x6241200F;
	v0 =	vsel vm2, $0xC00, v0;
	v1 =	vsel vm4, $0x1A00, v1  }
0x3a: {  	v2 =	vsel vm4, $0x1800, v2;
	v54 =	vsel vm6, $0x180, v53;
	v3 =	vsel vm12, $0x280, v3  }
0x3b: {  	v0 =	vsel vm0, $0xE00, v0;
	v1 =	vsel vm14, $0x1C00, v1;
	v38 =	vsel vm14, $0x1A00, v2  }
0x3c: {  	v2 =	vsel vm13, $0x800, v41;
	v3 =	vsel vm11, $0x300, v3;
	v41 =	vimm.s32 $0x6B4A2908  }
0x3d: {  	v0 =	vsel vm1, $0x1000, v0;
	v1 =	vsel vm8, $0x1E00, v1;
	v39 =	vsel vm8, $0x1C00, v38  }
0x3e: {  	v2 =	vsel vm12, $0xA00, v2;
	v38 =	vmul.u32 $0x200, v8;
	v3 =	vsel vm10, $0x380, v3  }
0x3f: {  	v14 =	vsel vm3, $0x1200, v0;
	v0 =	vsel vm5, $0x400, v5;
	v1 =	vsel vm5, $0x0, v1  }
0x40: {  	v2 =	vsel vm11, $0xC00, v2;
	v3 =	vsel vm9, $0x0, v3;
	v5 =	vimm.s32 $0x280  }
0x41: {  	v0 =	vsel vm6, $0x600, v0;
	v1 =	vsel vm6, $0x200, v1;
	v2 =	vsel vm10, $0xE00, v2  }
0x42: {  	v3 =	vsel vm7, $0x80, v3;
	v33 =	vsel vm13, $0x300, v5;
	v0 =	vsel vm2, $0x800, v0  }
0x43: {  	v5 =	vimm.s32 $0x67462504;
	v1 =	vsel vm2, $0x400, v1;
	v0 =	vsel vm0, $0xA00, v0  }
0x44: {  	v43 =	vsel vm9, $0x1000, v2;
	v2 =	vsel vm13, $0x600, v44;
	v0 =	vsel vm1, $0xC00, v0  }
0x45: {  	v3 =	vsel vm4, $0x100, v3;
	v13 =	vsel vm3, $0xE00, v0;
	v0 =	vsel vm4, $0x1C00, v34  }
0x46: {  	v5 =	vunpack.c.0.s8.s32 v5;
	v1 =	vsel vm0, $0x600, v1;
	v0 =	vsel vm14, $0x1E00, v0  }
0x47: {  	v2 =	vsel vm12, $0x800, v2;
	v3 =	vsel vm8, $0x200, v3;
	v0 =	vsel vm8, $0x0, v0  }
0x48: {  	v37 =	vsel vm1, $0x800, v1;
	v1 =	vsel vm13, $0xA00, v40;
	v0 =	vsel vm5, $0x200, v0  }
0x49: {  	v2 =	vsel vm11, $0xA00, v2;
	v3 =	vsel vm5, $0x280, v3;
	v0 =	vsel vm6, $0x400, v0  }
0x4a: {  	v10 =	vsel vm3, $0xA00, v37;
	v1 =	vsel vm12, $0xC00, v1;
	v0 =	vsel vm2, $0x600, v0  }
0x4b: {  	v2 =	vsel vm10, $0xC00, v2;
	v63 =	vsel vm6, $0x300, v3;
	v0 =	vsel vm0, $0x800, v0  }
0x4c: {  	v34 =	vimm.s32 $0x300;
	v1 =	vsel vm11, $0xE00, v1;
	v0 =	vsel vm1, $0xA00, v0  }
0x4d: {  	v2 =	vsel vm9, $0xE00, v2;
	v11 =	vsel vm3, $0xC00, v0;
	v0 =	vsel vm5, $0x1E00, v39  }
0x4e: {  	v1 =	vsel vm10, $0x1000, v1;
	v2 =	vsel vm7, $0x1000, v2;
	v0 =	vsel vm6, $0x0, v0  }
0x4f: {  	v1 =	vsel vm9, $0x1200, v1;
	v2 =	vsel vm4, $0x1200, v2;
	v0 =	vsel vm2, $0x200, v0  }
0x50: {  	v42 =	vsel vm7, $0x1400, v1;
	v1 =	vsel vm7, $0x1200, v43;
	v0 =	vsel vm0, $0x400, v0  }
0x51: {  	v46 =	vsel vm14, $0x1400, v2;
	v2 =	vsel vm12, $0x600, v49;
	v0 =	vsel vm1, $0x600, v0  }
0x52: {  	v43 =	vimm.s32 $0x63422100;
	v9 =	vsel vm3, $0x800, v0;
	v0 =	vsel vm4, $0x1600, v42  }
0x53: {  	v49 =	vunpack.c.0.s8.s32 v31;
	v31 =	vimm.s32 $0x65442302;
	v0 =	vsel vm14, $0x1800, v0  }
0x54: {  	v1 =	vsel vm4, $0x1400, v1;
	v47 =	vsel vm8, $0x1600, v46;
	v0 =	vsel vm8, $0x1A00, v0  }
0x55: {  	v2 =	vsel vm11, $0x800, v2;
	v1 =	vsel vm14, $0x1600, v1;
	v0 =	vsel vm5, $0x1C00, v0  }
0x56: {  	v2 =	vsel vm10, $0xA00, v2;
	v1 =	vsel vm8, $0x1800, v1;
	v0 =	vsel vm6, $0x1E00, v0  }
0x57: {  	v2 =	vsel vm9, $0xC00, v2;
	v1 =	vsel vm5, $0x1A00, v1;
	v0 =	vsel vm2, $0x0, v0  }
0x58: {  	v50 =	vsel vm7, $0xE00, v2;
	v2 =	vsel vm7, $0xC00, v51;
	v0 =	vsel vm0, $0x200, v0  }
0x59: {  	v1 =	vsel vm6, $0x1C00, v1;
	v2 =	vsel vm4, $0xE00, v2;
	v0 =	vsel vm1, $0x400, v0  }
0x5a: {  	v1 =	vsel vm2, $0x1E00, v1;
	v15 =	vsel vm3, $0x600, v0;
	v0 =	vsel vm5, $0x1800, v47  }
0x5b: {  	v2 =	vsel vm14, $0x1000, v2;
	v1 =	vsel vm0, $0x0, v1;
	v0 =	vsel vm6, $0x1A00, v0  }
0x5c: {  	v2 =	vsel vm8, $0x1200, v2;
	v45 =	vsel vm1, $0x200, v1;
	v0 =	vsel vm2, $0x1C00, v0  }
0x5d: {  	v2 =	vsel vm5, $0x1400, v2;
	v1 =	vsel vm13, $0x280, v48;
	v0 =	vsel vm0, $0x1E00, v0  }
0x5e: {  	v30 =	vsel vm3, $0x400, v45;
	v2 =	vsel vm6, $0x1600, v2;
	v0 =	vsel vm1, $0x0, v0  }
0x5f: {  	v1 =	vsel vm12, $0x300, v1;
	v35 =	vsel vm3, $0x200, v0;
	v0 =	vsel vm4, $0x1000, v50  }
0x60: {  	v42 =	vimm.s32 $0x6F4E2D0C;
	v2 =	vsel vm2, $0x1800, v2;
	v0 =	vsel vm14, $0x1200, v0  }
0x61: {  	v1 =	vsel vm11, $0x380, v1;
	v3 =	vunpack.c.0.s8.s32 v42;
	v0 =	vsel vm8, $0x1400, v0  }
0x62: {  	v2 =	vsel vm0, $0x1A00, v2;
	v32 =	vsel vm10, $0x0, v1;
	v0 =	vsel vm5, $0x1600, v0  }
0x63: {  	v1 =	vsel vm12, $0x380, v33;
	v33 =	vimm.s32 $0x6E4D2C0B;
	v0 =	vsel vm6, $0x1800, v0  }
0x64: {  	v52 =	vsel vm1, $0x1C00, v2;
	v2 =	vsel vm12, $0x180, v57;
	v0 =	vsel vm2, $0x1A00, v0  }
0x65: {  	v59 =	vsel vm11, $0x200, v2;
	v2 =	vsel vm12, $0x200, v60;
	v0 =	vsel vm0, $0x1C00, v0  }
0x66: {  	v1 =	vsel vm11, $0x0, v1;
	v2 =	vsel vm11, $0x280, v2;
	v0 =	vsel vm1, $0x1E00, v0  }
0x67: {  	v2 =	vsel vm10, $0x300, v2;
	v36 =	vsel vm3, $0x0, v0;
	v0 =	vsel vm2, $0x200, v54  }
0x68: {  	v37 =	vsel vm3, $0x1E00, v52;
	v2 =	vsel vm9, $0x380, v2;
	v0 =	vsel vm0, $0x280, v0  }
0x69: {  	v1 =	vsel vm10, $0x80, v1;
	v2 =	vsel vm7, $0x0, v2;
	v0 =	vsel vm1, $0x300, v0  }
0x6a: {  	v2 =	vsel vm4, $0x80, v2;
	v18 =	vsel vm3, $0x380, v0;
	v0 =	vsel vm10, $0x280, v59  }
0x6b: {  	v1 =	vsel vm9, $0x100, v1;
	v2 =	vsel vm8, $0x180, v2;
	v0 =	vsel vm9, $0x300, v0  }
0x6c: {  	v1 =	vsel vm7, $0x180, v1;
	v2 =	vsel vm5, $0x200, v2;
	v0 =	vsel vm7, $0x380, v0  }
0x6d: {  	v1 =	vsel vm4, $0x200, v1;
	v2 =	vsel vm6, $0x280, v2;
	v0 =	vsel vm4, $0x0, v0  }
0x6e: {  	s0 =	rddreg [dreg:$0x0];
	s3 =	simm.s32 $0x0;
	v1 =	vsel vm8, $0x300, v1;
	v2 =	vsel vm2, $0x300, v2;
	v0 =	vsel vm8, $0x100, v0  }
0x6f: {  	[smem:$0x7FF] =	sst s3;
	v62 =	vsel vm0, $0x380, v2;
	v2 =	vsel vm2, $0x380, v63;
	v0 =	vsel vm5, $0x180, v0  }
0x70: {  	s1 =	rddreg [dreg:$0x1];
	_ =	strace $0x80000047;
	[tilespmem:$0x1FDD0] =	vst v27;
	v4 =	vsel vm0, $0x0, v2;
	v2 =	vsel vm13, $0x380, v34;
	v0 =	vsel vm6, $0x200, v0  }
0x71: {  	[tilespmem:$0x1FDF0] =	vst v24;
	v1 =	vsel vm5, $0x380, v1;
	v2 =	vsel vm12, $0x0, v2;
	v0 =	vsel vm2, $0x280, v0  }
0x72: {  	[tilespmem:$0x1FDE0] =	vst v25;
	v1 =	vsel vm6, $0x0, v1;
	v2 =	vsel vm11, $0x80, v2;
	v0 =	vsel vm0, $0x300, v0  }
0x73: {  	[tilespmem:$0x1FE00] =	vst v16;
	v39 =	vsel vm2, $0x80, v1;
	v2 =	vsel vm10, $0x100, v2;
	v0 =	vsel vm1, $0x380, v0  }
0x74: {  	[tilespmem:$0x1FE10] =	vst v14;
	v2 =	vsel vm9, $0x180, v2;
	v19 =	vsel vm3, $0x0, v0;
	v0 =	vsel vm1, $0x0, v62  }
0x75: {  	[tilespmem:$0x1FE90] =	vst v38;
	v2 =	vsel vm7, $0x200, v2;
	v20 =	vsel vm3, $0x80, v0;
	v0 =	vsel vm1, $0x80, v4  }
0x76: {  	[tilespmem:$0x1FE20] =	vst v13;
	v2 =	vsel vm4, $0x280, v2;
	v21 =	vsel vm3, $0x100, v0;
	v0 =	vsel vm9, $0x80, v32  }
0x77: {  	[tilespmem:$0x1FE30] =	vst v9;
	v50 =	vunpack.c.0.s8.s32 v31;
	v2 =	vsel vm8, $0x380, v2;
	v0 =	vsel vm7, $0x100, v0  }
0x78: {  	[tilespmem:$0x1FE50] =	vst v30;
	v31 =	vunpack.c.0.s8.s32 v33;
	v40 =	vsel vm5, $0x0, v2;
	v0 =	vsel vm4, $0x180, v0  }
0x79: {  	[tilespmem:$0x1FE80] =	vst v37;
	v34 =	vimm.s32 $0x6A492807;
	v1 =	vsel vm6, $0x80, v40;
	v0 =	vsel vm8, $0x280, v0  }
0x7a: {  	[tilespmem:$0x1FE40] =	vst v15;
	v34 =	vunpack.c.0.s8.s32 v34;
	v1 =	vsel vm2, $0x100, v1;
	v0 =	vsel vm5, $0x300, v0  }
0x7b: {  	[tilespmem:$0x1FE60] =	vst v35;
	v2 =	vunpack.c.0.s8.s32 v41;
	v44 =	vsel vm0, $0x180, v1;
	v0 =	vsel vm6, $0x380, v0  }
0x7c: {  	[tilespmem:$0x1FEF0] =	vst v31;
	v62 =	vimm.s32 $0x66452403;
	v4 =	vunpack.c.0.s8.s32 v43;
	v0 =	vsel vm2, $0x0, v0  }
0x7d: {  	[tilespmem:$0x1FF20] =	vst v34;
	v33 =	vunpack.c.0.s8.s32 v62;
	v32 =	vimm.s32 $0x61402F0E;
	v0 =	vsel vm0, $0x80, v0  }
0x7e: {  	[tilespmem:$0x1FE70] =	vst v36;
	v48 =	vunpack.c.0.s8.s32 v32;
	v32 =	vunpack.c.0.s8.s32 v61;
	v0 =	vsel vm1, $0x100, v0  }
0x7f: {  	[tilespmem:$0x1FF10] =	vst v33;
	v22 =	vsel vm3, $0x180, v0;
	v0 =	vsel vm0, $0x100, v39;
	vm0 =	vcmask $0x1F10  }
0x80: {  	v47 =	vunpack.c.0.s8.s32 v7;
	v7 =	vunpack.c.0.s8.s32 v29;
	[tilespmem:$0x1FF00] =	vst v32;
	v39 =	vsel vm0, v3, v2  }
0x81: {  	v60 =	vimm.s32 $0x69482706;
	v40 =	vsel vm0, v5, v4;
	[tilespmem:$0x1FEB0] =	vst v39  }
0x82: {  	v51 =	vunpack.c.0.s8.s32 v60;
	v42 =	vsel vm0, v7, v47;
	[tilespmem:$0x1FEC0] =	vst v40  }
0x83: {  	v52 =	vsel vm0, v48, v49;
	[tilespmem:$0x1FEE0] =	vst v42  }
0x84: {  	v55 =	vand.u32 $0x7, v8;
	v53 =	vsel vm0, v51, v50;
	[tilespmem:$0x1FF40] =	vst v52  }
0x85: {  	v17 =	vmul.u32 $0x80, v55;
	v55 =	vsel vm0, v32, v31;
	[tilespmem:$0x1FF50] =	vst v53  }
0x86: {  	v6 =	vimm.s32 $0x604F2E0D;
	v56 =	vsel vm0, v34, v33;
	[tilespmem:$0x1FF70] =	vst v55  }
0x87: {  	s4 =	srdreg.scid;
	s2 =	stileid.u32;
	v6 =	vunpack.c.0.s8.s32 v6;
	v3 =	vsel vm0, v4, v3;
	[tilespmem:$0x1FF80] =	vst v56  }
0x88: {  	s8 =	simm.s32 $0x1;
	s13 =	simm.s32 $0x1000;
	s14 =	simm.s32 $0x7A1400;
	v2 =	vsel vm0, v2, v5;
	[tilespmem:$0x1FFA0] =	vst v3  }
0x89: {  	s15 =	simm.s32 $0x8000;
	s16 =	simm.s32 $0x2;
	s17 =	simm.s32 $0x4000;
	v1 =	vsel vm0, v47, v6;
	v41 =	vcombine.low v40, v39;
	[tilespmem:$0x1FFB0] =	vst v2  }
0x8a: {  	s18 =	simm.s32 $0xC000;
	s20 =	simm.s32 $0x4;
	s21 =	simm.s32 $0x0;
	v45 =	vimm.s32 $0x6C4B2A09;
	v0 =	vsel vm1, $0x180, v0;
	v54 =	vcombine.low v53, v52;
	[tilespmem:$0x1FFD0] =	vst v1  }
0x8b: {  	s6 =	sand.u32 $0x1, s4;
	s30 =	sshll.u32 s2, $0x1;
	s4 =	sadd.s32 $0xA00, s1;
	v23 =	vsel vm3, $0x200, v0;
	v0 =	vsel vm1, $0x200, v44;
	v57 =	vcombine.low v56, v55;
	[tilespmem:$0x1FEA0] =	vst v41  }
0x8c: {  	s5 =	sadd.s32 $0xC00, s1;
	s12 =	sadd.s32 $0xA80, s1;
	s19 =	sor.u32 s6, s30;
	v4 =	vcombine.low v2, v3;
	v26 =	vsel vm3, $0x280, v0;
	v0 =	vunpack.c.0.s8.s32 v45;
	[tilespmem:$0x1FF60] =	vst v54  }
0x8d: {  	s9 =	ssub.s32 $0x2, s6;
	s6 =	simm.s32 $0x3E;
	s7 =	smul.u32 $0x3D, s19;
	[tilespmem:$0x1FF90] =	vst v57  }
.Ltmp0:
0x8e: {  	p0 =	sne.s32 s19, $0x0;
	s10 =	sshrl.u32 s9, $0x1;
	v46 =	vshrl.u32 v8, $0x2;
	[tilespmem:$0x1FFC0] =	vst v4;
	v29 =	vsel vm0, v6, v0;
	(pc) =	sbr.rel .LBB2_1-.Ltmp0, $4  }
0x8f: {  	s8 =	simm.s32 @!p0 $0x0;
	p0 =	seq.s32 s19, $0x0;
	s11 =	ssub.s32 s9, s10;
	v0 =	vsel vm0, v0, v7;
	v43 =	vcombine.low v42, v29;
	[tilespmem:$0x1FED0] =	vst v29  }
0x90: {  	s10 =	sadd.s32 $0x3D1400, s1;
	s7 =	sadd.s32 s8, s7;
	s6 =	simm.s32 @!p0 $0x3D;
	v63 =	vcombine.low v0, v1;
	[tilespmem:$0x1FFE0] =	vst v0  }
0x91: {  	s8 =	simm.s32 $0x1;
	s11 =	smax.u32 s11, $0x1;
	s31 =	sshll.u32 s7, $0x9;
	v28 =	vmul.u32 $0x80, v46;
	v46 =	vmov v12;
	[tilespmem:$0x1FF30] =	vst v43  }
0x92: {  	p0 =	sne.s32 s19, $0x1F;
	s19 =	simm.s32 $0x3;
	s9 =	sadd.s32 s0, s31;
	v48 =	vsel vm0, v50, v48;
	v49 =	vsel vm0, v49, v51;
	v47 =	vmovc v11;
	v45 =	vmov v10;
	[tilespmem:$0x1FFF0] =	vst v63  }
.LBB2_11:
0x93: {  	_ =	swait.ge [sflag:s19], $0x4000  }
0x94: {  	[sflag:s19] =	ssyncset.done $0x0  }
0x95: {  	[sflag:s19] =	ssyncadd.s32 $0xFFFFC000  }
0x96: {  	_ =	swait.ge [sflag:s20], $0x4000  }
0x97: {  	[sflag:s20] =	ssyncset.done $0x0  }
0x98: {  	s1 =	simm.s32 @!p0 $0x0;
	[sflag:s20] =	ssyncadd.s32 $0xFFFFC000  }
0x99: {  	[tilespmem:s1], [sflag:$0x5] =	stream.linear.gather @!p0 [hbm4b:s4+s1], $0x400, $0x38;
	[tilespmem:$0x10000] =	vst v63  }
0x9a: {  	s2 =	simm.s32 @!p0 $0x1000;
	s22 =	simm.s32 @!p0 $0x5  }
0x9b: {  	[tilespmem:s2], [sflag:$0x5] =	stream.linear.gather @!p0 [hbm4b:s12+s1], $0x400, $0x38;
	[tilespmem:$0x10000] =	vst v63  }
0x9c: {  	_ =	swait.ge @!p0 [sflag:s22], $0x800  }
0x9d: {  	s21 =	sadd.s32 $0x1, s21;
	[sflag:s22] =	ssyncset.done @!p0 $0x0  }
0x9e: {  	p1 =	sne.s32 s21, s11;
	[sflag:s22] =	ssyncadd.s32 @!p0 $0xFFFFF800  }
0x9f: {  	[hbm4b:s10+s1] =	stream.linear.scatter @!p0 [tilespmem:s1], [sflag:$0x5], $0x400, $0x38;
	[tilespmem:$0x10000] =	vst v63  }
.Ltmp1:
0xa0: {  	s23 =	sadd.s32 @!p0 $0x80, s10;
	(pc) =	sbr.rel @!p1 .LBB2_12-.Ltmp1, $4  }
0xa1: {  	[hbm4b:s23+s1] =	stream.linear.scatter @!p0 [tilespmem:s2], [sflag:$0x5], $0x400, $0x38;
	[tilespmem:$0x10000] =	vst v63  }
0xa2: {  	_ =	swait.ge @!p0 [sflag:s22], $0x800  }
0xa3: {  	[sflag:s22] =	ssyncset.done @!p0 $0x0  }
0xa4: {  	[sflag:s22] =	ssyncadd.s32 @!p0 $0xFFFFF800  }
.LBB2_1:
.Ltmp2:
0xa5: {  	(pc) =	sbr.rel .LBB2_2-.Ltmp2, $3  }
0xa6: {  	_ =	sdelay $0x1  }
0xa7: {  	[tilespmem:s3], [sflag:$0x1] =	stream.strided.gather [hbm4b:s9+s13], $0x4000, s14, s13, $0x38;
	[tilespmem:$0x10000] =	vst v63  }
0xa8: {  	s22 =	simm.s32 $0x0  }
.LBB2_10:
0xa9: {  	s22 =	sadd.s32 $0x1, s22  }
0xaa: {  	p1 =	sne.s32 s22, $0x1F  }
.Ltmp3:
0xab: {  	_ = 	snop;
	(pc) =	sbr.rel @!p1 .LBB2_11-.Ltmp3, $1  }
0xac: {  	_ =	sdelay $0x3  }
.LBB2_2:
0xad: {  	s24 =	sshll.u32 s22, $0x1  }
0xae: {  	p2 =	sge.u32 s24, s6  }
.Ltmp4:
0xaf: {  	_ = 	snop;
	(pc) =	sbr.rel @p2 .LBB2_6-.Ltmp4, $3  }
0xb0: {  	_ =	sdelay $0x1  }
0xb1: {  	s23 =	sshllo.u32 s22, $0x1  }
0xb2: {  	p1 =	sge.u32 s23, s6  }
0xb3: {  	s1 =	sadd.s32 @!p1 s7, s23  }
0xb4: {  	s1 =	sshll.u32 @!p1 s1, $0x9  }
0xb5: {  	s25 =	simm.s32 @!p1 $0x1000;
	s1 =	sand.u32 @!p1 $0x1FFFFE00, s1  }
0xb6: {  	s26 =	simm.s32 @!p1 $0x7A1400;
	s28 =	simm.s32 @!p1 $0x4000;
	s1 =	sadd.s32 @!p1 s0, s1  }
0xb7: {  	[tilespmem:s28], [sflag:$0x2] =	stream.strided.gather @!p1 [hbm4b:s1+s25], $0x4000, s26, s25, $0x38;
	[tilespmem:$0x10000] =	vst v63  }
0xb8: {  	_ =	swait.ge [sflag:s8], $0x4000  }
0xb9: {  	p2 =	seq.s32 s22, $0x0;
	[sflag:s8] =	ssyncset.done $0x0  }
0xba: {  	s1 =	simm.s32 @!p2 $0x3;
	[sflag:s8] =	ssyncadd.s32 $0xFFFFC000  }
0xbb: {  	_ =	swait.ge @!p2 [sflag:s1], $0x4000  }
0xbc: {  	s25 =	simm.s32 $0x0;
	[sflag:s1] =	ssyncset.done @!p2 $0x0  }
0xbd: {  	s26 =	simm.s32 $0x0;
	s28 =	simm.s32 $0x0;
	[sflag:s1] =	ssyncadd.s32 @!p2 $0xFFFFC000  }
.LBB2_4:
0xbe: {  	s1 =	sshrl.u32 s28, $0x3  }
0xbf: {  	s30 =	sand.u32 $0x10, s25;
	s31 =	sand.u32 $0x60, s26;
	s29 =	sshll.u32 s1, $0x7  }
0xc0: {  	v0 =	vmov s30;
	s2 =	sor.u32 s31, s29  }
0xc1: {  	v2 =	vshll.u32 v0, $0x9;
	v1 =	vmov s2;
	v3 =	vor.u32 s2, v8  }
0xc2: {  	v59 =	vor.u32 v10, v2;
	v62 =	vor.u32 v12, v2;
	v0 =	vor.u32 v38, v2  }
0xc3: {  	v1 =	vshll.u32 v1, $0x3;
	v3 =	vand.u32 $0x6F, v3;
	v32 =	vor.u32 v37, v2  }
0xc4: {  	v5 =	vor.u32 v36, v2;
	v33 =	vor.u32 v35, v2;
	v7 =	vor.u32 v30, v2  }
0xc5: {  	v54 =	vor.u32 v15, v2;
	v56 =	vor.u32 v9, v2;
	v59 =	vand.u32 $0x3000, v59  }
0xc6: {  	v37 =	vor.u32 v11, v2;
	v38 =	vor.u32 v13, v2;
	v44 =	vor.u32 v14, v2  }
0xc7: {  	v50 =	vand.u32 $0x3000, v0;
	v4 =	vand.u32 $0x7FFFFC00, v1;
	v52 =	vand.u32 $0x3000, v32  }
0xc8: {  	v51 =	vand.u32 $0x3000, v5;
	v53 =	vand.u32 $0x3000, v33;
	v55 =	vand.u32 $0x3000, v7  }
0xc9: {  	v54 =	vand.u32 $0x3000, v54;
	v56 =	vand.u32 $0x3000, v56;
	v0 =	vadd.s32 v4, v50  }
0xca: {  	v1 =	vadd.s32 v4, v52;
	v6 =	vadd.s32 v4, v51;
	v7 =	vadd.s32 v4, v55  }
0xcb: {  	v57 =	vadd.s32 v4, v54;
	v58 =	vadd.s32 v4, v56;
	v36 =	vadd.s32 v4, v59  }
0xcc: {  	v0 =	vor.u32 v3, v0;
	v1 =	vor.u32 v3, v1;
	v34 =	vor.u32 v3, v6  }
0xcd: {  	v6 =	vadd.s32 v4, v53;
	v7 =	vor.u32 v3, v7;
	v57 =	vor.u32 v3, v57  }
0xce: {  	v35 =	vor.u32 v3, v58;
	v60 =	vor.u32 v3, v36;
	v58 =	vand.u32 $0x3000, v38  }
0xcf: {  	v0 =	vor.u32 v17, v0;
	v1 =	vor.u32 v18, v1;
	v5 =	vor.u32 v19, v34  }
0xd0: {  	v63 =	vor.u32 v22, v57;
	v57 =	vand.u32 $0x3000, v37;
	v61 =	vadd.s32 v4, v58  }
0xd1: {  	v7 =	vor.u32 v21, v7;
	v39 =	vadd.s32 v4, v57;
	v40 =	vor.u32 v3, v61  }
0xd2: {  	v9 =	vor.u32 v26, v60;
	v60 =	vor.u32 v3, v39;
	v12 =	vor.u32 v18, v40;
	v40 =	vld [tilespmem:$0x1FF30]  }
0xd3: {  	v8 =	vor.u32 v23, v35;
	v10 =	vor.u32 v17, v60;
	v60 =	vand.u32 $0x3000, v44;
	v44 =	vld [tilespmem:$0x1FEC0]  }
0xd4: {  	v6 =	vor.u32 v3, v6;
	v11 =	vld.idx.msk [tilespmem:v0+s3+$0x0], $0xffff  }
0xd5: {  	v6 =	vor.u32 v20, v6;
	v13 =	vld.idx.msk [tilespmem:v1+s3+$0x0], $0xffff  }
0xd6: {  	v14 =	vld.idx.msk [tilespmem:v5+s3+$0x0], $0xffff  }
0xd7: {  	v32 =	vor.u32 v16, v2;
	v61 =	vand.u32 $0x3000, v62;
	v16 =	vld.idx.msk [tilespmem:v7+s3+$0x0], $0xffff  }
0xd8: {  	v36 =	vor.u32 v25, v2;
	v62 =	vand.u32 $0x3000, v32;
	v42 =	vadd.s32 v4, v61;
	v8 =	vld.idx.msk [tilespmem:v8+s3+$0x0], $0xffff  }
0xd9: {  	v34 =	vadd.s32 v4, v60;
	v0 =	vor.u32 v3, v42;
	v1 =	vadd.s32 v4, v62;
	v9 =	vld.idx.msk [tilespmem:v9+s3+$0x0], $0xffff  }
0xda: {  	v33 =	vor.u32 v19, v0;
	v15 =	vld.idx.msk [tilespmem:v6+s3+$0x0], $0xffff;
	v0 =	vor.u32 v3, v34;
	v6 =	vor.u32 v24, v2  }
0xdb: {  	s1 =	sshll.u32 s1, $0x5;
	s2 =	sshrl.u32 s31, $0x2;
	v1 =	vor.u32 v3, v1;
	v24 =	vld.idx.msk [tilespmem:v63+s3+$0x0], $0xffff;
	v63 =	vand.u32 $0x3000, v36;
	v2 =	vor.u32 v27, v2  }
0xdc: {  	s2 =	sor.u32 s1, s2;
	v42 =	vld [tilespmem:$0x1FF90];
	v7 =	vor.u32 v20, v0;
	v0 =	vand.u32 $0x3000, v6;
	v27 =	vadd.s32 v4, v63  }
0xdd: {  	v12 =	vld.idx.msk [tilespmem:v12+s3+$0x0], $0xffff;
	v35 =	vadd.s32 v4, v0;
	v37 =	vor.u32 v3, v27;
	v27 =	vmov s2  }
0xde: {  	v6 =	vor.u32 v21, v1;
	v10 =	vld.idx.msk [tilespmem:v10+s3+$0x0], $0xffff;
	v1 =	vor.u32 v3, v35;
	v39 =	vshll.u32 v27, $0x7  }
0xdf: {  	v25 =	vor.u32 v22, v1;
	v1 =	vand.u32 $0x3000, v2;
	v2 =	vor.u32 s30, v41;
	v41 =	vld [tilespmem:$0x1FF60]  }
0xe0: {  	v31 =	vor.u32 v28, v39;
	v39 =	vld [tilespmem:$0x1FF10]  }
0xe1: {  	v29 =	vor.u32 v23, v37;
	v27 =	vld.idx.msk [tilespmem:v33+s3+$0x0], $0xffff  }
0xe2: {  	v4 =	vadd.s32 v4, v1;
	v32 =	vld.idx.msk [tilespmem:v7+s3+$0x0], $0xffff  }
0xe3: {  	v38 =	vor.u32 v3, v4;
	v7 =	vld [tilespmem:$0x1FF00]  }
0xe4: {  	v34 =	vld.idx.msk [tilespmem:v6+s3+$0x0], $0xffff;
	v30 =	vor.u32 v26, v38  }
0xe5: {  	v33 =	vor.u32 v2, v31;
	v3 =	vor.u32 s30, v40;
	v40 =	vld [tilespmem:$0x1FF20]  }
0xe6: {  	v29 =	vld.idx.msk [tilespmem:v29+s3+$0x0], $0xffff  }
0xe7: {  	v25 =	vld.idx.msk [tilespmem:v25+s3+$0x0], $0xffff  }
0xe8: {  	v38 =	vcombine.low v49, v48;
	v39 =	vsel vm0, v39, v7;
	v7 =	vld [tilespmem:$0x1FEF0]  }
0xe9: {  	v30 =	vld.idx.msk [tilespmem:v30+s3+$0x0], $0xffff  }
0xea: {  	[tilespmem:v33+s15+$0x0] =	vst.idx.msk $0xffff, v11;
	v33 =	vor.u32 s30, v38;
	v38 =	vld [tilespmem:$0x1FEB0]  }
0xeb: {  	v35 =	vor.u32 v3, v31;
	_ =	sdelay $0x1  }
0xec: {  	v40 =	vsel vm0, v7, v40  }
0xed: {  	v4 =	vor.u32 s30, v42;
	v5 =	vor.u32 s30, v41;
	v42 =	vcombine.low v40, v39  }
0xee: {  	v36 =	vor.u32 v5, v31;
	v38 =	vcombine.low v38, v44;
	v44 =	vld [tilespmem:$0x1FEE0]  }
0xef: {  	[tilespmem:v35+s15+$0x0] =	vst.idx.msk $0xffff, v13;
	v35 =	vor.u32 s30, v42;
	v42 =	vld [tilespmem:$0x1FED0];
	_ =	sdelay $0x2  }
0xf0: {  	v6 =	vld [tilespmem:$0x1FFC0]  }
0xf1: {  	v37 =	vor.u32 v4, v31;
	[tilespmem:v36+s15+$0x0] =	vst.idx.msk $0xffff, v14;
	v36 =	vor.u32 s30, v38;
	v38 =	vld [tilespmem:$0x1FF40]  }
0xf2: {  	v42 =	vcombine.low v42, v44;
	v44 =	vld [tilespmem:$0x1FF50];
	_ =	sdelay $0x2  }
0xf3: {  	v6 =	vor.u32 s30, v6;
	v7 =	vld [tilespmem:$0x1FFF0]  }
0xf4: {  	v41 =	vor.u32 v6, v31;
	[tilespmem:v37+s15+$0x0] =	vst.idx.msk $0xffff, v15;
	v37 =	vor.u32 s30, v42;
	v42 =	vld [tilespmem:$0x1FF70]  }
0xf5: {  	v38 =	vcombine.low v38, v44;
	v44 =	vld [tilespmem:$0x1FF80];
	_ =	sdelay $0x2  }
0xf6: {  	v7 =	vor.u32 s30, v7  }
0xf7: {  	[tilespmem:v41+s15+$0x0] =	vst.idx.msk $0xffff, v16;
	v41 =	vld [tilespmem:$0x1FFA0];
	v11 =	vor.u32 v7, v31  }
0xf8: {  	v42 =	vcombine.low v42, v44;
	v44 =	vld [tilespmem:$0x1FFB0];
	_ =	sdelay $0x3  }
0xf9: {  	v13 =	vor.u32 v33, v31;
	[tilespmem:v11+s15+$0x0] =	vst.idx.msk $0xffff, v24;
	v24 =	vor.u32 s30, v42;
	v42 =	vld [tilespmem:$0x1FFD0]  }
0xfa: {  	v14 =	vor.u32 v35, v31;
	v41 =	vcombine.low v41, v44;
	v44 =	vld [tilespmem:$0x1FFE0]  }
0xfb: {  	v15 =	vor.u32 v36, v31  }
0xfc: {  	v16 =	vor.u32 v37, v31;
	v38 =	vor.u32 s30, v38  }
0xfd: {  	v11 =	vor.u32 v38, v31  }
0xfe: {  	[tilespmem:v13+s15+$0x0] =	vst.idx.msk $0xffff, v8;
	v8 =	vor.u32 v24, v31  }
0xff: {  	[tilespmem:v14+s15+$0x0] =	vst.idx.msk $0xffff, v9;
	v42 =	vcombine.low v42, v44  }
0x100: {  	[tilespmem:v15+s15+$0x0] =	vst.idx.msk $0xffff, v10;
	v13 =	vor.u32 s30, v41;
	v44 =	vcombine.low v48, v49  }
0x101: {  	s31 =	sor.u32 $0x10, s31;
	v9 =	vcombine.low v39, v40;
	[tilespmem:v16+s15+$0x0] =	vst.idx.msk $0xffff, v12;
	v14 =	vor.u32 v13, v31;
	v39 =	vor.u32 s30, v42  }
0x102: {  	s29 =	sor.u32 s29, s31;
	[tilespmem:v11+s15+$0x0] =	vst.idx.msk $0xffff, v27;
	v15 =	vor.u32 s30, v44;
	v10 =	vor.u32 v39, v31  }
0x103: {  	v9 =	vor.u32 s30, v9;
	[tilespmem:v8+s15+$0x0] =	vst.idx.msk $0xffff, v32;
	v8 =	vmov s29;
	v12 =	vor.u32 v15, v31  }
0x104: {  	v11 =	vor.u32 v9, v31;
	v8 =	vshll.u32 v8, $0x3  }
0x105: {  	v8 =	vand.u32 $0x7FFFFC00, v8  }
0x106: {  	v43 =	vlaneseq.u32;
	v16 =	vadd.s32 v53, v8;
	[tilespmem:v14+s15+$0x0] =	vst.idx.msk $0xffff, v34  }
0x107: {  	v27 =	vadd.s32 v54, v8;
	v0 =	vadd.s32 v0, v8;
	[tilespmem:v10+s15+$0x0] =	vst.idx.msk $0xffff, v25;
	v10 =	vor.u32 s29, v43  }
0x108: {  	v53 =	vadd.s32 v63, v8;
	[tilespmem:v12+s15+$0x0] =	vst.idx.msk $0xffff, v29;
	v10 =	vand.u32 $0x7F, v10;
	v12 =	vadd.s32 v50, v8  }
0x109: {  	v14 =	vadd.s32 v52, v8;
	[tilespmem:v11+s15+$0x0] =	vst.idx.msk $0xffff, v30;
	v11 =	vor.u32 v10, v12  }
0x10a: {  	v1 =	vadd.s32 v1, v8;
	v12 =	vor.u32 v10, v14;
	v11 =	vor.u32 v17, v11  }
0x10b: {  	v25 =	vadd.s32 v55, v8;
	v16 =	vor.u32 v10, v16;
	v12 =	vor.u32 v18, v12  }
0x10c: {  	v44 =	vadd.s32 v58, v8;
	v25 =	vor.u32 v10, v25;
	v16 =	vor.u32 v20, v16  }
0x10d: {  	v29 =	vadd.s32 v56, v8;
	v27 =	vor.u32 v10, v27;
	v25 =	vor.u32 v21, v25  }
0x10e: {  	v31 =	vadd.s32 v57, v8;
	v29 =	vor.u32 v10, v29;
	v27 =	vor.u32 v22, v27  }
0x10f: {  	v52 =	vadd.s32 v62, v8;
	v31 =	vor.u32 v10, v31;
	v29 =	vor.u32 v23, v29;
	v11 =	vld.idx.msk [tilespmem:v11+s3+$0x0], $0xffff  }
0x110: {  	v50 =	vadd.s32 v61, v8;
	v32 =	vor.u32 v10, v44;
	v31 =	vor.u32 v17, v31;
	v12 =	vld.idx.msk [tilespmem:v12+s3+$0x0], $0xffff  }
0x111: {  	v14 =	vadd.s32 v51, v8;
	v34 =	vor.u32 v10, v50;
	v32 =	vor.u32 v18, v32;
	v16 =	vld.idx.msk [tilespmem:v16+s3+$0x0], $0xffff  }
0x112: {  	s2 =	sshrl.u32 s31, $0x2;
	v30 =	vadd.s32 v59, v8;
	v41 =	vor.u32 v10, v52;
	v34 =	vor.u32 v19, v34;
	v25 =	vld.idx.msk [tilespmem:v25+s3+$0x0], $0xffff  }
0x113: {  	s1 =	sor.u32 s1, s2;
	v51 =	vadd.s32 v60, v8;
	v0 =	vor.u32 v10, v0;
	v41 =	vor.u32 v21, v41;
	v27 =	vld.idx.msk [tilespmem:v27+s3+$0x0], $0xffff  }
0x114: {  	v42 =	vor.u32 v10, v53;
	v8 =	vmov s1;
	v0 =	vor.u32 v22, v0;
	v29 =	vld.idx.msk [tilespmem:v29+s3+$0x0], $0xffff  }
0x115: {  	v1 =	vor.u32 v10, v1;
	v14 =	vor.u32 v10, v14;
	v54 =	vor.u32 v23, v42;
	v31 =	vld.idx.msk [tilespmem:v31+s3+$0x0], $0xffff  }
0x116: {  	v30 =	vor.u32 v10, v30;
	v40 =	vor.u32 v10, v51;
	v14 =	vor.u32 v19, v14;
	v10 =	vld.idx.msk [tilespmem:v32+s3+$0x0], $0xffff  }
0x117: {  	v8 =	vshll.u32 v8, $0x7;
	v1 =	vor.u32 v26, v1;
	v34 =	vld.idx.msk [tilespmem:v34+s3+$0x0], $0xffff  }
0x118: {  	v30 =	vor.u32 v26, v30;
	v8 =	vor.u32 v28, v8;
	v41 =	vld.idx.msk [tilespmem:v41+s3+$0x0], $0xffff  }
0x119: {  	v40 =	vor.u32 v20, v40;
	v2 =	vor.u32 v2, v8;
	v0 =	vld.idx.msk [tilespmem:v0+s3+$0x0], $0xffff  }
0x11a: {  	v3 =	vor.u32 v3, v8;
	v32 =	vld.idx.msk [tilespmem:v54+s3+$0x0], $0xffff  }
0x11b: {  	v5 =	vor.u32 v5, v8;
	v14 =	vld.idx.msk [tilespmem:v14+s3+$0x0], $0xffff  }
0x11c: {  	v4 =	vor.u32 v4, v8;
	v1 =	vld.idx.msk [tilespmem:v1+s3+$0x0], $0xffff  }
0x11d: {  	v6 =	vor.u32 v6, v8;
	v30 =	vld.idx.msk [tilespmem:v30+s3+$0x0], $0xffff  }
0x11e: {  	v55 =	vor.u32 v7, v8;
	v40 =	vld.idx.msk [tilespmem:v40+s3+$0x0], $0xffff;
	[tilespmem:v2+s15+$0x0] =	vst.idx.msk $0xffff, v11  }
0x11f: {  	v56 =	vor.u32 v33, v8;
	[tilespmem:v3+s15+$0x0] =	vst.idx.msk $0xffff, v12  }
0x120: {  	v57 =	vor.u32 v35, v8;
	v35 =	vld [tilespmem:$0x1FE60];
	[tilespmem:v5+s15+$0x0] =	vst.idx.msk $0xffff, v14  }
0x121: {  	v58 =	vor.u32 v36, v8;
	v36 =	vld [tilespmem:$0x1FE70];
	[tilespmem:v4+s15+$0x0] =	vst.idx.msk $0xffff, v16  }
0x122: {  	v59 =	vor.u32 v38, v8;
	v38 =	vld [tilespmem:$0x1FE90];
	[tilespmem:v6+s15+$0x0] =	vst.idx.msk $0xffff, v25;
	v6 =	vor.u32 v37, v8  }
0x123: {  	v60 =	vor.u32 v24, v8;
	v24 =	vld [tilespmem:$0x1FDF0];
	[tilespmem:v55+s15+$0x0] =	vst.idx.msk $0xffff, v27  }
0x124: {  	v61 =	vor.u32 v13, v8;
	v13 =	vld [tilespmem:$0x1FE20];
	[tilespmem:v56+s15+$0x0] =	vst.idx.msk $0xffff, v29  }
0x125: {  	v63 =	vor.u32 v9, v8;
	v9 =	vld [tilespmem:$0x1FE30];
	[tilespmem:v57+s15+$0x0] =	vst.idx.msk $0xffff, v30  }
0x126: {  	v62 =	vor.u32 v39, v8;
	v14 =	vld [tilespmem:$0x1FE10];
	[tilespmem:v58+s15+$0x0] =	vst.idx.msk $0xffff, v31  }
0x127: {  	v16 =	vld [tilespmem:$0x1FE00];
	[tilespmem:v6+s15+$0x0] =	vst.idx.msk $0xffff, v10;
	v6 =	vor.u32 v15, v8  }
0x128: {  	p2 =	sne.s32 s28, $0x1F;
	v25 =	vld [tilespmem:$0x1FDE0];
	[tilespmem:v59+s15+$0x0] =	vst.idx.msk $0xffff, v34  }
.Ltmp5:
0x129: {  	v37 =	vld [tilespmem:$0x1FE80];
	[tilespmem:v60+s15+$0x0] =	vst.idx.msk $0xffff, v40;
	(pc) =	sbr.rel @p2 .LBB2_4-.Ltmp5, $4  }
0x12a: {  	v27 =	vld [tilespmem:$0x1FDD0];
	[tilespmem:v61+s15+$0x0] =	vst.idx.msk $0xffff, v41  }
0x12b: {  	v30 =	vld [tilespmem:$0x1FE50];
	[tilespmem:v62+s15+$0x0] =	vst.idx.msk $0xffff, v0  }
0x12c: {  	v15 =	vld [tilespmem:$0x1FE40];
	[tilespmem:v6+s15+$0x0] =	vst.idx.msk $0xffff, v32  }
0x12d: {  	s26 =	sadd.s32 $0x20, s26;
	s25 =	sadd.s32 $0x4, s25;
	s28 =	sadd.s32 $0x1, s28;
	v11 =	vmovc v47;
	v12 =	vmov v46;
	v10 =	vmov v45;
	v8 =	vlaneseq.u32;
	v41 =	vld [tilespmem:$0x1FEA0];
	[tilespmem:v63+s15+$0x0] =	vst.idx.msk $0xffff, v1  }
0x12e: {  	s1 =	sadd.s32 s7, s24  }
0x12f: {  	s1 =	sshll.u32 s1, $0xB  }
0x130: {  	s1 =	sand.u32 $0x1FFFF800, s1  }
0x131: {  	s1 =	sadd.s32 s5, s1  }
0x132: {  	[hbm4b:s1+s3] =	stream.linear.scatter [tilespmem:s15], [sflag:$0x3], $0x4000, $0x38;
	[tilespmem:$0x10000] =	vst v63  }
.LBB2_6:
.Ltmp6:
0x133: {  	(pc) =	sbr.rel @p1 .LBB2_10-.Ltmp6, $1  }
0x134: {  	_ =	sdelay $0x3  }
0x135: {  	s1 =	sadd.s32 $0x2, s24  }
0x136: {  	p1 =	sge.u32 s1, s6  }
0x137: {  	s1 =	sadd.s32 @!p1 s7, s1  }
0x138: {  	s1 =	sshll.u32 @!p1 s1, $0x9  }
0x139: {  	s2 =	simm.s32 @!p1 $0x1000;
	s1 =	sand.u32 @!p1 $0x1FFFFE00, s1  }
0x13a: {  	s24 =	simm.s32 @!p1 $0x7A1400;
	s25 =	simm.s32 @!p1 $0x0;
	s1 =	sadd.s32 @!p1 s0, s1  }
0x13b: {  	[tilespmem:s25], [sflag:$0x1] =	stream.strided.gather @!p1 [hbm4b:s1+s2], $0x4000, s24, s2, $0x38;
	[tilespmem:$0x10000] =	vst v63  }
0x13c: {  	_ =	swait.ge [sflag:s16], $0x4000  }
0x13d: {  	p1 =	seq.s32 s22, $0x0;
	[sflag:s16] =	ssyncset.done $0x0  }
0x13e: {  	s1 =	simm.s32 @!p1 $0x4;
	[sflag:s16] =	ssyncadd.s32 $0xFFFFC000  }
0x13f: {  	_ =	swait.ge @!p1 [sflag:s1], $0x4000  }
0x140: {  	s26 =	simm.s32 $0x0;
	[sflag:s1] =	ssyncset.done @!p1 $0x0  }
0x141: {  	s24 =	simm.s32 $0x0;
	s25 =	simm.s32 $0x0;
	[sflag:s1] =	ssyncadd.s32 @!p1 $0xFFFFC000  }
.LBB2_8:
0x142: {  	s1 =	sshrl.u32 s26, $0x3  }
0x143: {  	s29 =	sand.u32 $0x10, s24;
	s30 =	sand.u32 $0x60, s25;
	s28 =	sshll.u32 s1, $0x7  }
0x144: {  	v0 =	vmov s29;
	s2 =	sor.u32 s30, s28  }
0x145: {  	v2 =	vshll.u32 v0, $0x9;
	v1 =	vmov s2  }
0x146: {  	v3 =	vor.u32 s2, v8;
	v10 =	vor.u32 v45, v2;
	v11 =	vor.u32 v47, v2  }
0x147: {  	v0 =	vor.u32 v38, v2;
	v1 =	vshll.u32 v1, $0x3;
	v3 =	vand.u32 $0x6F, v3  }
0x148: {  	v61 =	vor.u32 v37, v2;
	v5 =	vor.u32 v36, v2;
	v62 =	vor.u32 v35, v2  }
0x149: {  	v14 =	vld [tilespmem:$0x1FE10];
	v7 =	vor.u32 v30, v2;
	v8 =	vor.u32 v15, v2;
	v59 =	vand.u32 $0x3000, v10  }
0x14a: {  	v57 =	vand.u32 $0x3000, v11;
	v11 =	vor.u32 v13, v2;
	v13 =	vor.u32 v46, v2  }
0x14b: {  	v33 =	vor.u32 v16, v2;
	v50 =	vand.u32 $0x3000, v0;
	v4 =	vand.u32 $0x7FFFFC00, v1  }
0x14c: {  	v52 =	vand.u32 $0x3000, v61;
	v51 =	vand.u32 $0x3000, v5;
	v53 =	vand.u32 $0x3000, v62  }
0x14d: {  	v55 =	vand.u32 $0x3000, v7;
	v54 =	vand.u32 $0x3000, v8;
	v8 =	vor.u32 v9, v2  }
0x14e: {  	v58 =	vand.u32 $0x3000, v11;
	v61 =	vand.u32 $0x3000, v13;
	v14 =	vor.u32 v14, v2  }
0x14f: {  	v62 =	vand.u32 $0x3000, v33;
	v0 =	vadd.s32 v4, v50;
	v1 =	vadd.s32 v4, v52  }
0x150: {  	v6 =	vadd.s32 v4, v51;
	v7 =	vadd.s32 v4, v55;
	v0 =	vor.u32 v3, v0  }
0x151: {  	v9 =	vadd.s32 v4, v54;
	v1 =	vor.u32 v3, v1;
	v0 =	vor.u32 v17, v0  }
0x152: {  	v25 =	vld [tilespmem:$0x1FDE0];
	v56 =	vand.u32 $0x3000, v8;
	v63 =	vor.u32 v3, v6;
	v1 =	vor.u32 v18, v1  }
0x153: {  	v40 =	vld [tilespmem:$0x1FF30];
	v10 =	vadd.s32 v4, v59;
	v8 =	vor.u32 v3, v9;
	v5 =	vor.u32 v19, v63  }
0x154: {  	v42 =	vld [tilespmem:$0x1FF90];
	v12 =	vadd.s32 v4, v57;
	v10 =	vor.u32 v3, v10;
	v8 =	vor.u32 v22, v8  }
0x155: {  	v44 =	vld [tilespmem:$0x1FEC0];
	v6 =	vadd.s32 v4, v53;
	v11 =	vor.u32 v3, v12;
	v10 =	vor.u32 v26, v10  }
0x156: {  	v60 =	vand.u32 $0x3000, v14;
	v6 =	vor.u32 v3, v6;
	v11 =	vor.u32 v17, v11;
	v13 =	vld.idx.msk [tilespmem:v0+s17+$0x0], $0xffff  }
0x157: {  	v7 =	vor.u32 v3, v7;
	v9 =	vadd.s32 v4, v56;
	v6 =	vor.u32 v20, v6;
	v15 =	vld.idx.msk [tilespmem:v1+s17+$0x0], $0xffff  }
0x158: {  	v12 =	vadd.s32 v4, v58;
	v7 =	vor.u32 v21, v7;
	v9 =	vor.u32 v3, v9;
	v14 =	vld.idx.msk [tilespmem:v5+s17+$0x0], $0xffff  }
0x159: {  	v25 =	vor.u32 v25, v2;
	v12 =	vor.u32 v3, v12;
	v9 =	vor.u32 v23, v9;
	v8 =	vld.idx.msk [tilespmem:v8+s17+$0x0], $0xffff  }
0x15a: {  	v32 =	vadd.s32 v4, v61;
	v35 =	vadd.s32 v4, v60;
	v12 =	vor.u32 v18, v12;
	v10 =	vld.idx.msk [tilespmem:v10+s17+$0x0], $0xffff  }
0x15b: {  	v63 =	vand.u32 $0x3000, v25;
	v0 =	vor.u32 v3, v32;
	v1 =	vadd.s32 v4, v62;
	v11 =	vld.idx.msk [tilespmem:v11+s17+$0x0], $0xffff  }
0x15c: {  	s1 =	sshll.u32 s1, $0x5;
	s31 =	sshrl.u32 s30, $0x2;
	v34 =	vor.u32 v19, v0;
	v16 =	vld.idx.msk [tilespmem:v6+s17+$0x0], $0xffff;
	v0 =	vor.u32 v3, v35;
	v6 =	vor.u32 v24, v2  }
0x15d: {  	s2 =	sor.u32 s1, s31;
	v24 =	vld.idx.msk [tilespmem:v7+s17+$0x0], $0xffff;
	v2 =	vor.u32 v27, v2;
	v27 =	vadd.s32 v4, v63;
	v7 =	vor.u32 v20, v0  }
0x15e: {  	v9 =	vld.idx.msk [tilespmem:v9+s17+$0x0], $0xffff;
	v0 =	vand.u32 $0x3000, v6;
	v37 =	vor.u32 v3, v27;
	v27 =	vmov s2  }
0x15f: {  	v1 =	vor.u32 v3, v1;
	v12 =	vld.idx.msk [tilespmem:v12+s17+$0x0], $0xffff;
	v36 =	vadd.s32 v4, v0;
	v39 =	vshll.u32 v27, $0x7  }
0x160: {  	v6 =	vor.u32 v21, v1;
	v1 =	vor.u32 v3, v36;
	v31 =	vor.u32 v28, v39;
	v39 =	vld [tilespmem:$0x1FF10]  }
0x161: {  	v25 =	vor.u32 v22, v1;
	v1 =	vand.u32 $0x3000, v2;
	v2 =	vor.u32 s29, v41;
	v41 =	vld [tilespmem:$0x1FF60]  }
0x162: {  	v29 =	vor.u32 v23, v37;
	v27 =	vld.idx.msk [tilespmem:v34+s17+$0x0], $0xffff  }
0x163: {  	v4 =	vadd.s32 v4, v1;
	v32 =	vld.idx.msk [tilespmem:v7+s17+$0x0], $0xffff  }
0x164: {  	v38 =	vor.u32 v3, v4;
	v7 =	vld [tilespmem:$0x1FF00]  }
0x165: {  	v34 =	vld.idx.msk [tilespmem:v6+s17+$0x0], $0xffff;
	v30 =	vor.u32 v26, v38  }
0x166: {  	v33 =	vor.u32 v2, v31;
	v3 =	vor.u32 s29, v40;
	v40 =	vld [tilespmem:$0x1FF20]  }
0x167: {  	v29 =	vld.idx.msk [tilespmem:v29+s17+$0x0], $0xffff  }
0x168: {  	v25 =	vld.idx.msk [tilespmem:v25+s17+$0x0], $0xffff  }
0x169: {  	v38 =	vcombine.low v49, v48;
	v39 =	vsel vm0, v39, v7;
	v7 =	vld [tilespmem:$0x1FEF0]  }
0x16a: {  	v30 =	vld.idx.msk [tilespmem:v30+s17+$0x0], $0xffff  }
0x16b: {  	[tilespmem:v33+s18+$0x0] =	vst.idx.msk $0xffff, v13;
	v33 =	vor.u32 s29, v38;
	v38 =	vld [tilespmem:$0x1FEB0]  }
0x16c: {  	v35 =	vor.u32 v3, v31;
	_ =	sdelay $0x1  }
0x16d: {  	v40 =	vsel vm0, v7, v40  }
0x16e: {  	v4 =	vor.u32 s29, v42;
	v5 =	vor.u32 s29, v41;
	v42 =	vcombine.low v40, v39  }
0x16f: {  	v36 =	vor.u32 v5, v31;
	v38 =	vcombine.low v38, v44;
	v44 =	vld [tilespmem:$0x1FEE0]  }
0x170: {  	[tilespmem:v35+s18+$0x0] =	vst.idx.msk $0xffff, v15;
	v35 =	vor.u32 s29, v42;
	v42 =	vld [tilespmem:$0x1FED0];
	_ =	sdelay $0x2  }
0x171: {  	v6 =	vld [tilespmem:$0x1FFC0]  }
0x172: {  	v37 =	vor.u32 v4, v31;
	[tilespmem:v36+s18+$0x0] =	vst.idx.msk $0xffff, v14;
	v36 =	vor.u32 s29, v38;
	v38 =	vld [tilespmem:$0x1FF40]  }
0x173: {  	v42 =	vcombine.low v42, v44;
	v44 =	vld [tilespmem:$0x1FF50];
	_ =	sdelay $0x2  }
0x174: {  	v6 =	vor.u32 s29, v6;
	v7 =	vld [tilespmem:$0x1FFF0]  }
0x175: {  	v41 =	vor.u32 v6, v31;
	[tilespmem:v37+s18+$0x0] =	vst.idx.msk $0xffff, v16;
	v37 =	vor.u32 s29, v42;
	v42 =	vld [tilespmem:$0x1FF70]  }
0x176: {  	v38 =	vcombine.low v38, v44;
	v44 =	vld [tilespmem:$0x1FF80];
	_ =	sdelay $0x2  }
0x177: {  	v7 =	vor.u32 s29, v7  }
0x178: {  	[tilespmem:v41+s18+$0x0] =	vst.idx.msk $0xffff, v24;
	v41 =	vld [tilespmem:$0x1FFA0];
	v13 =	vor.u32 v7, v31  }
0x179: {  	v42 =	vcombine.low v42, v44;
	v44 =	vld [tilespmem:$0x1FFB0];
	_ =	sdelay $0x3  }
0x17a: {  	v15 =	vor.u32 v33, v31;
	[tilespmem:v13+s18+$0x0] =	vst.idx.msk $0xffff, v8;
	v13 =	vor.u32 s29, v42;
	v42 =	vld [tilespmem:$0x1FFD0]  }
0x17b: {  	v14 =	vor.u32 v35, v31;
	v41 =	vcombine.low v41, v44;
	v44 =	vld [tilespmem:$0x1FFE0]  }
0x17c: {  	v16 =	vor.u32 v36, v31  }
0x17d: {  	v24 =	vor.u32 v37, v31;
	v38 =	vor.u32 s29, v38  }
0x17e: {  	v8 =	vor.u32 v38, v31  }
0x17f: {  	[tilespmem:v15+s18+$0x0] =	vst.idx.msk $0xffff, v9;
	v9 =	vor.u32 v13, v31  }
0x180: {  	[tilespmem:v14+s18+$0x0] =	vst.idx.msk $0xffff, v10;
	v42 =	vcombine.low v42, v44  }
0x181: {  	[tilespmem:v16+s18+$0x0] =	vst.idx.msk $0xffff, v11;
	v15 =	vor.u32 s29, v41;
	v44 =	vcombine.low v48, v49  }
0x182: {  	s31 =	sor.u32 $0x10, s30;
	v10 =	vcombine.low v39, v40;
	[tilespmem:v24+s18+$0x0] =	vst.idx.msk $0xffff, v12;
	v14 =	vor.u32 v15, v31;
	v39 =	vor.u32 s29, v42  }
0x183: {  	s28 =	sor.u32 s28, s31;
	[tilespmem:v8+s18+$0x0] =	vst.idx.msk $0xffff, v27;
	v16 =	vor.u32 s29, v44;
	v11 =	vor.u32 v39, v31  }
0x184: {  	v10 =	vor.u32 s29, v10;
	[tilespmem:v9+s18+$0x0] =	vst.idx.msk $0xffff, v32;
	v9 =	vmov s28;
	v12 =	vor.u32 v16, v31  }
0x185: {  	v8 =	vor.u32 v10, v31;
	v9 =	vshll.u32 v9, $0x3  }
0x186: {  	v9 =	vand.u32 $0x7FFFFC00, v9  }
0x187: {  	v43 =	vlaneseq.u32;
	v24 =	vadd.s32 v53, v9;
	[tilespmem:v14+s18+$0x0] =	vst.idx.msk $0xffff, v34  }
0x188: {  	v27 =	vadd.s32 v54, v9;
	v0 =	vadd.s32 v0, v9;
	[tilespmem:v11+s18+$0x0] =	vst.idx.msk $0xffff, v25;
	v11 =	vor.u32 s28, v43  }
0x189: {  	v53 =	vadd.s32 v63, v9;
	[tilespmem:v12+s18+$0x0] =	vst.idx.msk $0xffff, v29;
	v11 =	vand.u32 $0x7F, v11;
	v12 =	vadd.s32 v50, v9  }
0x18a: {  	v14 =	vadd.s32 v52, v9;
	[tilespmem:v8+s18+$0x0] =	vst.idx.msk $0xffff, v30;
	v8 =	vor.u32 v11, v12  }
0x18b: {  	v1 =	vadd.s32 v1, v9;
	v12 =	vor.u32 v11, v14;
	v8 =	vor.u32 v17, v8  }
0x18c: {  	v25 =	vadd.s32 v55, v9;
	v24 =	vor.u32 v11, v24;
	v12 =	vor.u32 v18, v12  }
0x18d: {  	v44 =	vadd.s32 v58, v9;
	v25 =	vor.u32 v11, v25;
	v24 =	vor.u32 v20, v24  }
0x18e: {  	v29 =	vadd.s32 v56, v9;
	v27 =	vor.u32 v11, v27;
	v25 =	vor.u32 v21, v25  }
0x18f: {  	v31 =	vadd.s32 v57, v9;
	v29 =	vor.u32 v11, v29;
	v27 =	vor.u32 v22, v27  }
0x190: {  	v52 =	vadd.s32 v62, v9;
	v31 =	vor.u32 v11, v31;
	v29 =	vor.u32 v23, v29;
	v8 =	vld.idx.msk [tilespmem:v8+s17+$0x0], $0xffff  }
0x191: {  	v50 =	vadd.s32 v61, v9;
	v32 =	vor.u32 v11, v44;
	v31 =	vor.u32 v17, v31;
	v12 =	vld.idx.msk [tilespmem:v12+s17+$0x0], $0xffff  }
0x192: {  	v14 =	vadd.s32 v51, v9;
	v34 =	vor.u32 v11, v50;
	v32 =	vor.u32 v18, v32;
	v24 =	vld.idx.msk [tilespmem:v24+s17+$0x0], $0xffff  }
0x193: {  	s2 =	sshrl.u32 s31, $0x2;
	v30 =	vadd.s32 v59, v9;
	v41 =	vor.u32 v11, v52;
	v34 =	vor.u32 v19, v34;
	v25 =	vld.idx.msk [tilespmem:v25+s17+$0x0], $0xffff  }
0x194: {  	s1 =	sor.u32 s1, s2;
	v51 =	vadd.s32 v60, v9;
	v0 =	vor.u32 v11, v0;
	v41 =	vor.u32 v21, v41;
	v27 =	vld.idx.msk [tilespmem:v27+s17+$0x0], $0xffff  }
0x195: {  	v42 =	vor.u32 v11, v53;
	v9 =	vmov s1;
	v0 =	vor.u32 v22, v0;
	v29 =	vld.idx.msk [tilespmem:v29+s17+$0x0], $0xffff  }
0x196: {  	v1 =	vor.u32 v11, v1;
	v14 =	vor.u32 v11, v14;
	v54 =	vor.u32 v23, v42;
	v31 =	vld.idx.msk [tilespmem:v31+s17+$0x0], $0xffff  }
0x197: {  	v30 =	vor.u32 v11, v30;
	v40 =	vor.u32 v11, v51;
	v14 =	vor.u32 v19, v14;
	v11 =	vld.idx.msk [tilespmem:v32+s17+$0x0], $0xffff  }
0x198: {  	v9 =	vshll.u32 v9, $0x7;
	v1 =	vor.u32 v26, v1;
	v34 =	vld.idx.msk [tilespmem:v34+s17+$0x0], $0xffff  }
0x199: {  	v30 =	vor.u32 v26, v30;
	v9 =	vor.u32 v28, v9;
	v41 =	vld.idx.msk [tilespmem:v41+s17+$0x0], $0xffff  }
0x19a: {  	v40 =	vor.u32 v20, v40;
	v2 =	vor.u32 v2, v9;
	v0 =	vld.idx.msk [tilespmem:v0+s17+$0x0], $0xffff  }
0x19b: {  	v3 =	vor.u32 v3, v9;
	v32 =	vld.idx.msk [tilespmem:v54+s17+$0x0], $0xffff  }
0x19c: {  	v5 =	vor.u32 v5, v9;
	v14 =	vld.idx.msk [tilespmem:v14+s17+$0x0], $0xffff  }
0x19d: {  	v4 =	vor.u32 v4, v9;
	v1 =	vld.idx.msk [tilespmem:v1+s17+$0x0], $0xffff  }
0x19e: {  	v6 =	vor.u32 v6, v9;
	v30 =	vld.idx.msk [tilespmem:v30+s17+$0x0], $0xffff  }
0x19f: {  	v55 =	vor.u32 v7, v9;
	v40 =	vld.idx.msk [tilespmem:v40+s17+$0x0], $0xffff;
	[tilespmem:v2+s18+$0x0] =	vst.idx.msk $0xffff, v8  }
0x1a0: {  	v56 =	vor.u32 v33, v9;
	[tilespmem:v3+s18+$0x0] =	vst.idx.msk $0xffff, v12  }
0x1a1: {  	v57 =	vor.u32 v35, v9;
	v35 =	vld [tilespmem:$0x1FE60];
	[tilespmem:v5+s18+$0x0] =	vst.idx.msk $0xffff, v14  }
0x1a2: {  	v58 =	vor.u32 v36, v9;
	v36 =	vld [tilespmem:$0x1FE70];
	[tilespmem:v4+s18+$0x0] =	vst.idx.msk $0xffff, v24  }
0x1a3: {  	v59 =	vor.u32 v38, v9;
	v38 =	vld [tilespmem:$0x1FE90];
	[tilespmem:v6+s18+$0x0] =	vst.idx.msk $0xffff, v25;
	v6 =	vor.u32 v37, v9  }
0x1a4: {  	v60 =	vor.u32 v13, v9;
	v13 =	vld [tilespmem:$0x1FE20];
	[tilespmem:v55+s18+$0x0] =	vst.idx.msk $0xffff, v27  }
0x1a5: {  	v61 =	vor.u32 v15, v9;
	v15 =	vld [tilespmem:$0x1FE40];
	[tilespmem:v56+s18+$0x0] =	vst.idx.msk $0xffff, v29  }
0x1a6: {  	v14 =	vld [tilespmem:$0x1FE10];
	[tilespmem:v57+s18+$0x0] =	vst.idx.msk $0xffff, v30  }
0x1a7: {  	v62 =	vor.u32 v39, v9;
	v24 =	vld [tilespmem:$0x1FDF0];
	[tilespmem:v58+s18+$0x0] =	vst.idx.msk $0xffff, v31  }
0x1a8: {  	v25 =	vld [tilespmem:$0x1FDE0];
	[tilespmem:v6+s18+$0x0] =	vst.idx.msk $0xffff, v11;
	v6 =	vor.u32 v16, v9  }
0x1a9: {  	p1 =	sne.s32 s26, $0x1F;
	v63 =	vor.u32 v10, v9;
	v37 =	vld [tilespmem:$0x1FE80];
	[tilespmem:v59+s18+$0x0] =	vst.idx.msk $0xffff, v34  }
.Ltmp7:
0x1aa: {  	v27 =	vld [tilespmem:$0x1FDD0];
	[tilespmem:v60+s18+$0x0] =	vst.idx.msk $0xffff, v40;
	(pc) =	sbr.rel @p1 .LBB2_8-.Ltmp7, $4  }
0x1ab: {  	v30 =	vld [tilespmem:$0x1FE50];
	[tilespmem:v61+s18+$0x0] =	vst.idx.msk $0xffff, v41  }
0x1ac: {  	v16 =	vld [tilespmem:$0x1FE00];
	[tilespmem:v62+s18+$0x0] =	vst.idx.msk $0xffff, v0  }
0x1ad: {  	v9 =	vld [tilespmem:$0x1FE30];
	[tilespmem:v6+s18+$0x0] =	vst.idx.msk $0xffff, v32  }
0x1ae: {  	s25 =	sadd.s32 $0x20, s25;
	s24 =	sadd.s32 $0x4, s24;
	s26 =	sadd.s32 $0x1, s26;
	v8 =	vlaneseq.u32;
	v41 =	vld [tilespmem:$0x1FEA0];
	[tilespmem:v63+s18+$0x0] =	vst.idx.msk $0xffff, v1  }
.Ltmp8:
0x1af: {  	s1 =	sadd.s32 s7, s23;
	(pc) =	sbr.rel .LBB2_10-.Ltmp8, $4  }
0x1b0: {  	s1 =	sshll.u32 s1, $0xB  }
0x1b1: {  	s1 =	sand.u32 $0x1FFFF800, s1  }
0x1b2: {  	s1 =	sadd.s32 s5, s1  }
0x1b3: {  	v12 =	vmov v46;
	v11 =	vmov v47;
	v10 =	vmov v45;
	[hbm4b:s1+s3] =	stream.linear.scatter [tilespmem:s18], [sflag:$0x4], $0x4000, $0x38;
	[tilespmem:$0x10000] =	vst v63  }
.LBB2_12:
0x1b4: {  	_ =	sfence.sel $0x180000  }
0x1b5: {  	[bflag:$0x0] =	sbarrier.arrive $0xFFFF  }
0x1b6: {  	_ =	strace $0x90000047  }
0x1b7: {  	s0 =	stileid.u32;
	[bflag:$0x2] =	sbarrier.arrive $0xFFFF  }
0x1b8: {  	p0 =	sne.s32 s0, $0x0;
	s0 =	rddreg [dreg:$0x2]  }
0x1b9: {  	s0 =	sadd.s32 @!p0 $0x100000, s0  }
0x1ba: {  	[sflag:s0] =	ssyncadd.tile.s32 @!p0 $0x1;
	_ =	shalt  }
.Lfunc_end2:
_tile_overlayer_lowered:
.L_overlay_start_2:
0x1bb: {  	(tag) =	ssettag $0x2  }
0x1bc: {  	s0 =	rddreg [dreg:$0x0];
	s2 =	stileid.u32  }
0x1bd: {  	s1 =	rddreg [dreg:$0x1];
	p0 =	sne.s32 s2, $0x0  }
0x1be: {  	s3 =	rddreg [dreg:$0x2];
	[bflag:$0x3] =	sbarrier.arrive $0xFFFF;
	s2 =	simm.s32 @!p0 $0x1C05  }
0x1bf: {  	[timem:s3], [sflag:s2] =	dma.local @!p0 [hbm:s0], s1  }
0x1c0: {  	s0 =	simm.s32 @!p0 $0x5  }
0x1c1: {  	_ =	swait.ge @!p0 [sflag:s0], s1  }
0x1c2: {  	s1 =	ssub.s32 @!p0 $0x0, s1;
	[sflag:s0] =	ssyncset.done @!p0 $0x0  }
0x1c3: {  	[sflag:s0] =	ssyncadd.s32 @!p0 s1  }
0x1c4: {  	[bflag:$0x3] =	sbarrier.arrive $0xFFFF  }
0x1c5: {  	_ =	shalt  }

// kernel: kernel.7.cloned.1.call-start
scs
__scs_entry_jumppad:
0x0: {  	(pc) =	sbr.rel $0x88, $3  }
0x1: {  	(tag) =	ssettag $0x0;
	lr =	simm.s32 $0x1  }
0x2: {  	[smem:$0x3F9F] =	sst lr;
	_ =	strace $0xD0000000  }
0x3: {  	_ = 	snop  }
0x4: {  	_ = 	snop  }
0x5: {  	_ = 	snop  }
0x6: {  	_ = 	snop  }
0x7: {  	_ = 	snop  }
__scs_overlays_trampoline_lowered:
0x8: {  	[smem:$0x3FAE] =	sst s0  }
0x9: {  	[smem:$0x3FAF] =	sst s1  }
0xa: {  	[smem:$0x3FB0] =	sst s2  }
0xb: {  	[smem:$0x3FB1] =	sst s3  }
0xc: {  	[smem:$0x3FB2] =	sst s4  }
0xd: {  	[smem:$0x3FB3] =	sst s5  }
0xe: {  	[smem:$0x3FB4] =	sst s6  }
0xf: {  	[smem:$0x3FB5] =	sst s7  }
0x10: {  	[smem:$0x3FB6] =	sst s8  }
0x11: {  	[smem:$0x3FB7] =	sst s9;
	s0 =	simm.s32 @!p0 $0x0  }
0x12: {  	s1 =	sld [smem:$0x3F9D];
	s0 =	simm.s32 @p0 $0x1  }
0x13: {  	[smem:$0x3FB8] =	sst s0;
	s0 =	simm.s32 @!p1 $0x0  }
0x14: {  	s2 =	sld [smem:$0x3F9C];
	s0 =	simm.s32 @p1 $0x1  }
0x15: {  	[smem:$0x3FB9] =	sst s0;
	s0 =	simm.s32 @!p2 $0x0  }
0x16: {  	s3 =	sld [smem:$0x3FDB];
	s0 =	simm.s32 @p2 $0x1  }
0x17: {  	s4 =	simm.s32 $0x1BF5;
	[smem:$0x3FBB] =	sst s0  }
0x18: {  	s0 =	sld [smem:$0x3F9E];
	_ =	swait.ge [sflag:s4], $0x0  }
0x19: {  	s7 =	sld [smem:$0x3F9F]  }
0x1a: {  	s8 =	sadd.s32 $0xFFFFE003, lr  }
0x1b: {  	s9 =	sadd.s32 $0xFFFFFEF7, lr;
	s5 =	simm.s32 $0xFFFFFFFF;
	p2 =	slt.u32 s8, $0xFFFFF086  }
0x1c: {  	p1 =	slt.u32 s9, $0xF7A;
	s5 =	simm.s32 @!p2 $0x0  }
0x1d: {  	s5 =	simm.s32 @p1 $0x1;
	p0 =	seq.s32 s7, s2  }
0x1e: {  	s7 =	smul.u32 @!p0 $0xF7A, s2;
	p2 =	seq.s32 @!p0 s5, $0x0  }
0x1f: {  	s9 =	smul.u32 $0xF7A, s1;
	s8 =	simm.s32 @!p0 $0x1BF5;
	p2 =	por !p2, p0  }
0x20: {  	[sflag:s8] =	ssyncset.s32 @!p0 $0xFFFFF086;
	s6 =	sadd.s32 @!p0 s3, s7;
	s7 =	simm.s32 @!p0 $0x108  }
0x21: {  	s3 =	sadd.s32 s3, s9;
	s6 =	sadd.s32 @!p0 $0x88, s6;
	s7 =	simm.s32 @p2 $0x1082  }
0x22: {  	[simem:s7], [sflag:s8] =	dma.local @!p0 [hbm:s6], $0xF7A  }
0x23: {  	s9 =	sor.u32 $0xD0000000, s2;
	s6 =	simm.s32 $0x108;
	_ =	swait.ge @!p0 [sflag:s8], $0x0  }
0x24: {  	s3 =	sadd.s32 $0x88, s3;
	s6 =	simm.s32 @!p1 $0x1082;
	[sflag:s4] =	ssyncset.s32 $0xFFFFF086  }
0x25: {  	[simem:s6], [sflag:s4] =	dma.local [hbm:s3], $0xF7A  }
0x26: {  	[smem:$0x3F9F] =	sst s1;
	(tag) =	ssettag s2;
	_ =	strace s9  }
0x27: {  	s1 =	sld [smem:$0x3FAF]  }
0x28: {  	s2 =	sld [smem:$0x3FB0]  }
0x29: {  	s4 =	sld [smem:$0x3FB2]  }
0x2a: {  	p0 =	seq.s32 s5, $0x0;
	s5 =	sld [smem:$0x3FB3]  }
0x2b: {  	s6 =	sld [smem:$0x3FB4]  }
0x2c: {  	s7 =	sld [smem:$0x3FB5]  }
0x2d: {  	s3 =	simm.s32 $0x108;
	s8 =	sld [smem:$0x3FB6]  }
0x2e: {  	s3 =	simm.s32 @!p0 $0x1082;
	s9 =	sld [smem:$0x3FB7]  }
0x2f: {  	lr =	sadd.s32 s0, s3;
	s0 =	sld [smem:$0x3FAE]  }
0x30: {  	s3 =	sld [smem:$0x3FB1]  }
0x31: {  	[smem:$0x3FBA] =	sst s10  }
0x32: {  	s10 =	sld [smem:$0x3FB8];
	_ =	sdelay $0x3  }
0x33: {  	p0 =	seq.s32 s10, $0x1;
	s10 =	sld [smem:$0x3FBA];
	_ =	sdelay $0x3  }
0x34: {  	[smem:$0x3FBA] =	sst s10  }
0x35: {  	s10 =	sld [smem:$0x3FB9];
	_ =	sdelay $0x3  }
0x36: {  	p1 =	seq.s32 s10, $0x1;
	s10 =	sld [smem:$0x3FBA];
	_ =	sdelay $0x3  }
0x37: {  	[smem:$0x3FBA] =	sst s10  }
0x38: {  	s10 =	sld [smem:$0x3FBB]  }
0x39: {  	_ = 	snop;
	(pc) =	sbr.ind lr, $3  }
0x3a: {  	_ = 	snop  }
0x3b: {  	_ = 	snop  }
0x3c: {  	p2 =	seq.s32 s10, $0x1;
	s10 =	sld [smem:$0x3FBA]  }
0x3d: {  	_ =	shalt  }
0x3e: {  	_ =	shalt  }
0x3f: {  	_ =	shalt  }
0x40: {  	_ =	shalt  }
0x41: {  	_ =	shalt  }
0x42: {  	_ =	shalt  }
0x43: {  	_ =	shalt  }
0x44: {  	_ =	shalt  }
0x45: {  	_ =	shalt  }
0x46: {  	_ =	shalt  }
0x47: {  	_ =	shalt  }
0x48: {  	_ =	shalt  }
0x49: {  	_ =	shalt  }
0x4a: {  	_ =	shalt  }
0x4b: {  	_ =	shalt  }
0x4c: {  	_ =	shalt  }
0x4d: {  	_ =	shalt  }
0x4e: {  	_ =	shalt  }
0x4f: {  	_ =	shalt  }
0x50: {  	_ =	shalt  }
0x51: {  	_ =	shalt  }
0x52: {  	_ =	shalt  }
0x53: {  	_ =	shalt  }
0x54: {  	_ =	shalt  }
0x55: {  	_ =	shalt  }
0x56: {  	_ =	shalt  }
0x57: {  	_ =	shalt  }
0x58: {  	_ =	shalt  }
0x59: {  	_ =	shalt  }
0x5a: {  	_ =	shalt  }
0x5b: {  	_ =	shalt  }
0x5c: {  	_ =	shalt  }
0x5d: {  	_ =	shalt  }
0x5e: {  	_ =	shalt  }
0x5f: {  	_ =	shalt  }
0x60: {  	_ =	shalt  }
0x61: {  	_ =	shalt  }
0x62: {  	_ =	shalt  }
0x63: {  	_ =	shalt  }
0x64: {  	_ =	shalt  }
0x65: {  	_ =	shalt  }
0x66: {  	_ =	shalt  }
0x67: {  	_ =	shalt  }
0x68: {  	_ =	shalt  }
0x69: {  	_ =	shalt  }
0x6a: {  	_ =	shalt  }
0x6b: {  	_ =	shalt  }
0x6c: {  	_ =	shalt  }
0x6d: {  	_ =	shalt  }
0x6e: {  	_ =	shalt  }
0x6f: {  	_ =	shalt  }
0x70: {  	_ =	shalt  }
0x71: {  	_ =	shalt  }
0x72: {  	_ =	shalt  }
0x73: {  	_ =	shalt  }
0x74: {  	_ =	shalt  }
0x75: {  	_ =	shalt  }
0x76: {  	_ =	shalt  }
0x77: {  	_ =	shalt  }
0x78: {  	_ =	shalt  }
0x79: {  	_ =	shalt  }
0x7a: {  	_ =	shalt  }
0x7b: {  	_ =	shalt  }
0x7c: {  	_ =	shalt  }
0x7d: {  	_ =	shalt  }
0x7e: {  	_ =	shalt  }
0x7f: {  	_ =	shalt  }
0x80: {  	_ =	shalt  }
0x81: {  	_ =	shalt  }
0x82: {  	_ =	shalt  }
0x83: {  	_ =	shalt  }
0x84: {  	_ =	shalt  }
0x85: {  	_ =	shalt  }
0x86: {  	_ =	shalt  }
0x87: {  	_ =	shalt  }
.Lfunc_end0:
.L_simem_size_0:
called_computation.1_lowered:
.L_overlay_start_0:
0x88: {  	s2 =	sld [smem:$0x3FD9]  }
0x89: {  	s3 =	sld [smem:$0x3FFE];
	_ =	sdelay $0x1  }
0x8a: {  	s1 =	srdreg.scid  }
0x8b: {  	s0 =	sand.u32 $0x1, s1  }
0x8c: {  	s17 =	sshll.u32 s0, $0xA;
	s2 =	sadd.s32 s3, s2  }
0x8d: {  	s2 =	sadd.s32 s2, s17  }
0x8e: {  	[smem:$0x3FC6] =	sst s2  }
0x8f: {  	_ = 	snop  }
0x90: {  	s2 =	sld [smem:$0x3FD0];
	(tm) =	ssettm $0x1  }
0x91: {  	s18 =	sld [smem:$0x3FFB];
	_ =	sdelay $0x3  }
0x92: {  	_ =	strace s18  }
0x93: {  	s3 =	sld [smem:$0x3FFC];
	_ =	sdelay $0x3  }
0x94: {  	_ =	strace s3  }
0x95: {  	s3 =	sld [smem:$0x3FFD];
	_ =	sdelay $0x3  }
0x96: {  	_ =	strace s3  }
0x97: {  	_ =	strace $0x8FFFFFFF  }
0x98: {  	s19 =	sld [smem:$0x3FDB];
	_ =	sdelay $0x1  }
0x99: {  	s4 =	simm.s32 $_scs_section_size  }
0x9a: {  	s5 =	simm.s32 $_size__tile_overlayer_lowered;
	s6 =	simm.s32 $_tile_overlayer_lowered  }
0x9b: {  	s22 =	simm.s32 $0x1BFF;
	s21 =	sshll.u32 s6, $0x1;
	s3 =	sadd.s32 s4, s19  }
0x9c: {  	s7 =	simm.s32 $0x0;
	s20 =	sshll.u32 s5, $0x1;
	s5 =	sadd.s32 s21, s3  }
0x9d: {  	[timem:s7], [sflag:s22] =	dma.local [hbm:s5], s20  }
0x9e: {  	_ =	swait.ge [sflag:s22], s20  }
0x9f: {  	s4 =	ssub.s32 $0x0, s20;
	[sflag:s22] =	ssyncset.done $0x0  }
0xa0: {  	[sflag:s22] =	ssyncadd.s32 s4;
	_ =	sdelay $0x1  }
0xa1: {  	s23 =	simm.s32 $0x1B8B  }
0xa2: {  	_ =	swait.ge [sflag:s23], $0x1  }
0xa3: {  	[sflag:s23] =	ssyncset.done $0x0  }
0xa4: {  	s25 =	simm.s32 $0x1B8E;
	s24 =	sld [smem:$0x3FFE];
	[sflag:s23] =	ssyncadd.s32 $0xFFFFFFFF  }
0xa5: {  	s26 =	simm.s32 $execute0_lowered;
	[smem:$0x3FD2] =	sst s25  }
0xa6: {  	s5 =	sshll.u32 s26, $0x1;
	_ =	strace $0x80000049;
	[dreg:$0x1] =	wrdreg $0xFFFFFFFF  }
0xa7: {  	s28 =	simm.s32 $_size_execute0_lowered;
	s3 =	sadd.s32 s3, s5;
	[dreg:$0x0] =	wrdreg $0x0  }
0xa8: {  	s5 =	sshll.u32 s28, $0x1;
	[dreg:$0x2] =	wrdreg s3  }
0xa9: {  	[dreg:$0x3] =	wrdreg s5  }
0xaa: {  	[dreg:$0x4] =	wrdreg $0xC0  }
0xab: {  	_ =	task [dreg:s7], $0x5FFFF  }
0xac: {  	[dreg:$0x1] =	wrdreg $0xFFFFFFFF  }
0xad: {  	[dreg:$0x0] =	wrdreg $0x60  }
0xae: {  	[dreg:$0x2] =	wrdreg s24  }
0xaf: {  	[dreg:$0x3] =	wrdreg s2  }
0xb0: {  	[dreg:$0x4] =	wrdreg $0x9  }
0xb1: {  	_ =	task.clear_ibuf [dreg:s7], $0x5FFFF;
	_ =	strace $0x90000049  }
0xb2: {  	s29 =	simm.s32 $0x9;
	_ =	strace $0x8000004B  }
0xb3: {  	_ =	swait.ge [sflag:s29], $0x1  }
0xb4: {  	[sflag:s29] =	ssyncadd.s32 $0xFFFFFFFF  }
0xb5: {  	_ =	strace $0x9000004B  }
0xb6: {  	_ =	sfence  }
0xb7: {  	s30 =	sld [smem:$0x0];
	_ =	sdelay $0x2  }
0xb8: {  	s31 =	sshll.u32 s1, $0xD;
	s1 =	sshrl.u32 s1, $0x2  }
0xb9: {  	s3 =	sand.u32 $0x4000, s31;
	s1 =	sadd.s32 s1, s30  }
0xba: {  	s0 =	sor.u32 s3, s0;
	s1 =	sshll.u32 s1, $0x11  }
0xbb: {  	s0 =	sor.u32 s1, s0  }
0xbc: {  	s0 =	sadd.s32 $0x8F2B, s0  }
0xbd: {  	[sflag:s0] =	ssyncadd.remote.s32 $0x1  }
0xbe: {  	_ =	sfence.sel $0xFFFF  }
0xbf: {  	[dreg:$0x0] =	wrdreg $0xFFFFFFFF;
	(pc) =	sbr.abs _section_cstart, $3  }
0xc0: {  	[dreg:$0x1] =	wrdreg $0xFFFFFFFF  }
0xc1: {  	_ =	task.clear_ibuf [dreg:s7], $0x2FFFF;
	_ =	strace $0x9FFFFFFF  }
0xc2: {  	(tm) =	ssettm $0x7FFFFFFF  }
0xc3: {  	_ =	shalt  }
tec
execute0_lowered:
.L_overlay_start_1:
0x0: {  	(tag) =	ssettag $0x1  }
0x1: {  	v0 =	vimm.s32 $0xFEDCBA9;
	v1 =	vimm.s32 $0x87654321;
	v2 =	vimm.s32 $0x10FEDCBA  }
0x2: {  	v3 =	vimm.s32 $0x98765432;
	v4 =	vimm.s32 $0x210FEDCB;
	v5 =	vimm.s32 $0xA9876543  }
0x3: {  	v9 =	vimm.s32 $0x3210FEDC;
	v10 =	vimm.s32 $0xBA987654;
	v29 =	vlaneseq.u32  }
0x4: {  	v44 =	vimm.s32 $0x43210FED;
	v45 =	vimm.s32 $0xCBA98765;
	v46 =	vimm.s32 $0x543210FE  }
0x5: {  	v11 =	vimm.s32 $0xDCBA9876;
	v12 =	vimm.s32 $0x6543210F;
	v13 =	vimm.s32 $0xEDCBA987  }
0x6: {  	v17 =	vimm.s32 $0xFEDCBA98;
	v19 =	vimm.s32 $0x76543210;
	vm11 =	vcmask $0x300  }
0x7: {  	v55 =	vimm.s32 $0x1E07;
	vm13 =	vcmask $0x704;
	vm14 =	vcmask $0xB08  }
0x8: {  	vm15 =	vcmask $0xF0C;
	vm12 =	vcmask $0x1310;
	vm10 =	vcmask $0x1714  }
0x9: {  	vm9 =	vcmask $0x1B18;
	vm8 =	vcmask $0x1F1C;
	vm7 =	vcmask $0x2320  }
0xa: {  	vm6 =	vcmask $0x2724;
	vm5 =	vcmask $0x2B28;
	vm4 =	vcmask $0x2F2C  }
0xb: {  	vm3 =	vcmask $0x3330;
	vm2 =	vcmask $0x3734;
	vm1 =	vcmask $0x3B38  }
0xc: {  	vm0 =	vcmask $0x1F10;
	v33 =	vimm.s32 $0x101F1E1D;
	v34 =	vimm.s32 $0x3E07  }
0xd: {  	v35 =	vimm.s32 $0x14131211;
	v39 =	vimm.s32 $0x18171615;
	v0 =	vunpack.c.l.s4.s8 v0  }
0xe: {  	v1 =	vunpack.c.l.s4.s8 v1;
	v2 =	vunpack.c.l.s4.s8 v2;
	v3 =	vunpack.c.l.s4.s8 v3  }
0xf: {  	v4 =	vunpack.c.l.s4.s8 v4;
	v5 =	vunpack.c.l.s4.s8 v5;
	v9 =	vunpack.c.l.s4.s8 v9  }
0x10: {  	v10 =	vunpack.c.l.s4.s8 v10;
	v11 =	vunpack.c.l.s4.s8 v11;
	v12 =	vunpack.c.l.s4.s8 v12  }
0x11: {  	v13 =	vunpack.c.l.s4.s8 v13;
	v17 =	vunpack.c.l.s4.s8 v17;
	v47 =	vunpack.c.l.s4.s8 v19  }
0x12: {  	v19 =	vimm.s32 $0x1C1B1A19;
	v22 =	vor.u32 $0x10, v29;
	v0 =	vunpack.c.0.s8.s32 v0  }
0x13: {  	v1 =	vunpack.c.0.s8.s32 v1;
	v2 =	vunpack.c.0.s8.s32 v2;
	v3 =	vunpack.c.0.s8.s32 v3  }
0x14: {  	v4 =	vunpack.c.0.s8.s32 v4;
	v5 =	vunpack.c.0.s8.s32 v5;
	v42 =	vunpack.c.0.s8.s32 v9  }
0x15: {  	v43 =	vunpack.c.0.s8.s32 v10;
	v9 =	vunpack.c.l.s4.s8 v45;
	v10 =	vunpack.c.l.s4.s8 v46  }
0x16: {  	v11 =	vunpack.c.0.s8.s32 v11;
	v12 =	vunpack.c.0.s8.s32 v12;
	v13 =	vunpack.c.0.s8.s32 v13  }
0x17: {  	v54 =	vunpack.c.0.s8.s32 v17;
	v6 =	vcombine.low v1, v0;
	v7 =	vcombine.low v3, v2  }
0x18: {  	v17 =	vimm.s32 $0x1A07;
	v8 =	vcombine.low v5, v4;
	v14 =	vcombine.low v43, v42  }
0x19: {  	v45 =	vimm.s32 $0x1D1C1B1A;
	v18 =	vcombine.low v13, v12;
	v0 =	vcombine.low v0, v1  }
0x1a: {  	v9 =	vunpack.c.0.s8.s32 v9;
	v2 =	vcombine.low v2, v3;
	v59 =	vcombine.low v4, v5  }
0x1b: {  	v10 =	vunpack.c.0.s8.s32 v10;
	v60 =	vcombine.low v42, v43;
	v63 =	vcombine.low v12, v13  }
0x1c: {  	v4 =	vimm.s32 $0x7;
	v5 =	vimm.s32 $0x207;
	v12 =	vimm.s32 $0x1007  }
0x1d: {  	v13 =	vimm.s32 $0x1207;
	v3 =	vunpack.c.0.s8.s32 v19;
	v19 =	vimm.s32 $0x17161514  }
0x1e: {  	v30 =	vand.u32 $0xF, v6;
	v31 =	vand.u32 $0xF, v7;
	v48 =	vand.u32 $0xF, v8  }
0x1f: {  	v8 =	vunpack.c.l.s4.s8 v44;
	v16 =	vcombine.low v11, v10;
	v49 =	vand.u32 $0xF, v14  }
0x20: {  	v52 =	vand.u32 $0xF, v18;
	v14 =	vunpack.c.0.s8.s32 v47;
	v32 =	vand.u32 $0xF, v0  }
0x21: {  	v37 =	vand.u32 $0xF, v2;
	v38 =	vand.u32 $0xF, v59;
	v40 =	vand.u32 $0xF, v60  }
0x22: {  	v62 =	vcombine.low v10, v11;
	v6 =	vimm.s32 $0x407;
	v7 =	vimm.s32 $0x607  }
0x23: {  	v10 =	vimm.s32 $0xC07;
	v11 =	vimm.s32 $0xE07;
	v18 =	vimm.s32 $0x1C07  }
0x24: {  	v2 =	vsel vm11, $0x600, v6;
	v6 =	vunpack.c.0.s8.s32 v39;
	v39 =	vimm.s32 $0x2207  }
0x25: {  	v8 =	vunpack.c.0.s8.s32 v8;
	v51 =	vand.u32 $0xF, v16;
	v16 =	vsel vm11, $0x0, v55  }
0x26: {  	v55 =	vand.u32 $0xF, v63;
	v2 =	vsel vm13, $0x801, v2;
	v63 =	vimm.s32 $0x19181716  }
0x27: {  	v56 =	vsel vm13, $0x201, v16;
	v2 =	vsel vm14, $0xA02, v2;
	v16 =	vimm.s32 $0x1807  }
0x28: {  	v15 =	vcombine.low v9, v8;
	v57 =	vsel vm14, $0x402, v56;
	v61 =	vcombine.low v8, v9  }
0x29: {  	v2 =	vsel vm15, $0xC03, v2;
	v8 =	vimm.s32 $0x807;
	v9 =	vimm.s32 $0xA07  }
0x2a: {  	v56 =	vimm.s32 $0x11101F1E;
	v1 =	vsel vm15, $0x603, v57;
	v2 =	vsel vm12, $0xE04, v2  }
0x2b: {  	v50 =	vand.u32 $0xF, v15;
	v15 =	vand.u32 $0xF, v54;
	v58 =	vsel vm12, $0x804, v1  }
0x2c: {  	v41 =	vand.u32 $0xF, v61;
	v54 =	vand.u32 $0xF, v62;
	v1 =	vsel vm11, $0x400, v5  }
0x2d: {  	v2 =	vsel vm10, $0x1005, v2;
	v5 =	vunpack.c.0.s8.s32 v35;
	v62 =	vimm.s32 $0x15141312  }
0x2e: {  	v35 =	vimm.s32 $0x2007;
	v53 =	vcombine.low v15, v14;
	v0 =	vsel vm10, $0xA05, v58  }
0x2f: {  	v1 =	vsel vm13, $0x601, v1;
	v2 =	vsel vm9, $0x1206, v2;
	v14 =	vimm.s32 $0x1407  }
0x30: {  	v15 =	vimm.s32 $0x1607;
	v0 =	vsel vm9, $0xC06, v0;
	v1 =	vsel vm14, $0x802, v1  }
0x31: {  	v2 =	vsel vm8, $0x1407, v2;
	v0 =	vsel vm8, $0xE07, v0;
	v1 =	vsel vm15, $0xA03, v1  }
0x32: {  	v2 =	vsel vm7, $0x1600, v2;
	v0 =	vsel vm7, $0x1000, v0;
	v1 =	vsel vm12, $0xC04, v1  }
0x33: {  	v2 =	vsel vm6, $0x1801, v2;
	v0 =	vsel vm6, $0x1201, v0;
	v1 =	vsel vm10, $0xE05, v1  }
0x34: {  	v2 =	vsel vm5, $0x1A02, v2;
	v0 =	vsel vm5, $0x1402, v0;
	v1 =	vsel vm9, $0x1006, v1  }
0x35: {  	v2 =	vsel vm4, $0x1C03, v2;
	v0 =	vsel vm4, $0x1603, v0;
	v1 =	vsel vm8, $0x1207, v1  }
0x36: {  	v2 =	vsel vm3, $0x1E04, v2;
	v0 =	vsel vm3, $0x1804, v0;
	v1 =	vsel vm7, $0x1400, v1  }
0x37: {  	v2 =	vsel vm2, $0x5, v2;
	v0 =	vsel vm2, $0x1A05, v0;
	v1 =	vsel vm6, $0x1601, v1  }
0x38: {  	v27 =	vsel vm1, $0x206, v2;
	v2 =	vsel vm11, $0xC00, v9;
	v9 =	vunpack.c.0.s8.s32 v62  }
0x39: {  	v24 =	vsel vm1, $0x1C06, v0;
	v0 =	vsel vm11, $0x200, v4;
	v1 =	vsel vm5, $0x1802, v1  }
0x3a: {  	v2 =	vsel vm13, $0xE01, v2;
	v4 =	vunpack.c.0.s8.s32 v33;
	v33 =	vimm.s32 $0x1B1A1918  }
0x3b: {  	v0 =	vsel vm13, $0x401, v0;
	v1 =	vsel vm4, $0x1A03, v1;
	v2 =	vsel vm14, $0x1002, v2  }
0x3c: {  	v0 =	vsel vm14, $0x602, v0;
	v1 =	vsel vm3, $0x1C04, v1;
	v2 =	vsel vm15, $0x1203, v2  }
0x3d: {  	v0 =	vsel vm15, $0x803, v0;
	v1 =	vsel vm2, $0x1E05, v1;
	v2 =	vsel vm12, $0x1404, v2  }
0x3e: {  	v0 =	vsel vm12, $0xA04, v0;
	v26 =	vsel vm1, $0x6, v1;
	v1 =	vsel vm11, $0xA00, v8  }
0x3f: {  	v2 =	vsel vm10, $0x1605, v2;
	v8 =	vunpack.c.0.s8.s32 v56;
	v0 =	vsel vm10, $0xC05, v0  }
0x40: {  	v1 =	vsel vm13, $0xC01, v1;
	v2 =	vsel vm9, $0x1806, v2;
	v0 =	vsel vm9, $0xE06, v0  }
0x41: {  	v1 =	vsel vm14, $0xE02, v1;
	v2 =	vsel vm8, $0x1A07, v2;
	v0 =	vsel vm8, $0x1007, v0  }
0x42: {  	v1 =	vsel vm15, $0x1003, v1;
	v2 =	vsel vm7, $0x1C00, v2;
	v0 =	vsel vm7, $0x1200, v0  }
0x43: {  	v1 =	vsel vm12, $0x1204, v1;
	v2 =	vsel vm6, $0x1E01, v2;
	v0 =	vsel vm6, $0x1401, v0  }
0x44: {  	v1 =	vsel vm10, $0x1405, v1;
	v2 =	vsel vm5, $0x2, v2;
	v0 =	vsel vm5, $0x1602, v0  }
0x45: {  	v1 =	vsel vm9, $0x1606, v1;
	v2 =	vsel vm4, $0x203, v2;
	v0 =	vsel vm4, $0x1803, v0  }
0x46: {  	v1 =	vsel vm8, $0x1807, v1;
	v2 =	vsel vm3, $0x404, v2;
	v0 =	vsel vm3, $0x1A04, v0  }
0x47: {  	v1 =	vsel vm7, $0x1A00, v1;
	v2 =	vsel vm2, $0x605, v2;
	v0 =	vsel vm2, $0x1C05, v0  }
0x48: {  	v1 =	vsel vm6, $0x1C01, v1;
	v43 =	vsel vm1, $0x806, v2;
	v2 =	vsel vm11, $0x1200, v12  }
0x49: {  	v12 =	vimm.s32 $0x1211101F;
	v25 =	vsel vm1, $0x1E06, v0;
	v0 =	vsel vm11, $0x800, v7  }
0x4a: {  	v1 =	vsel vm5, $0x1E02, v1;
	v2 =	vsel vm13, $0x1401, v2;
	v7 =	vunpack.c.0.s8.s32 v45  }
0x4b: {  	v12 =	vunpack.c.0.s8.s32 v12;
	v45 =	vimm.s32 $0x2407;
	v0 =	vsel vm13, $0xA01, v0  }
0x4c: {  	v1 =	vsel vm4, $0x3, v1;
	v2 =	vsel vm14, $0x1602, v2;
	v0 =	vsel vm14, $0xC02, v0  }
0x4d: {  	v1 =	vsel vm3, $0x204, v1;
	v2 =	vsel vm15, $0x1803, v2;
	v0 =	vsel vm15, $0xE03, v0  }
0x4e: {  	v1 =	vsel vm2, $0x405, v1;
	v2 =	vsel vm12, $0x1A04, v2;
	v0 =	vsel vm12, $0x1004, v0  }
0x4f: {  	v44 =	vsel vm1, $0x606, v1;
	v1 =	vsel vm11, $0x1000, v11;
	v2 =	vsel vm10, $0x1C05, v2  }
0x50: {  	v11 =	vimm.s32 $0x1E1D1C1B;
	v0 =	vsel vm10, $0x1205, v0;
	v1 =	vsel vm13, $0x1201, v1  }
0x51: {  	v2 =	vsel vm9, $0x1E06, v2;
	v11 =	vunpack.c.0.s8.s32 v11;
	v0 =	vsel vm9, $0x1406, v0  }
0x52: {  	v1 =	vsel vm14, $0x1402, v1;
	v2 =	vsel vm8, $0x7, v2;
	v0 =	vsel vm8, $0x1607, v0  }
0x53: {  	v1 =	vsel vm15, $0x1603, v1;
	v2 =	vsel vm7, $0x200, v2;
	v0 =	vsel vm7, $0x1800, v0  }
0x54: {  	v1 =	vsel vm12, $0x1804, v1;
	v2 =	vsel vm6, $0x401, v2;
	v0 =	vsel vm6, $0x1A01, v0  }
0x55: {  	v1 =	vsel vm10, $0x1A05, v1;
	v2 =	vsel vm5, $0x602, v2;
	v0 =	vsel vm5, $0x1C02, v0  }
0x56: {  	v1 =	vsel vm9, $0x1C06, v1;
	v2 =	vsel vm4, $0x803, v2;
	v0 =	vsel vm4, $0x1E03, v0  }
0x57: {  	v1 =	vsel vm8, $0x1E07, v1;
	v2 =	vsel vm3, $0xA04, v2;
	v0 =	vsel vm3, $0x4, v0  }
0x58: {  	v1 =	vsel vm7, $0x0, v1;
	v2 =	vsel vm2, $0xC05, v2;
	v0 =	vsel vm2, $0x205, v0  }
0x59: {  	v1 =	vsel vm6, $0x201, v1;
	v58 =	vsel vm1, $0xE06, v2;
	v2 =	vsel vm11, $0x1800, v15  }
0x5a: {  	v42 =	vsel vm1, $0x406, v0;
	v0 =	vsel vm11, $0xE00, v10;
	v1 =	vsel vm5, $0x402, v1  }
0x5b: {  	v2 =	vsel vm13, $0x1A01, v2;
	v10 =	vunpack.c.0.s8.s32 v63;
	v63 =	vimm.s32 $0x2607  }
0x5c: {  	v0 =	vsel vm13, $0x1001, v0;
	v1 =	vsel vm4, $0x603, v1;
	v2 =	vsel vm14, $0x1C02, v2  }
0x5d: {  	v0 =	vsel vm14, $0x1202, v0;
	v1 =	vsel vm3, $0x804, v1;
	v2 =	vsel vm15, $0x1E03, v2  }
0x5e: {  	v0 =	vsel vm15, $0x1403, v0;
	v1 =	vsel vm2, $0xA05, v1;
	v2 =	vsel vm12, $0x4, v2  }
0x5f: {  	v0 =	vsel vm12, $0x1604, v0;
	v36 =	vsel vm1, $0xC06, v1;
	v1 =	vsel vm11, $0x1600, v14  }
0x60: {  	v2 =	vsel vm10, $0x205, v2;
	v14 =	vimm.s32 $0x1A191817;
	v0 =	vsel vm10, $0x1805, v0  }
0x61: {  	v1 =	vsel vm13, $0x1801, v1;
	v2 =	vsel vm9, $0x406, v2;
	v0 =	vsel vm9, $0x1A06, v0  }
0x62: {  	v15 =	vunpack.c.0.s8.s32 v14;
	v14 =	vimm.s32 $0x2A07;
	v0 =	vsel vm8, $0x1C07, v0  }
0x63: {  	v1 =	vsel vm14, $0x1A02, v1;
	v2 =	vsel vm8, $0x607, v2;
	v0 =	vsel vm7, $0x1E00, v0  }
0x64: {  	v1 =	vsel vm15, $0x1C03, v1;
	v2 =	vsel vm7, $0x800, v2;
	v0 =	vsel vm6, $0x1, v0  }
0x65: {  	v1 =	vsel vm12, $0x1E04, v1;
	v2 =	vsel vm6, $0xA01, v2;
	v0 =	vsel vm5, $0x202, v0  }
0x66: {  	v1 =	vsel vm10, $0x5, v1;
	v2 =	vsel vm5, $0xC02, v2;
	v0 =	vsel vm4, $0x403, v0  }
0x67: {  	v1 =	vsel vm9, $0x206, v1;
	v2 =	vsel vm4, $0xE03, v2;
	v0 =	vsel vm3, $0x604, v0  }
0x68: {  	v1 =	vsel vm8, $0x407, v1;
	v2 =	vsel vm3, $0x1004, v2;
	v0 =	vsel vm2, $0x805, v0  }
0x69: {  	v1 =	vsel vm7, $0x600, v1;
	v60 =	vsel vm1, $0xA06, v0;
	v0 =	vsel vm11, $0x1400, v13  }
0x6a: {  	v2 =	vsel vm2, $0x1205, v2;
	v1 =	vsel vm6, $0x801, v1;
	v0 =	vsel vm13, $0x1601, v0  }
0x6b: {  	v57 =	vsel vm1, $0x1406, v2;
	v2 =	vsel vm11, $0x1E00, v18;
	v0 =	vsel vm14, $0x1802, v0  }
0x6c: {  	v1 =	vsel vm5, $0xA02, v1;
	v2 =	vsel vm13, $0x1, v2;
	v0 =	vsel vm15, $0x1A03, v0  }
0x6d: {  	v13 =	vimm.s32 $0x16151413;
	v1 =	vsel vm4, $0xC03, v1;
	v0 =	vsel vm12, $0x1C04, v0  }
0x6e: {  	v2 =	vsel vm14, $0x202, v2;
	v1 =	vsel vm3, $0xE04, v1;
	v0 =	vsel vm10, $0x1E05, v0  }
0x6f: {  	v2 =	vsel vm15, $0x403, v2;
	v1 =	vsel vm2, $0x1005, v1;
	v0 =	vsel vm9, $0x6, v0  }
0x70: {  	v2 =	vsel vm12, $0x604, v2;
	v28 =	vsel vm1, $0x1206, v1;
	v0 =	vsel vm8, $0x207, v0  }
0x71: {  	v1 =	vsel vm11, $0x1C00, v17;
	v2 =	vsel vm10, $0x805, v2;
	v0 =	vsel vm7, $0x400, v0  }
0x72: {  	v17 =	vimm.s32 $0x13121110;
	v1 =	vsel vm13, $0x1E01, v1;
	v0 =	vsel vm6, $0x601, v0  }
0x73: {  	v2 =	vsel vm9, $0xA06, v2;
	v18 =	vunpack.c.0.s8.s32 v17;
	v0 =	vsel vm5, $0x802, v0  }
0x74: {  	v17 =	vimm.s32 $0x2E07;
	v1 =	vsel vm14, $0x2, v1;
	v0 =	vsel vm4, $0xA03, v0  }
0x75: {  	v2 =	vsel vm8, $0xC07, v2;
	v1 =	vsel vm15, $0x203, v1;
	v0 =	vsel vm3, $0xC04, v0  }
0x76: {  	v2 =	vsel vm7, $0xE00, v2;
	[tilespmem:$0x1FD40] =	vst v18;
	v18 =	vimm.s32 $0x3007;
	v0 =	vsel vm2, $0xE05, v0  }
0x77: {  	v1 =	vsel vm12, $0x404, v1;
	v47 =	vsel vm1, $0x1006, v0;
	v0 =	vsel vm11, $0x1A00, v16  }
0x78: {  	v2 =	vsel vm6, $0x1001, v2;
	v1 =	vsel vm10, $0x605, v1;
	v0 =	vsel vm13, $0x1C01, v0  }
0x79: {  	v2 =	vsel vm5, $0x1202, v2;
	v1 =	vsel vm9, $0x806, v1;
	v0 =	vsel vm14, $0x1E02, v0  }
0x7a: {  	v2 =	vsel vm4, $0x1403, v2;
	v1 =	vsel vm8, $0xA07, v1;
	v0 =	vsel vm15, $0x3, v0  }
0x7b: {  	v2 =	vsel vm3, $0x1604, v2;
	v1 =	vsel vm7, $0xC00, v1;
	v0 =	vsel vm12, $0x204, v0  }
0x7c: {  	v2 =	vsel vm2, $0x1805, v2;
	v1 =	vsel vm6, $0xE01, v1;
	v0 =	vsel vm10, $0x405, v0  }
0x7d: {  	v61 =	vsel vm1, $0x1A06, v2;
	v2 =	vsel vm11, $0x2600, v45;
	v0 =	vsel vm9, $0x606, v0  }
0x7e: {  	v45 =	vimm.s32 $0x3207;
	v1 =	vsel vm5, $0x1002, v1;
	v0 =	vsel vm8, $0x807, v0  }
0x7f: {  	v2 =	vsel vm13, $0x2801, v2;
	v1 =	vsel vm4, $0x1203, v1;
	v0 =	vsel vm7, $0xA00, v0  }
0x80: {  	v2 =	vsel vm14, $0x2A02, v2;
	v1 =	vsel vm3, $0x1404, v1;
	v0 =	vsel vm6, $0xC01, v0  }
0x81: {  	v2 =	vsel vm15, $0x2C03, v2;
	v1 =	vsel vm2, $0x1605, v1;
	v0 =	vsel vm5, $0xE02, v0  }
0x82: {  	v2 =	vsel vm12, $0x2E04, v2;
	v46 =	vsel vm1, $0x1806, v1;
	v0 =	vsel vm4, $0x1003, v0  }
0x83: {  	v1 =	vunpack.c.0.s8.s32 v13;
	v2 =	vsel vm10, $0x3005, v2;
	v0 =	vsel vm3, $0x1204, v0  }
0x84: {  	v16 =	vimm.s32 $0x1F1E1D1C;
	v2 =	vsel vm9, $0x3206, v2;
	v0 =	vsel vm2, $0x1405, v0  }
0x85: {  	[tilespmem:$0x1FD10] =	vst v1;
	v1 =	vunpack.c.0.s8.s32 v16;
	v59 =	vsel vm1, $0x1606, v0;
	v0 =	vsel vm11, $0x2000, v34  }
0x86: {  	v13 =	vimm.s32 $0x2807;
	v2 =	vsel vm8, $0x3407, v2;
	v0 =	vsel vm13, $0x2201, v0  }
0x87: {  	v2 =	vsel vm7, $0x3600, v2;
	[tilespmem:$0x1FD30] =	vst v1;
	v1 =	vunpack.c.0.s8.s32 v19;
	v0 =	vsel vm14, $0x2402, v0  }
0x88: {  	v16 =	vimm.s32 $0x2C07;
	v2 =	vsel vm6, $0x3801, v2;
	v0 =	vsel vm15, $0x2603, v0  }
0x89: {  	v2 =	vsel vm5, $0x3A02, v2;
	[tilespmem:$0x1FD50] =	vst v1;
	v1 =	vsel vm11, $0x2400, v39;
	v0 =	vsel vm12, $0x2804, v0  }
0x8a: {  	v2 =	vsel vm4, $0x3C03, v2;
	v1 =	vsel vm13, $0x2601, v1;
	v0 =	vsel vm10, $0x2A05, v0  }
0x8b: {  	v2 =	vsel vm3, $0x3E04, v2;
	v1 =	vsel vm14, $0x2802, v1;
	v0 =	vsel vm9, $0x2C06, v0  }
0x8c: {  	v62 =	vsel vm2, $0x2005, v2;
	v2 =	vsel vm11, $0x2C00, v14;
	v0 =	vsel vm8, $0x2E07, v0  }
0x8d: {  	v1 =	vsel vm15, $0x2A03, v1;
	v2 =	vsel vm13, $0x2E01, v2;
	v0 =	vsel vm7, $0x3000, v0  }
0x8e: {  	v34 =	vunpack.c.0.s8.s32 v33;
	v1 =	vsel vm12, $0x2C04, v1;
	v0 =	vsel vm6, $0x3201, v0  }
0x8f: {  	s6 =	rddreg [dreg:$0x0];
	v2 =	vsel vm14, $0x3002, v2;
	v1 =	vsel vm10, $0x2E05, v1;
	v0 =	vsel vm5, $0x3402, v0  }
0x90: {  	s1 =	rddreg [dreg:$0x1];
	s2 =	simm.s32 $0x0;
	[tilespmem:$0x1FD20] =	vst v15;
	v2 =	vsel vm15, $0x3203, v2;
	v1 =	vsel vm9, $0x3006, v1;
	v0 =	vsel vm4, $0x3603, v0  }
0x91: {  	[smem:$0x7FF] =	sst s2;
	[tilespmem:$0x1FD60] =	vst v34;
	v2 =	vsel vm12, $0x3404, v2;
	v1 =	vsel vm8, $0x3207, v1;
	v0 =	vsel vm3, $0x3804, v0  }
0x92: {  	s0 =	rddreg [dreg:$0x2];
	v2 =	vsel vm10, $0x3605, v2;
	_ =	strace $0x8000004A;
	[tilespmem:$0x1FDA0] =	vst v6;
	v6 =	vsel vm0, v6, v5;
	v0 =	vsel vm2, $0x3A05, v0  }
0x93: {  	[tilespmem:$0x1FDC0] =	vst v8;
	v8 =	vsel vm0, v8, v7;
	v56 =	vsel vm1, $0x3C06, v0;
	v0 =	vsel vm11, $0x2200, v35  }
0x94: {  	[tilespmem:$0x1FDD0] =	vst v9;
	v9 =	vsel vm0, v10, v9;
	v1 =	vsel vm7, $0x3400, v1;
	v0 =	vsel vm13, $0x2401, v0  }
0x95: {  	[tilespmem:$0x1FDE0] =	vst v10;
	v2 =	vsel vm9, $0x3806, v2;
	v10 =	vcombine.low v9, v8;
	v0 =	vsel vm14, $0x2602, v0  }
0x96: {  	v1 =	vsel vm6, $0x3601, v1;
	v2 =	vsel vm8, $0x3A07, v2;
	v0 =	vsel vm15, $0x2803, v0  }
0x97: {  	v1 =	vsel vm5, $0x3802, v1;
	v2 =	vsel vm7, $0x3C00, v2;
	v0 =	vsel vm12, $0x2A04, v0  }
0x98: {  	v1 =	vsel vm4, $0x3A03, v1;
	v2 =	vsel vm6, $0x3E01, v2;
	v0 =	vsel vm10, $0x2C05, v0  }
0x99: {  	v1 =	vsel vm3, $0x3C04, v1;
	v2 =	vsel vm5, $0x2002, v2;
	v0 =	vsel vm9, $0x2E06, v0  }
0x9a: {  	v1 =	vsel vm2, $0x3E05, v1;
	v2 =	vsel vm4, $0x2203, v2;
	v0 =	vsel vm8, $0x3007, v0  }
0x9b: {  	v34 =	vsel vm1, $0x2006, v1;
	v1 =	vsel vm11, $0x2A00, v13;
	v0 =	vsel vm7, $0x3200, v0  }
0x9c: {  	v2 =	vsel vm3, $0x2404, v2;
	v1 =	vsel vm13, $0x2C01, v1;
	v0 =	vsel vm6, $0x3401, v0  }
0x9d: {  	v13 =	vimm.s32 $0x3407;
	v1 =	vsel vm14, $0x2E02, v1;
	v0 =	vsel vm5, $0x3602, v0  }
0x9e: {  	v15 =	vsel vm2, $0x2605, v2;
	v1 =	vsel vm15, $0x3003, v1;
	v0 =	vsel vm4, $0x3803, v0  }
0x9f: {  	v2 =	vsel vm11, $0x3200, v18;
	v1 =	vsel vm12, $0x3204, v1;
	v0 =	vsel vm3, $0x3A04, v0  }
0xa0: {  	v18 =	vimm.s32 $0x3807;
	v1 =	vsel vm10, $0x3405, v1;
	v0 =	vsel vm2, $0x3C05, v0  }
0xa1: {  	v1 =	vsel vm9, $0x3606, v1;
	v33 =	vsel vm1, $0x3E06, v0;
	v0 =	vsel vm11, $0x2800, v63  }
0xa2: {  	v2 =	vsel vm13, $0x3401, v2;
	v1 =	vsel vm8, $0x3807, v1;
	v0 =	vsel vm13, $0x2A01, v0  }
0xa3: {  	v2 =	vsel vm14, $0x3602, v2;
	v1 =	vsel vm7, $0x3A00, v1;
	v0 =	vsel vm14, $0x2C02, v0  }
0xa4: {  	v35 =	vsel vm1, $0x2206, v62;
	v1 =	vsel vm6, $0x3C01, v1;
	v0 =	vsel vm15, $0x2E03, v0  }
0xa5: {  	v2 =	vsel vm15, $0x3803, v2;
	v1 =	vsel vm5, $0x3E02, v1;
	v0 =	vsel vm12, $0x3004, v0  }
0xa6: {  	v2 =	vsel vm12, $0x3A04, v2;
	v1 =	vsel vm4, $0x2003, v1;
	v0 =	vsel vm10, $0x3205, v0  }
0xa7: {  	v2 =	vsel vm10, $0x3C05, v2;
	v1 =	vsel vm3, $0x2204, v1;
	v0 =	vsel vm9, $0x3406, v0  }
0xa8: {  	v2 =	vsel vm9, $0x3E06, v2;
	v1 =	vsel vm2, $0x2405, v1;
	v0 =	vsel vm8, $0x3607, v0  }
0xa9: {  	v14 =	vsel vm1, $0x2606, v1;
	v1 =	vsel vm11, $0x3000, v17;
	v0 =	vsel vm7, $0x3800, v0  }
0xaa: {  	v2 =	vsel vm8, $0x2007, v2;
	v1 =	vsel vm13, $0x3201, v1;
	v0 =	vsel vm6, $0x3A01, v0  }
0xab: {  	v2 =	vsel vm7, $0x2200, v2;
	v1 =	vsel vm14, $0x3402, v1;
	v0 =	vsel vm5, $0x3C02, v0  }
0xac: {  	v2 =	vsel vm6, $0x2401, v2;
	v1 =	vsel vm15, $0x3603, v1;
	v0 =	vsel vm4, $0x3E03, v0  }
0xad: {  	v2 =	vsel vm5, $0x2602, v2;
	v1 =	vsel vm12, $0x3804, v1;
	v0 =	vsel vm3, $0x2004, v0  }
0xae: {  	v2 =	vsel vm4, $0x2803, v2;
	v1 =	vsel vm10, $0x3A05, v1;
	v0 =	vsel vm2, $0x2205, v0  }
0xaf: {  	v1 =	vsel vm9, $0x3C06, v1;
	v39 =	vsel vm1, $0x2406, v0;
	v0 =	vsel vm11, $0x2E00, v16  }
0xb0: {  	v2 =	vsel vm3, $0x2A04, v2;
	v1 =	vsel vm8, $0x3E07, v1;
	v0 =	vsel vm13, $0x3001, v0  }
0xb1: {  	v19 =	vsel vm2, $0x2C05, v2;
	v1 =	vsel vm7, $0x2000, v1;
	v0 =	vsel vm14, $0x3202, v0  }
0xb2: {  	v21 =	vsel vm1, $0x2E06, v19;
	v1 =	vsel vm6, $0x2201, v1;
	v0 =	vsel vm15, $0x3403, v0  }
0xb3: {  	v19 =	vimm.s32 $0x3A07;
	v1 =	vsel vm5, $0x2402, v1;
	v0 =	vsel vm12, $0x3604, v0  }
0xb4: {  	v63 =	vsel vm1, $0x2806, v15;
	v1 =	vsel vm4, $0x2603, v1;
	v0 =	vsel vm10, $0x3805, v0  }
0xb5: {  	v15 =	vimm.s32 $0x3607;
	v1 =	vsel vm3, $0x2804, v1;
	v0 =	vsel vm9, $0x3A06, v0  }
0xb6: {  	[tilespmem:$0x1FD70] =	vst v3;
	v2 =	vsel vm11, $0x3800, v15;
	v1 =	vsel vm2, $0x2A05, v1;
	v0 =	vsel vm8, $0x3C07, v0  }
0xb7: {  	[tilespmem:$0x1FD80] =	vst v4;
	v62 =	vsel vm1, $0x2C06, v1;
	v1 =	vsel vm11, $0x3600, v13;
	v0 =	vsel vm7, $0x3E00, v0  }
0xb8: {  	[tilespmem:$0x1FD90] =	vst v5;
	v2 =	vsel vm13, $0x3A01, v2;
	v1 =	vsel vm13, $0x3801, v1;
	v0 =	vsel vm6, $0x2001, v0  }
0xb9: {  	[tilespmem:$0x1FDB0] =	vst v7;
	v2 =	vsel vm14, $0x3C02, v2;
	v1 =	vsel vm14, $0x3A02, v1;
	v0 =	vsel vm5, $0x2202, v0  }
0xba: {  	[tilespmem:$0x1FE40] =	vst v11;
	v2 =	vsel vm15, $0x3E03, v2;
	v1 =	vsel vm15, $0x3C03, v1;
	v0 =	vsel vm4, $0x2403, v0  }
0xbb: {  	[tilespmem:$0x1FE50] =	vst v12;
	v2 =	vsel vm12, $0x2004, v2;
	v1 =	vsel vm12, $0x3E04, v1;
	v0 =	vsel vm3, $0x2604, v0  }
0xbc: {  	[tilespmem:$0x1FEB0] =	vst v44;
	v2 =	vsel vm10, $0x2205, v2;
	v1 =	vsel vm10, $0x2005, v1;
	v0 =	vsel vm2, $0x2805, v0  }
0xbd: {  	[tilespmem:$0x1FEC0] =	vst v58;
	v1 =	vsel vm9, $0x2206, v1;
	v20 =	vsel vm1, $0x2A06, v0;
	v0 =	vsel vm11, $0x3400, v45  }
0xbe: {  	[tilespmem:$0x1FED0] =	vst v25;
	v2 =	vsel vm9, $0x2406, v2;
	v1 =	vsel vm8, $0x2407, v1;
	v0 =	vsel vm13, $0x3601, v0  }
0xbf: {  	[tilespmem:$0x1FEE0] =	vst v24;
	v2 =	vsel vm8, $0x2607, v2;
	v1 =	vsel vm7, $0x2600, v1;
	v0 =	vsel vm14, $0x3802, v0  }
0xc0: {  	[tilespmem:$0x1FEF0] =	vst v60;
	v2 =	vsel vm7, $0x2800, v2;
	v1 =	vsel vm6, $0x2801, v1;
	v0 =	vsel vm15, $0x3A03, v0  }
0xc1: {  	[tilespmem:$0x1FF00] =	vst v27;
	v2 =	vsel vm6, $0x2A01, v2;
	v1 =	vsel vm5, $0x2A02, v1;
	v0 =	vsel vm12, $0x3C04, v0  }
0xc2: {  	[tilespmem:$0x1FF10] =	vst v42;
	v2 =	vsel vm5, $0x2C02, v2;
	v1 =	vsel vm4, $0x2C03, v1;
	v0 =	vsel vm10, $0x3E05, v0  }
0xc3: {  	[tilespmem:$0x1FF20] =	vst v36;
	v2 =	vsel vm4, $0x2E03, v2;
	v1 =	vsel vm3, $0x2E04, v1;
	v0 =	vsel vm9, $0x2006, v0  }
0xc4: {  	[tilespmem:$0x1FF70] =	vst v43;
	v2 =	vsel vm3, $0x3004, v2;
	v1 =	vsel vm2, $0x3005, v1;
	v0 =	vsel vm8, $0x2207, v0  }
0xc5: {  	[tilespmem:$0x1FF80] =	vst v22;
	v17 =	vsel vm1, $0x3206, v1;
	v1 =	vsel vm11, $0x3C00, v19;
	v0 =	vsel vm7, $0x2400, v0  }
0xc6: {  	[tilespmem:$0x1FE00] =	vst v6;
	v16 =	vsel vm2, $0x3205, v2;
	v1 =	vsel vm13, $0x3E01, v1;
	v0 =	vsel vm6, $0x2601, v0  }
0xc7: {  	[tilespmem:$0x1FE10] =	vst v8;
	v16 =	vsel vm1, $0x3406, v16;
	v1 =	vsel vm14, $0x2002, v1;
	v0 =	vsel vm5, $0x2802, v0  }
0xc8: {  	[tilespmem:$0x1FE20] =	vst v9;
	v1 =	vsel vm15, $0x2203, v1;
	v45 =	vimm.s32 $0x3C07;
	v0 =	vsel vm4, $0x2A03, v0  }
0xc9: {  	[tilespmem:$0x1FE30] =	vst v10;
	v1 =	vsel vm12, $0x2404, v1;
	v2 =	vsel vm11, $0x3E00, v45;
	v0 =	vsel vm3, $0x2C04, v0  }
0xca: {  	[tilespmem:$0x1FF40] =	vst v34;
	v1 =	vsel vm10, $0x2605, v1;
	v45 =	vsel vm0, v4, v3;
	v0 =	vsel vm2, $0x2E05, v0  }
0xcb: {  	[tilespmem:$0x1FF50] =	vst v35;
	v2 =	vsel vm13, $0x2001, v2;
	v15 =	vsel vm1, $0x3006, v0;
	v0 =	vsel vm11, $0x3A00, v18  }
0xcc: {  	[tilespmem:$0x1FE70] =	vst v14;
	v1 =	vsel vm9, $0x2806, v1;
	v2 =	vsel vm14, $0x2202, v2;
	v0 =	vsel vm13, $0x3C01, v0  }
0xcd: {  	[tilespmem:$0x1FFE0] =	vst v21;
	v23 =	vcombine.low v6, v45;
	v2 =	vsel vm15, $0x2403, v2;
	v0 =	vsel vm14, $0x3E02, v0  }
0xce: {  	[tilespmem:$0x1FDF0] =	vst v45;
	v45 =	vsel vm0, v12, v11;
	v2 =	vsel vm12, $0x2604, v2;
	v0 =	vsel vm15, $0x2003, v0  }
0xcf: {  	[tilespmem:$0x1FF30] =	vst v33;
	v1 =	vsel vm8, $0x2A07, v1;
	v2 =	vsel vm10, $0x2805, v2;
	v0 =	vsel vm12, $0x2204, v0  }
0xd0: {  	[tilespmem:$0x1FFD0] =	vst v62;
	v1 =	vsel vm7, $0x2C00, v1;
	v2 =	vsel vm9, $0x2A06, v2;
	v0 =	vsel vm10, $0x2405, v0  }
0xd1: {  	[tilespmem:$0x1FF60] =	vst v39;
	v1 =	vsel vm6, $0x2E01, v1;
	v2 =	vsel vm8, $0x2C07, v2;
	v0 =	vsel vm9, $0x2606, v0  }
0xd2: {  	s4 =	srdreg.scid;
	s3 =	stileid.u32;
	s11 =	simm.s32 $0x200;
	[tilespmem:$0x1FFA0] =	vst v16;
	v1 =	vsel vm5, $0x3002, v1;
	v2 =	vsel vm7, $0x2E00, v2;
	v0 =	vsel vm8, $0x2807, v0  }
0xd3: {  	s10 =	simm.s32 $0x5;
	s12 =	simm.s32 $0x400;
	s13 =	simm.s32 $0x4400;
	[tilespmem:$0x1FE90] =	vst v17;
	v1 =	vsel vm4, $0x3203, v1;
	v2 =	vsel vm6, $0x3001, v2;
	v0 =	vsel vm7, $0x2A00, v0  }
0xd4: {  	s14 =	simm.s32 $0x1;
	s15 =	simm.s32 $0x8400;
	s16 =	simm.s32 $0x4000;
	[tilespmem:$0x1FE80] =	vst v20;
	v1 =	vsel vm3, $0x3404, v1;
	v2 =	vsel vm5, $0x3202, v2;
	v0 =	vsel vm6, $0x2C01, v0  }
0xd5: {  	s17 =	simm.s32 $0x2;
	s18 =	simm.s32 $0x4;
	s19 =	simm.s32 $0xC400;
	[tilespmem:$0x1FE60] =	vst v45;
	v1 =	vsel vm2, $0x3605, v1;
	v2 =	vsel vm4, $0x3403, v2;
	v0 =	vsel vm5, $0x2E02, v0  }
0xd6: {  	s20 =	simm.s32 $0x3;
	s21 =	simm.s32 $0x0;
	s4 =	sand.u32 $0x1, s4;
	[tilespmem:$0x1FF90] =	vst v23;
	v19 =	vsel vm1, $0x3806, v1;
	v2 =	vsel vm3, $0x3604, v2;
	v0 =	vsel vm4, $0x3003, v0  }
0xd7: {  	s5 =	sshll.u32 s3, $0xA;
	s7 =	ssub.s32 $0x2, s4;
	s8 =	sshll.u32 s4, $0x9;
	[tilespmem:$0x1FFF0] =	vst v19;
	v13 =	vsel vm2, $0x3805, v2;
	v0 =	vsel vm3, $0x3204, v0  }
0xd8: {  	s4 =	sadd.s32 $0xC00, s6;
	s9 =	sshrl.u32 s7, $0x1;
	s5 =	sor.u32 s8, s5;
	v13 =	vsel vm1, $0x3A06, v13;
	[tilespmem:$0x1FFB0] =	vst v15;
	v0 =	vsel vm2, $0x3405, v0  }
0xd9: {  	s6 =	sadd.s32 $0x3D1600, s6;
	s9 =	ssub.s32 s7, s9;
	s31 =	sshrl.u32 s5, $0x3;
	[tilespmem:$0x1FEA0] =	vst v13;
	v18 =	vsel vm1, $0x3606, v0  }
0xda: {  	s8 =	sor.u32 $0x8000, s5;
	s7 =	sadd.s32 s1, s31;
	s9 =	smax.u32 s9, $0x1;
	[tilespmem:$0x1FFC0] =	vst v18  }
.LBB2_1:
0xdb: {  	[tilespmem:s2], [sflag:$0x5] =	stream.linear.gather [hbm4b:s7+s2], $0x200, $0x38;
	[tilespmem:$0x10400] =	vst v63  }
0xdc: {  	_ =	swait.ge [sflag:s10], $0x200  }
0xdd: {  	[sflag:s10] =	ssyncset.done $0x0  }
0xde: {  	s22 =	simm.s32 $0x0;
	[sflag:s10] =	ssyncadd.s32 $0xFFFFFE00  }
0xdf: {  	[tilespmem:s12], [sflag:$0x1] =	stream.indirect.gather [hbm4b:s4+s11], $0x20, s2, s11, $0xb8;
	[tilespmem:$0x10400] =	vst v63  }
.LBB2_2:
0xe0: {  	s23 =	sshllo.u32 s22, $0x1  }
0xe1: {  	s24 =	sshll.u32 s23, $0xE  }
0xe2: {  	s24 =	sor.u32 s5, s24  }
0xe3: {  	s24 =	sshrl.u32 s24, $0x3  }
0xe4: {  	s24 =	sadd.s32 s1, s24  }
0xe5: {  	[tilespmem:s11], [sflag:$0x5] =	stream.linear.gather [hbm4b:s24+s2], $0x200, $0x38;
	[tilespmem:$0x10400] =	vst v63  }
0xe6: {  	_ =	swait.ge [sflag:s10], $0x200  }
0xe7: {  	[sflag:s10] =	ssyncset.done $0x0  }
0xe8: {  	s31 =	simm.s32 $0x0;
	[sflag:s10] =	ssyncadd.s32 $0xFFFFFE00  }
0xe9: {  	v0 =	vor.u32 s31, v29;
	[tilespmem:s13], [sflag:$0x2] =	stream.indirect.gather [hbm4b:s4+s11], $0x20, s11, s11, $0xb8;
	[tilespmem:$0x10400] =	vst v63  }
0xea: {  	v3 =	vshll.u32 v0, $0x5;
	_ =	swait.ge [sflag:s14], $0x4000  }
0xeb: {  	p0 =	seq.s32 s22, $0x0;
	v1 =	vor.u32 v29, v3;
	[sflag:s14] =	ssyncset.done $0x0  }
0xec: {  	v2 =	vor.u32 v48, v3;
	s24 =	simm.s32 @!p0 $0x3;
	[sflag:s14] =	ssyncadd.s32 $0xFFFFC000  }
0xed: {  	v4 =	vor.u32 v30, v3;
	_ =	swait.ge @!p0 [sflag:s24], $0x4000  }
0xee: {  	v5 =	vor.u32 v52, v3;
	[sflag:s24] =	ssyncset.done @!p0 $0x0  }
0xef: {  	v6 =	vor.u32 v49, v3;
	[sflag:s24] =	ssyncadd.s32 @!p0 $0xFFFFC000  }
0xf0: {  	v7 =	vor.u32 v53, v3;
	v1 =	vld.idx.msk [tilespmem:v1+s12+$0x0], $0xffff  }
0xf1: {  	v8 =	vor.u32 v55, v3;
	v2 =	vld.idx.msk [tilespmem:v2+s12+$0x0], $0xffff  }
0xf2: {  	v9 =	vor.u32 v54, v3;
	v4 =	vld.idx.msk [tilespmem:v4+s12+$0x0], $0xffff  }
0xf3: {  	v10 =	vor.u32 v31, v3;
	v5 =	vld.idx.msk [tilespmem:v5+s12+$0x0], $0xffff  }
0xf4: {  	v11 =	vor.u32 v38, v3;
	v6 =	vld.idx.msk [tilespmem:v6+s12+$0x0], $0xffff  }
0xf5: {  	v12 =	vor.u32 v41, v3;
	v7 =	vld.idx.msk [tilespmem:v7+s12+$0x0], $0xffff  }
0xf6: {  	v13 =	vor.u32 v40, v3;
	v8 =	vld.idx.msk [tilespmem:v8+s12+$0x0], $0xffff  }
0xf7: {  	v14 =	vor.u32 v32, v3;
	v9 =	vld.idx.msk [tilespmem:v9+s12+$0x0], $0xffff  }
0xf8: {  	v15 =	vor.u32 v37, v3;
	v10 =	vld.idx.msk [tilespmem:v10+s12+$0x0], $0xffff  }
0xf9: {  	v0 =	vand.u32 $0x1F8, v0;
	v16 =	vor.u32 v50, v3;
	v11 =	vld.idx.msk [tilespmem:v11+s12+$0x0], $0xffff  }
0xfa: {  	v17 =	vor.u32 v51, v3;
	v18 =	vor.u32 v24, v0;
	v12 =	vld.idx.msk [tilespmem:v12+s12+$0x0], $0xffff  }
0xfb: {  	v33 =	vor.u32 v25, v0;
	v13 =	vld.idx.msk [tilespmem:v13+s12+$0x0], $0xffff  }
0xfc: {  	v34 =	vor.u32 v26, v0;
	v14 =	vld.idx.msk [tilespmem:v14+s12+$0x0], $0xffff  }
0xfd: {  	v35 =	vor.u32 v27, v0;
	v15 =	vld.idx.msk [tilespmem:v15+s12+$0x0], $0xffff  }
0xfe: {  	v21 =	vor.u32 v42, v0;
	v16 =	vld.idx.msk [tilespmem:v16+s12+$0x0], $0xffff  }
0xff: {  	v17 =	vld.idx.msk [tilespmem:v17+s12+$0x0], $0xffff;
	[tilespmem:v18+s15+$0x0] =	vst.idx.msk $0xffff, v1;
	v1 =	vor.u32 v44, v0  }
0x100: {  	[tilespmem:v33+s15+$0x0] =	vst.idx.msk $0xffff, v4;
	v4 =	vor.u32 v43, v0  }
0x101: {  	[tilespmem:v34+s15+$0x0] =	vst.idx.msk $0xffff, v10;
	v10 =	vor.u32 v60, v0  }
0x102: {  	[tilespmem:v35+s15+$0x0] =	vst.idx.msk $0xffff, v2;
	v2 =	vor.u32 v36, v0  }
0x103: {  	[tilespmem:v21+s15+$0x0] =	vst.idx.msk $0xffff, v6;
	v6 =	vor.u32 v58, v0  }
0x104: {  	[tilespmem:v1+s15+$0x0] =	vst.idx.msk $0xffff, v16;
	v1 =	vor.u32 v47, v0  }
0x105: {  	v19 =	vld [tilespmem:$0x1FDA0];
	[tilespmem:v4+s15+$0x0] =	vst.idx.msk $0xffff, v17;
	v4 =	vor.u32 v28, v0  }
0x106: {  	v18 =	vld [tilespmem:$0x1FD70];
	[tilespmem:v10+s15+$0x0] =	vst.idx.msk $0xffff, v5;
	v5 =	vor.u32 v57, v0  }
0x107: {  	[tilespmem:v2+s15+$0x0] =	vst.idx.msk $0xffff, v7;
	v2 =	vor.u32 v59, v0  }
0x108: {  	v20 =	vld [tilespmem:$0x1FD20];
	[tilespmem:v6+s15+$0x0] =	vst.idx.msk $0xffff, v14;
	v6 =	vor.u32 v46, v0  }
0x109: {  	v45 =	vmov v23;
	v23 =	vld [tilespmem:$0x1FD60];
	[tilespmem:v1+s15+$0x0] =	vst.idx.msk $0xffff, v15;
	v1 =	vor.u32 v61, v0  }
0x10a: {  	v62 =	vmov v22;
	v22 =	vld [tilespmem:$0x1FD50];
	[tilespmem:v4+s15+$0x0] =	vst.idx.msk $0xffff, v11  }
0x10b: {  	v18 =	vsel vm0, v18, v19;
	v19 =	vld [tilespmem:$0x1FD10];
	[tilespmem:v5+s15+$0x0] =	vst.idx.msk $0xffff, v13  }
0x10c: {  	v10 =	vld [tilespmem:$0x1FE40];
	[tilespmem:v2+s15+$0x0] =	vst.idx.msk $0xffff, v12  }
0x10d: {  	v7 =	vld [tilespmem:$0x1FE50];
	[tilespmem:v6+s15+$0x0] =	vst.idx.msk $0xffff, v9  }
0x10e: {  	[tilespmem:v1+s15+$0x0] =	vst.idx.msk $0xffff, v8;
	v1 =	vld [tilespmem:$0x1FDC0]  }
0x10f: {  	v8 =	vld [tilespmem:$0x1FDD0]  }
0x110: {  	v21 =	vld [tilespmem:$0x1FD30]  }
0x111: {  	v17 =	vld [tilespmem:$0x1FD40]  }
0x112: {  	v14 =	vld [tilespmem:$0x1FDF0];
	v10 =	vsel vm0, v10, v20;
	v7 =	vsel vm0, v19, v7  }
0x113: {  	v39 =	vsel vm0, v20, v19;
	v15 =	vld [tilespmem:$0x1FE00];
	v19 =	vcombine.low v7, v10  }
0x114: {  	v13 =	vsel vm0, v8, v1;
	v1 =	vld [tilespmem:$0x1FDB0]  }
0x115: {  	v4 =	vor.u32 v19, v3;
	v8 =	vld [tilespmem:$0x1FDE0];
	_ =	sdelay $0x1  }
0x116: {  	v35 =	vsel vm0, v21, v23;
	v2 =	vld [tilespmem:$0x1FE30]  }
0x117: {  	v10 =	vcombine.low v10, v7;
	v7 =	vsel vm0, v22, v17;
	v14 =	vcombine.low v14, v15  }
0x118: {  	v16 =	vsel vm0, v23, v22;
	v21 =	vsel vm0, v17, v21;
	v12 =	vld [tilespmem:$0x1FE60];
	v9 =	vcombine.low v35, v7  }
0x119: {  	[tilespmem:$0x1FC70] =	vst v14;
	v5 =	vor.u32 v14, v3;
	v14 =	vsel vm0, v1, v8;
	v1 =	vld.idx.msk [tilespmem:v4+s12+$0x0], $0xffff  }
0x11a: {  	v11 =	vcombine.low v16, v21;
	v4 =	vld [tilespmem:$0x1FD80]  }
0x11b: {  	[tilespmem:$0x1FCA0] =	vst v9;
	v2 =	vor.u32 v2, v3;
	v8 =	vor.u32 v9, v3;
	v9 =	vld [tilespmem:$0x1FD90]  }
0x11c: {  	v33 =	vld [tilespmem:$0x1FF30];
	[tilespmem:$0x1FC80] =	vst v11  }
0x11d: {  	v34 =	vld [tilespmem:$0x1FF40];
	v6 =	vor.u32 v11, v3;
	[tilespmem:$0x1FC60] =	vst v19;
	v11 =	vcombine.low v39, v12  }
0x11e: {  	v35 =	vld [tilespmem:$0x1FF50];
	[tilespmem:$0x1FC90] =	vst v10  }
0x11f: {  	v7 =	vor.u32 v10, v3;
	v19 =	vcombine.low v12, v39;
	v12 =	vld [tilespmem:$0x1FE20];
	[tilespmem:$0x1FCB0] =	vst v11  }
0x120: {  	v11 =	vor.u32 v11, v3;
	v10 =	vld.idx.msk [tilespmem:v2+s12+$0x0], $0xffff;
	v17 =	vcombine.low v13, v14;
	v15 =	vsel vm0, v9, v4  }
0x121: {  	v4 =	vld.idx.msk [tilespmem:v5+s12+$0x0], $0xffff;
	v2 =	vcombine.low v15, v18  }
0x122: {  	[tilespmem:$0x1FCC0] =	vst v17;
	v5 =	vor.u32 v45, v3;
	v9 =	vld.idx.msk [tilespmem:v6+s12+$0x0], $0xffff;
	v45 =	vor.u32 v62, v3  }
0x123: {  	v6 =	vor.u32 v17, v3;
	[tilespmem:$0x1FCD0] =	vst v2;
	v17 =	vor.u32 v2, v3;
	v2 =	vld [tilespmem:$0x1FE10]  }
0x124: {  	v7 =	vld.idx.msk [tilespmem:v7+s12+$0x0], $0xffff  }
0x125: {  	v11 =	vld.idx.msk [tilespmem:v11+s12+$0x0], $0xffff;
	v13 =	vcombine.low v14, v13  }
0x126: {  	v16 =	vcombine.low v21, v16;
	v8 =	vld.idx.msk [tilespmem:v8+s12+$0x0], $0xffff  }
0x127: {  	v62 =	vmov v13;
	v21 =	vcombine.low v18, v15;
	v15 =	vor.u32 v13, v3;
	v13 =	vld.idx.msk [tilespmem:v45+s12+$0x0], $0xffff  }
0x128: {  	v20 =	vcombine.low v2, v12;
	v12 =	vld.idx.msk [tilespmem:v5+s12+$0x0], $0xffff  }
0x129: {  	[tilespmem:$0x1FCE0] =	vst v16;
	v18 =	vor.u32 v16, v3;
	v5 =	vld.idx.msk [tilespmem:v6+s12+$0x0], $0xffff  }
0x12a: {  	[tilespmem:$0x1FCF0] =	vst v19;
	v16 =	vor.u32 v19, v3;
	v45 =	vmov v21;
	v2 =	vor.u32 v33, v0;
	v6 =	vld.idx.msk [tilespmem:v17+s12+$0x0], $0xffff  }
0x12b: {  	s24 =	simm.s32 $0x10;
	v39 =	vld [tilespmem:$0x1FF60];
	v17 =	vor.u32 v21, v3;
	[tilespmem:$0x1FD00] =	vst v20;
	v14 =	vor.u32 v20, v3;
	v3 =	vor.u32 v56, v0  }
.LBB2_3:
0x12c: {  	_ = 	snop  }
0x12d: {  	v22 =	vld [tilespmem:$0x1FE70]  }
0x12e: {  	v18 =	vld.idx.msk [tilespmem:v18+s12+$0x0], $0xffff  }
0x12f: {  	v16 =	vld.idx.msk [tilespmem:v16+s12+$0x0], $0xffff;
	v19 =	vor.u32 v34, v0  }
0x130: {  	v14 =	vld.idx.msk [tilespmem:v14+s12+$0x0], $0xffff;
	v20 =	vor.u32 v35, v0  }
0x131: {  	v15 =	vld.idx.msk [tilespmem:v15+s12+$0x0], $0xffff;
	v21 =	vor.u32 v39, v0  }
0x132: {  	v17 =	vld.idx.msk [tilespmem:v17+s12+$0x0], $0xffff;
	[tilespmem:v3+s15+$0x0] =	vst.idx.msk $0xffff, v13;
	v22 =	vor.u32 v22, v0  }
0x133: {  	v3 =	vor.u32 v63, v0;
	[tilespmem:v2+s15+$0x0] =	vst.idx.msk $0xffff, v12  }
0x134: {  	[tilespmem:v19+s15+$0x0] =	vst.idx.msk $0xffff, v10  }
0x135: {  	[tilespmem:v20+s15+$0x0] =	vst.idx.msk $0xffff, v11  }
0x136: {  	v2 =	vld [tilespmem:$0x1FE80];
	[tilespmem:v21+s15+$0x0] =	vst.idx.msk $0xffff, v9  }
0x137: {  	[tilespmem:v22+s15+$0x0] =	vst.idx.msk $0xffff, v17  }
0x138: {  	[tilespmem:v3+s15+$0x0] =	vst.idx.msk $0xffff, v15;
	v3 =	vld [tilespmem:$0x1FFA0];
	_ =	sdelay $0x1  }
0x139: {  	v10 =	vld [tilespmem:$0x1FFD0]  }
0x13a: {  	v11 =	vld [tilespmem:$0x1FFE0];
	v2 =	vor.u32 v2, v0  }
0x13b: {  	v9 =	vld [tilespmem:$0x1FFB0]  }
0x13c: {  	v13 =	vor.u32 v3, v0;
	v3 =	vld [tilespmem:$0x1FFF0]  }
0x13d: {  	v12 =	vld [tilespmem:$0x1FE90];
	_ =	sdelay $0x1  }
0x13e: {  	v10 =	vor.u32 v10, v0;
	[tilespmem:v2+s15+$0x0] =	vst.idx.msk $0xffff, v7;
	v2 =	vld [tilespmem:$0x1FFC0]  }
0x13f: {  	v11 =	vor.u32 v11, v0  }
0x140: {  	v9 =	vor.u32 v9, v0;
	v7 =	vor.u32 v3, v0;
	v3 =	vld [tilespmem:$0x1FEA0]  }
0x141: {  	v12 =	vor.u32 v12, v0;
	_ =	sdelay $0x1  }
0x142: {  	s25 =	smov.u32 s24;
	[tilespmem:v10+s15+$0x0] =	vst.idx.msk $0xffff, v8;
	v2 =	vor.u32 v2, v0  }
0x143: {  	v8 =	vor.u32 s25, v29;
	[tilespmem:v11+s15+$0x0] =	vst.idx.msk $0xffff, v4  }
0x144: {  	[tilespmem:v9+s15+$0x0] =	vst.idx.msk $0xffff, v14;
	v4 =	vor.u32 v3, v0;
	v3 =	vshll.u32 v8, $0x5  }
0x145: {  	[tilespmem:v12+s15+$0x0] =	vst.idx.msk $0xffff, v16;
	v0 =	vand.u32 $0x1F8, v8;
	v8 =	vor.u32 v29, v3  }
0x146: {  	[tilespmem:v13+s15+$0x0] =	vst.idx.msk $0xffff, v18;
	v10 =	vor.u32 v48, v3  }
0x147: {  	[tilespmem:v2+s15+$0x0] =	vst.idx.msk $0xffff, v6;
	v9 =	vor.u32 v30, v3  }
0x148: {  	[tilespmem:v7+s15+$0x0] =	vst.idx.msk $0xffff, v5;
	v13 =	vor.u32 v52, v3  }
0x149: {  	v11 =	vor.u32 v49, v3;
	[tilespmem:v4+s15+$0x0] =	vst.idx.msk $0xffff, v1  }
0x14a: {  	v17 =	vor.u32 v55, v3;
	v1 =	vld.idx.msk [tilespmem:v8+s12+$0x0], $0xffff  }
0x14b: {  	v15 =	vor.u32 v54, v3;
	v10 =	vld.idx.msk [tilespmem:v10+s12+$0x0], $0xffff  }
0x14c: {  	v18 =	vor.u32 v38, v3;
	v9 =	vld.idx.msk [tilespmem:v9+s12+$0x0], $0xffff  }
0x14d: {  	v7 =	vor.u32 v41, v3;
	v13 =	vld.idx.msk [tilespmem:v13+s12+$0x0], $0xffff  }
0x14e: {  	v5 =	vor.u32 v40, v3;
	v11 =	vld.idx.msk [tilespmem:v11+s12+$0x0], $0xffff  }
0x14f: {  	v6 =	vor.u32 v32, v3;
	v17 =	vld.idx.msk [tilespmem:v17+s12+$0x0], $0xffff  }
0x150: {  	v14 =	vor.u32 v37, v3;
	v15 =	vld.idx.msk [tilespmem:v15+s12+$0x0], $0xffff  }
0x151: {  	v4 =	vor.u32 v31, v3;
	v18 =	vld.idx.msk [tilespmem:v18+s12+$0x0], $0xffff  }
0x152: {  	v16 =	vor.u32 v50, v3;
	v7 =	vld.idx.msk [tilespmem:v7+s12+$0x0], $0xffff  }
0x153: {  	v12 =	vor.u32 v51, v3;
	v5 =	vld.idx.msk [tilespmem:v5+s12+$0x0], $0xffff  }
0x154: {  	v19 =	vor.u32 v24, v0;
	v8 =	vor.u32 v53, v3;
	v6 =	vld.idx.msk [tilespmem:v6+s12+$0x0], $0xffff  }
0x155: {  	v20 =	vor.u32 v25, v0;
	v14 =	vld.idx.msk [tilespmem:v14+s12+$0x0], $0xffff  }
0x156: {  	v21 =	vor.u32 v26, v0;
	v4 =	vld.idx.msk [tilespmem:v4+s12+$0x0], $0xffff  }
0x157: {  	v22 =	vor.u32 v27, v0;
	v16 =	vld.idx.msk [tilespmem:v16+s12+$0x0], $0xffff  }
0x158: {  	v23 =	vor.u32 v42, v0;
	v12 =	vld.idx.msk [tilespmem:v12+s12+$0x0], $0xffff  }
0x159: {  	v8 =	vld.idx.msk [tilespmem:v8+s12+$0x0], $0xffff;
	[tilespmem:v19+s15+$0x0] =	vst.idx.msk $0xffff, v1;
	v1 =	vor.u32 v44, v0  }
0x15a: {  	[tilespmem:v20+s15+$0x0] =	vst.idx.msk $0xffff, v9;
	v9 =	vor.u32 v43, v0  }
0x15b: {  	[tilespmem:v21+s15+$0x0] =	vst.idx.msk $0xffff, v4;
	v4 =	vor.u32 v60, v0  }
0x15c: {  	[tilespmem:v22+s15+$0x0] =	vst.idx.msk $0xffff, v10;
	v10 =	vor.u32 v36, v0  }
0x15d: {  	[tilespmem:v23+s15+$0x0] =	vst.idx.msk $0xffff, v11;
	v11 =	vor.u32 v58, v0  }
0x15e: {  	[tilespmem:v1+s15+$0x0] =	vst.idx.msk $0xffff, v16;
	v1 =	vor.u32 v47, v0  }
0x15f: {  	[tilespmem:v9+s15+$0x0] =	vst.idx.msk $0xffff, v12;
	v9 =	vor.u32 v28, v0  }
0x160: {  	[tilespmem:v4+s15+$0x0] =	vst.idx.msk $0xffff, v13;
	v4 =	vor.u32 v57, v0  }
0x161: {  	[tilespmem:v10+s15+$0x0] =	vst.idx.msk $0xffff, v8;
	v8 =	vor.u32 v59, v0  }
0x162: {  	[tilespmem:v11+s15+$0x0] =	vst.idx.msk $0xffff, v6;
	v6 =	vor.u32 v46, v0  }
0x163: {  	[tilespmem:v1+s15+$0x0] =	vst.idx.msk $0xffff, v14;
	v1 =	vor.u32 v61, v0  }
0x164: {  	[tilespmem:v9+s15+$0x0] =	vst.idx.msk $0xffff, v18  }
0x165: {  	[tilespmem:v4+s15+$0x0] =	vst.idx.msk $0xffff, v5  }
0x166: {  	[tilespmem:v8+s15+$0x0] =	vst.idx.msk $0xffff, v7  }
0x167: {  	v9 =	vld [tilespmem:$0x1FC60];
	[tilespmem:v6+s15+$0x0] =	vst.idx.msk $0xffff, v15  }
0x168: {  	[tilespmem:v1+s15+$0x0] =	vst.idx.msk $0xffff, v17;
	v1 =	vld [tilespmem:$0x1FC90];
	_ =	sdelay $0x4  }
0x169: {  	v9 =	vor.u32 v9, v3;
	v7 =	vor.u32 v1, v3;
	v1 =	vld [tilespmem:$0x1FCA0];
	_ =	sdelay $0x2  }
0x16a: {  	v5 =	vld [tilespmem:$0x1FE30]  }
0x16b: {  	v6 =	vld [tilespmem:$0x1FC80]  }
0x16c: {  	v8 =	vor.u32 v1, v3;
	v1 =	vld.idx.msk [tilespmem:v9+s12+$0x0], $0xffff  }
0x16d: {  	v9 =	vld [tilespmem:$0x1FCB0];
	_ =	sdelay $0x3  }
0x16e: {  	v5 =	vor.u32 v5, v3  }
0x16f: {  	v6 =	vor.u32 v6, v3;
	v11 =	vor.u32 v9, v3;
	v9 =	vld [tilespmem:$0x1FF90];
	_ =	sdelay $0x1  }
0x170: {  	v14 =	vld [tilespmem:$0x1FCE0]  }
0x171: {  	v4 =	vld [tilespmem:$0x1FC70]  }
0x172: {  	v10 =	vld.idx.msk [tilespmem:v5+s12+$0x0], $0xffff  }
0x173: {  	v12 =	vor.u32 v9, v3;
	v9 =	vld.idx.msk [tilespmem:v6+s12+$0x0], $0xffff  }
0x174: {  	v6 =	vld [tilespmem:$0x1FF80]  }
0x175: {  	v5 =	vld [tilespmem:$0x1FCC0]  }
0x176: {  	v18 =	vor.u32 v14, v3;
	v14 =	vld [tilespmem:$0x1FCF0]  }
0x177: {  	v4 =	vor.u32 v4, v3;
	_ =	sdelay $0x1  }
0x178: {  	v13 =	vor.u32 v6, v3;
	v6 =	vld [tilespmem:$0x1FCD0]  }
0x179: {  	v5 =	vor.u32 v5, v3  }
0x17a: {  	v16 =	vor.u32 v14, v3;
	v14 =	vld [tilespmem:$0x1FD00]  }
0x17b: {  	v4 =	vld.idx.msk [tilespmem:v4+s12+$0x0], $0xffff  }
0x17c: {  	v7 =	vld.idx.msk [tilespmem:v7+s12+$0x0], $0xffff  }
0x17d: {  	p1 =	sne.s32 s24, $0x1F0;
	v8 =	vld.idx.msk [tilespmem:v8+s12+$0x0], $0xffff;
	v6 =	vor.u32 v6, v3  }
.Ltmp0:
0x17e: {  	v5 =	vld.idx.msk [tilespmem:v5+s12+$0x0], $0xffff;
	(pc) =	sbr.rel @p1 .LBB2_3-.Ltmp0, $4  }
0x17f: {  	v11 =	vld.idx.msk [tilespmem:v11+s12+$0x0], $0xffff  }
0x180: {  	v12 =	vld.idx.msk [tilespmem:v12+s12+$0x0], $0xffff  }
0x181: {  	v2 =	vor.u32 v33, v0;
	v15 =	vor.u32 v62, v3;
	v13 =	vld.idx.msk [tilespmem:v13+s12+$0x0], $0xffff  }
0x182: {  	s24 =	sadd.s32 $0x10, s24;
	v17 =	vor.u32 v45, v3;
	v14 =	vor.u32 v14, v3;
	v3 =	vor.u32 v56, v0;
	v6 =	vld.idx.msk [tilespmem:v6+s12+$0x0], $0xffff  }
0x183: {  	_ =	sdelay $0x3  }
0x184: {  	v18 =	vld.idx.msk [tilespmem:v18+s12+$0x0], $0xffff  }
0x185: {  	v16 =	vld.idx.msk [tilespmem:v16+s12+$0x0], $0xffff  }
0x186: {  	v22 =	vld [tilespmem:$0x1FE70]  }
0x187: {  	v14 =	vld.idx.msk [tilespmem:v14+s12+$0x0], $0xffff  }
0x188: {  	v19 =	vor.u32 v34, v0;
	v15 =	vld.idx.msk [tilespmem:v15+s12+$0x0], $0xffff  }
0x189: {  	[tilespmem:$0x1FC40] =	vst v62;
	v20 =	vor.u32 v35, v0;
	v17 =	vld.idx.msk [tilespmem:v17+s12+$0x0], $0xffff  }
0x18a: {  	v21 =	vor.u32 v39, v0;
	v62 =	vld [tilespmem:$0x1FE80];
	[tilespmem:v3+s15+$0x0] =	vst.idx.msk $0xffff, v13  }
0x18b: {  	[tilespmem:v2+s15+$0x0] =	vst.idx.msk $0xffff, v12;
	v12 =	vld [tilespmem:$0x1FFD0];
	v22 =	vor.u32 v22, v0  }
0x18c: {  	[tilespmem:$0x1FC50] =	vst v45;
	v13 =	vld [tilespmem:$0x1FFE0]  }
0x18d: {  	v45 =	vor.u32 v63, v0;
	[tilespmem:v19+s15+$0x0] =	vst.idx.msk $0xffff, v10;
	v19 =	vld [tilespmem:$0x1FFB0]  }
0x18e: {  	[tilespmem:v20+s15+$0x0] =	vst.idx.msk $0xffff, v11;
	v20 =	vld [tilespmem:$0x1FE90]  }
0x18f: {  	v2 =	vor.u32 v62, v0;
	[tilespmem:v21+s15+$0x0] =	vst.idx.msk $0xffff, v9;
	v21 =	vld [tilespmem:$0x1FFA0]  }
0x190: {  	v10 =	vor.u32 v12, v0;
	[tilespmem:v22+s15+$0x0] =	vst.idx.msk $0xffff, v17;
	v22 =	vld [tilespmem:$0x1FFC0]  }
0x191: {  	v23 =	vld [tilespmem:$0x1FFF0];
	v11 =	vor.u32 v13, v0  }
0x192: {  	v9 =	vor.u32 v19, v0;
	[tilespmem:v45+s15+$0x0] =	vst.idx.msk $0xffff, v15;
	v45 =	vld [tilespmem:$0x1FEA0]  }
0x193: {  	v12 =	vor.u32 v20, v0  }
0x194: {  	v3 =	vor.u32 v21, v0;
	[tilespmem:v2+s15+$0x0] =	vst.idx.msk $0xffff, v7  }
0x195: {  	[tilespmem:v10+s15+$0x0] =	vst.idx.msk $0xffff, v8;
	v2 =	vor.u32 v22, v0  }
0x196: {  	v7 =	vor.u32 v23, v0;
	[tilespmem:v11+s15+$0x0] =	vst.idx.msk $0xffff, v4  }
0x197: {  	v62 =	vor.u32 v45, v0;
	[tilespmem:v9+s15+$0x0] =	vst.idx.msk $0xffff, v14  }
0x198: {  	p1 =	sne.s32 s22, $0xC;
	[tilespmem:v12+s15+$0x0] =	vst.idx.msk $0xffff, v16  }
.Ltmp1:
0x199: {  	s24 =	sshll.u32 s22, $0x14;
	[tilespmem:v3+s15+$0x0] =	vst.idx.msk $0xffff, v18;
	(pc) =	sbr.rel @p1 .LBB2_6-.Ltmp1, $4  }
0x19a: {  	s24 =	sor.u32 s5, s24;
	[tilespmem:v2+s15+$0x0] =	vst.idx.msk $0xffff, v6  }
0x19b: {  	s24 =	sshrl.u32 s24, $0x3;
	[tilespmem:v7+s15+$0x0] =	vst.idx.msk $0xffff, v5  }
0x19c: {  	s24 =	sadd.s32 s6, s24;
	[tilespmem:v62+s15+$0x0] =	vst.idx.msk $0xffff, v1  }
0x19d: {  	[hbm4b:s24+s11] =	stream.strided.scatter [tilespmem:s15], [sflag:$0x3], $0x4000, s16, s11, $0x38;
	[tilespmem:$0x10400] =	vst v63  }
.Ltmp2:
0x19e: {  	(pc) =	sbr.rel .LBB2_7-.Ltmp2, $4  }
0x19f: {  	_ = 	snop  }
0x1a0: {  	_ =	swait.ge [sflag:s17], $0x4000  }
0x1a1: {  	[sflag:s17] =	ssyncset.done $0x0  }
0x1a2: {  	[sflag:s17] =	ssyncadd.s32 $0xFFFFC000  }
.LBB2_6:
0x1a3: {  	s24 =	sshll.u32 s22, $0xF  }
0x1a4: {  	s24 =	sadd.s32 s8, s24  }
0x1a5: {  	s24 =	sshrl.u32 s24, $0x3  }
0x1a6: {  	s24 =	sadd.s32 s1, s24  }
0x1a7: {  	[tilespmem:s2], [sflag:$0x5] =	stream.linear.gather [hbm4b:s24+s2], $0x200, $0x38;
	[tilespmem:$0x10400] =	vst v63  }
0x1a8: {  	_ =	swait.ge [sflag:s10], $0x200  }
0x1a9: {  	[sflag:s10] =	ssyncset.done $0x0  }
.Ltmp3:
0x1aa: {  	[sflag:s10] =	ssyncadd.s32 $0xFFFFFE00;
	(pc) =	sbr.rel @p0 .LBB2_8-.Ltmp3, $4  }
0x1ab: {  	[tilespmem:s12], [sflag:$0x1] =	stream.indirect.gather [hbm4b:s4+s11], $0x20, s2, s11, $0xb8;
	[tilespmem:$0x10400] =	vst v63  }
0x1ac: {  	_ =	swait.ge [sflag:s17], $0x4000  }
0x1ad: {  	[sflag:s17] =	ssyncset.done $0x0  }
0x1ae: {  	[sflag:s17] =	ssyncadd.s32 $0xFFFFC000  }
.LBB2_7:
0x1af: {  	_ =	swait.ge [sflag:s18], $0x4000  }
0x1b0: {  	[sflag:s18] =	ssyncset.done $0x0  }
0x1b1: {  	[sflag:s18] =	ssyncadd.s32 $0xFFFFC000  }
.LBB2_8:
0x1b2: {  	s24 =	simm.s32 $0x0  }
0x1b3: {  	v0 =	vor.u32 s24, v29  }
0x1b4: {  	v1 =	vshll.u32 v0, $0x5  }
0x1b5: {  	v2 =	vor.u32 v55, v1  }
0x1b6: {  	v3 =	vor.u32 v54, v1  }
0x1b7: {  	v5 =	vor.u32 v41, v1  }
0x1b8: {  	v6 =	vor.u32 v40, v1  }
0x1b9: {  	v11 =	vor.u32 v32, v1  }
0x1ba: {  	v10 =	vor.u32 v37, v1;
	v4 =	vld.idx.msk [tilespmem:v2+s13+$0x0], $0xffff  }
0x1bb: {  	v8 =	vor.u32 v38, v1;
	v7 =	vld.idx.msk [tilespmem:v3+s13+$0x0], $0xffff  }
0x1bc: {  	v17 =	vor.u32 v53, v1;
	v9 =	vld.idx.msk [tilespmem:v5+s13+$0x0], $0xffff  }
0x1bd: {  	v13 =	vld.idx.msk [tilespmem:v6+s13+$0x0], $0xffff  }
0x1be: {  	v16 =	vld.idx.msk [tilespmem:v11+s13+$0x0], $0xffff;
	v11 =	vor.u32 v52, v1  }
0x1bf: {  	v0 =	vand.u32 $0x1F8, v0;
	v15 =	vld.idx.msk [tilespmem:v10+s13+$0x0], $0xffff;
	v10 =	vor.u32 v51, v1  }
0x1c0: {  	v45 =	vor.u32 v49, v1;
	v12 =	vor.u32 v31, v1;
	v14 =	vld.idx.msk [tilespmem:v8+s13+$0x0], $0xffff;
	v6 =	vor.u32 v29, v1  }
0x1c1: {  	s24 =	simm.s32 $0x10;
	v5 =	vor.u32 v30, v1;
	v3 =	vor.u32 v48, v1;
	v8 =	vor.u32 v50, v1;
	v17 =	vld.idx.msk [tilespmem:v17+s13+$0x0], $0xffff  }
.LBB2_9:
0x1c2: {  	_ = 	snop  }
0x1c3: {  	v11 =	vld.idx.msk [tilespmem:v11+s13+$0x0], $0xffff  }
0x1c4: {  	v10 =	vld.idx.msk [tilespmem:v10+s13+$0x0], $0xffff  }
0x1c5: {  	v6 =	vld.idx.msk [tilespmem:v6+s13+$0x0], $0xffff;
	v18 =	vor.u32 v24, v0  }
0x1c6: {  	v5 =	vld.idx.msk [tilespmem:v5+s13+$0x0], $0xffff;
	v19 =	vor.u32 v25, v0  }
0x1c7: {  	v12 =	vld.idx.msk [tilespmem:v12+s13+$0x0], $0xffff;
	v20 =	vor.u32 v26, v0  }
0x1c8: {  	v3 =	vld.idx.msk [tilespmem:v3+s13+$0x0], $0xffff;
	v21 =	vor.u32 v27, v0  }
0x1c9: {  	v2 =	vld.idx.msk [tilespmem:v45+s13+$0x0], $0xffff;
	v22 =	vor.u32 v42, v0  }
0x1ca: {  	v8 =	vld.idx.msk [tilespmem:v8+s13+$0x0], $0xffff;
	[tilespmem:v18+s19+$0x0] =	vst.idx.msk $0xffff, v6;
	v6 =	vor.u32 v44, v0  }
0x1cb: {  	[tilespmem:v19+s19+$0x0] =	vst.idx.msk $0xffff, v5;
	v5 =	vor.u32 v43, v0  }
0x1cc: {  	[tilespmem:v20+s19+$0x0] =	vst.idx.msk $0xffff, v12  }
0x1cd: {  	v12 =	vor.u32 v60, v0;
	[tilespmem:v21+s19+$0x0] =	vst.idx.msk $0xffff, v3  }
0x1ce: {  	s25 =	smov.u32 s24;
	v3 =	vor.u32 v36, v0;
	[tilespmem:v22+s19+$0x0] =	vst.idx.msk $0xffff, v2  }
0x1cf: {  	v36 =	vor.u32 v58, v0;
	v2 =	vor.u32 s25, v29;
	[tilespmem:v6+s19+$0x0] =	vst.idx.msk $0xffff, v8  }
0x1d0: {  	v8 =	vor.u32 v47, v0;
	v27 =	vshll.u32 v2, $0x5;
	v2 =	vand.u32 $0x1F8, v2;
	[tilespmem:v5+s19+$0x0] =	vst.idx.msk $0xffff, v10  }
0x1d1: {  	v25 =	vor.u32 v28, v0;
	[tilespmem:$0x1FC30] =	vst v2  }
0x1d2: {  	[tilespmem:v12+s19+$0x0] =	vst.idx.msk $0xffff, v11;
	v12 =	vor.u32 v57, v0  }
0x1d3: {  	v43 =	vmov v26;
	v26 =	vor.u32 v59, v0;
	[tilespmem:v3+s19+$0x0] =	vst.idx.msk $0xffff, v17  }
0x1d4: {  	v24 =	vor.u32 v46, v0;
	[tilespmem:v36+s19+$0x0] =	vst.idx.msk $0xffff, v16  }
0x1d5: {  	v23 =	vor.u32 v61, v0;
	v2 =	vld [tilespmem:$0x1FCD0];
	[tilespmem:v8+s19+$0x0] =	vst.idx.msk $0xffff, v15  }
0x1d6: {  	[tilespmem:v25+s19+$0x0] =	vst.idx.msk $0xffff, v14  }
0x1d7: {  	[tilespmem:v12+s19+$0x0] =	vst.idx.msk $0xffff, v13  }
0x1d8: {  	[tilespmem:v26+s19+$0x0] =	vst.idx.msk $0xffff, v9  }
0x1d9: {  	[tilespmem:v24+s19+$0x0] =	vst.idx.msk $0xffff, v7  }
0x1da: {  	[tilespmem:v23+s19+$0x0] =	vst.idx.msk $0xffff, v4;
	v4 =	vor.u32 v2, v1;
	v2 =	vld [tilespmem:$0x1FCE0];
	_ =	sdelay $0x4  }
0x1db: {  	v9 =	vor.u32 v2, v1;
	v2 =	vld [tilespmem:$0x1FC70];
	_ =	sdelay $0x4  }
0x1dc: {  	v44 =	vor.u32 v2, v1;
	v2 =	vld [tilespmem:$0x1FCB0]  }
0x1dd: {  	v62 =	vld [tilespmem:$0x1FCA0]  }
0x1de: {  	v60 =	vld [tilespmem:$0x1FC40]  }
0x1df: {  	v19 =	vld [tilespmem:$0x1FCC0]  }
0x1e0: {  	v18 =	vld [tilespmem:$0x1FC80]  }
0x1e1: {  	v24 =	vor.u32 v2, v1;
	v2 =	vld [tilespmem:$0x1FE30]  }
0x1e2: {  	v21 =	vor.u32 v62, v1;
	v62 =	vmov v51;
	v10 =	vor.u32 v51, v27;
	v51 =	vld [tilespmem:$0x1FC60]  }
0x1e3: {  	v45 =	vor.u32 v49, v27;
	v20 =	vor.u32 v60, v1;
	v60 =	vmov v49;
	v49 =	vld [tilespmem:$0x1FC50]  }
0x1e4: {  	v42 =	vmovc v61;
	v61 =	vmov v50;
	v19 =	vor.u32 v19, v1;
	v8 =	vor.u32 v50, v27;
	v50 =	vld [tilespmem:$0x1FC90]  }
0x1e5: {  	v58 =	vmov v31;
	v18 =	vor.u32 v18, v1;
	v12 =	vor.u32 v31, v27;
	v31 =	vld [tilespmem:$0x1FD00]  }
0x1e6: {  	v26 =	vor.u32 v2, v1;
	v2 =	vld [tilespmem:$0x1FF80]  }
0x1e7: {  	v51 =	vor.u32 v51, v1;
	v7 =	vld.idx.msk [tilespmem:v21+s13+$0x0], $0xffff  }
0x1e8: {  	v49 =	vor.u32 v49, v1;
	v20 =	vld.idx.msk [tilespmem:v20+s13+$0x0], $0xffff  }
0x1e9: {  	v19 =	vld.idx.msk [tilespmem:v19+s13+$0x0], $0xffff  }
0x1ea: {  	v6 =	vor.u32 v29, v27;
	v18 =	vld.idx.msk [tilespmem:v18+s13+$0x0], $0xffff  }
0x1eb: {  	v5 =	vor.u32 v30, v27;
	v29 =	vor.u32 v2, v1;
	v2 =	vmovc v57;
	v57 =	vmov v30;
	v30 =	vld [tilespmem:$0x1FF90]  }
0x1ec: {  	v50 =	vor.u32 v50, v1;
	v51 =	vld.idx.msk [tilespmem:v51+s13+$0x0], $0xffff  }
0x1ed: {  	v49 =	vld.idx.msk [tilespmem:v49+s13+$0x0], $0xffff  }
0x1ee: {  	v21 =	vld.idx.msk [tilespmem:v44+s13+$0x0], $0xffff  }
0x1ef: {  	v3 =	vor.u32 v48, v27;
	v31 =	vor.u32 v31, v1;
	v44 =	vmovc v46;
	v46 =	vmovc v59;
	v59 =	vmov v48;
	v48 =	vld [tilespmem:$0x1FCF0]  }
0x1f0: {  	v22 =	vor.u32 v55, v27;
	v4 =	vld.idx.msk [tilespmem:v4+s13+$0x0], $0xffff;
	v30 =	vor.u32 v30, v1  }
0x1f1: {  	v11 =	vor.u32 v52, v27;
	v17 =	vor.u32 v41, v27;
	v16 =	vor.u32 v32, v27;
	v50 =	vld.idx.msk [tilespmem:v50+s13+$0x0], $0xffff  }
0x1f2: {  	v36 =	vmovc v63;
	v63 =	vmov v52;
	v52 =	vor.u32 v56, v0;
	v15 =	vor.u32 v37, v27;
	v9 =	vld.idx.msk [tilespmem:v9+s13+$0x0], $0xffff  }
0x1f3: {  	v14 =	vor.u32 v40, v27;
	v25 =	vor.u32 v53, v27;
	v13 =	vor.u32 v54, v27;
	v29 =	vld.idx.msk [tilespmem:v29+s13+$0x0], $0xffff  }
0x1f4: {  	v23 =	vor.u32 v38, v27;
	v48 =	vor.u32 v48, v1;
	v1 =	vmov v27;
	v27 =	vld.idx.msk [tilespmem:v31+s13+$0x0], $0xffff  }
0x1f5: {  	v31 =	vor.u32 v33, v0;
	v30 =	vld.idx.msk [tilespmem:v30+s13+$0x0], $0xffff  }
0x1f6: {  	v24 =	vld.idx.msk [tilespmem:v24+s13+$0x0], $0xffff;
	v33 =	vmov v41;
	v41 =	vmov v40  }
0x1f7: {  	v26 =	vld.idx.msk [tilespmem:v26+s13+$0x0], $0xffff;
	v40 =	vmovc v38;
	v38 =	vmovc v37;
	v37 =	vmov v32;
	v32 =	vmov v53;
	v53 =	vor.u32 v34, v0  }
0x1f8: {  	v34 =	vmovc v54;
	v54 =	vor.u32 v35, v0;
	v35 =	vmovc v55;
	v55 =	vor.u32 v39, v0;
	v39 =	vmov v56;
	v56 =	vld [tilespmem:$0x1FE70]  }
0x1f9: {  	v48 =	vld.idx.msk [tilespmem:v48+s13+$0x0], $0xffff;
	[tilespmem:v52+s19+$0x0] =	vst.idx.msk $0xffff, v29  }
0x1fa: {  	[tilespmem:v31+s19+$0x0] =	vst.idx.msk $0xffff, v30;
	v30 =	vld [tilespmem:$0x1FE80];
	_ =	sdelay $0x2  }
0x1fb: {  	v56 =	vor.u32 v56, v0  }
0x1fc: {  	v29 =	vor.u32 v36, v0  }
0x1fd: {  	[tilespmem:v53+s19+$0x0] =	vst.idx.msk $0xffff, v26;
	v30 =	vor.u32 v30, v0  }
0x1fe: {  	[tilespmem:v54+s19+$0x0] =	vst.idx.msk $0xffff, v24  }
0x1ff: {  	[tilespmem:v55+s19+$0x0] =	vst.idx.msk $0xffff, v18  }
0x200: {  	[tilespmem:v56+s19+$0x0] =	vst.idx.msk $0xffff, v49  }
0x201: {  	v26 =	vld [tilespmem:$0x1FFD0];
	[tilespmem:v29+s19+$0x0] =	vst.idx.msk $0xffff, v20  }
0x202: {  	[tilespmem:v30+s19+$0x0] =	vst.idx.msk $0xffff, v50;
	v30 =	vmov v57;
	v57 =	vmov v2;
	v2 =	vld [tilespmem:$0x1FFC0];
	_ =	sdelay $0x1  }
0x203: {  	v52 =	vmov v63;
	v63 =	vmov v36;
	v36 =	vld [tilespmem:$0x1FF20]  }
0x204: {  	v24 =	vld [tilespmem:$0x1FFE0]  }
0x205: {  	v18 =	vld [tilespmem:$0x1FFB0]  }
0x206: {  	v26 =	vor.u32 v26, v0;
	v29 =	vor.u32 v2, v0;
	v2 =	vld [tilespmem:$0x1FFF0]  }
0x207: {  	v31 =	vld [tilespmem:$0x1FE90]  }
0x208: {  	v53 =	vmov v32;
	v49 =	vmov v60;
	v60 =	vld [tilespmem:$0x1FFA0]  }
0x209: {  	v32 =	vmovc v37;
	v37 =	vmovc v38;
	v38 =	vmov v40;
	v40 =	vmov v41;
	v41 =	vmov v33;
	v33 =	vld [tilespmem:$0x1FF30]  }
0x20a: {  	v54 =	vmov v34;
	v34 =	vld [tilespmem:$0x1FF40];
	v24 =	vor.u32 v24, v0  }
0x20b: {  	v18 =	vor.u32 v18, v0;
	[tilespmem:v26+s19+$0x0] =	vst.idx.msk $0xffff, v7;
	v7 =	vor.u32 v2, v0;
	v2 =	vld [tilespmem:$0x1FEA0]  }
0x20c: {  	v55 =	vmov v35;
	v35 =	vld [tilespmem:$0x1FF50];
	v31 =	vor.u32 v31, v0  }
0x20d: {  	v56 =	vmov v39;
	v39 =	vld [tilespmem:$0x1FF60];
	v20 =	vor.u32 v60, v0  }
0x20e: {  	v60 =	vld [tilespmem:$0x1FEF0]  }
0x20f: {  	v50 =	vmov v61;
	v61 =	vmov v42;
	v42 =	vld [tilespmem:$0x1FF10];
	[tilespmem:v24+s19+$0x0] =	vst.idx.msk $0xffff, v21  }
0x210: {  	v26 =	vmov v43;
	v43 =	vld [tilespmem:$0x1FF70];
	[tilespmem:v18+s19+$0x0] =	vst.idx.msk $0xffff, v27;
	v21 =	vor.u32 v2, v0  }
0x211: {  	v24 =	vld [tilespmem:$0x1FEE0];
	[tilespmem:v31+s19+$0x0] =	vst.idx.msk $0xffff, v48  }
0x212: {  	v27 =	vld [tilespmem:$0x1FF00];
	[tilespmem:v20+s19+$0x0] =	vst.idx.msk $0xffff, v9  }
0x213: {  	v31 =	vmov v58;
	v58 =	vld [tilespmem:$0x1FEC0];
	[tilespmem:v29+s19+$0x0] =	vst.idx.msk $0xffff, v4  }
0x214: {  	v48 =	vmov v59;
	v59 =	vmov v46;
	v46 =	vmov v44;
	v44 =	vld [tilespmem:$0x1FEB0];
	[tilespmem:v7+s19+$0x0] =	vst.idx.msk $0xffff, v19  }
0x215: {  	v2 =	vld [tilespmem:$0x1FC30];
	[tilespmem:v21+s19+$0x0] =	vst.idx.msk $0xffff, v51  }
0x216: {  	v4 =	vld.idx.msk [tilespmem:v22+s13+$0x0], $0xffff  }
0x217: {  	v7 =	vld.idx.msk [tilespmem:v13+s13+$0x0], $0xffff  }
0x218: {  	v9 =	vld.idx.msk [tilespmem:v17+s13+$0x0], $0xffff  }
0x219: {  	p0 =	sne.s32 s24, $0x1F0;
	v13 =	vld.idx.msk [tilespmem:v14+s13+$0x0], $0xffff  }
.Ltmp4:
0x21a: {  	v14 =	vld.idx.msk [tilespmem:v23+s13+$0x0], $0xffff;
	(pc) =	sbr.rel @p0 .LBB2_9-.Ltmp4, $4  }
0x21b: {  	v15 =	vld.idx.msk [tilespmem:v15+s13+$0x0], $0xffff  }
0x21c: {  	v16 =	vld.idx.msk [tilespmem:v16+s13+$0x0], $0xffff  }
0x21d: {  	v17 =	vld.idx.msk [tilespmem:v25+s13+$0x0], $0xffff  }
0x21e: {  	s24 =	sadd.s32 $0x10, s24;
	v29 =	vlaneseq.u32;
	v0 =	vmov v2;
	v51 =	vmov v62;
	v25 =	vld [tilespmem:$0x1FED0]  }
0x21f: {  	_ =	sdelay $0x3  }
0x220: {  	v11 =	vld.idx.msk [tilespmem:v11+s13+$0x0], $0xffff  }
0x221: {  	v10 =	vld.idx.msk [tilespmem:v10+s13+$0x0], $0xffff  }
0x222: {  	v6 =	vld.idx.msk [tilespmem:v6+s13+$0x0], $0xffff;
	v18 =	vor.u32 v24, v0  }
0x223: {  	v5 =	vld.idx.msk [tilespmem:v5+s13+$0x0], $0xffff;
	v19 =	vor.u32 v25, v0  }
0x224: {  	v12 =	vld.idx.msk [tilespmem:v12+s13+$0x0], $0xffff;
	v20 =	vor.u32 v26, v0  }
0x225: {  	v3 =	vld.idx.msk [tilespmem:v3+s13+$0x0], $0xffff;
	v21 =	vor.u32 v27, v0  }
0x226: {  	v2 =	vld.idx.msk [tilespmem:v45+s13+$0x0], $0xffff;
	v22 =	vor.u32 v42, v0  }
0x227: {  	v8 =	vld.idx.msk [tilespmem:v8+s13+$0x0], $0xffff;
	v62 =	vor.u32 v44, v0;
	[tilespmem:v18+s19+$0x0] =	vst.idx.msk $0xffff, v6  }
0x228: {  	[tilespmem:v19+s19+$0x0] =	vst.idx.msk $0xffff, v5;
	v5 =	vor.u32 v43, v0  }
0x229: {  	v18 =	vor.u32 v60, v0;
	[tilespmem:v20+s19+$0x0] =	vst.idx.msk $0xffff, v12  }
0x22a: {  	v19 =	vor.u32 v36, v0;
	[tilespmem:v21+s19+$0x0] =	vst.idx.msk $0xffff, v3  }
0x22b: {  	v45 =	vor.u32 v58, v0;
	[tilespmem:v22+s19+$0x0] =	vst.idx.msk $0xffff, v2  }
0x22c: {  	[tilespmem:v62+s19+$0x0] =	vst.idx.msk $0xffff, v8;
	v62 =	vor.u32 v47, v0  }
0x22d: {  	v23 =	vld [tilespmem:$0x1FF90];
	[tilespmem:v5+s19+$0x0] =	vst.idx.msk $0xffff, v10;
	v5 =	vor.u32 v28, v0  }
0x22e: {  	v12 =	vld [tilespmem:$0x1FCA0];
	[tilespmem:v18+s19+$0x0] =	vst.idx.msk $0xffff, v11  }
0x22f: {  	v22 =	vld [tilespmem:$0x1FF80];
	v18 =	vor.u32 v57, v0;
	[tilespmem:v19+s19+$0x0] =	vst.idx.msk $0xffff, v17  }
0x230: {  	v19 =	vor.u32 v59, v0;
	v17 =	vld [tilespmem:$0x1FCE0];
	[tilespmem:v45+s19+$0x0] =	vst.idx.msk $0xffff, v16  }
0x231: {  	v45 =	vor.u32 v46, v0;
	v16 =	vld [tilespmem:$0x1FCD0];
	[tilespmem:v62+s19+$0x0] =	vst.idx.msk $0xffff, v15  }
0x232: {  	v62 =	vor.u32 v61, v0;
	[tilespmem:v5+s19+$0x0] =	vst.idx.msk $0xffff, v14;
	v14 =	vld [tilespmem:$0x1FCC0]  }
0x233: {  	v15 =	vld [tilespmem:$0x1FC80];
	v5 =	vor.u32 v12, v1  }
0x234: {  	v12 =	vor.u32 v22, v1;
	[tilespmem:v18+s19+$0x0] =	vst.idx.msk $0xffff, v13;
	v13 =	vld [tilespmem:$0x1FC40]  }
0x235: {  	v18 =	vld [tilespmem:$0x1FC70];
	[tilespmem:v19+s19+$0x0] =	vst.idx.msk $0xffff, v9  }
0x236: {  	v19 =	vld [tilespmem:$0x1FCB0];
	[tilespmem:v45+s19+$0x0] =	vst.idx.msk $0xffff, v7;
	v2 =	vor.u32 v16, v1  }
0x237: {  	v45 =	vld [tilespmem:$0x1FE30];
	[tilespmem:v62+s19+$0x0] =	vst.idx.msk $0xffff, v4;
	v10 =	vor.u32 v14, v1  }
0x238: {  	v4 =	vld.idx.msk [tilespmem:v5+s13+$0x0], $0xffff  }
0x239: {  	v62 =	vor.u32 v23, v1;
	v12 =	vld.idx.msk [tilespmem:v12+s13+$0x0], $0xffff  }
0x23a: {  	v7 =	vor.u32 v18, v1;
	v18 =	vld [tilespmem:$0x1FD00]  }
0x23b: {  	v8 =	vor.u32 v13, v1;
	v2 =	vld.idx.msk [tilespmem:v2+s13+$0x0], $0xffff  }
0x23c: {  	v9 =	vld.idx.msk [tilespmem:v10+s13+$0x0], $0xffff  }
0x23d: {  	v10 =	vor.u32 v45, v1;
	v45 =	vld [tilespmem:$0x1FC50]  }
0x23e: {  	v3 =	vor.u32 v15, v1;
	v11 =	vld.idx.msk [tilespmem:v62+s13+$0x0], $0xffff  }
0x23f: {  	v5 =	vor.u32 v17, v1;
	v62 =	vld [tilespmem:$0x1FC90]  }
0x240: {  	v6 =	vld.idx.msk [tilespmem:v8+s13+$0x0], $0xffff  }
0x241: {  	v8 =	vor.u32 v19, v1;
	v19 =	vld [tilespmem:$0x1FCF0]  }
0x242: {  	v15 =	vor.u32 v45, v1;
	v45 =	vld [tilespmem:$0x1FC60]  }
0x243: {  	v3 =	vld.idx.msk [tilespmem:v3+s13+$0x0], $0xffff;
	v13 =	vor.u32 v18, v1  }
0x244: {  	v5 =	vld.idx.msk [tilespmem:v5+s13+$0x0], $0xffff;
	v16 =	vor.u32 v62, v1  }
0x245: {  	v7 =	vld.idx.msk [tilespmem:v7+s13+$0x0], $0xffff  }
0x246: {  	v10 =	vld.idx.msk [tilespmem:v10+s13+$0x0], $0xffff;
	v14 =	vor.u32 v19, v1  }
0x247: {  	v8 =	vld.idx.msk [tilespmem:v8+s13+$0x0], $0xffff;
	v1 =	vor.u32 v45, v1  }
0x248: {  	v62 =	vor.u32 v56, v0;
	v13 =	vld.idx.msk [tilespmem:v13+s13+$0x0], $0xffff  }
0x249: {  	v16 =	vld.idx.msk [tilespmem:v16+s13+$0x0], $0xffff  }
0x24a: {  	v33 =	vor.u32 v33, v0;
	v15 =	vld.idx.msk [tilespmem:v15+s13+$0x0], $0xffff  }
0x24b: {  	v45 =	vor.u32 v34, v0;
	v14 =	vld.idx.msk [tilespmem:v14+s13+$0x0], $0xffff  }
0x24c: {  	v1 =	vld.idx.msk [tilespmem:v1+s13+$0x0], $0xffff  }
0x24d: {  	[tilespmem:v62+s19+$0x0] =	vst.idx.msk $0xffff, v12;
	v62 =	vld [tilespmem:$0x1FE70];
	_ =	sdelay $0x1  }
0x24e: {  	[tilespmem:v33+s19+$0x0] =	vst.idx.msk $0xffff, v11  }
0x24f: {  	v20 =	vor.u32 v35, v0;
	[tilespmem:v45+s19+$0x0] =	vst.idx.msk $0xffff, v10;
	v10 =	vld [tilespmem:$0x1FE80]  }
0x250: {  	v21 =	vor.u32 v39, v0  }
0x251: {  	v12 =	vor.u32 v62, v0  }
0x252: {  	v11 =	vor.u32 v63, v0;
	_ =	sdelay $0x1  }
0x253: {  	[tilespmem:v20+s19+$0x0] =	vst.idx.msk $0xffff, v8;
	v62 =	vld [tilespmem:$0x1FFD0];
	v33 =	vor.u32 v10, v0  }
0x254: {  	v35 =	vld [tilespmem:$0x1FFE0];
	[tilespmem:v21+s19+$0x0] =	vst.idx.msk $0xffff, v3  }
0x255: {  	v45 =	vld [tilespmem:$0x1FFB0];
	[tilespmem:v12+s19+$0x0] =	vst.idx.msk $0xffff, v15  }
0x256: {  	[tilespmem:v11+s19+$0x0] =	vst.idx.msk $0xffff, v6;
	v6 =	vld [tilespmem:$0x1FE90]  }
0x257: {  	v11 =	vld [tilespmem:$0x1FFA0]  }
0x258: {  	v34 =	vor.u32 v62, v0;
	[tilespmem:v33+s19+$0x0] =	vst.idx.msk $0xffff, v16;
	v33 =	vld [tilespmem:$0x1FFC0]  }
0x259: {  	v39 =	vor.u32 v35, v0;
	v35 =	vld [tilespmem:$0x1FFF0]  }
0x25a: {  	v62 =	vor.u32 v45, v0;
	v45 =	vld [tilespmem:$0x1FEA0]  }
0x25b: {  	v6 =	vor.u32 v6, v0  }
0x25c: {  	v10 =	vor.u32 v11, v0  }
0x25d: {  	[tilespmem:v34+s19+$0x0] =	vst.idx.msk $0xffff, v4;
	v34 =	vor.u32 v33, v0  }
0x25e: {  	[tilespmem:v39+s19+$0x0] =	vst.idx.msk $0xffff, v7;
	v39 =	vor.u32 v35, v0  }
0x25f: {  	s22 =	sadd.s32 $0x1, s22;
	[tilespmem:v62+s19+$0x0] =	vst.idx.msk $0xffff, v13;
	v62 =	vor.u32 v45, v0  }
0x260: {  	p0 =	sne.s32 s22, $0xD;
	[tilespmem:v6+s19+$0x0] =	vst.idx.msk $0xffff, v14  }
.Ltmp5:
0x261: {  	s23 =	sshll.u32 s23, $0x13;
	[tilespmem:v10+s19+$0x0] =	vst.idx.msk $0xffff, v5;
	(pc) =	sbr.rel @p0 .LBB2_2-.Ltmp5, $4  }
0x262: {  	s23 =	sor.u32 s5, s23;
	[tilespmem:v34+s19+$0x0] =	vst.idx.msk $0xffff, v2  }
0x263: {  	s23 =	sshrl.u32 s23, $0x3;
	[tilespmem:v39+s19+$0x0] =	vst.idx.msk $0xffff, v9  }
0x264: {  	s23 =	sadd.s32 s6, s23;
	[tilespmem:v62+s19+$0x0] =	vst.idx.msk $0xffff, v1  }
0x265: {  	[hbm4b:s23+s11] =	stream.strided.scatter [tilespmem:s19], [sflag:$0x4], $0x4000, s16, s11, $0x38;
	[tilespmem:$0x10400] =	vst v63  }
0x266: {  	s21 =	sadd.s32 $0x1, s21  }
0x267: {  	_ =	swait.ge [sflag:s20], $0x4000;
	p0 =	sne.s32 s21, s9  }
.Ltmp6:
0x268: {  	[sflag:s20] =	ssyncset.done $0x0;
	(pc) =	sbr.rel @p0 .LBB2_1-.Ltmp6, $4  }
0x269: {  	[sflag:s20] =	ssyncadd.s32 $0xFFFFC000  }
0x26a: {  	_ =	swait.ge [sflag:s18], $0x4000  }
0x26b: {  	[sflag:s18] =	ssyncset.done $0x0  }
0x26c: {  	[sflag:s18] =	ssyncadd.s32 $0xFFFFC000  }
0x26d: {  	_ =	sfence.sel $0x180000  }
0x26e: {  	[bflag:$0x0] =	sbarrier.arrive $0xFFFF  }
0x26f: {  	p0 =	sne.s32 s3, $0x0;
	_ =	strace $0x9000004A  }
0x270: {  	s0 =	sadd.s32 @!p0 $0x100000, s0;
	[bflag:$0x2] =	sbarrier.arrive $0xFFFF  }
0x271: {  	[sflag:s0] =	ssyncadd.tile.s32 @!p0 $0x1;
	_ =	shalt  }
.Lfunc_end2:
_tile_overlayer_lowered:
.L_overlay_start_2:
0x272: {  	(tag) =	ssettag $0x2  }
0x273: {  	s0 =	rddreg [dreg:$0x0];
	s2 =	stileid.u32  }
0x274: {  	s1 =	rddreg [dreg:$0x1];
	p0 =	sne.s32 s2, $0x0  }
0x275: {  	s3 =	rddreg [dreg:$0x2];
	[bflag:$0x3] =	sbarrier.arrive $0xFFFF;
	s2 =	simm.s32 @!p0 $0x1C05  }
0x276: {  	[timem:s3], [sflag:s2] =	dma.local @!p0 [hbm:s0], s1  }
0x277: {  	s0 =	simm.s32 @!p0 $0x5  }
0x278: {  	_ =	swait.ge @!p0 [sflag:s0], s1  }
0x279: {  	s1 =	ssub.s32 @!p0 $0x0, s1;
	[sflag:s0] =	ssyncset.done @!p0 $0x0  }
0x27a: {  	[sflag:s0] =	ssyncadd.s32 @!p0 s1  }
0x27b: {  	[bflag:$0x3] =	sbarrier.arrive $0xFFFF  }
0x27c: {  	_ =	shalt  }

</sc_bundles>
